<compile_context>
chip_gen: v7x
topology: tpu7x:2x2x1
jax: 0.10.2.dev20260603
libtpu: 0.0.44.dev20260713+nightly
codegen_flags: <defaults>
</compile_context>

<pallas_src>
import functools

import jax
import jax.numpy as jnp
from jax import lax
from jax.experimental import pallas as pl
from jax.experimental.pallas import tpu as pltpu
from jax.experimental.pallas import tpu_sc as plsc

N = 10000
NFEAT = 256
NHID = 512
CW = 128
NCHUNK = NHID // CW
NC = 2
NS = 16
EDGE_CHUNK = 96
NJ = 112
EPT = NJ * EDGE_CHUNK
PADE = NS * EPT
ACC_ROWS = 10240
RPT = ACC_ROWS // NS
TRASH = N
RB = 400
NRB = N // RB

_mesh = plsc.VectorSubcoreMesh(core_axis_name="c", subcore_axis_name="s")


def _deg_body(dst32, out, acc, ones_v, zbuf, idx_v):
    c = lax.axis_index("c")
    s = lax.axis_index("s")
    w = c * NS + s

    @pl.loop(0, 128)
    def _fill(r):
        zbuf[r, :] = jnp.zeros((16,), jnp.float32)

    @pl.loop(0, EDGE_CHUNK)
    def _fill1(r):
        ones_v[r, :] = jnp.full((16,), 1.0, jnp.float32)

    @pl.loop(0, RPT // 128)
    def _zero(z):
        pltpu.sync_copy(zbuf, acc.at[pl.ds(s * RPT + z * 128, 128)])

    plsc.subcore_barrier()
    pltpu.sync_copy(dst32.at[w], idx_v)

    @pl.loop(0, NJ // 2)
    def _scat(j):
        pltpu.sync_copy(ones_v, acc.at[idx_v.at[j]], add=True)

    plsc.subcore_barrier()

    @pl.when(s == 0)
    def _drain():
        pltpu.sync_copy(acc, out.at[c])


_deg = pl.kernel(
    _deg_body,
    out_type=jax.ShapeDtypeStruct((NC, ACC_ROWS, 16), jnp.float32),
    mesh=_mesh,
    scratch_types=[
        pltpu.VMEM_SHARED((ACC_ROWS, 16), jnp.float32),
        pltpu.VMEM((EDGE_CHUNK, 16), jnp.float32),
        pltpu.VMEM((128, 16), jnp.float32),
        pltpu.VMEM((NJ // 2, EDGE_CHUNK), jnp.int32),
    ],
)


def _prop_body(gflat, src2, dst16, out, acc, idx_s, idx_d, buf0, buf1,
               sem0, sem1):
    c = lax.axis_index("c")
    s = lax.axis_index("s")

    pltpu.sync_copy(dst16.at[s], idx_d)

    @pl.loop(0, 64)
    def _fillr(r):
        @pl.loop(0, CW // 16)
        def _fillq(q):
            buf0[r, pl.ds(q * 16, 16)] = jnp.zeros((16,), jnp.float32)

    @pl.loop(0, RPT // 64)
    def _zero(z):
        pltpu.sync_copy(buf0.at[pl.ds(0, 64)],
                        acc.at[pl.ds(s * RPT + z * 64, 64)])

    plsc.subcore_barrier()

    for h in range(2):
        hb = h * (NJ // 2)
        pltpu.sync_copy(src2.at[c, 2 * s + h], idx_s)
        pltpu.async_copy(gflat.at[idx_s.at[0]], buf0, sem0)

        @pl.loop(0, NJ // 4)
        def _edge(jj):
            j0 = 2 * jj
            pltpu.make_async_copy(gflat.at[idx_s.at[j0]], buf0, sem0).wait()
            pltpu.async_copy(gflat.at[idx_s.at[j0 + 1]], buf1, sem1)
            pltpu.sync_copy(buf0, acc.at[idx_d.at[hb + j0]], add=True)
            pltpu.make_async_copy(
                gflat.at[idx_s.at[j0 + 1]], buf1, sem1).wait()

            @pl.when(jj + 1 < NJ // 4)
            def _next():
                pltpu.async_copy(gflat.at[idx_s.at[j0 + 2]], buf0, sem0)

            pltpu.sync_copy(buf1, acc.at[idx_d.at[hb + j0 + 1]], add=True)

    plsc.subcore_barrier()

    @pl.when(s < NS - 1)
    def _drain():
        pltpu.sync_copy(acc.at[pl.ds(s * RPT, RPT)],
                        out.at[pl.ds(c * N + s * RPT, RPT)])

    @pl.when(s == NS - 1)
    def _drain_last():
        pltpu.sync_copy(acc.at[pl.ds((NS - 1) * RPT, N - (NS - 1) * RPT)],
                        out.at[pl.ds(c * N + (NS - 1) * RPT,
                                     N - (NS - 1) * RPT)])

    plsc.subcore_barrier()


_prop = pl.kernel(
    _prop_body,
    out_type=jax.ShapeDtypeStruct((2 * N, CW), jnp.float32),
    mesh=_mesh,
    scratch_types=[
        pltpu.VMEM_SHARED((ACC_ROWS, CW), jnp.float32),
        pltpu.VMEM((NJ // 2, EDGE_CHUNK), jnp.int32),
        pltpu.VMEM((NJ, EDGE_CHUNK), jnp.int32),
        pltpu.VMEM((EDGE_CHUNK, CW), jnp.float32),
        pltpu.VMEM((EDGE_CHUNK, CW), jnp.float32),
        pltpu.SemaphoreType.DMA,
        pltpu.SemaphoreType.DMA,
    ],
)


def _dinv_body(degp, out):
    d = degp[0, :, 0:1] + degp[1, :, 0:1]
    out[...] = lax.rsqrt(d)


def _dinv(degp):
    return pl.pallas_call(
        _dinv_body,
        out_shape=jax.ShapeDtypeStruct((ACC_ROWS, 1), jnp.float32),
    )(degp)


def _mm1_body(x, w, dinv, o):
    y = jnp.dot(x[...], w[...], preferred_element_type=jnp.float32)
    o[...] = (y * dinv[...])[None]


def _mm1(x, w1h, dinv):
    return pl.pallas_call(
        _mm1_body,
        grid=(NRB, 2),
        in_specs=[
            pl.BlockSpec((RB, NFEAT), lambda i, ko: (i, 0)),
            pl.BlockSpec((NFEAT, CW), lambda i, ko: (0, ko)),
            pl.BlockSpec((RB, 1), lambda i, ko: (i, 0)),
        ],
        out_specs=pl.BlockSpec((1, RB, CW), lambda i, ko: (ko, i, 0)),
        out_shape=jax.ShapeDtypeStruct((2, N, CW), jnp.float32),
    )(x, w1h, dinv)


def _mmp_body(pa, pb, w, b, dinv, o):
    xc = jnp.concatenate([pa[0], pa[1], pb[0], pb[1]], axis=1)
    xc = xc * dinv[...] + b[...]
    y = jnp.dot(xc, w[...], preferred_element_type=jnp.float32)
    o[...] = (y * dinv[...])[None]


def _mmp(pa, pb, wh, b_prev, dinv):
    return pl.pallas_call(
        _mmp_body,
        grid=(NRB, 2),
        in_specs=[
            pl.BlockSpec((2, RB, CW), lambda i, ko: (0, i, 0)),
            pl.BlockSpec((2, RB, CW), lambda i, ko: (0, i, 0)),
            pl.BlockSpec((NHID, CW), lambda i, ko: (0, ko)),
            pl.BlockSpec((1, NHID), lambda i, ko: (0, 0)),
            pl.BlockSpec((RB, 1), lambda i, ko: (i, 0)),
        ],
        out_specs=pl.BlockSpec((1, RB, CW), lambda i, ko: (ko, i, 0)),
        out_shape=jax.ShapeDtypeStruct((2, N, CW), jnp.float32),
    )(pa, pb, wh, b_prev, dinv)


def _mmxa_body(pa, w, b, dinv, o):
    xa = jnp.concatenate([pa[0], pa[1]], axis=1) * dinv[...] + b[...]
    o[...] = jnp.dot(xa, w[...], preferred_element_type=jnp.float32)[None]


def _mmxa(pa, wtop, bh, dinv):
    return pl.pallas_call(
        _mmxa_body,
        grid=(NRB, 2),
        in_specs=[
            pl.BlockSpec((2, RB, CW), lambda i, ko: (0, i, 0)),
            pl.BlockSpec((2 * CW, CW), lambda i, ko: (0, ko)),
            pl.BlockSpec((1, 2 * CW), lambda i, ko: (0, 0)),
            pl.BlockSpec((RB, 1), lambda i, ko: (i, 0)),
        ],
        out_specs=pl.BlockSpec((1, RB, CW), lambda i, ko: (ko, i, 0)),
        out_shape=jax.ShapeDtypeStruct((2, N, CW), jnp.float32),
    )(pa, wtop, bh, dinv)


def _mmxb_body(pb, q, w, b, dinv, o):
    xb = jnp.concatenate([pb[0], pb[1]], axis=1) * dinv[...] + b[...]
    y = q[0] + jnp.dot(xb, w[...], preferred_element_type=jnp.float32)
    o[...] = (y * dinv[...])[None]


def _mmxb(pb, q, wbot, bh, dinv):
    return pl.pallas_call(
        _mmxb_body,
        grid=(NRB, 2),
        in_specs=[
            pl.BlockSpec((2, RB, CW), lambda i, ko: (0, i, 0)),
            pl.BlockSpec((1, RB, CW), lambda i, ko: (ko, i, 0)),
            pl.BlockSpec((2 * CW, CW), lambda i, ko: (0, ko)),
            pl.BlockSpec((1, 2 * CW), lambda i, ko: (0, 0)),
            pl.BlockSpec((RB, 1), lambda i, ko: (i, 0)),
        ],
        out_specs=pl.BlockSpec((1, RB, CW), lambda i, ko: (ko, i, 0)),
        out_shape=jax.ShapeDtypeStruct((2, N, CW), jnp.float32),
    )(pb, q, wbot, bh, dinv)


def _fin_body(pa, pb, b, dinv, o):
    xc = jnp.concatenate([pa[0], pa[1], pb[0], pb[1]], axis=1)
    o[...] = xc * dinv[...] + b[...]


def _fin(pa, pb, b3, dinv):
    return pl.pallas_call(
        _fin_body,
        grid=(NRB,),
        in_specs=[
            pl.BlockSpec((2, RB, CW), lambda i: (0, i, 0)),
            pl.BlockSpec((2, RB, CW), lambda i: (0, i, 0)),
            pl.BlockSpec((1, NHID), lambda i: (0, 0)),
            pl.BlockSpec((RB, 1), lambda i: (i, 0)),
        ],
        out_specs=pl.BlockSpec((RB, NHID), lambda i: (i, 0)),
        out_shape=jax.ShapeDtypeStruct((N, NHID), jnp.float32),
    )(pa, pb, b3, dinv)


@jax.jit
def kernel(x, edge_index, W1, b1, W2, b2, W3, b3):
    ei = edge_index.astype(jnp.int32)
    src, dst = ei[0], ei[1]
    e = src.shape[0]
    npad = PADE - e - N
    loop = jnp.arange(N, dtype=jnp.int32)
    srcp = jnp.concatenate([src, loop, jnp.zeros((npad,), jnp.int32)])
    dstp = jnp.concatenate([dst, loop, jnp.full((npad,), TRASH, jnp.int32)])
    src16 = srcp.reshape(NS, NJ, EDGE_CHUNK)
    src2 = src16[None] + (jnp.arange(2, dtype=jnp.int32) * N)[:, None, None, None]
    src2 = src2.reshape(2, NS * 2, NJ // 2, EDGE_CHUNK)
    dst16 = dstp.reshape(NS, NJ, EDGE_CHUNK)
    dst32 = dstp.reshape(NC * NS, NJ // 2, EDGE_CHUNK)

    degp = _deg(dst32)
    dinv = _dinv(degp)[:N]

    b1r = b1.reshape(1, NHID)
    b2r = b2.reshape(1, NHID)
    b3r = b3.reshape(1, NHID)

    ga = _mm1(x, W1[:, :2 * CW], dinv)
    gb = _mm1(x, W1[:, 2 * CW:], dinv)
    pa = _prop(ga.reshape(2 * N, CW), src2, dst16).reshape(2, N, CW)
    pb = _prop(gb.reshape(2 * N, CW), src2, dst16).reshape(2, N, CW)

    for w, br in ((W2, b1r), (W3, b2r)):
        qa = _mmxa(pa, w[:2 * CW, :2 * CW], br[:, :2 * CW], dinv)
        qb = _mmxa(pa, w[:2 * CW, 2 * CW:], br[:, :2 * CW], dinv)
        ga = _mmxb(pb, qa, w[2 * CW:, :2 * CW], br[:, 2 * CW:], dinv)
        gb = _mmxb(pb, qb, w[2 * CW:, 2 * CW:], br[:, 2 * CW:], dinv)
        pa = _prop(ga.reshape(2 * N, CW), src2, dst16).reshape(2, N, CW)
        pb = _prop(gb.reshape(2 * N, CW), src2, dst16).reshape(2, N, CW)

    return _fin(pa, pb, b3r, dinv)

# --- scband reference (transcript-rebuilt; emitter-appended) ---
"""Pipeline reference for scband-gcn-body-84275848282321 (READ-ONLY COPY).

The authoritative reference and input builder live on the scoring server;
editing this copy changes nothing except your own understanding.
"""

import jax, jax.numpy as jnp
import numpy as np

N_NODES = 10000
NFEAT = 256
NHID = 512
N_EDGES = 160000


def gcn_conv(x, edge_index, W, b, num_nodes):
    # PyG GCNConv: out = D^{-1/2} (A + I) D^{-1/2} (X W) + b
    src = edge_index[0]
    dst = edge_index[1]
    loop = jnp.arange(num_nodes, dtype=src.dtype)
    src = jnp.concatenate([src, loop])
    dst = jnp.concatenate([dst, loop])
    deg = jnp.zeros((num_nodes,), dtype=x.dtype).at[dst].add(1.0)
    deg_inv_sqrt = jax.lax.rsqrt(deg)
    deg_inv_sqrt = jnp.where(jnp.isinf(deg_inv_sqrt), 0.0, deg_inv_sqrt)
    norm = deg_inv_sqrt[src] * deg_inv_sqrt[dst]
    h = x @ W
    msg = h[src] * norm[:, None]
    out = jnp.zeros((num_nodes, h.shape[1]), dtype=h.dtype).at[dst].add(msg)
    return out + b


def setup_inputs(seed: int = 0) -> dict:
    key = jax.random.key(seed)
    k_x, k_e, k1, k2, k3 = jax.random.split(key, 5)
    x = jax.random.normal(k_x, (N_NODES, NFEAT), dtype=jnp.float32)
    edge_index = jax.random.randint(k_e, (2, N_EDGES), 0, N_NODES, dtype=jnp.int64)
    s1 = 1.0 / np.sqrt(NFEAT)
    s2 = 1.0 / np.sqrt(NHID)
    W1 = jax.random.uniform(k1, (NFEAT, NHID), dtype=jnp.float32, minval=-s1, maxval=s1)
    b1 = jnp.zeros((NHID,), dtype=jnp.float32)
    W2 = jax.random.uniform(k2, (NHID, NHID), dtype=jnp.float32, minval=-s2, maxval=s2)
    b2 = jnp.zeros((NHID,), dtype=jnp.float32)
    W3 = jax.random.uniform(k3, (NHID, NHID), dtype=jnp.float32, minval=-s2, maxval=s2)
    b3 = jnp.zeros((NHID,), dtype=jnp.float32)
    return {"x": x, "edge_index": edge_index, "W1": W1, "b1": b1, "W2": W2, "b2": b2, "W3": W3, "b3": b3}


def reference(x, edge_index, W1, b1, W2, b2, W3, b3):
    # layers == 3 path of GCN_Body.forward (no activation between convs, matching source)
    h = gcn_conv(x, edge_index, W1, b1, N_NODES)
    h = gcn_conv(h, edge_index, W2, b2, N_NODES)
    h = gcn_conv(h, edge_index, W3, b3, N_NODES)
    return h

if __name__ == "__main__":
    import jax
    _d = setup_inputs()
    print(jax.jit(kernel)(*tuple(_d.values())))

</pallas_src>

<mosaic_0001>
#map = affine_map<(d0, d1) -> (0, 0)>
#map1 = affine_map<(d0, d1) -> (0, 0, 0, 0)>
#map2 = affine_map<(d0, d1) -> (0, 0, 0)>
module attributes {stable_mosaic.version = 14 : i64} {
  func.func @_prop_body(%arg0: i32, %arg1: i32, %arg2: memref<20000x128xf32, #tpu.memory_space<hbm>>, %arg3: memref<2x32x56x96xi32, #tpu.memory_space<hbm>>, %arg4: memref<16x112x96xi32, #tpu.memory_space<hbm>>, %arg5: memref<20000x128xf32, #tpu.memory_space<hbm>>, %arg6: memref<10240x128xf32, #tpu.memory_space<vmem_shared>>, %arg7: memref<56x96xi32, #tpu.memory_space<vmem>>, %arg8: memref<112x96xi32, #tpu.memory_space<vmem>>, %arg9: memref<96x128xf32, #tpu.memory_space<vmem>>, %arg10: memref<96x128xf32, #tpu.memory_space<vmem>>, %arg11: memref<!tpu.dma_semaphore, #tpu.memory_space<semaphore_mem>>, %arg12: memref<!tpu.dma_semaphore, #tpu.memory_space<semaphore_mem>>) attributes {dimension_semantics = [#tpu.dimension_semantics<core_parallel>, #tpu.dimension_semantics<subcore_parallel>], iteration_bounds = array<i64: 2, 16>, scalar_prefetch = 0 : i64, scratch_operands = 7 : i64, tpu.core_type = #tpu.core_type<sc_vector_subcore>, window_params = [{transform_indices = #map}, {transform_indices = #map1}, {transform_indices = #map2}, {transform_indices = #map}]} {
    "tpu.region"() ({
      %run_scoped3A = tpu.sem_alloc : memref<!tpu.dma_semaphore, #tpu.memory_space<semaphore_mem>>
      %dma_start3A_46 = arith.constant 0 : i32
      %dma_start3A_47 = arith.constant 0 : i32
      %dma_start3A_48 = tpu.memref_slice %arg4[%arg1, %dma_start3A_46, %dma_start3A_47] : memref<16x112x96xi32, #tpu.memory_space<hbm>> -> memref<1x112x96xi32, #tpu.memory_space<hbm>>
      %dma_start3A_49 = tpu.memref_squeeze %dma_start3A_48 : memref<1x112x96xi32, #tpu.memory_space<hbm>> -> memref<112x96xi32, #tpu.memory_space<hbm>>
      %dma_start3A_50 = arith.constant 0 : i32
      %dma_start3A_51 = arith.constant 0 : i32
      %dma_start3A_52 = tpu.memref_slice %arg4[%arg1, %dma_start3A_50, %dma_start3A_51] : memref<16x112x96xi32, #tpu.memory_space<hbm>> -> memref<1x112x96xi32, #tpu.memory_space<hbm>>
      %dma_start3A_53 = tpu.memref_squeeze %dma_start3A_52 : memref<1x112x96xi32, #tpu.memory_space<hbm>> -> memref<112x96xi32, #tpu.memory_space<hbm>>
      tpu.enqueue_dma source(%dma_start3A_53 : memref<112x96xi32, #tpu.memory_space<hbm>>) target(%arg8 : memref<112x96xi32, #tpu.memory_space<vmem>>) target_semaphore(%run_scoped3A : memref<!tpu.dma_semaphore, #tpu.memory_space<semaphore_mem>>)
      %dma_wait3A = arith.constant 0 : i32
      %dma_wait3A_54 = arith.constant 0 : i32
      %dma_wait3A_55 = tpu.memref_slice %arg4[%arg1, %dma_wait3A, %dma_wait3A_54] : memref<16x112x96xi32, #tpu.memory_space<hbm>> -> memref<1x112x96xi32, #tpu.memory_space<hbm>>
      %dma_wait3A_56 = tpu.memref_squeeze %dma_wait3A_55 : memref<1x112x96xi32, #tpu.memory_space<hbm>> -> memref<112x96xi32, #tpu.memory_space<hbm>>
      %dma_wait3A_57 = arith.constant 0 : i32
      %dma_wait3A_58 = arith.constant 0 : i32
      %dma_wait3A_59 = tpu.memref_slice %arg4[%arg1, %dma_wait3A_57, %dma_wait3A_58] : memref<16x112x96xi32, #tpu.memory_space<hbm>> -> memref<1x112x96xi32, #tpu.memory_space<hbm>>
      %dma_wait3A_60 = tpu.memref_squeeze %dma_wait3A_59 : memref<1x112x96xi32, #tpu.memory_space<hbm>> -> memref<112x96xi32, #tpu.memory_space<hbm>>
      tpu.wait_dma2 semaphore(%run_scoped3A : memref<!tpu.dma_semaphore, #tpu.memory_space<semaphore_mem>>) src(%dma_wait3A_60 : memref<112x96xi32, #tpu.memory_space<hbm>>) dst(%arg8 : memref<112x96xi32, #tpu.memory_space<vmem>>)
      tpu.yield
    }) : () -> ()
    %scan3A = arith.constant 0 : i32
    %scan3A_0 = arith.constant 64 : i32
    %scan3A_1 = arith.addi %scan3A, %scan3A_0 : i32
    %scan3A_2 = arith.constant 1 : i32
    scf.for %scan3A_46 = %scan3A to %scan3A_1 step %scan3A_2  : i32 {
      %mul3A_47 = arith.constant 1 : i32
      %mul3A_48 = arith.muli %scan3A_46, %mul3A_47 : i32
      %add3A_49 = arith.constant 0 : i32
      %add3A_50 = arith.addi %add3A_49, %mul3A_48 : i32
      %scan3A_51 = arith.constant 0 : i32
      %scan3A_52 = arith.constant 8 : i32
      %scan3A_53 = arith.addi %scan3A_51, %scan3A_52 : i32
      %scan3A_54 = arith.constant 1 : i32
      scf.for %scan3A_56 = %scan3A_51 to %scan3A_53 step %scan3A_54  : i32 {
        %mul3A_57 = arith.constant 1 : i32
        %mul3A_58 = arith.muli %scan3A_56, %mul3A_57 : i32
        %add3A_59 = arith.constant 0 : i32
        %add3A_60 = arith.addi %add3A_59, %mul3A_58 : i32
        %broadcast_in_dim3A = arith.constant 0.000000e+00 : f32
        %broadcast_in_dim3A_61 = vector.broadcast %broadcast_in_dim3A : f32 to vector<16xf32>
        %mul3A_62 = arith.constant 16 : i32
        %mul3A_63 = arith.muli %add3A_60, %mul3A_62 : i32
        %swap3A = arith.index_cast %add3A_50 : i32 to index
        %swap3A_64 = arith.index_cast %mul3A_63 : i32 to index
        %swap3A_65 = tpu.vector_load %arg9[%swap3A, %swap3A_64] {strides = array<i32>} : memref<96x128xf32, #tpu.memory_space<vmem>>, vector<1x16xf32>,
        %swap3A_66 = vector.shape_cast %swap3A_65 : vector<1x16xf32> to vector<16xf32>
        %swap3A_67 = vector.shape_cast %broadcast_in_dim3A_61 : vector<16xf32> to vector<1x16xf32>
        tpu.vector_store %arg9[%swap3A, %swap3A_64], %swap3A_67 {strides = array<i32>} : memref<96x128xf32, #tpu.memory_space<vmem>>, vector<1x16xf32>,
      }
      %scan3A_55 = arith.constant 8 : i32
    }
    %scan3A_3 = arith.constant 64 : i32
    %scan3A_4 = arith.constant 0 : i32
    %scan3A_5 = arith.constant 10 : i32
    %scan3A_6 = arith.addi %scan3A_4, %scan3A_5 : i32
    %scan3A_7 = arith.constant 1 : i32
    scf.for %scan3A_46 = %scan3A_4 to %scan3A_6 step %scan3A_7  : i32 {
      %mul3A_47 = arith.constant 1 : i32
      %mul3A_48 = arith.muli %scan3A_46, %mul3A_47 : i32
      %add3A_49 = arith.constant 0 : i32
      %add3A_50 = arith.addi %add3A_49, %mul3A_48 : i32
      %mul3A_51 = arith.constant 640 : i32
      %mul3A_52 = arith.muli %arg1, %mul3A_51 : i32
      %mul3A_53 = arith.constant 64 : i32
      %mul3A_54 = arith.muli %add3A_50, %mul3A_53 : i32
      %add3A_55 = arith.addi %mul3A_52, %mul3A_54 : i32
      "tpu.region"() ({
        %run_scoped3A = tpu.sem_alloc : memref<!tpu.dma_semaphore, #tpu.memory_space<semaphore_mem>>
        %dma_start3A_56 = arith.constant 0 : i32
        %dma_start3A_57 = arith.constant 0 : i32
        %dma_start3A_58 = tpu.memref_slice %arg9[%dma_start3A_56, %dma_start3A_57] : memref<96x128xf32, #tpu.memory_space<vmem>> -> memref<64x128xf32, #tpu.memory_space<vmem>>
        %dma_start3A_59 = arith.constant 0 : i32
        %dma_start3A_60 = tpu.memref_slice %arg6[%add3A_55, %dma_start3A_59] : memref<10240x128xf32, #tpu.memory_space<vmem_shared>> -> memref<64x128xf32, #tpu.memory_space<vmem_shared>>
        %dma_start3A_61 = arith.constant 0 : i32
        %dma_start3A_62 = tpu.memref_slice %arg6[%add3A_55, %dma_start3A_61] : memref<10240x128xf32, #tpu.memory_space<vmem_shared>> -> memref<64x128xf32, #tpu.memory_space<vmem_shared>>
        %dma_start3A_63 = arith.constant 0 : i32
        %dma_start3A_64 = arith.constant 0 : i32
        %dma_start3A_65 = tpu.memref_slice %arg9[%dma_start3A_63, %dma_start3A_64] : memref<96x128xf32, #tpu.memory_space<vmem>> -> memref<64x128xf32, #tpu.memory_space<vmem>>
        tpu.enqueue_dma source(%dma_start3A_65 : memref<64x128xf32, #tpu.memory_space<vmem>>) target(%dma_start3A_62 : memref<64x128xf32, #tpu.memory_space<vmem_shared>>) target_semaphore(%run_scoped3A : memref<!tpu.dma_semaphore, #tpu.memory_space<semaphore_mem>>)
        %dma_wait3A = arith.constant 0 : i32
        %dma_wait3A_66 = arith.constant 0 : i32
        %dma_wait3A_67 = tpu.memref_slice %arg9[%dma_wait3A, %dma_wait3A_66] : memref<96x128xf32, #tpu.memory_space<vmem>> -> memref<64x128xf32, #tpu.memory_space<vmem>>
        %dma_wait3A_68 = arith.constant 0 : i32
        %dma_wait3A_69 = tpu.memref_slice %arg6[%add3A_55, %dma_wait3A_68] : memref<10240x128xf32, #tpu.memory_space<vmem_shared>> -> memref<64x128xf32, #tpu.memory_space<vmem_shared>>
        %dma_wait3A_70 = arith.constant 0 : i32
        %dma_wait3A_71 = tpu.memref_slice %arg6[%add3A_55, %dma_wait3A_70] : memref<10240x128xf32, #tpu.memory_space<vmem_shared>> -> memref<64x128xf32, #tpu.memory_space<vmem_shared>>
        %dma_wait3A_72 = arith.constant 0 : i32
        %dma_wait3A_73 = arith.constant 0 : i32
        %dma_wait3A_74 = tpu.memref_slice %arg9[%dma_wait3A_72, %dma_wait3A_73] : memref<96x128xf32, #tpu.memory_space<vmem>> -> memref<64x128xf32, #tpu.memory_space<vmem>>
        tpu.wait_dma2 semaphore(%run_scoped3A : memref<!tpu.dma_semaphore, #tpu.memory_space<semaphore_mem>>) src(%dma_wait3A_74 : memref<64x128xf32, #tpu.memory_space<vmem>>) dst(%dma_wait3A_71 : memref<64x128xf32, #tpu.memory_space<vmem_shared>>)
        tpu.yield
      }) : () -> ()
    }
    %scan3A_8 = arith.constant 10 : i32
    %barrier3A = arith.constant 0 : index
    tpu.barrier barrier_id(%barrier3A)
    %mul3A = arith.constant 2 : i32
    %mul3A_9 = arith.muli %mul3A, %arg1 : i32
    %add3A = arith.constant 0 : i32
    %add3A_10 = arith.addi %mul3A_9, %add3A : i32
    "tpu.region"() ({
      %run_scoped3A = tpu.sem_alloc : memref<!tpu.dma_semaphore, #tpu.memory_space<semaphore_mem>>
      %dma_start3A_46 = arith.constant 0 : i32
      %dma_start3A_47 = arith.constant 0 : i32
      %dma_start3A_48 = tpu.memref_slice %arg3[%arg0, %add3A_10, %dma_start3A_46, %dma_start3A_47] : memref<2x32x56x96xi32, #tpu.memory_space<hbm>> -> memref<1x1x56x96xi32, #tpu.memory_space<hbm>>
      %dma_start3A_49 = tpu.memref_squeeze %dma_start3A_48 : memref<1x1x56x96xi32, #tpu.memory_space<hbm>> -> memref<56x96xi32, #tpu.memory_space<hbm>>
      %dma_start3A_50 = arith.constant 0 : i32
      %dma_start3A_51 = arith.constant 0 : i32
      %dma_start3A_52 = tpu.memref_slice %arg3[%arg0, %add3A_10, %dma_start3A_50, %dma_start3A_51] : memref<2x32x56x96xi32, #tpu.memory_space<hbm>> -> memref<1x1x56x96xi32, #tpu.memory_space<hbm>>
      %dma_start3A_53 = tpu.memref_squeeze %dma_start3A_52 : memref<1x1x56x96xi32, #tpu.memory_space<hbm>> -> memref<56x96xi32, #tpu.memory_space<hbm>>
      tpu.enqueue_dma source(%dma_start3A_53 : memref<56x96xi32, #tpu.memory_space<hbm>>) target(%arg7 : memref<56x96xi32, #tpu.memory_space<vmem>>) target_semaphore(%run_scoped3A : memref<!tpu.dma_semaphore, #tpu.memory_space<semaphore_mem>>)
      %dma_wait3A = arith.constant 0 : i32
      %dma_wait3A_54 = arith.constant 0 : i32
      %dma_wait3A_55 = tpu.memref_slice %arg3[%arg0, %add3A_10, %dma_wait3A, %dma_wait3A_54] : memref<2x32x56x96xi32, #tpu.memory_space<hbm>> -> memref<1x1x56x96xi32, #tpu.memory_space<hbm>>
      %dma_wait3A_56 = tpu.memref_squeeze %dma_wait3A_55 : memref<1x1x56x96xi32, #tpu.memory_space<hbm>> -> memref<56x96xi32, #tpu.memory_space<hbm>>
      %dma_wait3A_57 = arith.constant 0 : i32
      %dma_wait3A_58 = arith.constant 0 : i32
      %dma_wait3A_59 = tpu.memref_slice %arg3[%arg0, %add3A_10, %dma_wait3A_57, %dma_wait3A_58] : memref<2x32x56x96xi32, #tpu.memory_space<hbm>> -> memref<1x1x56x96xi32, #tpu.memory_space<hbm>>
      %dma_wait3A_60 = tpu.memref_squeeze %dma_wait3A_59 : memref<1x1x56x96xi32, #tpu.memory_space<hbm>> -> memref<56x96xi32, #tpu.memory_space<hbm>>
      tpu.wait_dma2 semaphore(%run_scoped3A : memref<!tpu.dma_semaphore, #tpu.memory_space<semaphore_mem>>) src(%dma_wait3A_60 : memref<56x96xi32, #tpu.memory_space<hbm>>) dst(%arg7 : memref<56x96xi32, #tpu.memory_space<vmem>>)
      tpu.yield
    }) : () -> ()
    %dma_start3A = arith.constant 0 : i32
    %dma_start3A_11 = arith.constant 0 : i32
    %dma_start3A_12 = tpu.memref_slice %arg7[%dma_start3A, %dma_start3A_11] : memref<56x96xi32, #tpu.memory_space<vmem>> -> memref<1x96xi32, #tpu.memory_space<vmem>>
    %dma_start3A_13 = tpu.memref_squeeze %dma_start3A_12 : memref<1x96xi32, #tpu.memory_space<vmem>> -> memref<96xi32, #tpu.memory_space<vmem>>
    %dma_start3A_14 = arith.constant 0 : i32
    %dma_start3A_15 = arith.constant 0 : i32
    %dma_start3A_16 = tpu.memref_slice %arg2[%dma_start3A_14, %dma_start3A_15] : memref<20000x128xf32, #tpu.memory_space<hbm>> -> memref<20000x128xf32, #tpu.memory_space<hbm>>
    tpu.enqueue_indirect_dma source(%dma_start3A_16 : memref<20000x128xf32, #tpu.memory_space<hbm>>) target(%arg9 : memref<96x128xf32, #tpu.memory_space<vmem>>) offsets(%dma_start3A_13 : memref<96xi32, #tpu.memory_space<vmem>>) semaphore(%arg11 : memref<!tpu.dma_semaphore, #tpu.memory_space<semaphore_mem>>)
    %scan3A_17 = arith.constant 0 : i32
    %scan3A_18 = arith.constant 28 : i32
    %scan3A_19 = arith.addi %scan3A_17, %scan3A_18 : i32
    %scan3A_20 = arith.constant 1 : i32
    scf.for %scan3A_46 = %scan3A_17 to %scan3A_19 step %scan3A_20  : i32 {
      %mul3A_47 = arith.constant 1 : i32
      %mul3A_48 = arith.muli %scan3A_46, %mul3A_47 : i32
      %add3A_49 = arith.constant 0 : i32
      %add3A_50 = arith.addi %add3A_49, %mul3A_48 : i32
      %mul3A_51 = arith.constant 2 : i32
      %mul3A_52 = arith.muli %mul3A_51, %add3A_50 : i32
      %dma_wait3A = arith.constant 0 : i32
      %dma_wait3A_53 = tpu.memref_slice %arg7[%mul3A_52, %dma_wait3A] : memref<56x96xi32, #tpu.memory_space<vmem>> -> memref<1x96xi32, #tpu.memory_space<vmem>>
      %dma_wait3A_54 = tpu.memref_squeeze %dma_wait3A_53 : memref<1x96xi32, #tpu.memory_space<vmem>> -> memref<96xi32, #tpu.memory_space<vmem>>
      %dma_wait3A_55 = arith.constant 0 : i32
      %dma_wait3A_56 = arith.constant 0 : i32
      %dma_wait3A_57 = tpu.memref_slice %arg2[%dma_wait3A_55, %dma_wait3A_56] : memref<20000x128xf32, #tpu.memory_space<hbm>> -> memref<20000x128xf32, #tpu.memory_space<hbm>>
      tpu.wait_indirect_dma semaphore(%arg11 : memref<!tpu.dma_semaphore, #tpu.memory_space<semaphore_mem>>) src(%dma_wait3A_57 : memref<20000x128xf32, #tpu.memory_space<hbm>>) dst(%arg9 : memref<96x128xf32, #tpu.memory_space<vmem>>)
      %add3A_58 = arith.constant 1 : i32
      %add3A_59 = arith.addi %mul3A_52, %add3A_58 : i32
      %dma_start3A_60 = arith.constant 0 : i32
      %dma_start3A_61 = tpu.memref_slice %arg7[%add3A_59, %dma_start3A_60] : memref<56x96xi32, #tpu.memory_space<vmem>> -> memref<1x96xi32, #tpu.memory_space<vmem>>
      %dma_start3A_62 = tpu.memref_squeeze %dma_start3A_61 : memref<1x96xi32, #tpu.memory_space<vmem>> -> memref<96xi32, #tpu.memory_space<vmem>>
      %dma_start3A_63 = arith.constant 0 : i32
      %dma_start3A_64 = arith.constant 0 : i32
      %dma_start3A_65 = tpu.memref_slice %arg2[%dma_start3A_63, %dma_start3A_64] : memref<20000x128xf32, #tpu.memory_space<hbm>> -> memref<20000x128xf32, #tpu.memory_space<hbm>>
      tpu.enqueue_indirect_dma source(%dma_start3A_65 : memref<20000x128xf32, #tpu.memory_space<hbm>>) target(%arg10 : memref<96x128xf32, #tpu.memory_space<vmem>>) offsets(%dma_start3A_62 : memref<96xi32, #tpu.memory_space<vmem>>) semaphore(%arg12 : memref<!tpu.dma_semaphore, #tpu.memory_space<semaphore_mem>>)
      %add3A_66 = arith.constant 0 : i32
      %add3A_67 = arith.addi %add3A_66, %mul3A_52 : i32
      "tpu.region"() ({
        %run_scoped3A = tpu.sem_alloc : memref<!tpu.dma_semaphore, #tpu.memory_space<semaphore_mem>>
        %dma_start3A_87 = arith.constant 0 : i32
        %dma_start3A_88 = tpu.memref_slice %arg8[%add3A_67, %dma_start3A_87] : memref<112x96xi32, #tpu.memory_space<vmem>> -> memref<1x96xi32, #tpu.memory_space<vmem>>
        %dma_start3A_89 = tpu.memref_squeeze %dma_start3A_88 : memref<1x96xi32, #tpu.memory_space<vmem>> -> memref<96xi32, #tpu.memory_space<vmem>>
        %dma_start3A_90 = arith.constant 0 : i32
        %dma_start3A_91 = arith.constant 0 : i32
        %dma_start3A_92 = tpu.memref_slice %arg6[%dma_start3A_90, %dma_start3A_91] : memref<10240x128xf32, #tpu.memory_space<vmem_shared>> -> memref<10240x128xf32, #tpu.memory_space<vmem_shared>>
        tpu.enqueue_indirect_dma source(%arg9 : memref<96x128xf32, #tpu.memory_space<vmem>>) target(%dma_start3A_92 : memref<10240x128xf32, #tpu.memory_space<vmem_shared>>) offsets(%dma_start3A_89 : memref<96xi32, #tpu.memory_space<vmem>>) semaphore(%run_scoped3A : memref<!tpu.dma_semaphore, #tpu.memory_space<semaphore_mem>>) {add = true}
        %dma_wait3A_93 = arith.constant 0 : i32
        %dma_wait3A_94 = tpu.memref_slice %arg8[%add3A_67, %dma_wait3A_93] : memref<112x96xi32, #tpu.memory_space<vmem>> -> memref<1x96xi32, #tpu.memory_space<vmem>>
        %dma_wait3A_95 = tpu.memref_squeeze %dma_wait3A_94 : memref<1x96xi32, #tpu.memory_space<vmem>> -> memref<96xi32, #tpu.memory_space<vmem>>
        %dma_wait3A_96 = arith.constant 0 : i32
        %dma_wait3A_97 = arith.constant 0 : i32
        %dma_wait3A_98 = tpu.memref_slice %arg6[%dma_wait3A_96, %dma_wait3A_97] : memref<10240x128xf32, #tpu.memory_space<vmem_shared>> -> memref<10240x128xf32, #tpu.memory_space<vmem_shared>>
        tpu.wait_indirect_dma semaphore(%run_scoped3A : memref<!tpu.dma_semaphore, #tpu.memory_space<semaphore_mem>>) src(%arg9 : memref<96x128xf32, #tpu.memory_space<vmem>>) dst(%dma_wait3A_98 : memref<10240x128xf32, #tpu.memory_space<vmem_shared>>)
        tpu.yield
      }) : () -> ()
      %add3A_68 = arith.constant 1 : i32
      %add3A_69 = arith.addi %mul3A_52, %add3A_68 : i32
      %dma_wait3A_70 = arith.constant 0 : i32
      %dma_wait3A_71 = tpu.memref_slice %arg7[%add3A_69, %dma_wait3A_70] : memref<56x96xi32, #tpu.memory_space<vmem>> -> memref<1x96xi32, #tpu.memory_space<vmem>>
      %dma_wait3A_72 = tpu.memref_squeeze %dma_wait3A_71 : memref<1x96xi32, #tpu.memory_space<vmem>> -> memref<96xi32, #tpu.memory_space<vmem>>
      %dma_wait3A_73 = arith.constant 0 : i32
      %dma_wait3A_74 = arith.constant 0 : i32
      %dma_wait3A_75 = tpu.memref_slice %arg2[%dma_wait3A_73, %dma_wait3A_74] : memref<20000x128xf32, #tpu.memory_space<hbm>> -> memref<20000x128xf32, #tpu.memory_space<hbm>>
      tpu.wait_indirect_dma semaphore(%arg12 : memref<!tpu.dma_semaphore, #tpu.memory_space<semaphore_mem>>) src(%dma_wait3A_75 : memref<20000x128xf32, #tpu.memory_space<hbm>>) dst(%arg10 : memref<96x128xf32, #tpu.memory_space<vmem>>)
      %add3A_76 = arith.constant 1 : i32
      %add3A_77 = arith.addi %add3A_50, %add3A_76 : i32
      %lt3A_78 = arith.constant 28 : i32
      %lt3A_79 = arith.cmpi slt, %add3A_77, %lt3A_78 : i32
      %convert_element_type3A_80 = arith.extui %lt3A_79 : i1 to i32
      %cond3A_81 = arith.constant 0 : i32
      %cond3A_82 = arith.cmpi ne, %convert_element_type3A_80, %cond3A_81 : i32
      scf.if %cond3A_82 {
        %add3A_87 = arith.constant 2 : i32
        %add3A_88 = arith.addi %mul3A_52, %add3A_87 : i32
        %dma_start3A_89 = arith.constant 0 : i32
        %dma_start3A_90 = tpu.memref_slice %arg7[%add3A_88, %dma_start3A_89] : memref<56x96xi32, #tpu.memory_space<vmem>> -> memref<1x96xi32, #tpu.memory_space<vmem>>
        %dma_start3A_91 = tpu.memref_squeeze %dma_start3A_90 : memref<1x96xi32, #tpu.memory_space<vmem>> -> memref<96xi32, #tpu.memory_space<vmem>>
        %dma_start3A_92 = arith.constant 0 : i32
        %dma_start3A_93 = arith.constant 0 : i32
        %dma_start3A_94 = tpu.memref_slice %arg2[%dma_start3A_92, %dma_start3A_93] : memref<20000x128xf32, #tpu.memory_space<hbm>> -> memref<20000x128xf32, #tpu.memory_space<hbm>>
        tpu.enqueue_indirect_dma source(%dma_start3A_94 : memref<20000x128xf32, #tpu.memory_space<hbm>>) target(%arg9 : memref<96x128xf32, #tpu.memory_space<vmem>>) offsets(%dma_start3A_91 : memref<96xi32, #tpu.memory_space<vmem>>) semaphore(%arg11 : memref<!tpu.dma_semaphore, #tpu.memory_space<semaphore_mem>>)
      } else {
      }
      %add3A_83 = arith.constant 0 : i32
      %add3A_84 = arith.addi %add3A_83, %mul3A_52 : i32
      %add3A_85 = arith.constant 1 : i32
      %add3A_86 = arith.addi %add3A_84, %add3A_85 : i32
      "tpu.region"() ({
        %run_scoped3A = tpu.sem_alloc : memref<!tpu.dma_semaphore, #tpu.memory_space<semaphore_mem>>
        %dma_start3A_87 = arith.constant 0 : i32
        %dma_start3A_88 = tpu.memref_slice %arg8[%add3A_86, %dma_start3A_87] : memref<112x96xi32, #tpu.memory_space<vmem>> -> memref<1x96xi32, #tpu.memory_space<vmem>>
        %dma_start3A_89 = tpu.memref_squeeze %dma_start3A_88 : memref<1x96xi32, #tpu.memory_space<vmem>> -> memref<96xi32, #tpu.memory_space<vmem>>
        %dma_start3A_90 = arith.constant 0 : i32
        %dma_start3A_91 = arith.constant 0 : i32
        %dma_start3A_92 = tpu.memref_slice %arg6[%dma_start3A_90, %dma_start3A_91] : memref<10240x128xf32, #tpu.memory_space<vmem_shared>> -> memref<10240x128xf32, #tpu.memory_space<vmem_shared>>
        tpu.enqueue_indirect_dma source(%arg10 : memref<96x128xf32, #tpu.memory_space<vmem>>) target(%dma_start3A_92 : memref<10240x128xf32, #tpu.memory_space<vmem_shared>>) offsets(%dma_start3A_89 : memref<96xi32, #tpu.memory_space<vmem>>) semaphore(%run_scoped3A : memref<!tpu.dma_semaphore, #tpu.memory_space<semaphore_mem>>) {add = true}
        %dma_wait3A_93 = arith.constant 0 : i32
        %dma_wait3A_94 = tpu.memref_slice %arg8[%add3A_86, %dma_wait3A_93] : memref<112x96xi32, #tpu.memory_space<vmem>> -> memref<1x96xi32, #tpu.memory_space<vmem>>
        %dma_wait3A_95 = tpu.memref_squeeze %dma_wait3A_94 : memref<1x96xi32, #tpu.memory_space<vmem>> -> memref<96xi32, #tpu.memory_space<vmem>>
        %dma_wait3A_96 = arith.constant 0 : i32
        %dma_wait3A_97 = arith.constant 0 : i32
        %dma_wait3A_98 = tpu.memref_slice %arg6[%dma_wait3A_96, %dma_wait3A_97] : memref<10240x128xf32, #tpu.memory_space<vmem_shared>> -> memref<10240x128xf32, #tpu.memory_space<vmem_shared>>
        tpu.wait_indirect_dma semaphore(%run_scoped3A : memref<!tpu.dma_semaphore, #tpu.memory_space<semaphore_mem>>) src(%arg10 : memref<96x128xf32, #tpu.memory_space<vmem>>) dst(%dma_wait3A_98 : memref<10240x128xf32, #tpu.memory_space<vmem_shared>>)
        tpu.yield
      }) : () -> ()
    }
    %scan3A_21 = arith.constant 28 : i32
    %mul3A_22 = arith.constant 2 : i32
    %mul3A_23 = arith.muli %mul3A_22, %arg1 : i32
    %add3A_24 = arith.constant 1 : i32
    %add3A_25 = arith.addi %mul3A_23, %add3A_24 : i32
    "tpu.region"() ({
      %run_scoped3A = tpu.sem_alloc : memref<!tpu.dma_semaphore, #tpu.memory_space<semaphore_mem>>
      %dma_start3A_46 = arith.constant 0 : i32
      %dma_start3A_47 = arith.constant 0 : i32
      %dma_start3A_48 = tpu.memref_slice %arg3[%arg0, %add3A_25, %dma_start3A_46, %dma_start3A_47] : memref<2x32x56x96xi32, #tpu.memory_space<hbm>> -> memref<1x1x56x96xi32, #tpu.memory_space<hbm>>
      %dma_start3A_49 = tpu.memref_squeeze %dma_start3A_48 : memref<1x1x56x96xi32, #tpu.memory_space<hbm>> -> memref<56x96xi32, #tpu.memory_space<hbm>>
      %dma_start3A_50 = arith.constant 0 : i32
      %dma_start3A_51 = arith.constant 0 : i32
      %dma_start3A_52 = tpu.memref_slice %arg3[%arg0, %add3A_25, %dma_start3A_50, %dma_start3A_51] : memref<2x32x56x96xi32, #tpu.memory_space<hbm>> -> memref<1x1x56x96xi32, #tpu.memory_space<hbm>>
      %dma_start3A_53 = tpu.memref_squeeze %dma_start3A_52 : memref<1x1x56x96xi32, #tpu.memory_space<hbm>> -> memref<56x96xi32, #tpu.memory_space<hbm>>
      tpu.enqueue_dma source(%dma_start3A_53 : memref<56x96xi32, #tpu.memory_space<hbm>>) target(%arg7 : memref<56x96xi32, #tpu.memory_space<vmem>>) target_semaphore(%run_scoped3A : memref<!tpu.dma_semaphore, #tpu.memory_space<semaphore_mem>>)
      %dma_wait3A = arith.constant 0 : i32
      %dma_wait3A_54 = arith.constant 0 : i32
      %dma_wait3A_55 = tpu.memref_slice %arg3[%arg0, %add3A_25, %dma_wait3A, %dma_wait3A_54] : memref<2x32x56x96xi32, #tpu.memory_space<hbm>> -> memref<1x1x56x96xi32, #tpu.memory_space<hbm>>
      %dma_wait3A_56 = tpu.memref_squeeze %dma_wait3A_55 : memref<1x1x56x96xi32, #tpu.memory_space<hbm>> -> memref<56x96xi32, #tpu.memory_space<hbm>>
      %dma_wait3A_57 = arith.constant 0 : i32
      %dma_wait3A_58 = arith.constant 0 : i32
      %dma_wait3A_59 = tpu.memref_slice %arg3[%arg0, %add3A_25, %dma_wait3A_57, %dma_wait3A_58] : memref<2x32x56x96xi32, #tpu.memory_space<hbm>> -> memref<1x1x56x96xi32, #tpu.memory_space<hbm>>
      %dma_wait3A_60 = tpu.memref_squeeze %dma_wait3A_59 : memref<1x1x56x96xi32, #tpu.memory_space<hbm>> -> memref<56x96xi32, #tpu.memory_space<hbm>>
      tpu.wait_dma2 semaphore(%run_scoped3A : memref<!tpu.dma_semaphore, #tpu.memory_space<semaphore_mem>>) src(%dma_wait3A_60 : memref<56x96xi32, #tpu.memory_space<hbm>>) dst(%arg7 : memref<56x96xi32, #tpu.memory_space<vmem>>)
      tpu.yield
    }) : () -> ()
    %dma_start3A_26 = arith.constant 0 : i32
    %dma_start3A_27 = arith.constant 0 : i32
    %dma_start3A_28 = tpu.memref_slice %arg7[%dma_start3A_26, %dma_start3A_27] : memref<56x96xi32, #tpu.memory_space<vmem>> -> memref<1x96xi32, #tpu.memory_space<vmem>>
    %dma_start3A_29 = tpu.memref_squeeze %dma_start3A_28 : memref<1x96xi32, #tpu.memory_space<vmem>> -> memref<96xi32, #tpu.memory_space<vmem>>
    %dma_start3A_30 = arith.constant 0 : i32
    %dma_start3A_31 = arith.constant 0 : i32
    %dma_start3A_32 = tpu.memref_slice %arg2[%dma_start3A_30, %dma_start3A_31] : memref<20000x128xf32, #tpu.memory_space<hbm>> -> memref<20000x128xf32, #tpu.memory_space<hbm>>
    tpu.enqueue_indirect_dma source(%dma_start3A_32 : memref<20000x128xf32, #tpu.memory_space<hbm>>) target(%arg9 : memref<96x128xf32, #tpu.memory_space<vmem>>) offsets(%dma_start3A_29 : memref<96xi32, #tpu.memory_space<vmem>>) semaphore(%arg11 : memref<!tpu.dma_semaphore, #tpu.memory_space<semaphore_mem>>)
    %scan3A_33 = arith.constant 0 : i32
    %scan3A_34 = arith.constant 28 : i32
    %scan3A_35 = arith.addi %scan3A_33, %scan3A_34 : i32
    %scan3A_36 = arith.constant 1 : i32
    scf.for %scan3A_46 = %scan3A_33 to %scan3A_35 step %scan3A_36  : i32 {
      %mul3A_47 = arith.constant 1 : i32
      %mul3A_48 = arith.muli %scan3A_46, %mul3A_47 : i32
      %add3A_49 = arith.constant 0 : i32
      %add3A_50 = arith.addi %add3A_49, %mul3A_48 : i32
      %mul3A_51 = arith.constant 2 : i32
      %mul3A_52 = arith.muli %mul3A_51, %add3A_50 : i32
      %dma_wait3A = arith.constant 0 : i32
      %dma_wait3A_53 = tpu.memref_slice %arg7[%mul3A_52, %dma_wait3A] : memref<56x96xi32, #tpu.memory_space<vmem>> -> memref<1x96xi32, #tpu.memory_space<vmem>>
      %dma_wait3A_54 = tpu.memref_squeeze %dma_wait3A_53 : memref<1x96xi32, #tpu.memory_space<vmem>> -> memref<96xi32, #tpu.memory_space<vmem>>
      %dma_wait3A_55 = arith.constant 0 : i32
      %dma_wait3A_56 = arith.constant 0 : i32
      %dma_wait3A_57 = tpu.memref_slice %arg2[%dma_wait3A_55, %dma_wait3A_56] : memref<20000x128xf32, #tpu.memory_space<hbm>> -> memref<20000x128xf32, #tpu.memory_space<hbm>>
      tpu.wait_indirect_dma semaphore(%arg11 : memref<!tpu.dma_semaphore, #tpu.memory_space<semaphore_mem>>) src(%dma_wait3A_57 : memref<20000x128xf32, #tpu.memory_space<hbm>>) dst(%arg9 : memref<96x128xf32, #tpu.memory_space<vmem>>)
      %add3A_58 = arith.constant 1 : i32
      %add3A_59 = arith.addi %mul3A_52, %add3A_58 : i32
      %dma_start3A_60 = arith.constant 0 : i32
      %dma_start3A_61 = tpu.memref_slice %arg7[%add3A_59, %dma_start3A_60] : memref<56x96xi32, #tpu.memory_space<vmem>> -> memref<1x96xi32, #tpu.memory_space<vmem>>
      %dma_start3A_62 = tpu.memref_squeeze %dma_start3A_61 : memref<1x96xi32, #tpu.memory_space<vmem>> -> memref<96xi32, #tpu.memory_space<vmem>>
      %dma_start3A_63 = arith.constant 0 : i32
      %dma_start3A_64 = arith.constant 0 : i32
      %dma_start3A_65 = tpu.memref_slice %arg2[%dma_start3A_63, %dma_start3A_64] : memref<20000x128xf32, #tpu.memory_space<hbm>> -> memref<20000x128xf32, #tpu.memory_space<hbm>>
      tpu.enqueue_indirect_dma source(%dma_start3A_65 : memref<20000x128xf32, #tpu.memory_space<hbm>>) target(%arg10 : memref<96x128xf32, #tpu.memory_space<vmem>>) offsets(%dma_start3A_62 : memref<96xi32, #tpu.memory_space<vmem>>) semaphore(%arg12 : memref<!tpu.dma_semaphore, #tpu.memory_space<semaphore_mem>>)
      %add3A_66 = arith.constant 56 : i32
      %add3A_67 = arith.addi %add3A_66, %mul3A_52 : i32
      "tpu.region"() ({
        %run_scoped3A = tpu.sem_alloc : memref<!tpu.dma_semaphore, #tpu.memory_space<semaphore_mem>>
        %dma_start3A_87 = arith.constant 0 : i32
        %dma_start3A_88 = tpu.memref_slice %arg8[%add3A_67, %dma_start3A_87] : memref<112x96xi32, #tpu.memory_space<vmem>> -> memref<1x96xi32, #tpu.memory_space<vmem>>
        %dma_start3A_89 = tpu.memref_squeeze %dma_start3A_88 : memref<1x96xi32, #tpu.memory_space<vmem>> -> memref<96xi32, #tpu.memory_space<vmem>>
        %dma_start3A_90 = arith.constant 0 : i32
        %dma_start3A_91 = arith.constant 0 : i32
        %dma_start3A_92 = tpu.memref_slice %arg6[%dma_start3A_90, %dma_start3A_91] : memref<10240x128xf32, #tpu.memory_space<vmem_shared>> -> memref<10240x128xf32, #tpu.memory_space<vmem_shared>>
        tpu.enqueue_indirect_dma source(%arg9 : memref<96x128xf32, #tpu.memory_space<vmem>>) target(%dma_start3A_92 : memref<10240x128xf32, #tpu.memory_space<vmem_shared>>) offsets(%dma_start3A_89 : memref<96xi32, #tpu.memory_space<vmem>>) semaphore(%run_scoped3A : memref<!tpu.dma_semaphore, #tpu.memory_space<semaphore_mem>>) {add = true}
        %dma_wait3A_93 = arith.constant 0 : i32
        %dma_wait3A_94 = tpu.memref_slice %arg8[%add3A_67, %dma_wait3A_93] : memref<112x96xi32, #tpu.memory_space<vmem>> -> memref<1x96xi32, #tpu.memory_space<vmem>>
        %dma_wait3A_95 = tpu.memref_squeeze %dma_wait3A_94 : memref<1x96xi32, #tpu.memory_space<vmem>> -> memref<96xi32, #tpu.memory_space<vmem>>
        %dma_wait3A_96 = arith.constant 0 : i32
        %dma_wait3A_97 = arith.constant 0 : i32
        %dma_wait3A_98 = tpu.memref_slice %arg6[%dma_wait3A_96, %dma_wait3A_97] : memref<10240x128xf32, #tpu.memory_space<vmem_shared>> -> memref<10240x128xf32, #tpu.memory_space<vmem_shared>>
        tpu.wait_indirect_dma semaphore(%run_scoped3A : memref<!tpu.dma_semaphore, #tpu.memory_space<semaphore_mem>>) src(%arg9 : memref<96x128xf32, #tpu.memory_space<vmem>>) dst(%dma_wait3A_98 : memref<10240x128xf32, #tpu.memory_space<vmem_shared>>)
        tpu.yield
      }) : () -> ()
      %add3A_68 = arith.constant 1 : i32
      %add3A_69 = arith.addi %mul3A_52, %add3A_68 : i32
      %dma_wait3A_70 = arith.constant 0 : i32
      %dma_wait3A_71 = tpu.memref_slice %arg7[%add3A_69, %dma_wait3A_70] : memref<56x96xi32, #tpu.memory_space<vmem>> -> memref<1x96xi32, #tpu.memory_space<vmem>>
      %dma_wait3A_72 = tpu.memref_squeeze %dma_wait3A_71 : memref<1x96xi32, #tpu.memory_space<vmem>> -> memref<96xi32, #tpu.memory_space<vmem>>
      %dma_wait3A_73 = arith.constant 0 : i32
      %dma_wait3A_74 = arith.constant 0 : i32
      %dma_wait3A_75 = tpu.memref_slice %arg2[%dma_wait3A_73, %dma_wait3A_74] : memref<20000x128xf32, #tpu.memory_space<hbm>> -> memref<20000x128xf32, #tpu.memory_space<hbm>>
      tpu.wait_indirect_dma semaphore(%arg12 : memref<!tpu.dma_semaphore, #tpu.memory_space<semaphore_mem>>) src(%dma_wait3A_75 : memref<20000x128xf32, #tpu.memory_space<hbm>>) dst(%arg10 : memref<96x128xf32, #tpu.memory_space<vmem>>)
      %add3A_76 = arith.constant 1 : i32
      %add3A_77 = arith.addi %add3A_50, %add3A_76 : i32
      %lt3A_78 = arith.constant 28 : i32
      %lt3A_79 = arith.cmpi slt, %add3A_77, %lt3A_78 : i32
      %convert_element_type3A_80 = arith.extui %lt3A_79 : i1 to i32
      %cond3A_81 = arith.constant 0 : i32
      %cond3A_82 = arith.cmpi ne, %convert_element_type3A_80, %cond3A_81 : i32
      scf.if %cond3A_82 {
        %add3A_87 = arith.constant 2 : i32
        %add3A_88 = arith.addi %mul3A_52, %add3A_87 : i32
        %dma_start3A_89 = arith.constant 0 : i32
        %dma_start3A_90 = tpu.memref_slice %arg7[%add3A_88, %dma_start3A_89] : memref<56x96xi32, #tpu.memory_space<vmem>> -> memref<1x96xi32, #tpu.memory_space<vmem>>
        %dma_start3A_91 = tpu.memref_squeeze %dma_start3A_90 : memref<1x96xi32, #tpu.memory_space<vmem>> -> memref<96xi32, #tpu.memory_space<vmem>>
        %dma_start3A_92 = arith.constant 0 : i32
        %dma_start3A_93 = arith.constant 0 : i32
        %dma_start3A_94 = tpu.memref_slice %arg2[%dma_start3A_92, %dma_start3A_93] : memref<20000x128xf32, #tpu.memory_space<hbm>> -> memref<20000x128xf32, #tpu.memory_space<hbm>>
        tpu.enqueue_indirect_dma source(%dma_start3A_94 : memref<20000x128xf32, #tpu.memory_space<hbm>>) target(%arg9 : memref<96x128xf32, #tpu.memory_space<vmem>>) offsets(%dma_start3A_91 : memref<96xi32, #tpu.memory_space<vmem>>) semaphore(%arg11 : memref<!tpu.dma_semaphore, #tpu.memory_space<semaphore_mem>>)
      } else {
      }
      %add3A_83 = arith.constant 56 : i32
      %add3A_84 = arith.addi %add3A_83, %mul3A_52 : i32
      %add3A_85 = arith.constant 1 : i32
      %add3A_86 = arith.addi %add3A_84, %add3A_85 : i32
      "tpu.region"() ({
        %run_scoped3A = tpu.sem_alloc : memref<!tpu.dma_semaphore, #tpu.memory_space<semaphore_mem>>
        %dma_start3A_87 = arith.constant 0 : i32
        %dma_start3A_88 = tpu.memref_slice %arg8[%add3A_86, %dma_start3A_87] : memref<112x96xi32, #tpu.memory_space<vmem>> -> memref<1x96xi32, #tpu.memory_space<vmem>>
        %dma_start3A_89 = tpu.memref_squeeze %dma_start3A_88 : memref<1x96xi32, #tpu.memory_space<vmem>> -> memref<96xi32, #tpu.memory_space<vmem>>
        %dma_start3A_90 = arith.constant 0 : i32
        %dma_start3A_91 = arith.constant 0 : i32
        %dma_start3A_92 = tpu.memref_slice %arg6[%dma_start3A_90, %dma_start3A_91] : memref<10240x128xf32, #tpu.memory_space<vmem_shared>> -> memref<10240x128xf32, #tpu.memory_space<vmem_shared>>
        tpu.enqueue_indirect_dma source(%arg10 : memref<96x128xf32, #tpu.memory_space<vmem>>) target(%dma_start3A_92 : memref<10240x128xf32, #tpu.memory_space<vmem_shared>>) offsets(%dma_start3A_89 : memref<96xi32, #tpu.memory_space<vmem>>) semaphore(%run_scoped3A : memref<!tpu.dma_semaphore, #tpu.memory_space<semaphore_mem>>) {add = true}
        %dma_wait3A_93 = arith.constant 0 : i32
        %dma_wait3A_94 = tpu.memref_slice %arg8[%add3A_86, %dma_wait3A_93] : memref<112x96xi32, #tpu.memory_space<vmem>> -> memref<1x96xi32, #tpu.memory_space<vmem>>
        %dma_wait3A_95 = tpu.memref_squeeze %dma_wait3A_94 : memref<1x96xi32, #tpu.memory_space<vmem>> -> memref<96xi32, #tpu.memory_space<vmem>>
        %dma_wait3A_96 = arith.constant 0 : i32
        %dma_wait3A_97 = arith.constant 0 : i32
        %dma_wait3A_98 = tpu.memref_slice %arg6[%dma_wait3A_96, %dma_wait3A_97] : memref<10240x128xf32, #tpu.memory_space<vmem_shared>> -> memref<10240x128xf32, #tpu.memory_space<vmem_shared>>
        tpu.wait_indirect_dma semaphore(%run_scoped3A : memref<!tpu.dma_semaphore, #tpu.memory_space<semaphore_mem>>) src(%arg10 : memref<96x128xf32, #tpu.memory_space<vmem>>) dst(%dma_wait3A_98 : memref<10240x128xf32, #tpu.memory_space<vmem_shared>>)
        tpu.yield
      }) : () -> ()
    }
    %scan3A_37 = arith.constant 28 : i32
    %barrier3A_38 = arith.constant 0 : index
    tpu.barrier barrier_id(%barrier3A_38)
    %lt3A = arith.constant 15 : i32
    %lt3A_39 = arith.cmpi slt, %arg1, %lt3A : i32
    %convert_element_type3A = arith.extui %lt3A_39 : i1 to i32
    %cond3A = arith.constant 0 : i32
    %cond3A_40 = arith.cmpi ne, %convert_element_type3A, %cond3A : i32
    scf.if %cond3A_40 {
      %mul3A_46 = arith.constant 640 : i32
      %mul3A_47 = arith.muli %arg1, %mul3A_46 : i32
      %mul3A_48 = arith.constant 10000 : i32
      %mul3A_49 = arith.muli %arg0, %mul3A_48 : i32
      %mul3A_50 = arith.constant 640 : i32
      %mul3A_51 = arith.muli %arg1, %mul3A_50 : i32
      %add3A_52 = arith.addi %mul3A_49, %mul3A_51 : i32
      "tpu.region"() ({
        %run_scoped3A = tpu.sem_alloc : memref<!tpu.dma_semaphore, #tpu.memory_space<semaphore_mem>>
        %dma_start3A_53 = arith.constant 0 : i32
        %dma_start3A_54 = tpu.memref_slice %arg5[%add3A_52, %dma_start3A_53] : memref<20000x128xf32, #tpu.memory_space<hbm>> -> memref<640x128xf32, #tpu.memory_space<hbm>>
        %dma_start3A_55 = arith.constant 0 : i32
        %dma_start3A_56 = tpu.memref_slice %arg6[%mul3A_47, %dma_start3A_55] : memref<10240x128xf32, #tpu.memory_space<vmem_shared>> -> memref<640x128xf32, #tpu.memory_space<vmem_shared>>
        tpu.enqueue_dma source(%dma_start3A_56 : memref<640x128xf32, #tpu.memory_space<vmem_shared>>) target(%dma_start3A_54 : memref<640x128xf32, #tpu.memory_space<hbm>>) target_semaphore(%run_scoped3A : memref<!tpu.dma_semaphore, #tpu.memory_space<semaphore_mem>>)
        %dma_wait3A = arith.constant 0 : i32
        %dma_wait3A_57 = tpu.memref_slice %arg5[%add3A_52, %dma_wait3A] : memref<20000x128xf32, #tpu.memory_space<hbm>> -> memref<640x128xf32, #tpu.memory_space<hbm>>
        %dma_wait3A_58 = arith.constant 0 : i32
        %dma_wait3A_59 = tpu.memref_slice %arg6[%mul3A_47, %dma_wait3A_58] : memref<10240x128xf32, #tpu.memory_space<vmem_shared>> -> memref<640x128xf32, #tpu.memory_space<vmem_shared>>
        tpu.wait_dma2 semaphore(%run_scoped3A : memref<!tpu.dma_semaphore, #tpu.memory_space<semaphore_mem>>) src(%dma_wait3A_59 : memref<640x128xf32, #tpu.memory_space<vmem_shared>>) dst(%dma_wait3A_57 : memref<640x128xf32, #tpu.memory_space<hbm>>)
        tpu.yield
      }) : () -> ()
    } else {
    }
    %eq3A = arith.constant 15 : i32
    %eq3A_41 = arith.cmpi eq, %arg1, %eq3A : i32
    %convert_element_type3A_42 = arith.extui %eq3A_41 : i1 to i32
    %cond3A_43 = arith.constant 0 : i32
    %cond3A_44 = arith.cmpi ne, %convert_element_type3A_42, %cond3A_43 : i32
    scf.if %cond3A_44 {
      %mul3A_46 = arith.constant 10000 : i32
      %mul3A_47 = arith.muli %arg0, %mul3A_46 : i32
      %add3A_48 = arith.constant 9600 : i32
      %add3A_49 = arith.addi %mul3A_47, %add3A_48 : i32
      "tpu.region"() ({
        %run_scoped3A = tpu.sem_alloc : memref<!tpu.dma_semaphore, #tpu.memory_space<semaphore_mem>>
        %dma_start3A_50 = arith.constant 0 : i32
        %dma_start3A_51 = tpu.memref_slice %arg5[%add3A_49, %dma_start3A_50] : memref<20000x128xf32, #tpu.memory_space<hbm>> -> memref<400x128xf32, #tpu.memory_space<hbm>>
        %dma_start3A_52 = arith.constant 9600 : i32
        %dma_start3A_53 = arith.constant 0 : i32
        %dma_start3A_54 = tpu.memref_slice %arg6[%dma_start3A_52, %dma_start3A_53] : memref<10240x128xf32, #tpu.memory_space<vmem_shared>> -> memref<400x128xf32, #tpu.memory_space<vmem_shared>>
        tpu.enqueue_dma source(%dma_start3A_54 : memref<400x128xf32, #tpu.memory_space<vmem_shared>>) target(%dma_start3A_51 : memref<400x128xf32, #tpu.memory_space<hbm>>) target_semaphore(%run_scoped3A : memref<!tpu.dma_semaphore, #tpu.memory_space<semaphore_mem>>)
        %dma_wait3A = arith.constant 0 : i32
        %dma_wait3A_55 = tpu.memref_slice %arg5[%add3A_49, %dma_wait3A] : memref<20000x128xf32, #tpu.memory_space<hbm>> -> memref<400x128xf32, #tpu.memory_space<hbm>>
        %dma_wait3A_56 = arith.constant 9600 : i32
        %dma_wait3A_57 = arith.constant 0 : i32
        %dma_wait3A_58 = tpu.memref_slice %arg6[%dma_wait3A_56, %dma_wait3A_57] : memref<10240x128xf32, #tpu.memory_space<vmem_shared>> -> memref<400x128xf32, #tpu.memory_space<vmem_shared>>
        tpu.wait_dma2 semaphore(%run_scoped3A : memref<!tpu.dma_semaphore, #tpu.memory_space<semaphore_mem>>) src(%dma_wait3A_58 : memref<400x128xf32, #tpu.memory_space<vmem_shared>>) dst(%dma_wait3A_55 : memref<400x128xf32, #tpu.memory_space<hbm>>)
        tpu.yield
      }) : () -> ()
    } else {
    }
    %barrier3A_45 = arith.constant 0 : index
    tpu.barrier barrier_id(%barrier3A_45)
    return
  }
}

#map = affine_map<(d0, d1) -> (0, 0, 0)>
module attributes {stable_mosaic.version = 14 : i64} {
  func.func @_deg_body(%arg0: i32, %arg1: i32, %arg2: memref<32x56x96xi32, #tpu.memory_space<hbm>>, %arg3: memref<2x10240x16xf32, #tpu.memory_space<hbm>>, %arg4: memref<10240x16xf32, #tpu.memory_space<vmem_shared>>, %arg5: memref<96x16xf32, #tpu.memory_space<vmem>>, %arg6: memref<128x16xf32, #tpu.memory_space<vmem>>, %arg7: memref<56x96xi32, #tpu.memory_space<vmem>>) attributes {dimension_semantics = [#tpu.dimension_semantics<core_parallel>, #tpu.dimension_semantics<subcore_parallel>], iteration_bounds = array<i64: 2, 16>, scalar_prefetch = 0 : i64, scratch_operands = 4 : i64, tpu.core_type = #tpu.core_type<sc_vector_subcore>, window_params = [{transform_indices = #map}, {transform_indices = #map}]} {
    %mul3A = arith.constant 16 : i32
    %mul3A_0 = arith.muli %arg0, %mul3A : i32
    %add3A = arith.addi %mul3A_0, %arg1 : i32
    %scan3A = arith.constant 0 : i32
    %scan3A_1 = arith.constant 128 : i32
    %scan3A_2 = arith.addi %scan3A, %scan3A_1 : i32
    %scan3A_3 = arith.constant 1 : i32
    scf.for %scan3A_23 = %scan3A to %scan3A_2 step %scan3A_3  : i32 {
      %mul3A_24 = arith.constant 1 : i32
      %mul3A_25 = arith.muli %scan3A_23, %mul3A_24 : i32
      %add3A_26 = arith.constant 0 : i32
      %add3A_27 = arith.addi %add3A_26, %mul3A_25 : i32
      %broadcast_in_dim3A = arith.constant 0.000000e+00 : f32
      %broadcast_in_dim3A_28 = vector.broadcast %broadcast_in_dim3A : f32 to vector<16xf32>
      %swap3A = arith.index_cast %add3A_27 : i32 to index
      %swap3A_29 = arith.constant 0 : index
      %swap3A_30 = tpu.vector_load %arg6[%swap3A, %swap3A_29] {strides = array<i32>} : memref<128x16xf32, #tpu.memory_space<vmem>>, vector<1x16xf32>,
      %swap3A_31 = vector.shape_cast %swap3A_30 : vector<1x16xf32> to vector<16xf32>
      %swap3A_32 = vector.shape_cast %broadcast_in_dim3A_28 : vector<16xf32> to vector<1x16xf32>
      tpu.vector_store %arg6[%swap3A, %swap3A_29], %swap3A_32 {strides = array<i32>} : memref<128x16xf32, #tpu.memory_space<vmem>>, vector<1x16xf32>,
    }
    %scan3A_4 = arith.constant 128 : i32
    %scan3A_5 = arith.constant 0 : i32
    %scan3A_6 = arith.constant 96 : i32
    %scan3A_7 = arith.addi %scan3A_5, %scan3A_6 : i32
    %scan3A_8 = arith.constant 1 : i32
    scf.for %scan3A_23 = %scan3A_5 to %scan3A_7 step %scan3A_8  : i32 {
      %mul3A_24 = arith.constant 1 : i32
      %mul3A_25 = arith.muli %scan3A_23, %mul3A_24 : i32
      %add3A_26 = arith.constant 0 : i32
      %add3A_27 = arith.addi %add3A_26, %mul3A_25 : i32
      %broadcast_in_dim3A = arith.constant 1.000000e+00 : f32
      %broadcast_in_dim3A_28 = vector.broadcast %broadcast_in_dim3A : f32 to vector<16xf32>
      %swap3A = arith.index_cast %add3A_27 : i32 to index
      %swap3A_29 = arith.constant 0 : index
      %swap3A_30 = tpu.vector_load %arg5[%swap3A, %swap3A_29] {strides = array<i32>} : memref<96x16xf32, #tpu.memory_space<vmem>>, vector<1x16xf32>,
      %swap3A_31 = vector.shape_cast %swap3A_30 : vector<1x16xf32> to vector<16xf32>
      %swap3A_32 = vector.shape_cast %broadcast_in_dim3A_28 : vector<16xf32> to vector<1x16xf32>
      tpu.vector_store %arg5[%swap3A, %swap3A_29], %swap3A_32 {strides = array<i32>} : memref<96x16xf32, #tpu.memory_space<vmem>>, vector<1x16xf32>,
    }
    %scan3A_9 = arith.constant 96 : i32
    %scan3A_10 = arith.constant 0 : i32
    %scan3A_11 = arith.constant 5 : i32
    %scan3A_12 = arith.addi %scan3A_10, %scan3A_11 : i32
    %scan3A_13 = arith.constant 1 : i32
    scf.for %scan3A_23 = %scan3A_10 to %scan3A_12 step %scan3A_13  : i32 {
      %mul3A_24 = arith.constant 1 : i32
      %mul3A_25 = arith.muli %scan3A_23, %mul3A_24 : i32
      %add3A_26 = arith.constant 0 : i32
      %add3A_27 = arith.addi %add3A_26, %mul3A_25 : i32
      %mul3A_28 = arith.constant 640 : i32
      %mul3A_29 = arith.muli %arg1, %mul3A_28 : i32
      %mul3A_30 = arith.constant 128 : i32
      %mul3A_31 = arith.muli %add3A_27, %mul3A_30 : i32
      %add3A_32 = arith.addi %mul3A_29, %mul3A_31 : i32
      "tpu.region"() ({
        %run_scoped3A = tpu.sem_alloc : memref<!tpu.dma_semaphore, #tpu.memory_space<semaphore_mem>>
        %dma_start3A = arith.constant 0 : i32
        %dma_start3A_33 = tpu.memref_slice %arg4[%add3A_32, %dma_start3A] : memref<10240x16xf32, #tpu.memory_space<vmem_shared>> -> memref<128x16xf32, #tpu.memory_space<vmem_shared>>
        %dma_start3A_34 = arith.constant 0 : i32
        %dma_start3A_35 = tpu.memref_slice %arg4[%add3A_32, %dma_start3A_34] : memref<10240x16xf32, #tpu.memory_space<vmem_shared>> -> memref<128x16xf32, #tpu.memory_space<vmem_shared>>
        tpu.enqueue_dma source(%arg6 : memref<128x16xf32, #tpu.memory_space<vmem>>) target(%dma_start3A_35 : memref<128x16xf32, #tpu.memory_space<vmem_shared>>) target_semaphore(%run_scoped3A : memref<!tpu.dma_semaphore, #tpu.memory_space<semaphore_mem>>)
        %dma_wait3A = arith.constant 0 : i32
        %dma_wait3A_36 = tpu.memref_slice %arg4[%add3A_32, %dma_wait3A] : memref<10240x16xf32, #tpu.memory_space<vmem_shared>> -> memref<128x16xf32, #tpu.memory_space<vmem_shared>>
        %dma_wait3A_37 = arith.constant 0 : i32
        %dma_wait3A_38 = tpu.memref_slice %arg4[%add3A_32, %dma_wait3A_37] : memref<10240x16xf32, #tpu.memory_space<vmem_shared>> -> memref<128x16xf32, #tpu.memory_space<vmem_shared>>
        tpu.wait_dma2 semaphore(%run_scoped3A : memref<!tpu.dma_semaphore, #tpu.memory_space<semaphore_mem>>) src(%arg6 : memref<128x16xf32, #tpu.memory_space<vmem>>) dst(%dma_wait3A_38 : memref<128x16xf32, #tpu.memory_space<vmem_shared>>)
        tpu.yield
      }) : () -> ()
    }
    %scan3A_14 = arith.constant 5 : i32
    %barrier3A = arith.constant 0 : index
    tpu.barrier barrier_id(%barrier3A)
    "tpu.region"() ({
      %run_scoped3A = tpu.sem_alloc : memref<!tpu.dma_semaphore, #tpu.memory_space<semaphore_mem>>
      %dma_start3A = arith.constant 0 : i32
      %dma_start3A_23 = arith.constant 0 : i32
      %dma_start3A_24 = tpu.memref_slice %arg2[%add3A, %dma_start3A, %dma_start3A_23] : memref<32x56x96xi32, #tpu.memory_space<hbm>> -> memref<1x56x96xi32, #tpu.memory_space<hbm>>
      %dma_start3A_25 = tpu.memref_squeeze %dma_start3A_24 : memref<1x56x96xi32, #tpu.memory_space<hbm>> -> memref<56x96xi32, #tpu.memory_space<hbm>>
      %dma_start3A_26 = arith.constant 0 : i32
      %dma_start3A_27 = arith.constant 0 : i32
      %dma_start3A_28 = tpu.memref_slice %arg2[%add3A, %dma_start3A_26, %dma_start3A_27] : memref<32x56x96xi32, #tpu.memory_space<hbm>> -> memref<1x56x96xi32, #tpu.memory_space<hbm>>
      %dma_start3A_29 = tpu.memref_squeeze %dma_start3A_28 : memref<1x56x96xi32, #tpu.memory_space<hbm>> -> memref<56x96xi32, #tpu.memory_space<hbm>>
      tpu.enqueue_dma source(%dma_start3A_29 : memref<56x96xi32, #tpu.memory_space<hbm>>) target(%arg7 : memref<56x96xi32, #tpu.memory_space<vmem>>) target_semaphore(%run_scoped3A : memref<!tpu.dma_semaphore, #tpu.memory_space<semaphore_mem>>)
      %dma_wait3A = arith.constant 0 : i32
      %dma_wait3A_30 = arith.constant 0 : i32
      %dma_wait3A_31 = tpu.memref_slice %arg2[%add3A, %dma_wait3A, %dma_wait3A_30] : memref<32x56x96xi32, #tpu.memory_space<hbm>> -> memref<1x56x96xi32, #tpu.memory_space<hbm>>
      %dma_wait3A_32 = tpu.memref_squeeze %dma_wait3A_31 : memref<1x56x96xi32, #tpu.memory_space<hbm>> -> memref<56x96xi32, #tpu.memory_space<hbm>>
      %dma_wait3A_33 = arith.constant 0 : i32
      %dma_wait3A_34 = arith.constant 0 : i32
      %dma_wait3A_35 = tpu.memref_slice %arg2[%add3A, %dma_wait3A_33, %dma_wait3A_34] : memref<32x56x96xi32, #tpu.memory_space<hbm>> -> memref<1x56x96xi32, #tpu.memory_space<hbm>>
      %dma_wait3A_36 = tpu.memref_squeeze %dma_wait3A_35 : memref<1x56x96xi32, #tpu.memory_space<hbm>> -> memref<56x96xi32, #tpu.memory_space<hbm>>
      tpu.wait_dma2 semaphore(%run_scoped3A : memref<!tpu.dma_semaphore, #tpu.memory_space<semaphore_mem>>) src(%dma_wait3A_36 : memref<56x96xi32, #tpu.memory_space<hbm>>) dst(%arg7 : memref<56x96xi32, #tpu.memory_space<vmem>>)
      tpu.yield
    }) : () -> ()
    %scan3A_15 = arith.constant 0 : i32
    %scan3A_16 = arith.constant 56 : i32
    %scan3A_17 = arith.addi %scan3A_15, %scan3A_16 : i32
    %scan3A_18 = arith.constant 1 : i32
    scf.for %scan3A_23 = %scan3A_15 to %scan3A_17 step %scan3A_18  : i32 {
      %mul3A_24 = arith.constant 1 : i32
      %mul3A_25 = arith.muli %scan3A_23, %mul3A_24 : i32
      %add3A_26 = arith.constant 0 : i32
      %add3A_27 = arith.addi %add3A_26, %mul3A_25 : i32
      "tpu.region"() ({
        %run_scoped3A = tpu.sem_alloc : memref<!tpu.dma_semaphore, #tpu.memory_space<semaphore_mem>>
        %dma_start3A = arith.constant 0 : i32
        %dma_start3A_28 = tpu.memref_slice %arg7[%add3A_27, %dma_start3A] : memref<56x96xi32, #tpu.memory_space<vmem>> -> memref<1x96xi32, #tpu.memory_space<vmem>>
        %dma_start3A_29 = tpu.memref_squeeze %dma_start3A_28 : memref<1x96xi32, #tpu.memory_space<vmem>> -> memref<96xi32, #tpu.memory_space<vmem>>
        %dma_start3A_30 = arith.constant 0 : i32
        %dma_start3A_31 = arith.constant 0 : i32
        %dma_start3A_32 = tpu.memref_slice %arg4[%dma_start3A_30, %dma_start3A_31] : memref<10240x16xf32, #tpu.memory_space<vmem_shared>> -> memref<10240x16xf32, #tpu.memory_space<vmem_shared>>
        tpu.enqueue_indirect_dma source(%arg5 : memref<96x16xf32, #tpu.memory_space<vmem>>) target(%dma_start3A_32 : memref<10240x16xf32, #tpu.memory_space<vmem_shared>>) offsets(%dma_start3A_29 : memref<96xi32, #tpu.memory_space<vmem>>) semaphore(%run_scoped3A : memref<!tpu.dma_semaphore, #tpu.memory_space<semaphore_mem>>) {add = true}
        %dma_wait3A = arith.constant 0 : i32
        %dma_wait3A_33 = tpu.memref_slice %arg7[%add3A_27, %dma_wait3A] : memref<56x96xi32, #tpu.memory_space<vmem>> -> memref<1x96xi32, #tpu.memory_space<vmem>>
        %dma_wait3A_34 = tpu.memref_squeeze %dma_wait3A_33 : memref<1x96xi32, #tpu.memory_space<vmem>> -> memref<96xi32, #tpu.memory_space<vmem>>
        %dma_wait3A_35 = arith.constant 0 : i32
        %dma_wait3A_36 = arith.constant 0 : i32
        %dma_wait3A_37 = tpu.memref_slice %arg4[%dma_wait3A_35, %dma_wait3A_36] : memref<10240x16xf32, #tpu.memory_space<vmem_shared>> -> memref<10240x16xf32, #tpu.memory_space<vmem_shared>>
        tpu.wait_indirect_dma semaphore(%run_scoped3A : memref<!tpu.dma_semaphore, #tpu.memory_space<semaphore_mem>>) src(%arg5 : memref<96x16xf32, #tpu.memory_space<vmem>>) dst(%dma_wait3A_37 : memref<10240x16xf32, #tpu.memory_space<vmem_shared>>)
        tpu.yield
      }) : () -> ()
    }
    %scan3A_19 = arith.constant 56 : i32
    %barrier3A_20 = arith.constant 0 : index
    tpu.barrier barrier_id(%barrier3A_20)
    %eq3A = arith.constant 0 : i32
    %eq3A_21 = arith.cmpi eq, %arg1, %eq3A : i32
    %convert_element_type3A = arith.extui %eq3A_21 : i1 to i32
    %cond3A = arith.constant 0 : i32
    %cond3A_22 = arith.cmpi ne, %convert_element_type3A, %cond3A : i32
    scf.if %cond3A_22 {
      "tpu.region"() ({
        %run_scoped3A = tpu.sem_alloc : memref<!tpu.dma_semaphore, #tpu.memory_space<semaphore_mem>>
        %dma_start3A = arith.constant 0 : i32
        %dma_start3A_23 = arith.constant 0 : i32
        %dma_start3A_24 = tpu.memref_slice %arg3[%arg0, %dma_start3A, %dma_start3A_23] : memref<2x10240x16xf32, #tpu.memory_space<hbm>> -> memref<1x10240x16xf32, #tpu.memory_space<hbm>>
        %dma_start3A_25 = tpu.memref_squeeze %dma_start3A_24 : memref<1x10240x16xf32, #tpu.memory_space<hbm>> -> memref<10240x16xf32, #tpu.memory_space<hbm>>
        tpu.enqueue_dma source(%arg4 : memref<10240x16xf32, #tpu.memory_space<vmem_shared>>) target(%dma_start3A_25 : memref<10240x16xf32, #tpu.memory_space<hbm>>) target_semaphore(%run_scoped3A : memref<!tpu.dma_semaphore, #tpu.memory_space<semaphore_mem>>)
        %dma_wait3A = arith.constant 0 : i32
        %dma_wait3A_26 = arith.constant 0 : i32
        %dma_wait3A_27 = tpu.memref_slice %arg3[%arg0, %dma_wait3A, %dma_wait3A_26] : memref<2x10240x16xf32, #tpu.memory_space<hbm>> -> memref<1x10240x16xf32, #tpu.memory_space<hbm>>
        %dma_wait3A_28 = tpu.memref_squeeze %dma_wait3A_27 : memref<1x10240x16xf32, #tpu.memory_space<hbm>> -> memref<10240x16xf32, #tpu.memory_space<hbm>>
        tpu.wait_dma2 semaphore(%run_scoped3A : memref<!tpu.dma_semaphore, #tpu.memory_space<semaphore_mem>>) src(%arg4 : memref<10240x16xf32, #tpu.memory_space<vmem_shared>>) dst(%dma_wait3A_28 : memref<10240x16xf32, #tpu.memory_space<hbm>>)
        tpu.yield
      }) : () -> ()
    } else {
    }
    return
  }
}

#map = affine_map<(d0, d1) -> (0, 0)>
#map1 = affine_map<(d0, d1) -> (0, 0, 0, 0)>
#map2 = affine_map<(d0, d1) -> (0, 0, 0)>
module attributes {stable_mosaic.version = 14 : i64} {
  func.func @_prop_body(%arg0: i32, %arg1: i32, %arg2: memref<20000x128xf32, #tpu.memory_space<hbm>>, %arg3: memref<2x32x56x96xi32, #tpu.memory_space<hbm>>, %arg4: memref<16x112x96xi32, #tpu.memory_space<hbm>>, %arg5: memref<20000x128xf32, #tpu.memory_space<hbm>>, %arg6: memref<10240x128xf32, #tpu.memory_space<vmem_shared>>, %arg7: memref<56x96xi32, #tpu.memory_space<vmem>>, %arg8: memref<112x96xi32, #tpu.memory_space<vmem>>, %arg9: memref<96x128xf32, #tpu.memory_space<vmem>>, %arg10: memref<96x128xf32, #tpu.memory_space<vmem>>, %arg11: memref<!tpu.dma_semaphore, #tpu.memory_space<semaphore_mem>>, %arg12: memref<!tpu.dma_semaphore, #tpu.memory_space<semaphore_mem>>) attributes {dimension_semantics = [#tpu.dimension_semantics<core_parallel>, #tpu.dimension_semantics<subcore_parallel>], iteration_bounds = array<i64: 2, 16>, scalar_prefetch = 0 : i64, scratch_operands = 7 : i64, tpu.core_type = #tpu.core_type<sc_vector_subcore>, window_params = [{transform_indices = #map}, {transform_indices = #map1}, {transform_indices = #map2}, {transform_indices = #map}]} {
    "tpu.region"() ({
      %run_scoped3A = tpu.sem_alloc : memref<!tpu.dma_semaphore, #tpu.memory_space<semaphore_mem>>
      %dma_start3A_46 = arith.constant 0 : i32
      %dma_start3A_47 = arith.constant 0 : i32
      %dma_start3A_48 = tpu.memref_slice %arg4[%arg1, %dma_start3A_46, %dma_start3A_47] : memref<16x112x96xi32, #tpu.memory_space<hbm>> -> memref<1x112x96xi32, #tpu.memory_space<hbm>>
      %dma_start3A_49 = tpu.memref_squeeze %dma_start3A_48 : memref<1x112x96xi32, #tpu.memory_space<hbm>> -> memref<112x96xi32, #tpu.memory_space<hbm>>
      %dma_start3A_50 = arith.constant 0 : i32
      %dma_start3A_51 = arith.constant 0 : i32
      %dma_start3A_52 = tpu.memref_slice %arg4[%arg1, %dma_start3A_50, %dma_start3A_51] : memref<16x112x96xi32, #tpu.memory_space<hbm>> -> memref<1x112x96xi32, #tpu.memory_space<hbm>>
      %dma_start3A_53 = tpu.memref_squeeze %dma_start3A_52 : memref<1x112x96xi32, #tpu.memory_space<hbm>> -> memref<112x96xi32, #tpu.memory_space<hbm>>
      tpu.enqueue_dma source(%dma_start3A_53 : memref<112x96xi32, #tpu.memory_space<hbm>>) target(%arg8 : memref<112x96xi32, #tpu.memory_space<vmem>>) target_semaphore(%run_scoped3A : memref<!tpu.dma_semaphore, #tpu.memory_space<semaphore_mem>>)
      %dma_wait3A = arith.constant 0 : i32
      %dma_wait3A_54 = arith.constant 0 : i32
      %dma_wait3A_55 = tpu.memref_slice %arg4[%arg1, %dma_wait3A, %dma_wait3A_54] : memref<16x112x96xi32, #tpu.memory_space<hbm>> -> memref<1x112x96xi32, #tpu.memory_space<hbm>>
      %dma_wait3A_56 = tpu.memref_squeeze %dma_wait3A_55 : memref<1x112x96xi32, #tpu.memory_space<hbm>> -> memref<112x96xi32, #tpu.memory_space<hbm>>
      %dma_wait3A_57 = arith.constant 0 : i32
      %dma_wait3A_58 = arith.constant 0 : i32
      %dma_wait3A_59 = tpu.memref_slice %arg4[%arg1, %dma_wait3A_57, %dma_wait3A_58] : memref<16x112x96xi32, #tpu.memory_space<hbm>> -> memref<1x112x96xi32, #tpu.memory_space<hbm>>
      %dma_wait3A_60 = tpu.memref_squeeze %dma_wait3A_59 : memref<1x112x96xi32, #tpu.memory_space<hbm>> -> memref<112x96xi32, #tpu.memory_space<hbm>>
      tpu.wait_dma2 semaphore(%run_scoped3A : memref<!tpu.dma_semaphore, #tpu.memory_space<semaphore_mem>>) src(%dma_wait3A_60 : memref<112x96xi32, #tpu.memory_space<hbm>>) dst(%arg8 : memref<112x96xi32, #tpu.memory_space<vmem>>)
      tpu.yield
    }) : () -> ()
    %scan3A = arith.constant 0 : i32
    %scan3A_0 = arith.constant 64 : i32
    %scan3A_1 = arith.addi %scan3A, %scan3A_0 : i32
    %scan3A_2 = arith.constant 1 : i32
    scf.for %scan3A_46 = %scan3A to %scan3A_1 step %scan3A_2  : i32 {
      %mul3A_47 = arith.constant 1 : i32
      %mul3A_48 = arith.muli %scan3A_46, %mul3A_47 : i32
      %add3A_49 = arith.constant 0 : i32
      %add3A_50 = arith.addi %add3A_49, %mul3A_48 : i32
      %scan3A_51 = arith.constant 0 : i32
      %scan3A_52 = arith.constant 8 : i32
      %scan3A_53 = arith.addi %scan3A_51, %scan3A_52 : i32
      %scan3A_54 = arith.constant 1 : i32
      scf.for %scan3A_56 = %scan3A_51 to %scan3A_53 step %scan3A_54  : i32 {
        %mul3A_57 = arith.constant 1 : i32
        %mul3A_58 = arith.muli %scan3A_56, %mul3A_57 : i32
        %add3A_59 = arith.constant 0 : i32
        %add3A_60 = arith.addi %add3A_59, %mul3A_58 : i32
        %broadcast_in_dim3A = arith.constant 0.000000e+00 : f32
        %broadcast_in_dim3A_61 = vector.broadcast %broadcast_in_dim3A : f32 to vector<16xf32>
        %mul3A_62 = arith.constant 16 : i32
        %mul3A_63 = arith.muli %add3A_60, %mul3A_62 : i32
        %swap3A = arith.index_cast %add3A_50 : i32 to index
        %swap3A_64 = arith.index_cast %mul3A_63 : i32 to index
        %swap3A_65 = tpu.vector_load %arg9[%swap3A, %swap3A_64] {strides = array<i32>} : memref<96x128xf32, #tpu.memory_space<vmem>>, vector<1x16xf32>,
        %swap3A_66 = vector.shape_cast %swap3A_65 : vector<1x16xf32> to vector<16xf32>
        %swap3A_67 = vector.shape_cast %broadcast_in_dim3A_61 : vector<16xf32> to vector<1x16xf32>
        tpu.vector_store %arg9[%swap3A, %swap3A_64], %swap3A_67 {strides = array<i32>} : memref<96x128xf32, #tpu.memory_space<vmem>>, vector<1x16xf32>,
      }
      %scan3A_55 = arith.constant 8 : i32
    }
    %scan3A_3 = arith.constant 64 : i32
    %scan3A_4 = arith.constant 0 : i32
    %scan3A_5 = arith.constant 10 : i32
    %scan3A_6 = arith.addi %scan3A_4, %scan3A_5 : i32
    %scan3A_7 = arith.constant 1 : i32
    scf.for %scan3A_46 = %scan3A_4 to %scan3A_6 step %scan3A_7  : i32 {
      %mul3A_47 = arith.constant 1 : i32
      %mul3A_48 = arith.muli %scan3A_46, %mul3A_47 : i32
      %add3A_49 = arith.constant 0 : i32
      %add3A_50 = arith.addi %add3A_49, %mul3A_48 : i32
      %mul3A_51 = arith.constant 640 : i32
      %mul3A_52 = arith.muli %arg1, %mul3A_51 : i32
      %mul3A_53 = arith.constant 64 : i32
      %mul3A_54 = arith.muli %add3A_50, %mul3A_53 : i32
      %add3A_55 = arith.addi %mul3A_52, %mul3A_54 : i32
      "tpu.region"() ({
        %run_scoped3A = tpu.sem_alloc : memref<!tpu.dma_semaphore, #tpu.memory_space<semaphore_mem>>
        %dma_start3A_56 = arith.constant 0 : i32
        %dma_start3A_57 = arith.constant 0 : i32
        %dma_start3A_58 = tpu.memref_slice %arg9[%dma_start3A_56, %dma_start3A_57] : memref<96x128xf32, #tpu.memory_space<vmem>> -> memref<64x128xf32, #tpu.memory_space<vmem>>
        %dma_start3A_59 = arith.constant 0 : i32
        %dma_start3A_60 = tpu.memref_slice %arg6[%add3A_55, %dma_start3A_59] : memref<10240x128xf32, #tpu.memory_space<vmem_shared>> -> memref<64x128xf32, #tpu.memory_space<vmem_shared>>
        %dma_start3A_61 = arith.constant 0 : i32
        %dma_start3A_62 = tpu.memref_slice %arg6[%add3A_55, %dma_start3A_61] : memref<10240x128xf32, #tpu.memory_space<vmem_shared>> -> memref<64x128xf32, #tpu.memory_space<vmem_shared>>
        %dma_start3A_63 = arith.constant 0 : i32
        %dma_start3A_64 = arith.constant 0 : i32
        %dma_start3A_65 = tpu.memref_slice %arg9[%dma_start3A_63, %dma_start3A_64] : memref<96x128xf32, #tpu.memory_space<vmem>> -> memref<64x128xf32, #tpu.memory_space<vmem>>
        tpu.enqueue_dma source(%dma_start3A_65 : memref<64x128xf32, #tpu.memory_space<vmem>>) target(%dma_start3A_62 : memref<64x128xf32, #tpu.memory_space<vmem_shared>>) target_semaphore(%run_scoped3A : memref<!tpu.dma_semaphore, #tpu.memory_space<semaphore_mem>>)
        %dma_wait3A = arith.constant 0 : i32
        %dma_wait3A_66 = arith.constant 0 : i32
        %dma_wait3A_67 = tpu.memref_slice %arg9[%dma_wait3A, %dma_wait3A_66] : memref<96x128xf32, #tpu.memory_space<vmem>> -> memref<64x128xf32, #tpu.memory_space<vmem>>
        %dma_wait3A_68 = arith.constant 0 : i32
        %dma_wait3A_69 = tpu.memref_slice %arg6[%add3A_55, %dma_wait3A_68] : memref<10240x128xf32, #tpu.memory_space<vmem_shared>> -> memref<64x128xf32, #tpu.memory_space<vmem_shared>>
        %dma_wait3A_70 = arith.constant 0 : i32
        %dma_wait3A_71 = tpu.memref_slice %arg6[%add3A_55, %dma_wait3A_70] : memref<10240x128xf32, #tpu.memory_space<vmem_shared>> -> memref<64x128xf32, #tpu.memory_space<vmem_shared>>
        %dma_wait3A_72 = arith.constant 0 : i32
        %dma_wait3A_73 = arith.constant 0 : i32
        %dma_wait3A_74 = tpu.memref_slice %arg9[%dma_wait3A_72, %dma_wait3A_73] : memref<96x128xf32, #tpu.memory_space<vmem>> -> memref<64x128xf32, #tpu.memory_space<vmem>>
        tpu.wait_dma2 semaphore(%run_scoped3A : memref<!tpu.dma_semaphore, #tpu.memory_space<semaphore_mem>>) src(%dma_wait3A_74 : memref<64x128xf32, #tpu.memory_space<vmem>>) dst(%dma_wait3A_71 : memref<64x128xf32, #tpu.memory_space<vmem_shared>>)
        tpu.yield
      }) : () -> ()
    }
    %scan3A_8 = arith.constant 10 : i32
    %barrier3A = arith.constant 0 : index
    tpu.barrier barrier_id(%barrier3A)
    %mul3A = arith.constant 2 : i32
    %mul3A_9 = arith.muli %mul3A, %arg1 : i32
    %add3A = arith.constant 0 : i32
    %add3A_10 = arith.addi %mul3A_9, %add3A : i32
    "tpu.region"() ({
      %run_scoped3A = tpu.sem_alloc : memref<!tpu.dma_semaphore, #tpu.memory_space<semaphore_mem>>
      %dma_start3A_46 = arith.constant 0 : i32
      %dma_start3A_47 = arith.constant 0 : i32
      %dma_start3A_48 = tpu.memref_slice %arg3[%arg0, %add3A_10, %dma_start3A_46, %dma_start3A_47] : memref<2x32x56x96xi32, #tpu.memory_space<hbm>> -> memref<1x1x56x96xi32, #tpu.memory_space<hbm>>
      %dma_start3A_49 = tpu.memref_squeeze %dma_start3A_48 : memref<1x1x56x96xi32, #tpu.memory_space<hbm>> -> memref<56x96xi32, #tpu.memory_space<hbm>>
      %dma_start3A_50 = arith.constant 0 : i32
      %dma_start3A_51 = arith.constant 0 : i32
      %dma_start3A_52 = tpu.memref_slice %arg3[%arg0, %add3A_10, %dma_start3A_50, %dma_start3A_51] : memref<2x32x56x96xi32, #tpu.memory_space<hbm>> -> memref<1x1x56x96xi32, #tpu.memory_space<hbm>>
      %dma_start3A_53 = tpu.memref_squeeze %dma_start3A_52 : memref<1x1x56x96xi32, #tpu.memory_space<hbm>> -> memref<56x96xi32, #tpu.memory_space<hbm>>
      tpu.enqueue_dma source(%dma_start3A_53 : memref<56x96xi32, #tpu.memory_space<hbm>>) target(%arg7 : memref<56x96xi32, #tpu.memory_space<vmem>>) target_semaphore(%run_scoped3A : memref<!tpu.dma_semaphore, #tpu.memory_space<semaphore_mem>>)
      %dma_wait3A = arith.constant 0 : i32
      %dma_wait3A_54 = arith.constant 0 : i32
      %dma_wait3A_55 = tpu.memref_slice %arg3[%arg0, %add3A_10, %dma_wait3A, %dma_wait3A_54] : memref<2x32x56x96xi32, #tpu.memory_space<hbm>> -> memref<1x1x56x96xi32, #tpu.memory_space<hbm>>
      %dma_wait3A_56 = tpu.memref_squeeze %dma_wait3A_55 : memref<1x1x56x96xi32, #tpu.memory_space<hbm>> -> memref<56x96xi32, #tpu.memory_space<hbm>>
      %dma_wait3A_57 = arith.constant 0 : i32
      %dma_wait3A_58 = arith.constant 0 : i32
      %dma_wait3A_59 = tpu.memref_slice %arg3[%arg0, %add3A_10, %dma_wait3A_57, %dma_wait3A_58] : memref<2x32x56x96xi32, #tpu.memory_space<hbm>> -> memref<1x1x56x96xi32, #tpu.memory_space<hbm>>
      %dma_wait3A_60 = tpu.memref_squeeze %dma_wait3A_59 : memref<1x1x56x96xi32, #tpu.memory_space<hbm>> -> memref<56x96xi32, #tpu.memory_space<hbm>>
      tpu.wait_dma2 semaphore(%run_scoped3A : memref<!tpu.dma_semaphore, #tpu.memory_space<semaphore_mem>>) src(%dma_wait3A_60 : memref<56x96xi32, #tpu.memory_space<hbm>>) dst(%arg7 : memref<56x96xi32, #tpu.memory_space<vmem>>)
      tpu.yield
    }) : () -> ()
    %dma_start3A = arith.constant 0 : i32
    %dma_start3A_11 = arith.constant 0 : i32
    %dma_start3A_12 = tpu.memref_slice %arg7[%dma_start3A, %dma_start3A_11] : memref<56x96xi32, #tpu.memory_space<vmem>> -> memref<1x96xi32, #tpu.memory_space<vmem>>
    %dma_start3A_13 = tpu.memref_squeeze %dma_start3A_12 : memref<1x96xi32, #tpu.memory_space<vmem>> -> memref<96xi32, #tpu.memory_space<vmem>>
    %dma_start3A_14 = arith.constant 0 : i32
    %dma_start3A_15 = arith.constant 0 : i32
    %dma_start3A_16 = tpu.memref_slice %arg2[%dma_start3A_14, %dma_start3A_15] : memref<20000x128xf32, #tpu.memory_space<hbm>> -> memref<20000x128xf32, #tpu.memory_space<hbm>>
    tpu.enqueue_indirect_dma source(%dma_start3A_16 : memref<20000x128xf32, #tpu.memory_space<hbm>>) target(%arg9 : memref<96x128xf32, #tpu.memory_space<vmem>>) offsets(%dma_start3A_13 : memref<96xi32, #tpu.memory_space<vmem>>) semaphore(%arg11 : memref<!tpu.dma_semaphore, #tpu.memory_space<semaphore_mem>>)
    %scan3A_17 = arith.constant 0 : i32
    %scan3A_18 = arith.constant 28 : i32
    %scan3A_19 = arith.addi %scan3A_17, %scan3A_18 : i32
    %scan3A_20 = arith.constant 1 : i32
    scf.for %scan3A_46 = %scan3A_17 to %scan3A_19 step %scan3A_20  : i32 {
      %mul3A_47 = arith.constant 1 : i32
      %mul3A_48 = arith.muli %scan3A_46, %mul3A_47 : i32
      %add3A_49 = arith.constant 0 : i32
      %add3A_50 = arith.addi %add3A_49, %mul3A_48 : i32
      %mul3A_51 = arith.constant 2 : i32
      %mul3A_52 = arith.muli %mul3A_51, %add3A_50 : i32
      %dma_wait3A = arith.constant 0 : i32
      %dma_wait3A_53 = tpu.memref_slice %arg7[%mul3A_52, %dma_wait3A] : memref<56x96xi32, #tpu.memory_space<vmem>> -> memref<1x96xi32, #tpu.memory_space<vmem>>
      %dma_wait3A_54 = tpu.memref_squeeze %dma_wait3A_53 : memref<1x96xi32, #tpu.memory_space<vmem>> -> memref<96xi32, #tpu.memory_space<vmem>>
      %dma_wait3A_55 = arith.constant 0 : i32
      %dma_wait3A_56 = arith.constant 0 : i32
      %dma_wait3A_57 = tpu.memref_slice %arg2[%dma_wait3A_55, %dma_wait3A_56] : memref<20000x128xf32, #tpu.memory_space<hbm>> -> memref<20000x128xf32, #tpu.memory_space<hbm>>
      tpu.wait_indirect_dma semaphore(%arg11 : memref<!tpu.dma_semaphore, #tpu.memory_space<semaphore_mem>>) src(%dma_wait3A_57 : memref<20000x128xf32, #tpu.memory_space<hbm>>) dst(%arg9 : memref<96x128xf32, #tpu.memory_space<vmem>>)
      %add3A_58 = arith.constant 1 : i32
      %add3A_59 = arith.addi %mul3A_52, %add3A_58 : i32
      %dma_start3A_60 = arith.constant 0 : i32
      %dma_start3A_61 = tpu.memref_slice %arg7[%add3A_59, %dma_start3A_60] : memref<56x96xi32, #tpu.memory_space<vmem>> -> memref<1x96xi32, #tpu.memory_space<vmem>>
      %dma_start3A_62 = tpu.memref_squeeze %dma_start3A_61 : memref<1x96xi32, #tpu.memory_space<vmem>> -> memref<96xi32, #tpu.memory_space<vmem>>
      %dma_start3A_63 = arith.constant 0 : i32
      %dma_start3A_64 = arith.constant 0 : i32
      %dma_start3A_65 = tpu.memref_slice %arg2[%dma_start3A_63, %dma_start3A_64] : memref<20000x128xf32, #tpu.memory_space<hbm>> -> memref<20000x128xf32, #tpu.memory_space<hbm>>
      tpu.enqueue_indirect_dma source(%dma_start3A_65 : memref<20000x128xf32, #tpu.memory_space<hbm>>) target(%arg10 : memref<96x128xf32, #tpu.memory_space<vmem>>) offsets(%dma_start3A_62 : memref<96xi32, #tpu.memory_space<vmem>>) semaphore(%arg12 : memref<!tpu.dma_semaphore, #tpu.memory_space<semaphore_mem>>)
      %add3A_66 = arith.constant 0 : i32
      %add3A_67 = arith.addi %add3A_66, %mul3A_52 : i32
      "tpu.region"() ({
        %run_scoped3A = tpu.sem_alloc : memref<!tpu.dma_semaphore, #tpu.memory_space<semaphore_mem>>
        %dma_start3A_87 = arith.constant 0 : i32
        %dma_start3A_88 = tpu.memref_slice %arg8[%add3A_67, %dma_start3A_87] : memref<112x96xi32, #tpu.memory_space<vmem>> -> memref<1x96xi32, #tpu.memory_space<vmem>>
        %dma_start3A_89 = tpu.memref_squeeze %dma_start3A_88 : memref<1x96xi32, #tpu.memory_space<vmem>> -> memref<96xi32, #tpu.memory_space<vmem>>
        %dma_start3A_90 = arith.constant 0 : i32
        %dma_start3A_91 = arith.constant 0 : i32
        %dma_start3A_92 = tpu.memref_slice %arg6[%dma_start3A_90, %dma_start3A_91] : memref<10240x128xf32, #tpu.memory_space<vmem_shared>> -> memref<10240x128xf32, #tpu.memory_space<vmem_shared>>
        tpu.enqueue_indirect_dma source(%arg9 : memref<96x128xf32, #tpu.memory_space<vmem>>) target(%dma_start3A_92 : memref<10240x128xf32, #tpu.memory_space<vmem_shared>>) offsets(%dma_start3A_89 : memref<96xi32, #tpu.memory_space<vmem>>) semaphore(%run_scoped3A : memref<!tpu.dma_semaphore, #tpu.memory_space<semaphore_mem>>) {add = true}
        %dma_wait3A_93 = arith.constant 0 : i32
        %dma_wait3A_94 = tpu.memref_slice %arg8[%add3A_67, %dma_wait3A_93] : memref<112x96xi32, #tpu.memory_space<vmem>> -> memref<1x96xi32, #tpu.memory_space<vmem>>
        %dma_wait3A_95 = tpu.memref_squeeze %dma_wait3A_94 : memref<1x96xi32, #tpu.memory_space<vmem>> -> memref<96xi32, #tpu.memory_space<vmem>>
        %dma_wait3A_96 = arith.constant 0 : i32
        %dma_wait3A_97 = arith.constant 0 : i32
        %dma_wait3A_98 = tpu.memref_slice %arg6[%dma_wait3A_96, %dma_wait3A_97] : memref<10240x128xf32, #tpu.memory_space<vmem_shared>> -> memref<10240x128xf32, #tpu.memory_space<vmem_shared>>
        tpu.wait_indirect_dma semaphore(%run_scoped3A : memref<!tpu.dma_semaphore, #tpu.memory_space<semaphore_mem>>) src(%arg9 : memref<96x128xf32, #tpu.memory_space<vmem>>) dst(%dma_wait3A_98 : memref<10240x128xf32, #tpu.memory_space<vmem_shared>>)
        tpu.yield
      }) : () -> ()
      %add3A_68 = arith.constant 1 : i32
      %add3A_69 = arith.addi %mul3A_52, %add3A_68 : i32
      %dma_wait3A_70 = arith.constant 0 : i32
      %dma_wait3A_71 = tpu.memref_slice %arg7[%add3A_69, %dma_wait3A_70] : memref<56x96xi32, #tpu.memory_space<vmem>> -> memref<1x96xi32, #tpu.memory_space<vmem>>
      %dma_wait3A_72 = tpu.memref_squeeze %dma_wait3A_71 : memref<1x96xi32, #tpu.memory_space<vmem>> -> memref<96xi32, #tpu.memory_space<vmem>>
      %dma_wait3A_73 = arith.constant 0 : i32
      %dma_wait3A_74 = arith.constant 0 : i32
      %dma_wait3A_75 = tpu.memref_slice %arg2[%dma_wait3A_73, %dma_wait3A_74] : memref<20000x128xf32, #tpu.memory_space<hbm>> -> memref<20000x128xf32, #tpu.memory_space<hbm>>
      tpu.wait_indirect_dma semaphore(%arg12 : memref<!tpu.dma_semaphore, #tpu.memory_space<semaphore_mem>>) src(%dma_wait3A_75 : memref<20000x128xf32, #tpu.memory_space<hbm>>) dst(%arg10 : memref<96x128xf32, #tpu.memory_space<vmem>>)
      %add3A_76 = arith.constant 1 : i32
      %add3A_77 = arith.addi %add3A_50, %add3A_76 : i32
      %lt3A_78 = arith.constant 28 : i32
      %lt3A_79 = arith.cmpi slt, %add3A_77, %lt3A_78 : i32
      %convert_element_type3A_80 = arith.extui %lt3A_79 : i1 to i32
      %cond3A_81 = arith.constant 0 : i32
      %cond3A_82 = arith.cmpi ne, %convert_element_type3A_80, %cond3A_81 : i32
      scf.if %cond3A_82 {
        %add3A_87 = arith.constant 2 : i32
        %add3A_88 = arith.addi %mul3A_52, %add3A_87 : i32
        %dma_start3A_89 = arith.constant 0 : i32
        %dma_start3A_90 = tpu.memref_slice %arg7[%add3A_88, %dma_start3A_89] : memref<56x96xi32, #tpu.memory_space<vmem>> -> memref<1x96xi32, #tpu.memory_space<vmem>>
        %dma_start3A_91 = tpu.memref_squeeze %dma_start3A_90 : memref<1x96xi32, #tpu.memory_space<vmem>> -> memref<96xi32, #tpu.memory_space<vmem>>
        %dma_start3A_92 = arith.constant 0 : i32
        %dma_start3A_93 = arith.constant 0 : i32
        %dma_start3A_94 = tpu.memref_slice %arg2[%dma_start3A_92, %dma_start3A_93] : memref<20000x128xf32, #tpu.memory_space<hbm>> -> memref<20000x128xf32, #tpu.memory_space<hbm>>
        tpu.enqueue_indirect_dma source(%dma_start3A_94 : memref<20000x128xf32, #tpu.memory_space<hbm>>) target(%arg9 : memref<96x128xf32, #tpu.memory_space<vmem>>) offsets(%dma_start3A_91 : memref<96xi32, #tpu.memory_space<vmem>>) semaphore(%arg11 : memref<!tpu.dma_semaphore, #tpu.memory_space<semaphore_mem>>)
      } else {
      }
      %add3A_83 = arith.constant 0 : i32
      %add3A_84 = arith.addi %add3A_83, %mul3A_52 : i32
      %add3A_85 = arith.constant 1 : i32
      %add3A_86 = arith.addi %add3A_84, %add3A_85 : i32
      "tpu.region"() ({
        %run_scoped3A = tpu.sem_alloc : memref<!tpu.dma_semaphore, #tpu.memory_space<semaphore_mem>>
        %dma_start3A_87 = arith.constant 0 : i32
        %dma_start3A_88 = tpu.memref_slice %arg8[%add3A_86, %dma_start3A_87] : memref<112x96xi32, #tpu.memory_space<vmem>> -> memref<1x96xi32, #tpu.memory_space<vmem>>
        %dma_start3A_89 = tpu.memref_squeeze %dma_start3A_88 : memref<1x96xi32, #tpu.memory_space<vmem>> -> memref<96xi32, #tpu.memory_space<vmem>>
        %dma_start3A_90 = arith.constant 0 : i32
        %dma_start3A_91 = arith.constant 0 : i32
        %dma_start3A_92 = tpu.memref_slice %arg6[%dma_start3A_90, %dma_start3A_91] : memref<10240x128xf32, #tpu.memory_space<vmem_shared>> -> memref<10240x128xf32, #tpu.memory_space<vmem_shared>>
        tpu.enqueue_indirect_dma source(%arg10 : memref<96x128xf32, #tpu.memory_space<vmem>>) target(%dma_start3A_92 : memref<10240x128xf32, #tpu.memory_space<vmem_shared>>) offsets(%dma_start3A_89 : memref<96xi32, #tpu.memory_space<vmem>>) semaphore(%run_scoped3A : memref<!tpu.dma_semaphore, #tpu.memory_space<semaphore_mem>>) {add = true}
        %dma_wait3A_93 = arith.constant 0 : i32
        %dma_wait3A_94 = tpu.memref_slice %arg8[%add3A_86, %dma_wait3A_93] : memref<112x96xi32, #tpu.memory_space<vmem>> -> memref<1x96xi32, #tpu.memory_space<vmem>>
        %dma_wait3A_95 = tpu.memref_squeeze %dma_wait3A_94 : memref<1x96xi32, #tpu.memory_space<vmem>> -> memref<96xi32, #tpu.memory_space<vmem>>
        %dma_wait3A_96 = arith.constant 0 : i32
        %dma_wait3A_97 = arith.constant 0 : i32
        %dma_wait3A_98 = tpu.memref_slice %arg6[%dma_wait3A_96, %dma_wait3A_97] : memref<10240x128xf32, #tpu.memory_space<vmem_shared>> -> memref<10240x128xf32, #tpu.memory_space<vmem_shared>>
        tpu.wait_indirect_dma semaphore(%run_scoped3A : memref<!tpu.dma_semaphore, #tpu.memory_space<semaphore_mem>>) src(%arg10 : memref<96x128xf32, #tpu.memory_space<vmem>>) dst(%dma_wait3A_98 : memref<10240x128xf32, #tpu.memory_space<vmem_shared>>)
        tpu.yield
      }) : () -> ()
    }
    %scan3A_21 = arith.constant 28 : i32
    %mul3A_22 = arith.constant 2 : i32
    %mul3A_23 = arith.muli %mul3A_22, %arg1 : i32
    %add3A_24 = arith.constant 1 : i32
    %add3A_25 = arith.addi %mul3A_23, %add3A_24 : i32
    "tpu.region"() ({
      %run_scoped3A = tpu.sem_alloc : memref<!tpu.dma_semaphore, #tpu.memory_space<semaphore_mem>>
      %dma_start3A_46 = arith.constant 0 : i32
      %dma_start3A_47 = arith.constant 0 : i32
      %dma_start3A_48 = tpu.memref_slice %arg3[%arg0, %add3A_25, %dma_start3A_46, %dma_start3A_47] : memref<2x32x56x96xi32, #tpu.memory_space<hbm>> -> memref<1x1x56x96xi32, #tpu.memory_space<hbm>>
      %dma_start3A_49 = tpu.memref_squeeze %dma_start3A_48 : memref<1x1x56x96xi32, #tpu.memory_space<hbm>> -> memref<56x96xi32, #tpu.memory_space<hbm>>
      %dma_start3A_50 = arith.constant 0 : i32
      %dma_start3A_51 = arith.constant 0 : i32
      %dma_start3A_52 = tpu.memref_slice %arg3[%arg0, %add3A_25, %dma_start3A_50, %dma_start3A_51] : memref<2x32x56x96xi32, #tpu.memory_space<hbm>> -> memref<1x1x56x96xi32, #tpu.memory_space<hbm>>
      %dma_start3A_53 = tpu.memref_squeeze %dma_start3A_52 : memref<1x1x56x96xi32, #tpu.memory_space<hbm>> -> memref<56x96xi32, #tpu.memory_space<hbm>>
      tpu.enqueue_dma source(%dma_start3A_53 : memref<56x96xi32, #tpu.memory_space<hbm>>) target(%arg7 : memref<56x96xi32, #tpu.memory_space<vmem>>) target_semaphore(%run_scoped3A : memref<!tpu.dma_semaphore, #tpu.memory_space<semaphore_mem>>)
      %dma_wait3A = arith.constant 0 : i32
      %dma_wait3A_54 = arith.constant 0 : i32
      %dma_wait3A_55 = tpu.memref_slice %arg3[%arg0, %add3A_25, %dma_wait3A, %dma_wait3A_54] : memref<2x32x56x96xi32, #tpu.memory_space<hbm>> -> memref<1x1x56x96xi32, #tpu.memory_space<hbm>>
      %dma_wait3A_56 = tpu.memref_squeeze %dma_wait3A_55 : memref<1x1x56x96xi32, #tpu.memory_space<hbm>> -> memref<56x96xi32, #tpu.memory_space<hbm>>
      %dma_wait3A_57 = arith.constant 0 : i32
      %dma_wait3A_58 = arith.constant 0 : i32
      %dma_wait3A_59 = tpu.memref_slice %arg3[%arg0, %add3A_25, %dma_wait3A_57, %dma_wait3A_58] : memref<2x32x56x96xi32, #tpu.memory_space<hbm>> -> memref<1x1x56x96xi32, #tpu.memory_space<hbm>>
      %dma_wait3A_60 = tpu.memref_squeeze %dma_wait3A_59 : memref<1x1x56x96xi32, #tpu.memory_space<hbm>> -> memref<56x96xi32, #tpu.memory_space<hbm>>
      tpu.wait_dma2 semaphore(%run_scoped3A : memref<!tpu.dma_semaphore, #tpu.memory_space<semaphore_mem>>) src(%dma_wait3A_60 : memref<56x96xi32, #tpu.memory_space<hbm>>) dst(%arg7 : memref<56x96xi32, #tpu.memory_space<vmem>>)
      tpu.yield
    }) : () -> ()
    %dma_start3A_26 = arith.constant 0 : i32
    %dma_start3A_27 = arith.constant 0 : i32
    %dma_start3A_28 = tpu.memref_slice %arg7[%dma_start3A_26, %dma_start3A_27] : memref<56x96xi32, #tpu.memory_space<vmem>> -> memref<1x96xi32, #tpu.memory_space<vmem>>
    %dma_start3A_29 = tpu.memref_squeeze %dma_start3A_28 : memref<1x96xi32, #tpu.memory_space<vmem>> -> memref<96xi32, #tpu.memory_space<vmem>>
    %dma_start3A_30 = arith.constant 0 : i32
    %dma_start3A_31 = arith.constant 0 : i32
    %dma_start3A_32 = tpu.memref_slice %arg2[%dma_start3A_30, %dma_start3A_31] : memref<20000x128xf32, #tpu.memory_space<hbm>> -> memref<20000x128xf32, #tpu.memory_space<hbm>>
    tpu.enqueue_indirect_dma source(%dma_start3A_32 : memref<20000x128xf32, #tpu.memory_space<hbm>>) target(%arg9 : memref<96x128xf32, #tpu.memory_space<vmem>>) offsets(%dma_start3A_29 : memref<96xi32, #tpu.memory_space<vmem>>) semaphore(%arg11 : memref<!tpu.dma_semaphore, #tpu.memory_space<semaphore_mem>>)
    %scan3A_33 = arith.constant 0 : i32
    %scan3A_34 = arith.constant 28 : i32
    %scan3A_35 = arith.addi %scan3A_33, %scan3A_34 : i32
    %scan3A_36 = arith.constant 1 : i32
    scf.for %scan3A_46 = %scan3A_33 to %scan3A_35 step %scan3A_36  : i32 {
      %mul3A_47 = arith.constant 1 : i32
      %mul3A_48 = arith.muli %scan3A_46, %mul3A_47 : i32
      %add3A_49 = arith.constant 0 : i32
      %add3A_50 = arith.addi %add3A_49, %mul3A_48 : i32
      %mul3A_51 = arith.constant 2 : i32
      %mul3A_52 = arith.muli %mul3A_51, %add3A_50 : i32
      %dma_wait3A = arith.constant 0 : i32
      %dma_wait3A_53 = tpu.memref_slice %arg7[%mul3A_52, %dma_wait3A] : memref<56x96xi32, #tpu.memory_space<vmem>> -> memref<1x96xi32, #tpu.memory_space<vmem>>
      %dma_wait3A_54 = tpu.memref_squeeze %dma_wait3A_53 : memref<1x96xi32, #tpu.memory_space<vmem>> -> memref<96xi32, #tpu.memory_space<vmem>>
      %dma_wait3A_55 = arith.constant 0 : i32
      %dma_wait3A_56 = arith.constant 0 : i32
      %dma_wait3A_57 = tpu.memref_slice %arg2[%dma_wait3A_55, %dma_wait3A_56] : memref<20000x128xf32, #tpu.memory_space<hbm>> -> memref<20000x128xf32, #tpu.memory_space<hbm>>
      tpu.wait_indirect_dma semaphore(%arg11 : memref<!tpu.dma_semaphore, #tpu.memory_space<semaphore_mem>>) src(%dma_wait3A_57 : memref<20000x128xf32, #tpu.memory_space<hbm>>) dst(%arg9 : memref<96x128xf32, #tpu.memory_space<vmem>>)
      %add3A_58 = arith.constant 1 : i32
      %add3A_59 = arith.addi %mul3A_52, %add3A_58 : i32
      %dma_start3A_60 = arith.constant 0 : i32
      %dma_start3A_61 = tpu.memref_slice %arg7[%add3A_59, %dma_start3A_60] : memref<56x96xi32, #tpu.memory_space<vmem>> -> memref<1x96xi32, #tpu.memory_space<vmem>>
      %dma_start3A_62 = tpu.memref_squeeze %dma_start3A_61 : memref<1x96xi32, #tpu.memory_space<vmem>> -> memref<96xi32, #tpu.memory_space<vmem>>
      %dma_start3A_63 = arith.constant 0 : i32
      %dma_start3A_64 = arith.constant 0 : i32
      %dma_start3A_65 = tpu.memref_slice %arg2[%dma_start3A_63, %dma_start3A_64] : memref<20000x128xf32, #tpu.memory_space<hbm>> -> memref<20000x128xf32, #tpu.memory_space<hbm>>
      tpu.enqueue_indirect_dma source(%dma_start3A_65 : memref<20000x128xf32, #tpu.memory_space<hbm>>) target(%arg10 : memref<96x128xf32, #tpu.memory_space<vmem>>) offsets(%dma_start3A_62 : memref<96xi32, #tpu.memory_space<vmem>>) semaphore(%arg12 : memref<!tpu.dma_semaphore, #tpu.memory_space<semaphore_mem>>)
      %add3A_66 = arith.constant 56 : i32
      %add3A_67 = arith.addi %add3A_66, %mul3A_52 : i32
      "tpu.region"() ({
        %run_scoped3A = tpu.sem_alloc : memref<!tpu.dma_semaphore, #tpu.memory_space<semaphore_mem>>
        %dma_start3A_87 = arith.constant 0 : i32
        %dma_start3A_88 = tpu.memref_slice %arg8[%add3A_67, %dma_start3A_87] : memref<112x96xi32, #tpu.memory_space<vmem>> -> memref<1x96xi32, #tpu.memory_space<vmem>>
        %dma_start3A_89 = tpu.memref_squeeze %dma_start3A_88 : memref<1x96xi32, #tpu.memory_space<vmem>> -> memref<96xi32, #tpu.memory_space<vmem>>
        %dma_start3A_90 = arith.constant 0 : i32
        %dma_start3A_91 = arith.constant 0 : i32
        %dma_start3A_92 = tpu.memref_slice %arg6[%dma_start3A_90, %dma_start3A_91] : memref<10240x128xf32, #tpu.memory_space<vmem_shared>> -> memref<10240x128xf32, #tpu.memory_space<vmem_shared>>
        tpu.enqueue_indirect_dma source(%arg9 : memref<96x128xf32, #tpu.memory_space<vmem>>) target(%dma_start3A_92 : memref<10240x128xf32, #tpu.memory_space<vmem_shared>>) offsets(%dma_start3A_89 : memref<96xi32, #tpu.memory_space<vmem>>) semaphore(%run_scoped3A : memref<!tpu.dma_semaphore, #tpu.memory_space<semaphore_mem>>) {add = true}
        %dma_wait3A_93 = arith.constant 0 : i32
        %dma_wait3A_94 = tpu.memref_slice %arg8[%add3A_67, %dma_wait3A_93] : memref<112x96xi32, #tpu.memory_space<vmem>> -> memref<1x96xi32, #tpu.memory_space<vmem>>
        %dma_wait3A_95 = tpu.memref_squeeze %dma_wait3A_94 : memref<1x96xi32, #tpu.memory_space<vmem>> -> memref<96xi32, #tpu.memory_space<vmem>>
        %dma_wait3A_96 = arith.constant 0 : i32
        %dma_wait3A_97 = arith.constant 0 : i32
        %dma_wait3A_98 = tpu.memref_slice %arg6[%dma_wait3A_96, %dma_wait3A_97] : memref<10240x128xf32, #tpu.memory_space<vmem_shared>> -> memref<10240x128xf32, #tpu.memory_space<vmem_shared>>
        tpu.wait_indirect_dma semaphore(%run_scoped3A : memref<!tpu.dma_semaphore, #tpu.memory_space<semaphore_mem>>) src(%arg9 : memref<96x128xf32, #tpu.memory_space<vmem>>) dst(%dma_wait3A_98 : memref<10240x128xf32, #tpu.memory_space<vmem_shared>>)
        tpu.yield
      }) : () -> ()
      %add3A_68 = arith.constant 1 : i32
      %add3A_69 = arith.addi %mul3A_52, %add3A_68 : i32
      %dma_wait3A_70 = arith.constant 0 : i32
      %dma_wait3A_71 = tpu.memref_slice %arg7[%add3A_69, %dma_wait3A_70] : memref<56x96xi32, #tpu.memory_space<vmem>> -> memref<1x96xi32, #tpu.memory_space<vmem>>
      %dma_wait3A_72 = tpu.memref_squeeze %dma_wait3A_71 : memref<1x96xi32, #tpu.memory_space<vmem>> -> memref<96xi32, #tpu.memory_space<vmem>>
      %dma_wait3A_73 = arith.constant 0 : i32
      %dma_wait3A_74 = arith.constant 0 : i32
      %dma_wait3A_75 = tpu.memref_slice %arg2[%dma_wait3A_73, %dma_wait3A_74] : memref<20000x128xf32, #tpu.memory_space<hbm>> -> memref<20000x128xf32, #tpu.memory_space<hbm>>
      tpu.wait_indirect_dma semaphore(%arg12 : memref<!tpu.dma_semaphore, #tpu.memory_space<semaphore_mem>>) src(%dma_wait3A_75 : memref<20000x128xf32, #tpu.memory_space<hbm>>) dst(%arg10 : memref<96x128xf32, #tpu.memory_space<vmem>>)
      %add3A_76 = arith.constant 1 : i32
      %add3A_77 = arith.addi %add3A_50, %add3A_76 : i32
      %lt3A_78 = arith.constant 28 : i32
      %lt3A_79 = arith.cmpi slt, %add3A_77, %lt3A_78 : i32
      %convert_element_type3A_80 = arith.extui %lt3A_79 : i1 to i32
      %cond3A_81 = arith.constant 0 : i32
      %cond3A_82 = arith.cmpi ne, %convert_element_type3A_80, %cond3A_81 : i32
      scf.if %cond3A_82 {
        %add3A_87 = arith.constant 2 : i32
        %add3A_88 = arith.addi %mul3A_52, %add3A_87 : i32
        %dma_start3A_89 = arith.constant 0 : i32
        %dma_start3A_90 = tpu.memref_slice %arg7[%add3A_88, %dma_start3A_89] : memref<56x96xi32, #tpu.memory_space<vmem>> -> memref<1x96xi32, #tpu.memory_space<vmem>>
        %dma_start3A_91 = tpu.memref_squeeze %dma_start3A_90 : memref<1x96xi32, #tpu.memory_space<vmem>> -> memref<96xi32, #tpu.memory_space<vmem>>
        %dma_start3A_92 = arith.constant 0 : i32
        %dma_start3A_93 = arith.constant 0 : i32
        %dma_start3A_94 = tpu.memref_slice %arg2[%dma_start3A_92, %dma_start3A_93] : memref<20000x128xf32, #tpu.memory_space<hbm>> -> memref<20000x128xf32, #tpu.memory_space<hbm>>
        tpu.enqueue_indirect_dma source(%dma_start3A_94 : memref<20000x128xf32, #tpu.memory_space<hbm>>) target(%arg9 : memref<96x128xf32, #tpu.memory_space<vmem>>) offsets(%dma_start3A_91 : memref<96xi32, #tpu.memory_space<vmem>>) semaphore(%arg11 : memref<!tpu.dma_semaphore, #tpu.memory_space<semaphore_mem>>)
      } else {
      }
      %add3A_83 = arith.constant 56 : i32
      %add3A_84 = arith.addi %add3A_83, %mul3A_52 : i32
      %add3A_85 = arith.constant 1 : i32
      %add3A_86 = arith.addi %add3A_84, %add3A_85 : i32
      "tpu.region"() ({
        %run_scoped3A = tpu.sem_alloc : memref<!tpu.dma_semaphore, #tpu.memory_space<semaphore_mem>>
        %dma_start3A_87 = arith.constant 0 : i32
        %dma_start3A_88 = tpu.memref_slice %arg8[%add3A_86, %dma_start3A_87] : memref<112x96xi32, #tpu.memory_space<vmem>> -> memref<1x96xi32, #tpu.memory_space<vmem>>
        %dma_start3A_89 = tpu.memref_squeeze %dma_start3A_88 : memref<1x96xi32, #tpu.memory_space<vmem>> -> memref<96xi32, #tpu.memory_space<vmem>>
        %dma_start3A_90 = arith.constant 0 : i32
        %dma_start3A_91 = arith.constant 0 : i32
        %dma_start3A_92 = tpu.memref_slice %arg6[%dma_start3A_90, %dma_start3A_91] : memref<10240x128xf32, #tpu.memory_space<vmem_shared>> -> memref<10240x128xf32, #tpu.memory_space<vmem_shared>>
        tpu.enqueue_indirect_dma source(%arg10 : memref<96x128xf32, #tpu.memory_space<vmem>>) target(%dma_start3A_92 : memref<10240x128xf32, #tpu.memory_space<vmem_shared>>) offsets(%dma_start3A_89 : memref<96xi32, #tpu.memory_space<vmem>>) semaphore(%run_scoped3A : memref<!tpu.dma_semaphore, #tpu.memory_space<semaphore_mem>>) {add = true}
        %dma_wait3A_93 = arith.constant 0 : i32
        %dma_wait3A_94 = tpu.memref_slice %arg8[%add3A_86, %dma_wait3A_93] : memref<112x96xi32, #tpu.memory_space<vmem>> -> memref<1x96xi32, #tpu.memory_space<vmem>>
        %dma_wait3A_95 = tpu.memref_squeeze %dma_wait3A_94 : memref<1x96xi32, #tpu.memory_space<vmem>> -> memref<96xi32, #tpu.memory_space<vmem>>
        %dma_wait3A_96 = arith.constant 0 : i32
        %dma_wait3A_97 = arith.constant 0 : i32
        %dma_wait3A_98 = tpu.memref_slice %arg6[%dma_wait3A_96, %dma_wait3A_97] : memref<10240x128xf32, #tpu.memory_space<vmem_shared>> -> memref<10240x128xf32, #tpu.memory_space<vmem_shared>>
        tpu.wait_indirect_dma semaphore(%run_scoped3A : memref<!tpu.dma_semaphore, #tpu.memory_space<semaphore_mem>>) src(%arg10 : memref<96x128xf32, #tpu.memory_space<vmem>>) dst(%dma_wait3A_98 : memref<10240x128xf32, #tpu.memory_space<vmem_shared>>)
        tpu.yield
      }) : () -> ()
    }
    %scan3A_37 = arith.constant 28 : i32
    %barrier3A_38 = arith.constant 0 : index
    tpu.barrier barrier_id(%barrier3A_38)
    %lt3A = arith.constant 15 : i32
    %lt3A_39 = arith.cmpi slt, %arg1, %lt3A : i32
    %convert_element_type3A = arith.extui %lt3A_39 : i1 to i32
    %cond3A = arith.constant 0 : i32
    %cond3A_40 = arith.cmpi ne, %convert_element_type3A, %cond3A : i32
    scf.if %cond3A_40 {
      %mul3A_46 = arith.constant 640 : i32
      %mul3A_47 = arith.muli %arg1, %mul3A_46 : i32
      %mul3A_48 = arith.constant 10000 : i32
      %mul3A_49 = arith.muli %arg0, %mul3A_48 : i32
      %mul3A_50 = arith.constant 640 : i32
      %mul3A_51 = arith.muli %arg1, %mul3A_50 : i32
      %add3A_52 = arith.addi %mul3A_49, %mul3A_51 : i32
      "tpu.region"() ({
        %run_scoped3A = tpu.sem_alloc : memref<!tpu.dma_semaphore, #tpu.memory_space<semaphore_mem>>
        %dma_start3A_53 = arith.constant 0 : i32
        %dma_start3A_54 = tpu.memref_slice %arg5[%add3A_52, %dma_start3A_53] : memref<20000x128xf32, #tpu.memory_space<hbm>> -> memref<640x128xf32, #tpu.memory_space<hbm>>
        %dma_start3A_55 = arith.constant 0 : i32
        %dma_start3A_56 = tpu.memref_slice %arg6[%mul3A_47, %dma_start3A_55] : memref<10240x128xf32, #tpu.memory_space<vmem_shared>> -> memref<640x128xf32, #tpu.memory_space<vmem_shared>>
        tpu.enqueue_dma source(%dma_start3A_56 : memref<640x128xf32, #tpu.memory_space<vmem_shared>>) target(%dma_start3A_54 : memref<640x128xf32, #tpu.memory_space<hbm>>) target_semaphore(%run_scoped3A : memref<!tpu.dma_semaphore, #tpu.memory_space<semaphore_mem>>)
        %dma_wait3A = arith.constant 0 : i32
        %dma_wait3A_57 = tpu.memref_slice %arg5[%add3A_52, %dma_wait3A] : memref<20000x128xf32, #tpu.memory_space<hbm>> -> memref<640x128xf32, #tpu.memory_space<hbm>>
        %dma_wait3A_58 = arith.constant 0 : i32
        %dma_wait3A_59 = tpu.memref_slice %arg6[%mul3A_47, %dma_wait3A_58] : memref<10240x128xf32, #tpu.memory_space<vmem_shared>> -> memref<640x128xf32, #tpu.memory_space<vmem_shared>>
        tpu.wait_dma2 semaphore(%run_scoped3A : memref<!tpu.dma_semaphore, #tpu.memory_space<semaphore_mem>>) src(%dma_wait3A_59 : memref<640x128xf32, #tpu.memory_space<vmem_shared>>) dst(%dma_wait3A_57 : memref<640x128xf32, #tpu.memory_space<hbm>>)
        tpu.yield
      }) : () -> ()
    } else {
    }
    %eq3A = arith.constant 15 : i32
    %eq3A_41 = arith.cmpi eq, %arg1, %eq3A : i32
    %convert_element_type3A_42 = arith.extui %eq3A_41 : i1 to i32
    %cond3A_43 = arith.constant 0 : i32
    %cond3A_44 = arith.cmpi ne, %convert_element_type3A_42, %cond3A_43 : i32
    scf.if %cond3A_44 {
      %mul3A_46 = arith.constant 10000 : i32
      %mul3A_47 = arith.muli %arg0, %mul3A_46 : i32
      %add3A_48 = arith.constant 9600 : i32
      %add3A_49 = arith.addi %mul3A_47, %add3A_48 : i32
      "tpu.region"() ({
        %run_scoped3A = tpu.sem_alloc : memref<!tpu.dma_semaphore, #tpu.memory_space<semaphore_mem>>
        %dma_start3A_50 = arith.constant 0 : i32
        %dma_start3A_51 = tpu.memref_slice %arg5[%add3A_49, %dma_start3A_50] : memref<20000x128xf32, #tpu.memory_space<hbm>> -> memref<400x128xf32, #tpu.memory_space<hbm>>
        %dma_start3A_52 = arith.constant 9600 : i32
        %dma_start3A_53 = arith.constant 0 : i32
        %dma_start3A_54 = tpu.memref_slice %arg6[%dma_start3A_52, %dma_start3A_53] : memref<10240x128xf32, #tpu.memory_space<vmem_shared>> -> memref<400x128xf32, #tpu.memory_space<vmem_shared>>
        tpu.enqueue_dma source(%dma_start3A_54 : memref<400x128xf32, #tpu.memory_space<vmem_shared>>) target(%dma_start3A_51 : memref<400x128xf32, #tpu.memory_space<hbm>>) target_semaphore(%run_scoped3A : memref<!tpu.dma_semaphore, #tpu.memory_space<semaphore_mem>>)
        %dma_wait3A = arith.constant 0 : i32
        %dma_wait3A_55 = tpu.memref_slice %arg5[%add3A_49, %dma_wait3A] : memref<20000x128xf32, #tpu.memory_space<hbm>> -> memref<400x128xf32, #tpu.memory_space<hbm>>
        %dma_wait3A_56 = arith.constant 9600 : i32
        %dma_wait3A_57 = arith.constant 0 : i32
        %dma_wait3A_58 = tpu.memref_slice %arg6[%dma_wait3A_56, %dma_wait3A_57] : memref<10240x128xf32, #tpu.memory_space<vmem_shared>> -> memref<400x128xf32, #tpu.memory_space<vmem_shared>>
        tpu.wait_dma2 semaphore(%run_scoped3A : memref<!tpu.dma_semaphore, #tpu.memory_space<semaphore_mem>>) src(%dma_wait3A_58 : memref<400x128xf32, #tpu.memory_space<vmem_shared>>) dst(%dma_wait3A_55 : memref<400x128xf32, #tpu.memory_space<hbm>>)
        tpu.yield
      }) : () -> ()
    } else {
    }
    %barrier3A_45 = arith.constant 0 : index
    tpu.barrier barrier_id(%barrier3A_45)
    return
  }
}

#map = affine_map<(d0, d1) -> (0, 0)>
#map1 = affine_map<(d0, d1) -> (0, 0, 0, 0)>
#map2 = affine_map<(d0, d1) -> (0, 0, 0)>
module attributes {stable_mosaic.version = 14 : i64} {
  func.func @_prop_body(%arg0: i32, %arg1: i32, %arg2: memref<20000x128xf32, #tpu.memory_space<hbm>>, %arg3: memref<2x32x56x96xi32, #tpu.memory_space<hbm>>, %arg4: memref<16x112x96xi32, #tpu.memory_space<hbm>>, %arg5: memref<20000x128xf32, #tpu.memory_space<hbm>>, %arg6: memref<10240x128xf32, #tpu.memory_space<vmem_shared>>, %arg7: memref<56x96xi32, #tpu.memory_space<vmem>>, %arg8: memref<112x96xi32, #tpu.memory_space<vmem>>, %arg9: memref<96x128xf32, #tpu.memory_space<vmem>>, %arg10: memref<96x128xf32, #tpu.memory_space<vmem>>, %arg11: memref<!tpu.dma_semaphore, #tpu.memory_space<semaphore_mem>>, %arg12: memref<!tpu.dma_semaphore, #tpu.memory_space<semaphore_mem>>) attributes {dimension_semantics = [#tpu.dimension_semantics<core_parallel>, #tpu.dimension_semantics<subcore_parallel>], iteration_bounds = array<i64: 2, 16>, scalar_prefetch = 0 : i64, scratch_operands = 7 : i64, tpu.core_type = #tpu.core_type<sc_vector_subcore>, window_params = [{transform_indices = #map}, {transform_indices = #map1}, {transform_indices = #map2}, {transform_indices = #map}]} {
    "tpu.region"() ({
      %run_scoped3A = tpu.sem_alloc : memref<!tpu.dma_semaphore, #tpu.memory_space<semaphore_mem>>
      %dma_start3A_46 = arith.constant 0 : i32
      %dma_start3A_47 = arith.constant 0 : i32
      %dma_start3A_48 = tpu.memref_slice %arg4[%arg1, %dma_start3A_46, %dma_start3A_47] : memref<16x112x96xi32, #tpu.memory_space<hbm>> -> memref<1x112x96xi32, #tpu.memory_space<hbm>>
      %dma_start3A_49 = tpu.memref_squeeze %dma_start3A_48 : memref<1x112x96xi32, #tpu.memory_space<hbm>> -> memref<112x96xi32, #tpu.memory_space<hbm>>
      %dma_start3A_50 = arith.constant 0 : i32
      %dma_start3A_51 = arith.constant 0 : i32
      %dma_start3A_52 = tpu.memref_slice %arg4[%arg1, %dma_start3A_50, %dma_start3A_51] : memref<16x112x96xi32, #tpu.memory_space<hbm>> -> memref<1x112x96xi32, #tpu.memory_space<hbm>>
      %dma_start3A_53 = tpu.memref_squeeze %dma_start3A_52 : memref<1x112x96xi32, #tpu.memory_space<hbm>> -> memref<112x96xi32, #tpu.memory_space<hbm>>
      tpu.enqueue_dma source(%dma_start3A_53 : memref<112x96xi32, #tpu.memory_space<hbm>>) target(%arg8 : memref<112x96xi32, #tpu.memory_space<vmem>>) target_semaphore(%run_scoped3A : memref<!tpu.dma_semaphore, #tpu.memory_space<semaphore_mem>>)
      %dma_wait3A = arith.constant 0 : i32
      %dma_wait3A_54 = arith.constant 0 : i32
      %dma_wait3A_55 = tpu.memref_slice %arg4[%arg1, %dma_wait3A, %dma_wait3A_54] : memref<16x112x96xi32, #tpu.memory_space<hbm>> -> memref<1x112x96xi32, #tpu.memory_space<hbm>>
      %dma_wait3A_56 = tpu.memref_squeeze %dma_wait3A_55 : memref<1x112x96xi32, #tpu.memory_space<hbm>> -> memref<112x96xi32, #tpu.memory_space<hbm>>
      %dma_wait3A_57 = arith.constant 0 : i32
      %dma_wait3A_58 = arith.constant 0 : i32
      %dma_wait3A_59 = tpu.memref_slice %arg4[%arg1, %dma_wait3A_57, %dma_wait3A_58] : memref<16x112x96xi32, #tpu.memory_space<hbm>> -> memref<1x112x96xi32, #tpu.memory_space<hbm>>
      %dma_wait3A_60 = tpu.memref_squeeze %dma_wait3A_59 : memref<1x112x96xi32, #tpu.memory_space<hbm>> -> memref<112x96xi32, #tpu.memory_space<hbm>>
      tpu.wait_dma2 semaphore(%run_scoped3A : memref<!tpu.dma_semaphore, #tpu.memory_space<semaphore_mem>>) src(%dma_wait3A_60 : memref<112x96xi32, #tpu.memory_space<hbm>>) dst(%arg8 : memref<112x96xi32, #tpu.memory_space<vmem>>)
      tpu.yield
    }) : () -> ()
    %scan3A = arith.constant 0 : i32
    %scan3A_0 = arith.constant 64 : i32
    %scan3A_1 = arith.addi %scan3A, %scan3A_0 : i32
    %scan3A_2 = arith.constant 1 : i32
    scf.for %scan3A_46 = %scan3A to %scan3A_1 step %scan3A_2  : i32 {
      %mul3A_47 = arith.constant 1 : i32
      %mul3A_48 = arith.muli %scan3A_46, %mul3A_47 : i32
      %add3A_49 = arith.constant 0 : i32
      %add3A_50 = arith.addi %add3A_49, %mul3A_48 : i32
      %scan3A_51 = arith.constant 0 : i32
      %scan3A_52 = arith.constant 8 : i32
      %scan3A_53 = arith.addi %scan3A_51, %scan3A_52 : i32
      %scan3A_54 = arith.constant 1 : i32
      scf.for %scan3A_56 = %scan3A_51 to %scan3A_53 step %scan3A_54  : i32 {
        %mul3A_57 = arith.constant 1 : i32
        %mul3A_58 = arith.muli %scan3A_56, %mul3A_57 : i32
        %add3A_59 = arith.constant 0 : i32
        %add3A_60 = arith.addi %add3A_59, %mul3A_58 : i32
        %broadcast_in_dim3A = arith.constant 0.000000e+00 : f32
        %broadcast_in_dim3A_61 = vector.broadcast %broadcast_in_dim3A : f32 to vector<16xf32>
        %mul3A_62 = arith.constant 16 : i32
        %mul3A_63 = arith.muli %add3A_60, %mul3A_62 : i32
        %swap3A = arith.index_cast %add3A_50 : i32 to index
        %swap3A_64 = arith.index_cast %mul3A_63 : i32 to index
        %swap3A_65 = tpu.vector_load %arg9[%swap3A, %swap3A_64] {strides = array<i32>} : memref<96x128xf32, #tpu.memory_space<vmem>>, vector<1x16xf32>,
        %swap3A_66 = vector.shape_cast %swap3A_65 : vector<1x16xf32> to vector<16xf32>
        %swap3A_67 = vector.shape_cast %broadcast_in_dim3A_61 : vector<16xf32> to vector<1x16xf32>
        tpu.vector_store %arg9[%swap3A, %swap3A_64], %swap3A_67 {strides = array<i32>} : memref<96x128xf32, #tpu.memory_space<vmem>>, vector<1x16xf32>,
      }
      %scan3A_55 = arith.constant 8 : i32
    }
    %scan3A_3 = arith.constant 64 : i32
    %scan3A_4 = arith.constant 0 : i32
    %scan3A_5 = arith.constant 10 : i32
    %scan3A_6 = arith.addi %scan3A_4, %scan3A_5 : i32
    %scan3A_7 = arith.constant 1 : i32
    scf.for %scan3A_46 = %scan3A_4 to %scan3A_6 step %scan3A_7  : i32 {
      %mul3A_47 = arith.constant 1 : i32
      %mul3A_48 = arith.muli %scan3A_46, %mul3A_47 : i32
      %add3A_49 = arith.constant 0 : i32
      %add3A_50 = arith.addi %add3A_49, %mul3A_48 : i32
      %mul3A_51 = arith.constant 640 : i32
      %mul3A_52 = arith.muli %arg1, %mul3A_51 : i32
      %mul3A_53 = arith.constant 64 : i32
      %mul3A_54 = arith.muli %add3A_50, %mul3A_53 : i32
      %add3A_55 = arith.addi %mul3A_52, %mul3A_54 : i32
      "tpu.region"() ({
        %run_scoped3A = tpu.sem_alloc : memref<!tpu.dma_semaphore, #tpu.memory_space<semaphore_mem>>
        %dma_start3A_56 = arith.constant 0 : i32
        %dma_start3A_57 = arith.constant 0 : i32
        %dma_start3A_58 = tpu.memref_slice %arg9[%dma_start3A_56, %dma_start3A_57] : memref<96x128xf32, #tpu.memory_space<vmem>> -> memref<64x128xf32, #tpu.memory_space<vmem>>
        %dma_start3A_59 = arith.constant 0 : i32
        %dma_start3A_60 = tpu.memref_slice %arg6[%add3A_55, %dma_start3A_59] : memref<10240x128xf32, #tpu.memory_space<vmem_shared>> -> memref<64x128xf32, #tpu.memory_space<vmem_shared>>
        %dma_start3A_61 = arith.constant 0 : i32
        %dma_start3A_62 = tpu.memref_slice %arg6[%add3A_55, %dma_start3A_61] : memref<10240x128xf32, #tpu.memory_space<vmem_shared>> -> memref<64x128xf32, #tpu.memory_space<vmem_shared>>
        %dma_start3A_63 = arith.constant 0 : i32
        %dma_start3A_64 = arith.constant 0 : i32
        %dma_start3A_65 = tpu.memref_slice %arg9[%dma_start3A_63, %dma_start3A_64] : memref<96x128xf32, #tpu.memory_space<vmem>> -> memref<64x128xf32, #tpu.memory_space<vmem>>
        tpu.enqueue_dma source(%dma_start3A_65 : memref<64x128xf32, #tpu.memory_space<vmem>>) target(%dma_start3A_62 : memref<64x128xf32, #tpu.memory_space<vmem_shared>>) target_semaphore(%run_scoped3A : memref<!tpu.dma_semaphore, #tpu.memory_space<semaphore_mem>>)
        %dma_wait3A = arith.constant 0 : i32
        %dma_wait3A_66 = arith.constant 0 : i32
        %dma_wait3A_67 = tpu.memref_slice %arg9[%dma_wait3A, %dma_wait3A_66] : memref<96x128xf32, #tpu.memory_space<vmem>> -> memref<64x128xf32, #tpu.memory_space<vmem>>
        %dma_wait3A_68 = arith.constant 0 : i32
        %dma_wait3A_69 = tpu.memref_slice %arg6[%add3A_55, %dma_wait3A_68] : memref<10240x128xf32, #tpu.memory_space<vmem_shared>> -> memref<64x128xf32, #tpu.memory_space<vmem_shared>>
        %dma_wait3A_70 = arith.constant 0 : i32
        %dma_wait3A_71 = tpu.memref_slice %arg6[%add3A_55, %dma_wait3A_70] : memref<10240x128xf32, #tpu.memory_space<vmem_shared>> -> memref<64x128xf32, #tpu.memory_space<vmem_shared>>
        %dma_wait3A_72 = arith.constant 0 : i32
        %dma_wait3A_73 = arith.constant 0 : i32
        %dma_wait3A_74 = tpu.memref_slice %arg9[%dma_wait3A_72, %dma_wait3A_73] : memref<96x128xf32, #tpu.memory_space<vmem>> -> memref<64x128xf32, #tpu.memory_space<vmem>>
        tpu.wait_dma2 semaphore(%run_scoped3A : memref<!tpu.dma_semaphore, #tpu.memory_space<semaphore_mem>>) src(%dma_wait3A_74 : memref<64x128xf32, #tpu.memory_space<vmem>>) dst(%dma_wait3A_71 : memref<64x128xf32, #tpu.memory_space<vmem_shared>>)
        tpu.yield
      }) : () -> ()
    }
    %scan3A_8 = arith.constant 10 : i32
    %barrier3A = arith.constant 0 : index
    tpu.barrier barrier_id(%barrier3A)
    %mul3A = arith.constant 2 : i32
    %mul3A_9 = arith.muli %mul3A, %arg1 : i32
    %add3A = arith.constant 0 : i32
    %add3A_10 = arith.addi %mul3A_9, %add3A : i32
    "tpu.region"() ({
      %run_scoped3A = tpu.sem_alloc : memref<!tpu.dma_semaphore, #tpu.memory_space<semaphore_mem>>
      %dma_start3A_46 = arith.constant 0 : i32
      %dma_start3A_47 = arith.constant 0 : i32
      %dma_start3A_48 = tpu.memref_slice %arg3[%arg0, %add3A_10, %dma_start3A_46, %dma_start3A_47] : memref<2x32x56x96xi32, #tpu.memory_space<hbm>> -> memref<1x1x56x96xi32, #tpu.memory_space<hbm>>
      %dma_start3A_49 = tpu.memref_squeeze %dma_start3A_48 : memref<1x1x56x96xi32, #tpu.memory_space<hbm>> -> memref<56x96xi32, #tpu.memory_space<hbm>>
      %dma_start3A_50 = arith.constant 0 : i32
      %dma_start3A_51 = arith.constant 0 : i32
      %dma_start3A_52 = tpu.memref_slice %arg3[%arg0, %add3A_10, %dma_start3A_50, %dma_start3A_51] : memref<2x32x56x96xi32, #tpu.memory_space<hbm>> -> memref<1x1x56x96xi32, #tpu.memory_space<hbm>>
      %dma_start3A_53 = tpu.memref_squeeze %dma_start3A_52 : memref<1x1x56x96xi32, #tpu.memory_space<hbm>> -> memref<56x96xi32, #tpu.memory_space<hbm>>
      tpu.enqueue_dma source(%dma_start3A_53 : memref<56x96xi32, #tpu.memory_space<hbm>>) target(%arg7 : memref<56x96xi32, #tpu.memory_space<vmem>>) target_semaphore(%run_scoped3A : memref<!tpu.dma_semaphore, #tpu.memory_space<semaphore_mem>>)
      %dma_wait3A = arith.constant 0 : i32
      %dma_wait3A_54 = arith.constant 0 : i32
      %dma_wait3A_55 = tpu.memref_slice %arg3[%arg0, %add3A_10, %dma_wait3A, %dma_wait3A_54] : memref<2x32x56x96xi32, #tpu.memory_space<hbm>> -> memref<1x1x56x96xi32, #tpu.memory_space<hbm>>
      %dma_wait3A_56 = tpu.memref_squeeze %dma_wait3A_55 : memref<1x1x56x96xi32, #tpu.memory_space<hbm>> -> memref<56x96xi32, #tpu.memory_space<hbm>>
      %dma_wait3A_57 = arith.constant 0 : i32
      %dma_wait3A_58 = arith.constant 0 : i32
      %dma_wait3A_59 = tpu.memref_slice %arg3[%arg0, %add3A_10, %dma_wait3A_57, %dma_wait3A_58] : memref<2x32x56x96xi32, #tpu.memory_space<hbm>> -> memref<1x1x56x96xi32, #tpu.memory_space<hbm>>
      %dma_wait3A_60 = tpu.memref_squeeze %dma_wait3A_59 : memref<1x1x56x96xi32, #tpu.memory_space<hbm>> -> memref<56x96xi32, #tpu.memory_space<hbm>>
      tpu.wait_dma2 semaphore(%run_scoped3A : memref<!tpu.dma_semaphore, #tpu.memory_space<semaphore_mem>>) src(%dma_wait3A_60 : memref<56x96xi32, #tpu.memory_space<hbm>>) dst(%arg7 : memref<56x96xi32, #tpu.memory_space<vmem>>)
      tpu.yield
    }) : () -> ()
    %dma_start3A = arith.constant 0 : i32
    %dma_start3A_11 = arith.constant 0 : i32
    %dma_start3A_12 = tpu.memref_slice %arg7[%dma_start3A, %dma_start3A_11] : memref<56x96xi32, #tpu.memory_space<vmem>> -> memref<1x96xi32, #tpu.memory_space<vmem>>
    %dma_start3A_13 = tpu.memref_squeeze %dma_start3A_12 : memref<1x96xi32, #tpu.memory_space<vmem>> -> memref<96xi32, #tpu.memory_space<vmem>>
    %dma_start3A_14 = arith.constant 0 : i32
    %dma_start3A_15 = arith.constant 0 : i32
    %dma_start3A_16 = tpu.memref_slice %arg2[%dma_start3A_14, %dma_start3A_15] : memref<20000x128xf32, #tpu.memory_space<hbm>> -> memref<20000x128xf32, #tpu.memory_space<hbm>>
    tpu.enqueue_indirect_dma source(%dma_start3A_16 : memref<20000x128xf32, #tpu.memory_space<hbm>>) target(%arg9 : memref<96x128xf32, #tpu.memory_space<vmem>>) offsets(%dma_start3A_13 : memref<96xi32, #tpu.memory_space<vmem>>) semaphore(%arg11 : memref<!tpu.dma_semaphore, #tpu.memory_space<semaphore_mem>>)
    %scan3A_17 = arith.constant 0 : i32
    %scan3A_18 = arith.constant 28 : i32
    %scan3A_19 = arith.addi %scan3A_17, %scan3A_18 : i32
    %scan3A_20 = arith.constant 1 : i32
    scf.for %scan3A_46 = %scan3A_17 to %scan3A_19 step %scan3A_20  : i32 {
      %mul3A_47 = arith.constant 1 : i32
      %mul3A_48 = arith.muli %scan3A_46, %mul3A_47 : i32
      %add3A_49 = arith.constant 0 : i32
      %add3A_50 = arith.addi %add3A_49, %mul3A_48 : i32
      %mul3A_51 = arith.constant 2 : i32
      %mul3A_52 = arith.muli %mul3A_51, %add3A_50 : i32
      %dma_wait3A = arith.constant 0 : i32
      %dma_wait3A_53 = tpu.memref_slice %arg7[%mul3A_52, %dma_wait3A] : memref<56x96xi32, #tpu.memory_space<vmem>> -> memref<1x96xi32, #tpu.memory_space<vmem>>
      %dma_wait3A_54 = tpu.memref_squeeze %dma_wait3A_53 : memref<1x96xi32, #tpu.memory_space<vmem>> -> memref<96xi32, #tpu.memory_space<vmem>>
      %dma_wait3A_55 = arith.constant 0 : i32
      %dma_wait3A_56 = arith.constant 0 : i32
      %dma_wait3A_57 = tpu.memref_slice %arg2[%dma_wait3A_55, %dma_wait3A_56] : memref<20000x128xf32, #tpu.memory_space<hbm>> -> memref<20000x128xf32, #tpu.memory_space<hbm>>
      tpu.wait_indirect_dma semaphore(%arg11 : memref<!tpu.dma_semaphore, #tpu.memory_space<semaphore_mem>>) src(%dma_wait3A_57 : memref<20000x128xf32, #tpu.memory_space<hbm>>) dst(%arg9 : memref<96x128xf32, #tpu.memory_space<vmem>>)
      %add3A_58 = arith.constant 1 : i32
      %add3A_59 = arith.addi %mul3A_52, %add3A_58 : i32
      %dma_start3A_60 = arith.constant 0 : i32
      %dma_start3A_61 = tpu.memref_slice %arg7[%add3A_59, %dma_start3A_60] : memref<56x96xi32, #tpu.memory_space<vmem>> -> memref<1x96xi32, #tpu.memory_space<vmem>>
      %dma_start3A_62 = tpu.memref_squeeze %dma_start3A_61 : memref<1x96xi32, #tpu.memory_space<vmem>> -> memref<96xi32, #tpu.memory_space<vmem>>
      %dma_start3A_63 = arith.constant 0 : i32
      %dma_start3A_64 = arith.constant 0 : i32
      %dma_start3A_65 = tpu.memref_slice %arg2[%dma_start3A_63, %dma_start3A_64] : memref<20000x128xf32, #tpu.memory_space<hbm>> -> memref<20000x128xf32, #tpu.memory_space<hbm>>
      tpu.enqueue_indirect_dma source(%dma_start3A_65 : memref<20000x128xf32, #tpu.memory_space<hbm>>) target(%arg10 : memref<96x128xf32, #tpu.memory_space<vmem>>) offsets(%dma_start3A_62 : memref<96xi32, #tpu.memory_space<vmem>>) semaphore(%arg12 : memref<!tpu.dma_semaphore, #tpu.memory_space<semaphore_mem>>)
      %add3A_66 = arith.constant 0 : i32
      %add3A_67 = arith.addi %add3A_66, %mul3A_52 : i32
      "tpu.region"() ({
        %run_scoped3A = tpu.sem_alloc : memref<!tpu.dma_semaphore, #tpu.memory_space<semaphore_mem>>
        %dma_start3A_87 = arith.constant 0 : i32
        %dma_start3A_88 = tpu.memref_slice %arg8[%add3A_67, %dma_start3A_87] : memref<112x96xi32, #tpu.memory_space<vmem>> -> memref<1x96xi32, #tpu.memory_space<vmem>>
        %dma_start3A_89 = tpu.memref_squeeze %dma_start3A_88 : memref<1x96xi32, #tpu.memory_space<vmem>> -> memref<96xi32, #tpu.memory_space<vmem>>
        %dma_start3A_90 = arith.constant 0 : i32
        %dma_start3A_91 = arith.constant 0 : i32
        %dma_start3A_92 = tpu.memref_slice %arg6[%dma_start3A_90, %dma_start3A_91] : memref<10240x128xf32, #tpu.memory_space<vmem_shared>> -> memref<10240x128xf32, #tpu.memory_space<vmem_shared>>
        tpu.enqueue_indirect_dma source(%arg9 : memref<96x128xf32, #tpu.memory_space<vmem>>) target(%dma_start3A_92 : memref<10240x128xf32, #tpu.memory_space<vmem_shared>>) offsets(%dma_start3A_89 : memref<96xi32, #tpu.memory_space<vmem>>) semaphore(%run_scoped3A : memref<!tpu.dma_semaphore, #tpu.memory_space<semaphore_mem>>) {add = true}
        %dma_wait3A_93 = arith.constant 0 : i32
        %dma_wait3A_94 = tpu.memref_slice %arg8[%add3A_67, %dma_wait3A_93] : memref<112x96xi32, #tpu.memory_space<vmem>> -> memref<1x96xi32, #tpu.memory_space<vmem>>
        %dma_wait3A_95 = tpu.memref_squeeze %dma_wait3A_94 : memref<1x96xi32, #tpu.memory_space<vmem>> -> memref<96xi32, #tpu.memory_space<vmem>>
        %dma_wait3A_96 = arith.constant 0 : i32
        %dma_wait3A_97 = arith.constant 0 : i32
        %dma_wait3A_98 = tpu.memref_slice %arg6[%dma_wait3A_96, %dma_wait3A_97] : memref<10240x128xf32, #tpu.memory_space<vmem_shared>> -> memref<10240x128xf32, #tpu.memory_space<vmem_shared>>
        tpu.wait_indirect_dma semaphore(%run_scoped3A : memref<!tpu.dma_semaphore, #tpu.memory_space<semaphore_mem>>) src(%arg9 : memref<96x128xf32, #tpu.memory_space<vmem>>) dst(%dma_wait3A_98 : memref<10240x128xf32, #tpu.memory_space<vmem_shared>>)
        tpu.yield
      }) : () -> ()
      %add3A_68 = arith.constant 1 : i32
      %add3A_69 = arith.addi %mul3A_52, %add3A_68 : i32
      %dma_wait3A_70 = arith.constant 0 : i32
      %dma_wait3A_71 = tpu.memref_slice %arg7[%add3A_69, %dma_wait3A_70] : memref<56x96xi32, #tpu.memory_space<vmem>> -> memref<1x96xi32, #tpu.memory_space<vmem>>
      %dma_wait3A_72 = tpu.memref_squeeze %dma_wait3A_71 : memref<1x96xi32, #tpu.memory_space<vmem>> -> memref<96xi32, #tpu.memory_space<vmem>>
      %dma_wait3A_73 = arith.constant 0 : i32
      %dma_wait3A_74 = arith.constant 0 : i32
      %dma_wait3A_75 = tpu.memref_slice %arg2[%dma_wait3A_73, %dma_wait3A_74] : memref<20000x128xf32, #tpu.memory_space<hbm>> -> memref<20000x128xf32, #tpu.memory_space<hbm>>
      tpu.wait_indirect_dma semaphore(%arg12 : memref<!tpu.dma_semaphore, #tpu.memory_space<semaphore_mem>>) src(%dma_wait3A_75 : memref<20000x128xf32, #tpu.memory_space<hbm>>) dst(%arg10 : memref<96x128xf32, #tpu.memory_space<vmem>>)
      %add3A_76 = arith.constant 1 : i32
      %add3A_77 = arith.addi %add3A_50, %add3A_76 : i32
      %lt3A_78 = arith.constant 28 : i32
      %lt3A_79 = arith.cmpi slt, %add3A_77, %lt3A_78 : i32
      %convert_element_type3A_80 = arith.extui %lt3A_79 : i1 to i32
      %cond3A_81 = arith.constant 0 : i32
      %cond3A_82 = arith.cmpi ne, %convert_element_type3A_80, %cond3A_81 : i32
      scf.if %cond3A_82 {
        %add3A_87 = arith.constant 2 : i32
        %add3A_88 = arith.addi %mul3A_52, %add3A_87 : i32
        %dma_start3A_89 = arith.constant 0 : i32
        %dma_start3A_90 = tpu.memref_slice %arg7[%add3A_88, %dma_start3A_89] : memref<56x96xi32, #tpu.memory_space<vmem>> -> memref<1x96xi32, #tpu.memory_space<vmem>>
        %dma_start3A_91 = tpu.memref_squeeze %dma_start3A_90 : memref<1x96xi32, #tpu.memory_space<vmem>> -> memref<96xi32, #tpu.memory_space<vmem>>
        %dma_start3A_92 = arith.constant 0 : i32
        %dma_start3A_93 = arith.constant 0 : i32
        %dma_start3A_94 = tpu.memref_slice %arg2[%dma_start3A_92, %dma_start3A_93] : memref<20000x128xf32, #tpu.memory_space<hbm>> -> memref<20000x128xf32, #tpu.memory_space<hbm>>
        tpu.enqueue_indirect_dma source(%dma_start3A_94 : memref<20000x128xf32, #tpu.memory_space<hbm>>) target(%arg9 : memref<96x128xf32, #tpu.memory_space<vmem>>) offsets(%dma_start3A_91 : memref<96xi32, #tpu.memory_space<vmem>>) semaphore(%arg11 : memref<!tpu.dma_semaphore, #tpu.memory_space<semaphore_mem>>)
      } else {
      }
      %add3A_83 = arith.constant 0 : i32
      %add3A_84 = arith.addi %add3A_83, %mul3A_52 : i32
      %add3A_85 = arith.constant 1 : i32
      %add3A_86 = arith.addi %add3A_84, %add3A_85 : i32
      "tpu.region"() ({
        %run_scoped3A = tpu.sem_alloc : memref<!tpu.dma_semaphore, #tpu.memory_space<semaphore_mem>>
        %dma_start3A_87 = arith.constant 0 : i32
        %dma_start3A_88 = tpu.memref_slice %arg8[%add3A_86, %dma_start3A_87] : memref<112x96xi32, #tpu.memory_space<vmem>> -> memref<1x96xi32, #tpu.memory_space<vmem>>
        %dma_start3A_89 = tpu.memref_squeeze %dma_start3A_88 : memref<1x96xi32, #tpu.memory_space<vmem>> -> memref<96xi32, #tpu.memory_space<vmem>>
        %dma_start3A_90 = arith.constant 0 : i32
        %dma_start3A_91 = arith.constant 0 : i32
        %dma_start3A_92 = tpu.memref_slice %arg6[%dma_start3A_90, %dma_start3A_91] : memref<10240x128xf32, #tpu.memory_space<vmem_shared>> -> memref<10240x128xf32, #tpu.memory_space<vmem_shared>>
        tpu.enqueue_indirect_dma source(%arg10 : memref<96x128xf32, #tpu.memory_space<vmem>>) target(%dma_start3A_92 : memref<10240x128xf32, #tpu.memory_space<vmem_shared>>) offsets(%dma_start3A_89 : memref<96xi32, #tpu.memory_space<vmem>>) semaphore(%run_scoped3A : memref<!tpu.dma_semaphore, #tpu.memory_space<semaphore_mem>>) {add = true}
        %dma_wait3A_93 = arith.constant 0 : i32
        %dma_wait3A_94 = tpu.memref_slice %arg8[%add3A_86, %dma_wait3A_93] : memref<112x96xi32, #tpu.memory_space<vmem>> -> memref<1x96xi32, #tpu.memory_space<vmem>>
        %dma_wait3A_95 = tpu.memref_squeeze %dma_wait3A_94 : memref<1x96xi32, #tpu.memory_space<vmem>> -> memref<96xi32, #tpu.memory_space<vmem>>
        %dma_wait3A_96 = arith.constant 0 : i32
        %dma_wait3A_97 = arith.constant 0 : i32
        %dma_wait3A_98 = tpu.memref_slice %arg6[%dma_wait3A_96, %dma_wait3A_97] : memref<10240x128xf32, #tpu.memory_space<vmem_shared>> -> memref<10240x128xf32, #tpu.memory_space<vmem_shared>>
        tpu.wait_indirect_dma semaphore(%run_scoped3A : memref<!tpu.dma_semaphore, #tpu.memory_space<semaphore_mem>>) src(%arg10 : memref<96x128xf32, #tpu.memory_space<vmem>>) dst(%dma_wait3A_98 : memref<10240x128xf32, #tpu.memory_space<vmem_shared>>)
        tpu.yield
      }) : () -> ()
    }
    %scan3A_21 = arith.constant 28 : i32
    %mul3A_22 = arith.constant 2 : i32
    %mul3A_23 = arith.muli %mul3A_22, %arg1 : i32
    %add3A_24 = arith.constant 1 : i32
    %add3A_25 = arith.addi %mul3A_23, %add3A_24 : i32
    "tpu.region"() ({
      %run_scoped3A = tpu.sem_alloc : memref<!tpu.dma_semaphore, #tpu.memory_space<semaphore_mem>>
      %dma_start3A_46 = arith.constant 0 : i32
      %dma_start3A_47 = arith.constant 0 : i32
      %dma_start3A_48 = tpu.memref_slice %arg3[%arg0, %add3A_25, %dma_start3A_46, %dma_start3A_47] : memref<2x32x56x96xi32, #tpu.memory_space<hbm>> -> memref<1x1x56x96xi32, #tpu.memory_space<hbm>>
      %dma_start3A_49 = tpu.memref_squeeze %dma_start3A_48 : memref<1x1x56x96xi32, #tpu.memory_space<hbm>> -> memref<56x96xi32, #tpu.memory_space<hbm>>
      %dma_start3A_50 = arith.constant 0 : i32
      %dma_start3A_51 = arith.constant 0 : i32
      %dma_start3A_52 = tpu.memref_slice %arg3[%arg0, %add3A_25, %dma_start3A_50, %dma_start3A_51] : memref<2x32x56x96xi32, #tpu.memory_space<hbm>> -> memref<1x1x56x96xi32, #tpu.memory_space<hbm>>
      %dma_start3A_53 = tpu.memref_squeeze %dma_start3A_52 : memref<1x1x56x96xi32, #tpu.memory_space<hbm>> -> memref<56x96xi32, #tpu.memory_space<hbm>>
      tpu.enqueue_dma source(%dma_start3A_53 : memref<56x96xi32, #tpu.memory_space<hbm>>) target(%arg7 : memref<56x96xi32, #tpu.memory_space<vmem>>) target_semaphore(%run_scoped3A : memref<!tpu.dma_semaphore, #tpu.memory_space<semaphore_mem>>)
      %dma_wait3A = arith.constant 0 : i32
      %dma_wait3A_54 = arith.constant 0 : i32
      %dma_wait3A_55 = tpu.memref_slice %arg3[%arg0, %add3A_25, %dma_wait3A, %dma_wait3A_54] : memref<2x32x56x96xi32, #tpu.memory_space<hbm>> -> memref<1x1x56x96xi32, #tpu.memory_space<hbm>>
      %dma_wait3A_56 = tpu.memref_squeeze %dma_wait3A_55 : memref<1x1x56x96xi32, #tpu.memory_space<hbm>> -> memref<56x96xi32, #tpu.memory_space<hbm>>
      %dma_wait3A_57 = arith.constant 0 : i32
      %dma_wait3A_58 = arith.constant 0 : i32
      %dma_wait3A_59 = tpu.memref_slice %arg3[%arg0, %add3A_25, %dma_wait3A_57, %dma_wait3A_58] : memref<2x32x56x96xi32, #tpu.memory_space<hbm>> -> memref<1x1x56x96xi32, #tpu.memory_space<hbm>>
      %dma_wait3A_60 = tpu.memref_squeeze %dma_wait3A_59 : memref<1x1x56x96xi32, #tpu.memory_space<hbm>> -> memref<56x96xi32, #tpu.memory_space<hbm>>
      tpu.wait_dma2 semaphore(%run_scoped3A : memref<!tpu.dma_semaphore, #tpu.memory_space<semaphore_mem>>) src(%dma_wait3A_60 : memref<56x96xi32, #tpu.memory_space<hbm>>) dst(%arg7 : memref<56x96xi32, #tpu.memory_space<vmem>>)
      tpu.yield
    }) : () -> ()
    %dma_start3A_26 = arith.constant 0 : i32
    %dma_start3A_27 = arith.constant 0 : i32
    %dma_start3A_28 = tpu.memref_slice %arg7[%dma_start3A_26, %dma_start3A_27] : memref<56x96xi32, #tpu.memory_space<vmem>> -> memref<1x96xi32, #tpu.memory_space<vmem>>
    %dma_start3A_29 = tpu.memref_squeeze %dma_start3A_28 : memref<1x96xi32, #tpu.memory_space<vmem>> -> memref<96xi32, #tpu.memory_space<vmem>>
    %dma_start3A_30 = arith.constant 0 : i32
    %dma_start3A_31 = arith.constant 0 : i32
    %dma_start3A_32 = tpu.memref_slice %arg2[%dma_start3A_30, %dma_start3A_31] : memref<20000x128xf32, #tpu.memory_space<hbm>> -> memref<20000x128xf32, #tpu.memory_space<hbm>>
    tpu.enqueue_indirect_dma source(%dma_start3A_32 : memref<20000x128xf32, #tpu.memory_space<hbm>>) target(%arg9 : memref<96x128xf32, #tpu.memory_space<vmem>>) offsets(%dma_start3A_29 : memref<96xi32, #tpu.memory_space<vmem>>) semaphore(%arg11 : memref<!tpu.dma_semaphore, #tpu.memory_space<semaphore_mem>>)
    %scan3A_33 = arith.constant 0 : i32
    %scan3A_34 = arith.constant 28 : i32
    %scan3A_35 = arith.addi %scan3A_33, %scan3A_34 : i32
    %scan3A_36 = arith.constant 1 : i32
    scf.for %scan3A_46 = %scan3A_33 to %scan3A_35 step %scan3A_36  : i32 {
      %mul3A_47 = arith.constant 1 : i32
      %mul3A_48 = arith.muli %scan3A_46, %mul3A_47 : i32
      %add3A_49 = arith.constant 0 : i32
      %add3A_50 = arith.addi %add3A_49, %mul3A_48 : i32
      %mul3A_51 = arith.constant 2 : i32
      %mul3A_52 = arith.muli %mul3A_51, %add3A_50 : i32
      %dma_wait3A = arith.constant 0 : i32
      %dma_wait3A_53 = tpu.memref_slice %arg7[%mul3A_52, %dma_wait3A] : memref<56x96xi32, #tpu.memory_space<vmem>> -> memref<1x96xi32, #tpu.memory_space<vmem>>
      %dma_wait3A_54 = tpu.memref_squeeze %dma_wait3A_53 : memref<1x96xi32, #tpu.memory_space<vmem>> -> memref<96xi32, #tpu.memory_space<vmem>>
      %dma_wait3A_55 = arith.constant 0 : i32
      %dma_wait3A_56 = arith.constant 0 : i32
      %dma_wait3A_57 = tpu.memref_slice %arg2[%dma_wait3A_55, %dma_wait3A_56] : memref<20000x128xf32, #tpu.memory_space<hbm>> -> memref<20000x128xf32, #tpu.memory_space<hbm>>
      tpu.wait_indirect_dma semaphore(%arg11 : memref<!tpu.dma_semaphore, #tpu.memory_space<semaphore_mem>>) src(%dma_wait3A_57 : memref<20000x128xf32, #tpu.memory_space<hbm>>) dst(%arg9 : memref<96x128xf32, #tpu.memory_space<vmem>>)
      %add3A_58 = arith.constant 1 : i32
      %add3A_59 = arith.addi %mul3A_52, %add3A_58 : i32
      %dma_start3A_60 = arith.constant 0 : i32
      %dma_start3A_61 = tpu.memref_slice %arg7[%add3A_59, %dma_start3A_60] : memref<56x96xi32, #tpu.memory_space<vmem>> -> memref<1x96xi32, #tpu.memory_space<vmem>>
      %dma_start3A_62 = tpu.memref_squeeze %dma_start3A_61 : memref<1x96xi32, #tpu.memory_space<vmem>> -> memref<96xi32, #tpu.memory_space<vmem>>
      %dma_start3A_63 = arith.constant 0 : i32
      %dma_start3A_64 = arith.constant 0 : i32
      %dma_start3A_65 = tpu.memref_slice %arg2[%dma_start3A_63, %dma_start3A_64] : memref<20000x128xf32, #tpu.memory_space<hbm>> -> memref<20000x128xf32, #tpu.memory_space<hbm>>
      tpu.enqueue_indirect_dma source(%dma_start3A_65 : memref<20000x128xf32, #tpu.memory_space<hbm>>) target(%arg10 : memref<96x128xf32, #tpu.memory_space<vmem>>) offsets(%dma_start3A_62 : memref<96xi32, #tpu.memory_space<vmem>>) semaphore(%arg12 : memref<!tpu.dma_semaphore, #tpu.memory_space<semaphore_mem>>)
      %add3A_66 = arith.constant 56 : i32
      %add3A_67 = arith.addi %add3A_66, %mul3A_52 : i32
      "tpu.region"() ({
        %run_scoped3A = tpu.sem_alloc : memref<!tpu.dma_semaphore, #tpu.memory_space<semaphore_mem>>
        %dma_start3A_87 = arith.constant 0 : i32
        %dma_start3A_88 = tpu.memref_slice %arg8[%add3A_67, %dma_start3A_87] : memref<112x96xi32, #tpu.memory_space<vmem>> -> memref<1x96xi32, #tpu.memory_space<vmem>>
        %dma_start3A_89 = tpu.memref_squeeze %dma_start3A_88 : memref<1x96xi32, #tpu.memory_space<vmem>> -> memref<96xi32, #tpu.memory_space<vmem>>
        %dma_start3A_90 = arith.constant 0 : i32
        %dma_start3A_91 = arith.constant 0 : i32
        %dma_start3A_92 = tpu.memref_slice %arg6[%dma_start3A_90, %dma_start3A_91] : memref<10240x128xf32, #tpu.memory_space<vmem_shared>> -> memref<10240x128xf32, #tpu.memory_space<vmem_shared>>
        tpu.enqueue_indirect_dma source(%arg9 : memref<96x128xf32, #tpu.memory_space<vmem>>) target(%dma_start3A_92 : memref<10240x128xf32, #tpu.memory_space<vmem_shared>>) offsets(%dma_start3A_89 : memref<96xi32, #tpu.memory_space<vmem>>) semaphore(%run_scoped3A : memref<!tpu.dma_semaphore, #tpu.memory_space<semaphore_mem>>) {add = true}
        %dma_wait3A_93 = arith.constant 0 : i32
        %dma_wait3A_94 = tpu.memref_slice %arg8[%add3A_67, %dma_wait3A_93] : memref<112x96xi32, #tpu.memory_space<vmem>> -> memref<1x96xi32, #tpu.memory_space<vmem>>
        %dma_wait3A_95 = tpu.memref_squeeze %dma_wait3A_94 : memref<1x96xi32, #tpu.memory_space<vmem>> -> memref<96xi32, #tpu.memory_space<vmem>>
        %dma_wait3A_96 = arith.constant 0 : i32
        %dma_wait3A_97 = arith.constant 0 : i32
        %dma_wait3A_98 = tpu.memref_slice %arg6[%dma_wait3A_96, %dma_wait3A_97] : memref<10240x128xf32, #tpu.memory_space<vmem_shared>> -> memref<10240x128xf32, #tpu.memory_space<vmem_shared>>
        tpu.wait_indirect_dma semaphore(%run_scoped3A : memref<!tpu.dma_semaphore, #tpu.memory_space<semaphore_mem>>) src(%arg9 : memref<96x128xf32, #tpu.memory_space<vmem>>) dst(%dma_wait3A_98 : memref<10240x128xf32, #tpu.memory_space<vmem_shared>>)
        tpu.yield
      }) : () -> ()
      %add3A_68 = arith.constant 1 : i32
      %add3A_69 = arith.addi %mul3A_52, %add3A_68 : i32
      %dma_wait3A_70 = arith.constant 0 : i32
      %dma_wait3A_71 = tpu.memref_slice %arg7[%add3A_69, %dma_wait3A_70] : memref<56x96xi32, #tpu.memory_space<vmem>> -> memref<1x96xi32, #tpu.memory_space<vmem>>
      %dma_wait3A_72 = tpu.memref_squeeze %dma_wait3A_71 : memref<1x96xi32, #tpu.memory_space<vmem>> -> memref<96xi32, #tpu.memory_space<vmem>>
      %dma_wait3A_73 = arith.constant 0 : i32
      %dma_wait3A_74 = arith.constant 0 : i32
      %dma_wait3A_75 = tpu.memref_slice %arg2[%dma_wait3A_73, %dma_wait3A_74] : memref<20000x128xf32, #tpu.memory_space<hbm>> -> memref<20000x128xf32, #tpu.memory_space<hbm>>
      tpu.wait_indirect_dma semaphore(%arg12 : memref<!tpu.dma_semaphore, #tpu.memory_space<semaphore_mem>>) src(%dma_wait3A_75 : memref<20000x128xf32, #tpu.memory_space<hbm>>) dst(%arg10 : memref<96x128xf32, #tpu.memory_space<vmem>>)
      %add3A_76 = arith.constant 1 : i32
      %add3A_77 = arith.addi %add3A_50, %add3A_76 : i32
      %lt3A_78 = arith.constant 28 : i32
      %lt3A_79 = arith.cmpi slt, %add3A_77, %lt3A_78 : i32
      %convert_element_type3A_80 = arith.extui %lt3A_79 : i1 to i32
      %cond3A_81 = arith.constant 0 : i32
      %cond3A_82 = arith.cmpi ne, %convert_element_type3A_80, %cond3A_81 : i32
      scf.if %cond3A_82 {
        %add3A_87 = arith.constant 2 : i32
        %add3A_88 = arith.addi %mul3A_52, %add3A_87 : i32
        %dma_start3A_89 = arith.constant 0 : i32
        %dma_start3A_90 = tpu.memref_slice %arg7[%add3A_88, %dma_start3A_89] : memref<56x96xi32, #tpu.memory_space<vmem>> -> memref<1x96xi32, #tpu.memory_space<vmem>>
        %dma_start3A_91 = tpu.memref_squeeze %dma_start3A_90 : memref<1x96xi32, #tpu.memory_space<vmem>> -> memref<96xi32, #tpu.memory_space<vmem>>
        %dma_start3A_92 = arith.constant 0 : i32
        %dma_start3A_93 = arith.constant 0 : i32
        %dma_start3A_94 = tpu.memref_slice %arg2[%dma_start3A_92, %dma_start3A_93] : memref<20000x128xf32, #tpu.memory_space<hbm>> -> memref<20000x128xf32, #tpu.memory_space<hbm>>
        tpu.enqueue_indirect_dma source(%dma_start3A_94 : memref<20000x128xf32, #tpu.memory_space<hbm>>) target(%arg9 : memref<96x128xf32, #tpu.memory_space<vmem>>) offsets(%dma_start3A_91 : memref<96xi32, #tpu.memory_space<vmem>>) semaphore(%arg11 : memref<!tpu.dma_semaphore, #tpu.memory_space<semaphore_mem>>)
      } else {
      }
      %add3A_83 = arith.constant 56 : i32
      %add3A_84 = arith.addi %add3A_83, %mul3A_52 : i32
      %add3A_85 = arith.constant 1 : i32
      %add3A_86 = arith.addi %add3A_84, %add3A_85 : i32
      "tpu.region"() ({
        %run_scoped3A = tpu.sem_alloc : memref<!tpu.dma_semaphore, #tpu.memory_space<semaphore_mem>>
        %dma_start3A_87 = arith.constant 0 : i32
        %dma_start3A_88 = tpu.memref_slice %arg8[%add3A_86, %dma_start3A_87] : memref<112x96xi32, #tpu.memory_space<vmem>> -> memref<1x96xi32, #tpu.memory_space<vmem>>
        %dma_start3A_89 = tpu.memref_squeeze %dma_start3A_88 : memref<1x96xi32, #tpu.memory_space<vmem>> -> memref<96xi32, #tpu.memory_space<vmem>>
        %dma_start3A_90 = arith.constant 0 : i32
        %dma_start3A_91 = arith.constant 0 : i32
        %dma_start3A_92 = tpu.memref_slice %arg6[%dma_start3A_90, %dma_start3A_91] : memref<10240x128xf32, #tpu.memory_space<vmem_shared>> -> memref<10240x128xf32, #tpu.memory_space<vmem_shared>>
        tpu.enqueue_indirect_dma source(%arg10 : memref<96x128xf32, #tpu.memory_space<vmem>>) target(%dma_start3A_92 : memref<10240x128xf32, #tpu.memory_space<vmem_shared>>) offsets(%dma_start3A_89 : memref<96xi32, #tpu.memory_space<vmem>>) semaphore(%run_scoped3A : memref<!tpu.dma_semaphore, #tpu.memory_space<semaphore_mem>>) {add = true}
        %dma_wait3A_93 = arith.constant 0 : i32
        %dma_wait3A_94 = tpu.memref_slice %arg8[%add3A_86, %dma_wait3A_93] : memref<112x96xi32, #tpu.memory_space<vmem>> -> memref<1x96xi32, #tpu.memory_space<vmem>>
        %dma_wait3A_95 = tpu.memref_squeeze %dma_wait3A_94 : memref<1x96xi32, #tpu.memory_space<vmem>> -> memref<96xi32, #tpu.memory_space<vmem>>
        %dma_wait3A_96 = arith.constant 0 : i32
        %dma_wait3A_97 = arith.constant 0 : i32
        %dma_wait3A_98 = tpu.memref_slice %arg6[%dma_wait3A_96, %dma_wait3A_97] : memref<10240x128xf32, #tpu.memory_space<vmem_shared>> -> memref<10240x128xf32, #tpu.memory_space<vmem_shared>>
        tpu.wait_indirect_dma semaphore(%run_scoped3A : memref<!tpu.dma_semaphore, #tpu.memory_space<semaphore_mem>>) src(%arg10 : memref<96x128xf32, #tpu.memory_space<vmem>>) dst(%dma_wait3A_98 : memref<10240x128xf32, #tpu.memory_space<vmem_shared>>)
        tpu.yield
      }) : () -> ()
    }
    %scan3A_37 = arith.constant 28 : i32
    %barrier3A_38 = arith.constant 0 : index
    tpu.barrier barrier_id(%barrier3A_38)
    %lt3A = arith.constant 15 : i32
    %lt3A_39 = arith.cmpi slt, %arg1, %lt3A : i32
    %convert_element_type3A = arith.extui %lt3A_39 : i1 to i32
    %cond3A = arith.constant 0 : i32
    %cond3A_40 = arith.cmpi ne, %convert_element_type3A, %cond3A : i32
    scf.if %cond3A_40 {
      %mul3A_46 = arith.constant 640 : i32
      %mul3A_47 = arith.muli %arg1, %mul3A_46 : i32
      %mul3A_48 = arith.constant 10000 : i32
      %mul3A_49 = arith.muli %arg0, %mul3A_48 : i32
      %mul3A_50 = arith.constant 640 : i32
      %mul3A_51 = arith.muli %arg1, %mul3A_50 : i32
      %add3A_52 = arith.addi %mul3A_49, %mul3A_51 : i32
      "tpu.region"() ({
        %run_scoped3A = tpu.sem_alloc : memref<!tpu.dma_semaphore, #tpu.memory_space<semaphore_mem>>
        %dma_start3A_53 = arith.constant 0 : i32
        %dma_start3A_54 = tpu.memref_slice %arg5[%add3A_52, %dma_start3A_53] : memref<20000x128xf32, #tpu.memory_space<hbm>> -> memref<640x128xf32, #tpu.memory_space<hbm>>
        %dma_start3A_55 = arith.constant 0 : i32
        %dma_start3A_56 = tpu.memref_slice %arg6[%mul3A_47, %dma_start3A_55] : memref<10240x128xf32, #tpu.memory_space<vmem_shared>> -> memref<640x128xf32, #tpu.memory_space<vmem_shared>>
        tpu.enqueue_dma source(%dma_start3A_56 : memref<640x128xf32, #tpu.memory_space<vmem_shared>>) target(%dma_start3A_54 : memref<640x128xf32, #tpu.memory_space<hbm>>) target_semaphore(%run_scoped3A : memref<!tpu.dma_semaphore, #tpu.memory_space<semaphore_mem>>)
        %dma_wait3A = arith.constant 0 : i32
        %dma_wait3A_57 = tpu.memref_slice %arg5[%add3A_52, %dma_wait3A] : memref<20000x128xf32, #tpu.memory_space<hbm>> -> memref<640x128xf32, #tpu.memory_space<hbm>>
        %dma_wait3A_58 = arith.constant 0 : i32
        %dma_wait3A_59 = tpu.memref_slice %arg6[%mul3A_47, %dma_wait3A_58] : memref<10240x128xf32, #tpu.memory_space<vmem_shared>> -> memref<640x128xf32, #tpu.memory_space<vmem_shared>>
        tpu.wait_dma2 semaphore(%run_scoped3A : memref<!tpu.dma_semaphore, #tpu.memory_space<semaphore_mem>>) src(%dma_wait3A_59 : memref<640x128xf32, #tpu.memory_space<vmem_shared>>) dst(%dma_wait3A_57 : memref<640x128xf32, #tpu.memory_space<hbm>>)
        tpu.yield
      }) : () -> ()
    } else {
    }
    %eq3A = arith.constant 15 : i32
    %eq3A_41 = arith.cmpi eq, %arg1, %eq3A : i32
    %convert_element_type3A_42 = arith.extui %eq3A_41 : i1 to i32
    %cond3A_43 = arith.constant 0 : i32
    %cond3A_44 = arith.cmpi ne, %convert_element_type3A_42, %cond3A_43 : i32
    scf.if %cond3A_44 {
      %mul3A_46 = arith.constant 10000 : i32
      %mul3A_47 = arith.muli %arg0, %mul3A_46 : i32
      %add3A_48 = arith.constant 9600 : i32
      %add3A_49 = arith.addi %mul3A_47, %add3A_48 : i32
      "tpu.region"() ({
        %run_scoped3A = tpu.sem_alloc : memref<!tpu.dma_semaphore, #tpu.memory_space<semaphore_mem>>
        %dma_start3A_50 = arith.constant 0 : i32
        %dma_start3A_51 = tpu.memref_slice %arg5[%add3A_49, %dma_start3A_50] : memref<20000x128xf32, #tpu.memory_space<hbm>> -> memref<400x128xf32, #tpu.memory_space<hbm>>
        %dma_start3A_52 = arith.constant 9600 : i32
        %dma_start3A_53 = arith.constant 0 : i32
        %dma_start3A_54 = tpu.memref_slice %arg6[%dma_start3A_52, %dma_start3A_53] : memref<10240x128xf32, #tpu.memory_space<vmem_shared>> -> memref<400x128xf32, #tpu.memory_space<vmem_shared>>
        tpu.enqueue_dma source(%dma_start3A_54 : memref<400x128xf32, #tpu.memory_space<vmem_shared>>) target(%dma_start3A_51 : memref<400x128xf32, #tpu.memory_space<hbm>>) target_semaphore(%run_scoped3A : memref<!tpu.dma_semaphore, #tpu.memory_space<semaphore_mem>>)
        %dma_wait3A = arith.constant 0 : i32
        %dma_wait3A_55 = tpu.memref_slice %arg5[%add3A_49, %dma_wait3A] : memref<20000x128xf32, #tpu.memory_space<hbm>> -> memref<400x128xf32, #tpu.memory_space<hbm>>
        %dma_wait3A_56 = arith.constant 9600 : i32
        %dma_wait3A_57 = arith.constant 0 : i32
        %dma_wait3A_58 = tpu.memref_slice %arg6[%dma_wait3A_56, %dma_wait3A_57] : memref<10240x128xf32, #tpu.memory_space<vmem_shared>> -> memref<400x128xf32, #tpu.memory_space<vmem_shared>>
        tpu.wait_dma2 semaphore(%run_scoped3A : memref<!tpu.dma_semaphore, #tpu.memory_space<semaphore_mem>>) src(%dma_wait3A_58 : memref<400x128xf32, #tpu.memory_space<vmem_shared>>) dst(%dma_wait3A_55 : memref<400x128xf32, #tpu.memory_space<hbm>>)
        tpu.yield
      }) : () -> ()
    } else {
    }
    %barrier3A_45 = arith.constant 0 : index
    tpu.barrier barrier_id(%barrier3A_45)
    return
  }
}

#map = affine_map<(d0, d1) -> (0, 0)>
#map1 = affine_map<(d0, d1) -> (0, 0, 0, 0)>
#map2 = affine_map<(d0, d1) -> (0, 0, 0)>
module attributes {stable_mosaic.version = 14 : i64} {
  func.func @_prop_body(%arg0: i32, %arg1: i32, %arg2: memref<20000x128xf32, #tpu.memory_space<hbm>>, %arg3: memref<2x32x56x96xi32, #tpu.memory_space<hbm>>, %arg4: memref<16x112x96xi32, #tpu.memory_space<hbm>>, %arg5: memref<20000x128xf32, #tpu.memory_space<hbm>>, %arg6: memref<10240x128xf32, #tpu.memory_space<vmem_shared>>, %arg7: memref<56x96xi32, #tpu.memory_space<vmem>>, %arg8: memref<112x96xi32, #tpu.memory_space<vmem>>, %arg9: memref<96x128xf32, #tpu.memory_space<vmem>>, %arg10: memref<96x128xf32, #tpu.memory_space<vmem>>, %arg11: memref<!tpu.dma_semaphore, #tpu.memory_space<semaphore_mem>>, %arg12: memref<!tpu.dma_semaphore, #tpu.memory_space<semaphore_mem>>) attributes {dimension_semantics = [#tpu.dimension_semantics<core_parallel>, #tpu.dimension_semantics<subcore_parallel>], iteration_bounds = array<i64: 2, 16>, scalar_prefetch = 0 : i64, scratch_operands = 7 : i64, tpu.core_type = #tpu.core_type<sc_vector_subcore>, window_params = [{transform_indices = #map}, {transform_indices = #map1}, {transform_indices = #map2}, {transform_indices = #map}]} {
    "tpu.region"() ({
      %run_scoped3A = tpu.sem_alloc : memref<!tpu.dma_semaphore, #tpu.memory_space<semaphore_mem>>
      %dma_start3A_46 = arith.constant 0 : i32
      %dma_start3A_47 = arith.constant 0 : i32
      %dma_start3A_48 = tpu.memref_slice %arg4[%arg1, %dma_start3A_46, %dma_start3A_47] : memref<16x112x96xi32, #tpu.memory_space<hbm>> -> memref<1x112x96xi32, #tpu.memory_space<hbm>>
      %dma_start3A_49 = tpu.memref_squeeze %dma_start3A_48 : memref<1x112x96xi32, #tpu.memory_space<hbm>> -> memref<112x96xi32, #tpu.memory_space<hbm>>
      %dma_start3A_50 = arith.constant 0 : i32
      %dma_start3A_51 = arith.constant 0 : i32
      %dma_start3A_52 = tpu.memref_slice %arg4[%arg1, %dma_start3A_50, %dma_start3A_51] : memref<16x112x96xi32, #tpu.memory_space<hbm>> -> memref<1x112x96xi32, #tpu.memory_space<hbm>>
      %dma_start3A_53 = tpu.memref_squeeze %dma_start3A_52 : memref<1x112x96xi32, #tpu.memory_space<hbm>> -> memref<112x96xi32, #tpu.memory_space<hbm>>
      tpu.enqueue_dma source(%dma_start3A_53 : memref<112x96xi32, #tpu.memory_space<hbm>>) target(%arg8 : memref<112x96xi32, #tpu.memory_space<vmem>>) target_semaphore(%run_scoped3A : memref<!tpu.dma_semaphore, #tpu.memory_space<semaphore_mem>>)
      %dma_wait3A = arith.constant 0 : i32
      %dma_wait3A_54 = arith.constant 0 : i32
      %dma_wait3A_55 = tpu.memref_slice %arg4[%arg1, %dma_wait3A, %dma_wait3A_54] : memref<16x112x96xi32, #tpu.memory_space<hbm>> -> memref<1x112x96xi32, #tpu.memory_space<hbm>>
      %dma_wait3A_56 = tpu.memref_squeeze %dma_wait3A_55 : memref<1x112x96xi32, #tpu.memory_space<hbm>> -> memref<112x96xi32, #tpu.memory_space<hbm>>
      %dma_wait3A_57 = arith.constant 0 : i32
      %dma_wait3A_58 = arith.constant 0 : i32
      %dma_wait3A_59 = tpu.memref_slice %arg4[%arg1, %dma_wait3A_57, %dma_wait3A_58] : memref<16x112x96xi32, #tpu.memory_space<hbm>> -> memref<1x112x96xi32, #tpu.memory_space<hbm>>
      %dma_wait3A_60 = tpu.memref_squeeze %dma_wait3A_59 : memref<1x112x96xi32, #tpu.memory_space<hbm>> -> memref<112x96xi32, #tpu.memory_space<hbm>>
      tpu.wait_dma2 semaphore(%run_scoped3A : memref<!tpu.dma_semaphore, #tpu.memory_space<semaphore_mem>>) src(%dma_wait3A_60 : memref<112x96xi32, #tpu.memory_space<hbm>>) dst(%arg8 : memref<112x96xi32, #tpu.memory_space<vmem>>)
      tpu.yield
    }) : () -> ()
    %scan3A = arith.constant 0 : i32
    %scan3A_0 = arith.constant 64 : i32
    %scan3A_1 = arith.addi %scan3A, %scan3A_0 : i32
    %scan3A_2 = arith.constant 1 : i32
    scf.for %scan3A_46 = %scan3A to %scan3A_1 step %scan3A_2  : i32 {
      %mul3A_47 = arith.constant 1 : i32
      %mul3A_48 = arith.muli %scan3A_46, %mul3A_47 : i32
      %add3A_49 = arith.constant 0 : i32
      %add3A_50 = arith.addi %add3A_49, %mul3A_48 : i32
      %scan3A_51 = arith.constant 0 : i32
      %scan3A_52 = arith.constant 8 : i32
      %scan3A_53 = arith.addi %scan3A_51, %scan3A_52 : i32
      %scan3A_54 = arith.constant 1 : i32
      scf.for %scan3A_56 = %scan3A_51 to %scan3A_53 step %scan3A_54  : i32 {
        %mul3A_57 = arith.constant 1 : i32
        %mul3A_58 = arith.muli %scan3A_56, %mul3A_57 : i32
        %add3A_59 = arith.constant 0 : i32
        %add3A_60 = arith.addi %add3A_59, %mul3A_58 : i32
        %broadcast_in_dim3A = arith.constant 0.000000e+00 : f32
        %broadcast_in_dim3A_61 = vector.broadcast %broadcast_in_dim3A : f32 to vector<16xf32>
        %mul3A_62 = arith.constant 16 : i32
        %mul3A_63 = arith.muli %add3A_60, %mul3A_62 : i32
        %swap3A = arith.index_cast %add3A_50 : i32 to index
        %swap3A_64 = arith.index_cast %mul3A_63 : i32 to index
        %swap3A_65 = tpu.vector_load %arg9[%swap3A, %swap3A_64] {strides = array<i32>} : memref<96x128xf32, #tpu.memory_space<vmem>>, vector<1x16xf32>,
        %swap3A_66 = vector.shape_cast %swap3A_65 : vector<1x16xf32> to vector<16xf32>
        %swap3A_67 = vector.shape_cast %broadcast_in_dim3A_61 : vector<16xf32> to vector<1x16xf32>
        tpu.vector_store %arg9[%swap3A, %swap3A_64], %swap3A_67 {strides = array<i32>} : memref<96x128xf32, #tpu.memory_space<vmem>>, vector<1x16xf32>,
      }
      %scan3A_55 = arith.constant 8 : i32
    }
    %scan3A_3 = arith.constant 64 : i32
    %scan3A_4 = arith.constant 0 : i32
    %scan3A_5 = arith.constant 10 : i32
    %scan3A_6 = arith.addi %scan3A_4, %scan3A_5 : i32
    %scan3A_7 = arith.constant 1 : i32
    scf.for %scan3A_46 = %scan3A_4 to %scan3A_6 step %scan3A_7  : i32 {
      %mul3A_47 = arith.constant 1 : i32
      %mul3A_48 = arith.muli %scan3A_46, %mul3A_47 : i32
      %add3A_49 = arith.constant 0 : i32
      %add3A_50 = arith.addi %add3A_49, %mul3A_48 : i32
      %mul3A_51 = arith.constant 640 : i32
      %mul3A_52 = arith.muli %arg1, %mul3A_51 : i32
      %mul3A_53 = arith.constant 64 : i32
      %mul3A_54 = arith.muli %add3A_50, %mul3A_53 : i32
      %add3A_55 = arith.addi %mul3A_52, %mul3A_54 : i32
      "tpu.region"() ({
        %run_scoped3A = tpu.sem_alloc : memref<!tpu.dma_semaphore, #tpu.memory_space<semaphore_mem>>
        %dma_start3A_56 = arith.constant 0 : i32
        %dma_start3A_57 = arith.constant 0 : i32
        %dma_start3A_58 = tpu.memref_slice %arg9[%dma_start3A_56, %dma_start3A_57] : memref<96x128xf32, #tpu.memory_space<vmem>> -> memref<64x128xf32, #tpu.memory_space<vmem>>
        %dma_start3A_59 = arith.constant 0 : i32
        %dma_start3A_60 = tpu.memref_slice %arg6[%add3A_55, %dma_start3A_59] : memref<10240x128xf32, #tpu.memory_space<vmem_shared>> -> memref<64x128xf32, #tpu.memory_space<vmem_shared>>
        %dma_start3A_61 = arith.constant 0 : i32
        %dma_start3A_62 = tpu.memref_slice %arg6[%add3A_55, %dma_start3A_61] : memref<10240x128xf32, #tpu.memory_space<vmem_shared>> -> memref<64x128xf32, #tpu.memory_space<vmem_shared>>
        %dma_start3A_63 = arith.constant 0 : i32
        %dma_start3A_64 = arith.constant 0 : i32
        %dma_start3A_65 = tpu.memref_slice %arg9[%dma_start3A_63, %dma_start3A_64] : memref<96x128xf32, #tpu.memory_space<vmem>> -> memref<64x128xf32, #tpu.memory_space<vmem>>
        tpu.enqueue_dma source(%dma_start3A_65 : memref<64x128xf32, #tpu.memory_space<vmem>>) target(%dma_start3A_62 : memref<64x128xf32, #tpu.memory_space<vmem_shared>>) target_semaphore(%run_scoped3A : memref<!tpu.dma_semaphore, #tpu.memory_space<semaphore_mem>>)
        %dma_wait3A = arith.constant 0 : i32
        %dma_wait3A_66 = arith.constant 0 : i32
        %dma_wait3A_67 = tpu.memref_slice %arg9[%dma_wait3A, %dma_wait3A_66] : memref<96x128xf32, #tpu.memory_space<vmem>> -> memref<64x128xf32, #tpu.memory_space<vmem>>
        %dma_wait3A_68 = arith.constant 0 : i32
        %dma_wait3A_69 = tpu.memref_slice %arg6[%add3A_55, %dma_wait3A_68] : memref<10240x128xf32, #tpu.memory_space<vmem_shared>> -> memref<64x128xf32, #tpu.memory_space<vmem_shared>>
        %dma_wait3A_70 = arith.constant 0 : i32
        %dma_wait3A_71 = tpu.memref_slice %arg6[%add3A_55, %dma_wait3A_70] : memref<10240x128xf32, #tpu.memory_space<vmem_shared>> -> memref<64x128xf32, #tpu.memory_space<vmem_shared>>
        %dma_wait3A_72 = arith.constant 0 : i32
        %dma_wait3A_73 = arith.constant 0 : i32
        %dma_wait3A_74 = tpu.memref_slice %arg9[%dma_wait3A_72, %dma_wait3A_73] : memref<96x128xf32, #tpu.memory_space<vmem>> -> memref<64x128xf32, #tpu.memory_space<vmem>>
        tpu.wait_dma2 semaphore(%run_scoped3A : memref<!tpu.dma_semaphore, #tpu.memory_space<semaphore_mem>>) src(%dma_wait3A_74 : memref<64x128xf32, #tpu.memory_space<vmem>>) dst(%dma_wait3A_71 : memref<64x128xf32, #tpu.memory_space<vmem_shared>>)
        tpu.yield
      }) : () -> ()
    }
    %scan3A_8 = arith.constant 10 : i32
    %barrier3A = arith.constant 0 : index
    tpu.barrier barrier_id(%barrier3A)
    %mul3A = arith.constant 2 : i32
    %mul3A_9 = arith.muli %mul3A, %arg1 : i32
    %add3A = arith.constant 0 : i32
    %add3A_10 = arith.addi %mul3A_9, %add3A : i32
    "tpu.region"() ({
      %run_scoped3A = tpu.sem_alloc : memref<!tpu.dma_semaphore, #tpu.memory_space<semaphore_mem>>
      %dma_start3A_46 = arith.constant 0 : i32
      %dma_start3A_47 = arith.constant 0 : i32
      %dma_start3A_48 = tpu.memref_slice %arg3[%arg0, %add3A_10, %dma_start3A_46, %dma_start3A_47] : memref<2x32x56x96xi32, #tpu.memory_space<hbm>> -> memref<1x1x56x96xi32, #tpu.memory_space<hbm>>
      %dma_start3A_49 = tpu.memref_squeeze %dma_start3A_48 : memref<1x1x56x96xi32, #tpu.memory_space<hbm>> -> memref<56x96xi32, #tpu.memory_space<hbm>>
      %dma_start3A_50 = arith.constant 0 : i32
      %dma_start3A_51 = arith.constant 0 : i32
      %dma_start3A_52 = tpu.memref_slice %arg3[%arg0, %add3A_10, %dma_start3A_50, %dma_start3A_51] : memref<2x32x56x96xi32, #tpu.memory_space<hbm>> -> memref<1x1x56x96xi32, #tpu.memory_space<hbm>>
      %dma_start3A_53 = tpu.memref_squeeze %dma_start3A_52 : memref<1x1x56x96xi32, #tpu.memory_space<hbm>> -> memref<56x96xi32, #tpu.memory_space<hbm>>
      tpu.enqueue_dma source(%dma_start3A_53 : memref<56x96xi32, #tpu.memory_space<hbm>>) target(%arg7 : memref<56x96xi32, #tpu.memory_space<vmem>>) target_semaphore(%run_scoped3A : memref<!tpu.dma_semaphore, #tpu.memory_space<semaphore_mem>>)
      %dma_wait3A = arith.constant 0 : i32
      %dma_wait3A_54 = arith.constant 0 : i32
      %dma_wait3A_55 = tpu.memref_slice %arg3[%arg0, %add3A_10, %dma_wait3A, %dma_wait3A_54] : memref<2x32x56x96xi32, #tpu.memory_space<hbm>> -> memref<1x1x56x96xi32, #tpu.memory_space<hbm>>
      %dma_wait3A_56 = tpu.memref_squeeze %dma_wait3A_55 : memref<1x1x56x96xi32, #tpu.memory_space<hbm>> -> memref<56x96xi32, #tpu.memory_space<hbm>>
      %dma_wait3A_57 = arith.constant 0 : i32
      %dma_wait3A_58 = arith.constant 0 : i32
      %dma_wait3A_59 = tpu.memref_slice %arg3[%arg0, %add3A_10, %dma_wait3A_57, %dma_wait3A_58] : memref<2x32x56x96xi32, #tpu.memory_space<hbm>> -> memref<1x1x56x96xi32, #tpu.memory_space<hbm>>
      %dma_wait3A_60 = tpu.memref_squeeze %dma_wait3A_59 : memref<1x1x56x96xi32, #tpu.memory_space<hbm>> -> memref<56x96xi32, #tpu.memory_space<hbm>>
      tpu.wait_dma2 semaphore(%run_scoped3A : memref<!tpu.dma_semaphore, #tpu.memory_space<semaphore_mem>>) src(%dma_wait3A_60 : memref<56x96xi32, #tpu.memory_space<hbm>>) dst(%arg7 : memref<56x96xi32, #tpu.memory_space<vmem>>)
      tpu.yield
    }) : () -> ()
    %dma_start3A = arith.constant 0 : i32
    %dma_start3A_11 = arith.constant 0 : i32
    %dma_start3A_12 = tpu.memref_slice %arg7[%dma_start3A, %dma_start3A_11] : memref<56x96xi32, #tpu.memory_space<vmem>> -> memref<1x96xi32, #tpu.memory_space<vmem>>
    %dma_start3A_13 = tpu.memref_squeeze %dma_start3A_12 : memref<1x96xi32, #tpu.memory_space<vmem>> -> memref<96xi32, #tpu.memory_space<vmem>>
    %dma_start3A_14 = arith.constant 0 : i32
    %dma_start3A_15 = arith.constant 0 : i32
    %dma_start3A_16 = tpu.memref_slice %arg2[%dma_start3A_14, %dma_start3A_15] : memref<20000x128xf32, #tpu.memory_space<hbm>> -> memref<20000x128xf32, #tpu.memory_space<hbm>>
    tpu.enqueue_indirect_dma source(%dma_start3A_16 : memref<20000x128xf32, #tpu.memory_space<hbm>>) target(%arg9 : memref<96x128xf32, #tpu.memory_space<vmem>>) offsets(%dma_start3A_13 : memref<96xi32, #tpu.memory_space<vmem>>) semaphore(%arg11 : memref<!tpu.dma_semaphore, #tpu.memory_space<semaphore_mem>>)
    %scan3A_17 = arith.constant 0 : i32
    %scan3A_18 = arith.constant 28 : i32
    %scan3A_19 = arith.addi %scan3A_17, %scan3A_18 : i32
    %scan3A_20 = arith.constant 1 : i32
    scf.for %scan3A_46 = %scan3A_17 to %scan3A_19 step %scan3A_20  : i32 {
      %mul3A_47 = arith.constant 1 : i32
      %mul3A_48 = arith.muli %scan3A_46, %mul3A_47 : i32
      %add3A_49 = arith.constant 0 : i32
      %add3A_50 = arith.addi %add3A_49, %mul3A_48 : i32
      %mul3A_51 = arith.constant 2 : i32
      %mul3A_52 = arith.muli %mul3A_51, %add3A_50 : i32
      %dma_wait3A = arith.constant 0 : i32
      %dma_wait3A_53 = tpu.memref_slice %arg7[%mul3A_52, %dma_wait3A] : memref<56x96xi32, #tpu.memory_space<vmem>> -> memref<1x96xi32, #tpu.memory_space<vmem>>
      %dma_wait3A_54 = tpu.memref_squeeze %dma_wait3A_53 : memref<1x96xi32, #tpu.memory_space<vmem>> -> memref<96xi32, #tpu.memory_space<vmem>>
      %dma_wait3A_55 = arith.constant 0 : i32
      %dma_wait3A_56 = arith.constant 0 : i32
      %dma_wait3A_57 = tpu.memref_slice %arg2[%dma_wait3A_55, %dma_wait3A_56] : memref<20000x128xf32, #tpu.memory_space<hbm>> -> memref<20000x128xf32, #tpu.memory_space<hbm>>
      tpu.wait_indirect_dma semaphore(%arg11 : memref<!tpu.dma_semaphore, #tpu.memory_space<semaphore_mem>>) src(%dma_wait3A_57 : memref<20000x128xf32, #tpu.memory_space<hbm>>) dst(%arg9 : memref<96x128xf32, #tpu.memory_space<vmem>>)
      %add3A_58 = arith.constant 1 : i32
      %add3A_59 = arith.addi %mul3A_52, %add3A_58 : i32
      %dma_start3A_60 = arith.constant 0 : i32
      %dma_start3A_61 = tpu.memref_slice %arg7[%add3A_59, %dma_start3A_60] : memref<56x96xi32, #tpu.memory_space<vmem>> -> memref<1x96xi32, #tpu.memory_space<vmem>>
      %dma_start3A_62 = tpu.memref_squeeze %dma_start3A_61 : memref<1x96xi32, #tpu.memory_space<vmem>> -> memref<96xi32, #tpu.memory_space<vmem>>
      %dma_start3A_63 = arith.constant 0 : i32
      %dma_start3A_64 = arith.constant 0 : i32
      %dma_start3A_65 = tpu.memref_slice %arg2[%dma_start3A_63, %dma_start3A_64] : memref<20000x128xf32, #tpu.memory_space<hbm>> -> memref<20000x128xf32, #tpu.memory_space<hbm>>
      tpu.enqueue_indirect_dma source(%dma_start3A_65 : memref<20000x128xf32, #tpu.memory_space<hbm>>) target(%arg10 : memref<96x128xf32, #tpu.memory_space<vmem>>) offsets(%dma_start3A_62 : memref<96xi32, #tpu.memory_space<vmem>>) semaphore(%arg12 : memref<!tpu.dma_semaphore, #tpu.memory_space<semaphore_mem>>)
      %add3A_66 = arith.constant 0 : i32
      %add3A_67 = arith.addi %add3A_66, %mul3A_52 : i32
      "tpu.region"() ({
        %run_scoped3A = tpu.sem_alloc : memref<!tpu.dma_semaphore, #tpu.memory_space<semaphore_mem>>
        %dma_start3A_87 = arith.constant 0 : i32
        %dma_start3A_88 = tpu.memref_slice %arg8[%add3A_67, %dma_start3A_87] : memref<112x96xi32, #tpu.memory_space<vmem>> -> memref<1x96xi32, #tpu.memory_space<vmem>>
        %dma_start3A_89 = tpu.memref_squeeze %dma_start3A_88 : memref<1x96xi32, #tpu.memory_space<vmem>> -> memref<96xi32, #tpu.memory_space<vmem>>
        %dma_start3A_90 = arith.constant 0 : i32
        %dma_start3A_91 = arith.constant 0 : i32
        %dma_start3A_92 = tpu.memref_slice %arg6[%dma_start3A_90, %dma_start3A_91] : memref<10240x128xf32, #tpu.memory_space<vmem_shared>> -> memref<10240x128xf32, #tpu.memory_space<vmem_shared>>
        tpu.enqueue_indirect_dma source(%arg9 : memref<96x128xf32, #tpu.memory_space<vmem>>) target(%dma_start3A_92 : memref<10240x128xf32, #tpu.memory_space<vmem_shared>>) offsets(%dma_start3A_89 : memref<96xi32, #tpu.memory_space<vmem>>) semaphore(%run_scoped3A : memref<!tpu.dma_semaphore, #tpu.memory_space<semaphore_mem>>) {add = true}
        %dma_wait3A_93 = arith.constant 0 : i32
        %dma_wait3A_94 = tpu.memref_slice %arg8[%add3A_67, %dma_wait3A_93] : memref<112x96xi32, #tpu.memory_space<vmem>> -> memref<1x96xi32, #tpu.memory_space<vmem>>
        %dma_wait3A_95 = tpu.memref_squeeze %dma_wait3A_94 : memref<1x96xi32, #tpu.memory_space<vmem>> -> memref<96xi32, #tpu.memory_space<vmem>>
        %dma_wait3A_96 = arith.constant 0 : i32
        %dma_wait3A_97 = arith.constant 0 : i32
        %dma_wait3A_98 = tpu.memref_slice %arg6[%dma_wait3A_96, %dma_wait3A_97] : memref<10240x128xf32, #tpu.memory_space<vmem_shared>> -> memref<10240x128xf32, #tpu.memory_space<vmem_shared>>
        tpu.wait_indirect_dma semaphore(%run_scoped3A : memref<!tpu.dma_semaphore, #tpu.memory_space<semaphore_mem>>) src(%arg9 : memref<96x128xf32, #tpu.memory_space<vmem>>) dst(%dma_wait3A_98 : memref<10240x128xf32, #tpu.memory_space<vmem_shared>>)
        tpu.yield
      }) : () -> ()
      %add3A_68 = arith.constant 1 : i32
      %add3A_69 = arith.addi %mul3A_52, %add3A_68 : i32
      %dma_wait3A_70 = arith.constant 0 : i32
      %dma_wait3A_71 = tpu.memref_slice %arg7[%add3A_69, %dma_wait3A_70] : memref<56x96xi32, #tpu.memory_space<vmem>> -> memref<1x96xi32, #tpu.memory_space<vmem>>
      %dma_wait3A_72 = tpu.memref_squeeze %dma_wait3A_71 : memref<1x96xi32, #tpu.memory_space<vmem>> -> memref<96xi32, #tpu.memory_space<vmem>>
      %dma_wait3A_73 = arith.constant 0 : i32
      %dma_wait3A_74 = arith.constant 0 : i32
      %dma_wait3A_75 = tpu.memref_slice %arg2[%dma_wait3A_73, %dma_wait3A_74] : memref<20000x128xf32, #tpu.memory_space<hbm>> -> memref<20000x128xf32, #tpu.memory_space<hbm>>
      tpu.wait_indirect_dma semaphore(%arg12 : memref<!tpu.dma_semaphore, #tpu.memory_space<semaphore_mem>>) src(%dma_wait3A_75 : memref<20000x128xf32, #tpu.memory_space<hbm>>) dst(%arg10 : memref<96x128xf32, #tpu.memory_space<vmem>>)
      %add3A_76 = arith.constant 1 : i32
      %add3A_77 = arith.addi %add3A_50, %add3A_76 : i32
      %lt3A_78 = arith.constant 28 : i32
      %lt3A_79 = arith.cmpi slt, %add3A_77, %lt3A_78 : i32
      %convert_element_type3A_80 = arith.extui %lt3A_79 : i1 to i32
      %cond3A_81 = arith.constant 0 : i32
      %cond3A_82 = arith.cmpi ne, %convert_element_type3A_80, %cond3A_81 : i32
      scf.if %cond3A_82 {
        %add3A_87 = arith.constant 2 : i32
        %add3A_88 = arith.addi %mul3A_52, %add3A_87 : i32
        %dma_start3A_89 = arith.constant 0 : i32
        %dma_start3A_90 = tpu.memref_slice %arg7[%add3A_88, %dma_start3A_89] : memref<56x96xi32, #tpu.memory_space<vmem>> -> memref<1x96xi32, #tpu.memory_space<vmem>>
        %dma_start3A_91 = tpu.memref_squeeze %dma_start3A_90 : memref<1x96xi32, #tpu.memory_space<vmem>> -> memref<96xi32, #tpu.memory_space<vmem>>
        %dma_start3A_92 = arith.constant 0 : i32
        %dma_start3A_93 = arith.constant 0 : i32
        %dma_start3A_94 = tpu.memref_slice %arg2[%dma_start3A_92, %dma_start3A_93] : memref<20000x128xf32, #tpu.memory_space<hbm>> -> memref<20000x128xf32, #tpu.memory_space<hbm>>
        tpu.enqueue_indirect_dma source(%dma_start3A_94 : memref<20000x128xf32, #tpu.memory_space<hbm>>) target(%arg9 : memref<96x128xf32, #tpu.memory_space<vmem>>) offsets(%dma_start3A_91 : memref<96xi32, #tpu.memory_space<vmem>>) semaphore(%arg11 : memref<!tpu.dma_semaphore, #tpu.memory_space<semaphore_mem>>)
      } else {
      }
      %add3A_83 = arith.constant 0 : i32
      %add3A_84 = arith.addi %add3A_83, %mul3A_52 : i32
      %add3A_85 = arith.constant 1 : i32
      %add3A_86 = arith.addi %add3A_84, %add3A_85 : i32
      "tpu.region"() ({
        %run_scoped3A = tpu.sem_alloc : memref<!tpu.dma_semaphore, #tpu.memory_space<semaphore_mem>>
        %dma_start3A_87 = arith.constant 0 : i32
        %dma_start3A_88 = tpu.memref_slice %arg8[%add3A_86, %dma_start3A_87] : memref<112x96xi32, #tpu.memory_space<vmem>> -> memref<1x96xi32, #tpu.memory_space<vmem>>
        %dma_start3A_89 = tpu.memref_squeeze %dma_start3A_88 : memref<1x96xi32, #tpu.memory_space<vmem>> -> memref<96xi32, #tpu.memory_space<vmem>>
        %dma_start3A_90 = arith.constant 0 : i32
        %dma_start3A_91 = arith.constant 0 : i32
        %dma_start3A_92 = tpu.memref_slice %arg6[%dma_start3A_90, %dma_start3A_91] : memref<10240x128xf32, #tpu.memory_space<vmem_shared>> -> memref<10240x128xf32, #tpu.memory_space<vmem_shared>>
        tpu.enqueue_indirect_dma source(%arg10 : memref<96x128xf32, #tpu.memory_space<vmem>>) target(%dma_start3A_92 : memref<10240x128xf32, #tpu.memory_space<vmem_shared>>) offsets(%dma_start3A_89 : memref<96xi32, #tpu.memory_space<vmem>>) semaphore(%run_scoped3A : memref<!tpu.dma_semaphore, #tpu.memory_space<semaphore_mem>>) {add = true}
        %dma_wait3A_93 = arith.constant 0 : i32
        %dma_wait3A_94 = tpu.memref_slice %arg8[%add3A_86, %dma_wait3A_93] : memref<112x96xi32, #tpu.memory_space<vmem>> -> memref<1x96xi32, #tpu.memory_space<vmem>>
        %dma_wait3A_95 = tpu.memref_squeeze %dma_wait3A_94 : memref<1x96xi32, #tpu.memory_space<vmem>> -> memref<96xi32, #tpu.memory_space<vmem>>
        %dma_wait3A_96 = arith.constant 0 : i32
        %dma_wait3A_97 = arith.constant 0 : i32
        %dma_wait3A_98 = tpu.memref_slice %arg6[%dma_wait3A_96, %dma_wait3A_97] : memref<10240x128xf32, #tpu.memory_space<vmem_shared>> -> memref<10240x128xf32, #tpu.memory_space<vmem_shared>>
        tpu.wait_indirect_dma semaphore(%run_scoped3A : memref<!tpu.dma_semaphore, #tpu.memory_space<semaphore_mem>>) src(%arg10 : memref<96x128xf32, #tpu.memory_space<vmem>>) dst(%dma_wait3A_98 : memref<10240x128xf32, #tpu.memory_space<vmem_shared>>)
        tpu.yield
      }) : () -> ()
    }
    %scan3A_21 = arith.constant 28 : i32
    %mul3A_22 = arith.constant 2 : i32
    %mul3A_23 = arith.muli %mul3A_22, %arg1 : i32
    %add3A_24 = arith.constant 1 : i32
    %add3A_25 = arith.addi %mul3A_23, %add3A_24 : i32
    "tpu.region"() ({
      %run_scoped3A = tpu.sem_alloc : memref<!tpu.dma_semaphore, #tpu.memory_space<semaphore_mem>>
      %dma_start3A_46 = arith.constant 0 : i32
      %dma_start3A_47 = arith.constant 0 : i32
      %dma_start3A_48 = tpu.memref_slice %arg3[%arg0, %add3A_25, %dma_start3A_46, %dma_start3A_47] : memref<2x32x56x96xi32, #tpu.memory_space<hbm>> -> memref<1x1x56x96xi32, #tpu.memory_space<hbm>>
      %dma_start3A_49 = tpu.memref_squeeze %dma_start3A_48 : memref<1x1x56x96xi32, #tpu.memory_space<hbm>> -> memref<56x96xi32, #tpu.memory_space<hbm>>
      %dma_start3A_50 = arith.constant 0 : i32
      %dma_start3A_51 = arith.constant 0 : i32
      %dma_start3A_52 = tpu.memref_slice %arg3[%arg0, %add3A_25, %dma_start3A_50, %dma_start3A_51] : memref<2x32x56x96xi32, #tpu.memory_space<hbm>> -> memref<1x1x56x96xi32, #tpu.memory_space<hbm>>
      %dma_start3A_53 = tpu.memref_squeeze %dma_start3A_52 : memref<1x1x56x96xi32, #tpu.memory_space<hbm>> -> memref<56x96xi32, #tpu.memory_space<hbm>>
      tpu.enqueue_dma source(%dma_start3A_53 : memref<56x96xi32, #tpu.memory_space<hbm>>) target(%arg7 : memref<56x96xi32, #tpu.memory_space<vmem>>) target_semaphore(%run_scoped3A : memref<!tpu.dma_semaphore, #tpu.memory_space<semaphore_mem>>)
      %dma_wait3A = arith.constant 0 : i32
      %dma_wait3A_54 = arith.constant 0 : i32
      %dma_wait3A_55 = tpu.memref_slice %arg3[%arg0, %add3A_25, %dma_wait3A, %dma_wait3A_54] : memref<2x32x56x96xi32, #tpu.memory_space<hbm>> -> memref<1x1x56x96xi32, #tpu.memory_space<hbm>>
      %dma_wait3A_56 = tpu.memref_squeeze %dma_wait3A_55 : memref<1x1x56x96xi32, #tpu.memory_space<hbm>> -> memref<56x96xi32, #tpu.memory_space<hbm>>
      %dma_wait3A_57 = arith.constant 0 : i32
      %dma_wait3A_58 = arith.constant 0 : i32
      %dma_wait3A_59 = tpu.memref_slice %arg3[%arg0, %add3A_25, %dma_wait3A_57, %dma_wait3A_58] : memref<2x32x56x96xi32, #tpu.memory_space<hbm>> -> memref<1x1x56x96xi32, #tpu.memory_space<hbm>>
      %dma_wait3A_60 = tpu.memref_squeeze %dma_wait3A_59 : memref<1x1x56x96xi32, #tpu.memory_space<hbm>> -> memref<56x96xi32, #tpu.memory_space<hbm>>
      tpu.wait_dma2 semaphore(%run_scoped3A : memref<!tpu.dma_semaphore, #tpu.memory_space<semaphore_mem>>) src(%dma_wait3A_60 : memref<56x96xi32, #tpu.memory_space<hbm>>) dst(%arg7 : memref<56x96xi32, #tpu.memory_space<vmem>>)
      tpu.yield
    }) : () -> ()
    %dma_start3A_26 = arith.constant 0 : i32
    %dma_start3A_27 = arith.constant 0 : i32
    %dma_start3A_28 = tpu.memref_slice %arg7[%dma_start3A_26, %dma_start3A_27] : memref<56x96xi32, #tpu.memory_space<vmem>> -> memref<1x96xi32, #tpu.memory_space<vmem>>
    %dma_start3A_29 = tpu.memref_squeeze %dma_start3A_28 : memref<1x96xi32, #tpu.memory_space<vmem>> -> memref<96xi32, #tpu.memory_space<vmem>>
    %dma_start3A_30 = arith.constant 0 : i32
    %dma_start3A_31 = arith.constant 0 : i32
    %dma_start3A_32 = tpu.memref_slice %arg2[%dma_start3A_30, %dma_start3A_31] : memref<20000x128xf32, #tpu.memory_space<hbm>> -> memref<20000x128xf32, #tpu.memory_space<hbm>>
    tpu.enqueue_indirect_dma source(%dma_start3A_32 : memref<20000x128xf32, #tpu.memory_space<hbm>>) target(%arg9 : memref<96x128xf32, #tpu.memory_space<vmem>>) offsets(%dma_start3A_29 : memref<96xi32, #tpu.memory_space<vmem>>) semaphore(%arg11 : memref<!tpu.dma_semaphore, #tpu.memory_space<semaphore_mem>>)
    %scan3A_33 = arith.constant 0 : i32
    %scan3A_34 = arith.constant 28 : i32
    %scan3A_35 = arith.addi %scan3A_33, %scan3A_34 : i32
    %scan3A_36 = arith.constant 1 : i32
    scf.for %scan3A_46 = %scan3A_33 to %scan3A_35 step %scan3A_36  : i32 {
      %mul3A_47 = arith.constant 1 : i32
      %mul3A_48 = arith.muli %scan3A_46, %mul3A_47 : i32
      %add3A_49 = arith.constant 0 : i32
      %add3A_50 = arith.addi %add3A_49, %mul3A_48 : i32
      %mul3A_51 = arith.constant 2 : i32
      %mul3A_52 = arith.muli %mul3A_51, %add3A_50 : i32
      %dma_wait3A = arith.constant 0 : i32
      %dma_wait3A_53 = tpu.memref_slice %arg7[%mul3A_52, %dma_wait3A] : memref<56x96xi32, #tpu.memory_space<vmem>> -> memref<1x96xi32, #tpu.memory_space<vmem>>
      %dma_wait3A_54 = tpu.memref_squeeze %dma_wait3A_53 : memref<1x96xi32, #tpu.memory_space<vmem>> -> memref<96xi32, #tpu.memory_space<vmem>>
      %dma_wait3A_55 = arith.constant 0 : i32
      %dma_wait3A_56 = arith.constant 0 : i32
      %dma_wait3A_57 = tpu.memref_slice %arg2[%dma_wait3A_55, %dma_wait3A_56] : memref<20000x128xf32, #tpu.memory_space<hbm>> -> memref<20000x128xf32, #tpu.memory_space<hbm>>
      tpu.wait_indirect_dma semaphore(%arg11 : memref<!tpu.dma_semaphore, #tpu.memory_space<semaphore_mem>>) src(%dma_wait3A_57 : memref<20000x128xf32, #tpu.memory_space<hbm>>) dst(%arg9 : memref<96x128xf32, #tpu.memory_space<vmem>>)
      %add3A_58 = arith.constant 1 : i32
      %add3A_59 = arith.addi %mul3A_52, %add3A_58 : i32
      %dma_start3A_60 = arith.constant 0 : i32
      %dma_start3A_61 = tpu.memref_slice %arg7[%add3A_59, %dma_start3A_60] : memref<56x96xi32, #tpu.memory_space<vmem>> -> memref<1x96xi32, #tpu.memory_space<vmem>>
      %dma_start3A_62 = tpu.memref_squeeze %dma_start3A_61 : memref<1x96xi32, #tpu.memory_space<vmem>> -> memref<96xi32, #tpu.memory_space<vmem>>
      %dma_start3A_63 = arith.constant 0 : i32
      %dma_start3A_64 = arith.constant 0 : i32
      %dma_start3A_65 = tpu.memref_slice %arg2[%dma_start3A_63, %dma_start3A_64] : memref<20000x128xf32, #tpu.memory_space<hbm>> -> memref<20000x128xf32, #tpu.memory_space<hbm>>
      tpu.enqueue_indirect_dma source(%dma_start3A_65 : memref<20000x128xf32, #tpu.memory_space<hbm>>) target(%arg10 : memref<96x128xf32, #tpu.memory_space<vmem>>) offsets(%dma_start3A_62 : memref<96xi32, #tpu.memory_space<vmem>>) semaphore(%arg12 : memref<!tpu.dma_semaphore, #tpu.memory_space<semaphore_mem>>)
      %add3A_66 = arith.constant 56 : i32
      %add3A_67 = arith.addi %add3A_66, %mul3A_52 : i32
      "tpu.region"() ({
        %run_scoped3A = tpu.sem_alloc : memref<!tpu.dma_semaphore, #tpu.memory_space<semaphore_mem>>
        %dma_start3A_87 = arith.constant 0 : i32
        %dma_start3A_88 = tpu.memref_slice %arg8[%add3A_67, %dma_start3A_87] : memref<112x96xi32, #tpu.memory_space<vmem>> -> memref<1x96xi32, #tpu.memory_space<vmem>>
        %dma_start3A_89 = tpu.memref_squeeze %dma_start3A_88 : memref<1x96xi32, #tpu.memory_space<vmem>> -> memref<96xi32, #tpu.memory_space<vmem>>
        %dma_start3A_90 = arith.constant 0 : i32
        %dma_start3A_91 = arith.constant 0 : i32
        %dma_start3A_92 = tpu.memref_slice %arg6[%dma_start3A_90, %dma_start3A_91] : memref<10240x128xf32, #tpu.memory_space<vmem_shared>> -> memref<10240x128xf32, #tpu.memory_space<vmem_shared>>
        tpu.enqueue_indirect_dma source(%arg9 : memref<96x128xf32, #tpu.memory_space<vmem>>) target(%dma_start3A_92 : memref<10240x128xf32, #tpu.memory_space<vmem_shared>>) offsets(%dma_start3A_89 : memref<96xi32, #tpu.memory_space<vmem>>) semaphore(%run_scoped3A : memref<!tpu.dma_semaphore, #tpu.memory_space<semaphore_mem>>) {add = true}
        %dma_wait3A_93 = arith.constant 0 : i32
        %dma_wait3A_94 = tpu.memref_slice %arg8[%add3A_67, %dma_wait3A_93] : memref<112x96xi32, #tpu.memory_space<vmem>> -> memref<1x96xi32, #tpu.memory_space<vmem>>
        %dma_wait3A_95 = tpu.memref_squeeze %dma_wait3A_94 : memref<1x96xi32, #tpu.memory_space<vmem>> -> memref<96xi32, #tpu.memory_space<vmem>>
        %dma_wait3A_96 = arith.constant 0 : i32
        %dma_wait3A_97 = arith.constant 0 : i32
        %dma_wait3A_98 = tpu.memref_slice %arg6[%dma_wait3A_96, %dma_wait3A_97] : memref<10240x128xf32, #tpu.memory_space<vmem_shared>> -> memref<10240x128xf32, #tpu.memory_space<vmem_shared>>
        tpu.wait_indirect_dma semaphore(%run_scoped3A : memref<!tpu.dma_semaphore, #tpu.memory_space<semaphore_mem>>) src(%arg9 : memref<96x128xf32, #tpu.memory_space<vmem>>) dst(%dma_wait3A_98 : memref<10240x128xf32, #tpu.memory_space<vmem_shared>>)
        tpu.yield
      }) : () -> ()
      %add3A_68 = arith.constant 1 : i32
      %add3A_69 = arith.addi %mul3A_52, %add3A_68 : i32
      %dma_wait3A_70 = arith.constant 0 : i32
      %dma_wait3A_71 = tpu.memref_slice %arg7[%add3A_69, %dma_wait3A_70] : memref<56x96xi32, #tpu.memory_space<vmem>> -> memref<1x96xi32, #tpu.memory_space<vmem>>
      %dma_wait3A_72 = tpu.memref_squeeze %dma_wait3A_71 : memref<1x96xi32, #tpu.memory_space<vmem>> -> memref<96xi32, #tpu.memory_space<vmem>>
      %dma_wait3A_73 = arith.constant 0 : i32
      %dma_wait3A_74 = arith.constant 0 : i32
      %dma_wait3A_75 = tpu.memref_slice %arg2[%dma_wait3A_73, %dma_wait3A_74] : memref<20000x128xf32, #tpu.memory_space<hbm>> -> memref<20000x128xf32, #tpu.memory_space<hbm>>
      tpu.wait_indirect_dma semaphore(%arg12 : memref<!tpu.dma_semaphore, #tpu.memory_space<semaphore_mem>>) src(%dma_wait3A_75 : memref<20000x128xf32, #tpu.memory_space<hbm>>) dst(%arg10 : memref<96x128xf32, #tpu.memory_space<vmem>>)
      %add3A_76 = arith.constant 1 : i32
      %add3A_77 = arith.addi %add3A_50, %add3A_76 : i32
      %lt3A_78 = arith.constant 28 : i32
      %lt3A_79 = arith.cmpi slt, %add3A_77, %lt3A_78 : i32
      %convert_element_type3A_80 = arith.extui %lt3A_79 : i1 to i32
      %cond3A_81 = arith.constant 0 : i32
      %cond3A_82 = arith.cmpi ne, %convert_element_type3A_80, %cond3A_81 : i32
      scf.if %cond3A_82 {
        %add3A_87 = arith.constant 2 : i32
        %add3A_88 = arith.addi %mul3A_52, %add3A_87 : i32
        %dma_start3A_89 = arith.constant 0 : i32
        %dma_start3A_90 = tpu.memref_slice %arg7[%add3A_88, %dma_start3A_89] : memref<56x96xi32, #tpu.memory_space<vmem>> -> memref<1x96xi32, #tpu.memory_space<vmem>>
        %dma_start3A_91 = tpu.memref_squeeze %dma_start3A_90 : memref<1x96xi32, #tpu.memory_space<vmem>> -> memref<96xi32, #tpu.memory_space<vmem>>
        %dma_start3A_92 = arith.constant 0 : i32
        %dma_start3A_93 = arith.constant 0 : i32
        %dma_start3A_94 = tpu.memref_slice %arg2[%dma_start3A_92, %dma_start3A_93] : memref<20000x128xf32, #tpu.memory_space<hbm>> -> memref<20000x128xf32, #tpu.memory_space<hbm>>
        tpu.enqueue_indirect_dma source(%dma_start3A_94 : memref<20000x128xf32, #tpu.memory_space<hbm>>) target(%arg9 : memref<96x128xf32, #tpu.memory_space<vmem>>) offsets(%dma_start3A_91 : memref<96xi32, #tpu.memory_space<vmem>>) semaphore(%arg11 : memref<!tpu.dma_semaphore, #tpu.memory_space<semaphore_mem>>)
      } else {
      }
      %add3A_83 = arith.constant 56 : i32
      %add3A_84 = arith.addi %add3A_83, %mul3A_52 : i32
      %add3A_85 = arith.constant 1 : i32
      %add3A_86 = arith.addi %add3A_84, %add3A_85 : i32
      "tpu.region"() ({
        %run_scoped3A = tpu.sem_alloc : memref<!tpu.dma_semaphore, #tpu.memory_space<semaphore_mem>>
        %dma_start3A_87 = arith.constant 0 : i32
        %dma_start3A_88 = tpu.memref_slice %arg8[%add3A_86, %dma_start3A_87] : memref<112x96xi32, #tpu.memory_space<vmem>> -> memref<1x96xi32, #tpu.memory_space<vmem>>
        %dma_start3A_89 = tpu.memref_squeeze %dma_start3A_88 : memref<1x96xi32, #tpu.memory_space<vmem>> -> memref<96xi32, #tpu.memory_space<vmem>>
        %dma_start3A_90 = arith.constant 0 : i32
        %dma_start3A_91 = arith.constant 0 : i32
        %dma_start3A_92 = tpu.memref_slice %arg6[%dma_start3A_90, %dma_start3A_91] : memref<10240x128xf32, #tpu.memory_space<vmem_shared>> -> memref<10240x128xf32, #tpu.memory_space<vmem_shared>>
        tpu.enqueue_indirect_dma source(%arg10 : memref<96x128xf32, #tpu.memory_space<vmem>>) target(%dma_start3A_92 : memref<10240x128xf32, #tpu.memory_space<vmem_shared>>) offsets(%dma_start3A_89 : memref<96xi32, #tpu.memory_space<vmem>>) semaphore(%run_scoped3A : memref<!tpu.dma_semaphore, #tpu.memory_space<semaphore_mem>>) {add = true}
        %dma_wait3A_93 = arith.constant 0 : i32
        %dma_wait3A_94 = tpu.memref_slice %arg8[%add3A_86, %dma_wait3A_93] : memref<112x96xi32, #tpu.memory_space<vmem>> -> memref<1x96xi32, #tpu.memory_space<vmem>>
        %dma_wait3A_95 = tpu.memref_squeeze %dma_wait3A_94 : memref<1x96xi32, #tpu.memory_space<vmem>> -> memref<96xi32, #tpu.memory_space<vmem>>
        %dma_wait3A_96 = arith.constant 0 : i32
        %dma_wait3A_97 = arith.constant 0 : i32
        %dma_wait3A_98 = tpu.memref_slice %arg6[%dma_wait3A_96, %dma_wait3A_97] : memref<10240x128xf32, #tpu.memory_space<vmem_shared>> -> memref<10240x128xf32, #tpu.memory_space<vmem_shared>>
        tpu.wait_indirect_dma semaphore(%run_scoped3A : memref<!tpu.dma_semaphore, #tpu.memory_space<semaphore_mem>>) src(%arg10 : memref<96x128xf32, #tpu.memory_space<vmem>>) dst(%dma_wait3A_98 : memref<10240x128xf32, #tpu.memory_space<vmem_shared>>)
        tpu.yield
      }) : () -> ()
    }
    %scan3A_37 = arith.constant 28 : i32
    %barrier3A_38 = arith.constant 0 : index
    tpu.barrier barrier_id(%barrier3A_38)
    %lt3A = arith.constant 15 : i32
    %lt3A_39 = arith.cmpi slt, %arg1, %lt3A : i32
    %convert_element_type3A = arith.extui %lt3A_39 : i1 to i32
    %cond3A = arith.constant 0 : i32
    %cond3A_40 = arith.cmpi ne, %convert_element_type3A, %cond3A : i32
    scf.if %cond3A_40 {
      %mul3A_46 = arith.constant 640 : i32
      %mul3A_47 = arith.muli %arg1, %mul3A_46 : i32
      %mul3A_48 = arith.constant 10000 : i32
      %mul3A_49 = arith.muli %arg0, %mul3A_48 : i32
      %mul3A_50 = arith.constant 640 : i32
      %mul3A_51 = arith.muli %arg1, %mul3A_50 : i32
      %add3A_52 = arith.addi %mul3A_49, %mul3A_51 : i32
      "tpu.region"() ({
        %run_scoped3A = tpu.sem_alloc : memref<!tpu.dma_semaphore, #tpu.memory_space<semaphore_mem>>
        %dma_start3A_53 = arith.constant 0 : i32
        %dma_start3A_54 = tpu.memref_slice %arg5[%add3A_52, %dma_start3A_53] : memref<20000x128xf32, #tpu.memory_space<hbm>> -> memref<640x128xf32, #tpu.memory_space<hbm>>
        %dma_start3A_55 = arith.constant 0 : i32
        %dma_start3A_56 = tpu.memref_slice %arg6[%mul3A_47, %dma_start3A_55] : memref<10240x128xf32, #tpu.memory_space<vmem_shared>> -> memref<640x128xf32, #tpu.memory_space<vmem_shared>>
        tpu.enqueue_dma source(%dma_start3A_56 : memref<640x128xf32, #tpu.memory_space<vmem_shared>>) target(%dma_start3A_54 : memref<640x128xf32, #tpu.memory_space<hbm>>) target_semaphore(%run_scoped3A : memref<!tpu.dma_semaphore, #tpu.memory_space<semaphore_mem>>)
        %dma_wait3A = arith.constant 0 : i32
        %dma_wait3A_57 = tpu.memref_slice %arg5[%add3A_52, %dma_wait3A] : memref<20000x128xf32, #tpu.memory_space<hbm>> -> memref<640x128xf32, #tpu.memory_space<hbm>>
        %dma_wait3A_58 = arith.constant 0 : i32
        %dma_wait3A_59 = tpu.memref_slice %arg6[%mul3A_47, %dma_wait3A_58] : memref<10240x128xf32, #tpu.memory_space<vmem_shared>> -> memref<640x128xf32, #tpu.memory_space<vmem_shared>>
        tpu.wait_dma2 semaphore(%run_scoped3A : memref<!tpu.dma_semaphore, #tpu.memory_space<semaphore_mem>>) src(%dma_wait3A_59 : memref<640x128xf32, #tpu.memory_space<vmem_shared>>) dst(%dma_wait3A_57 : memref<640x128xf32, #tpu.memory_space<hbm>>)
        tpu.yield
      }) : () -> ()
    } else {
    }
    %eq3A = arith.constant 15 : i32
    %eq3A_41 = arith.cmpi eq, %arg1, %eq3A : i32
    %convert_element_type3A_42 = arith.extui %eq3A_41 : i1 to i32
    %cond3A_43 = arith.constant 0 : i32
    %cond3A_44 = arith.cmpi ne, %convert_element_type3A_42, %cond3A_43 : i32
    scf.if %cond3A_44 {
      %mul3A_46 = arith.constant 10000 : i32
      %mul3A_47 = arith.muli %arg0, %mul3A_46 : i32
      %add3A_48 = arith.constant 9600 : i32
      %add3A_49 = arith.addi %mul3A_47, %add3A_48 : i32
      "tpu.region"() ({
        %run_scoped3A = tpu.sem_alloc : memref<!tpu.dma_semaphore, #tpu.memory_space<semaphore_mem>>
        %dma_start3A_50 = arith.constant 0 : i32
        %dma_start3A_51 = tpu.memref_slice %arg5[%add3A_49, %dma_start3A_50] : memref<20000x128xf32, #tpu.memory_space<hbm>> -> memref<400x128xf32, #tpu.memory_space<hbm>>
        %dma_start3A_52 = arith.constant 9600 : i32
        %dma_start3A_53 = arith.constant 0 : i32
        %dma_start3A_54 = tpu.memref_slice %arg6[%dma_start3A_52, %dma_start3A_53] : memref<10240x128xf32, #tpu.memory_space<vmem_shared>> -> memref<400x128xf32, #tpu.memory_space<vmem_shared>>
        tpu.enqueue_dma source(%dma_start3A_54 : memref<400x128xf32, #tpu.memory_space<vmem_shared>>) target(%dma_start3A_51 : memref<400x128xf32, #tpu.memory_space<hbm>>) target_semaphore(%run_scoped3A : memref<!tpu.dma_semaphore, #tpu.memory_space<semaphore_mem>>)
        %dma_wait3A = arith.constant 0 : i32
        %dma_wait3A_55 = tpu.memref_slice %arg5[%add3A_49, %dma_wait3A] : memref<20000x128xf32, #tpu.memory_space<hbm>> -> memref<400x128xf32, #tpu.memory_space<hbm>>
        %dma_wait3A_56 = arith.constant 9600 : i32
        %dma_wait3A_57 = arith.constant 0 : i32
        %dma_wait3A_58 = tpu.memref_slice %arg6[%dma_wait3A_56, %dma_wait3A_57] : memref<10240x128xf32, #tpu.memory_space<vmem_shared>> -> memref<400x128xf32, #tpu.memory_space<vmem_shared>>
        tpu.wait_dma2 semaphore(%run_scoped3A : memref<!tpu.dma_semaphore, #tpu.memory_space<semaphore_mem>>) src(%dma_wait3A_58 : memref<400x128xf32, #tpu.memory_space<vmem_shared>>) dst(%dma_wait3A_55 : memref<400x128xf32, #tpu.memory_space<hbm>>)
        tpu.yield
      }) : () -> ()
    } else {
    }
    %barrier3A_45 = arith.constant 0 : index
    tpu.barrier barrier_id(%barrier3A_45)
    return
  }
}

#map = affine_map<(d0, d1) -> (0, 0)>
#map1 = affine_map<(d0, d1) -> (0, 0, 0, 0)>
#map2 = affine_map<(d0, d1) -> (0, 0, 0)>
module attributes {stable_mosaic.version = 14 : i64} {
  func.func @_prop_body(%arg0: i32, %arg1: i32, %arg2: memref<20000x128xf32, #tpu.memory_space<hbm>>, %arg3: memref<2x32x56x96xi32, #tpu.memory_space<hbm>>, %arg4: memref<16x112x96xi32, #tpu.memory_space<hbm>>, %arg5: memref<20000x128xf32, #tpu.memory_space<hbm>>, %arg6: memref<10240x128xf32, #tpu.memory_space<vmem_shared>>, %arg7: memref<56x96xi32, #tpu.memory_space<vmem>>, %arg8: memref<112x96xi32, #tpu.memory_space<vmem>>, %arg9: memref<96x128xf32, #tpu.memory_space<vmem>>, %arg10: memref<96x128xf32, #tpu.memory_space<vmem>>, %arg11: memref<!tpu.dma_semaphore, #tpu.memory_space<semaphore_mem>>, %arg12: memref<!tpu.dma_semaphore, #tpu.memory_space<semaphore_mem>>) attributes {dimension_semantics = [#tpu.dimension_semantics<core_parallel>, #tpu.dimension_semantics<subcore_parallel>], iteration_bounds = array<i64: 2, 16>, scalar_prefetch = 0 : i64, scratch_operands = 7 : i64, tpu.core_type = #tpu.core_type<sc_vector_subcore>, window_params = [{transform_indices = #map}, {transform_indices = #map1}, {transform_indices = #map2}, {transform_indices = #map}]} {
    "tpu.region"() ({
      %run_scoped3A = tpu.sem_alloc : memref<!tpu.dma_semaphore, #tpu.memory_space<semaphore_mem>>
      %dma_start3A_46 = arith.constant 0 : i32
      %dma_start3A_47 = arith.constant 0 : i32
      %dma_start3A_48 = tpu.memref_slice %arg4[%arg1, %dma_start3A_46, %dma_start3A_47] : memref<16x112x96xi32, #tpu.memory_space<hbm>> -> memref<1x112x96xi32, #tpu.memory_space<hbm>>
      %dma_start3A_49 = tpu.memref_squeeze %dma_start3A_48 : memref<1x112x96xi32, #tpu.memory_space<hbm>> -> memref<112x96xi32, #tpu.memory_space<hbm>>
      %dma_start3A_50 = arith.constant 0 : i32
      %dma_start3A_51 = arith.constant 0 : i32
      %dma_start3A_52 = tpu.memref_slice %arg4[%arg1, %dma_start3A_50, %dma_start3A_51] : memref<16x112x96xi32, #tpu.memory_space<hbm>> -> memref<1x112x96xi32, #tpu.memory_space<hbm>>
      %dma_start3A_53 = tpu.memref_squeeze %dma_start3A_52 : memref<1x112x96xi32, #tpu.memory_space<hbm>> -> memref<112x96xi32, #tpu.memory_space<hbm>>
      tpu.enqueue_dma source(%dma_start3A_53 : memref<112x96xi32, #tpu.memory_space<hbm>>) target(%arg8 : memref<112x96xi32, #tpu.memory_space<vmem>>) target_semaphore(%run_scoped3A : memref<!tpu.dma_semaphore, #tpu.memory_space<semaphore_mem>>)
      %dma_wait3A = arith.constant 0 : i32
      %dma_wait3A_54 = arith.constant 0 : i32
      %dma_wait3A_55 = tpu.memref_slice %arg4[%arg1, %dma_wait3A, %dma_wait3A_54] : memref<16x112x96xi32, #tpu.memory_space<hbm>> -> memref<1x112x96xi32, #tpu.memory_space<hbm>>
      %dma_wait3A_56 = tpu.memref_squeeze %dma_wait3A_55 : memref<1x112x96xi32, #tpu.memory_space<hbm>> -> memref<112x96xi32, #tpu.memory_space<hbm>>
      %dma_wait3A_57 = arith.constant 0 : i32
      %dma_wait3A_58 = arith.constant 0 : i32
      %dma_wait3A_59 = tpu.memref_slice %arg4[%arg1, %dma_wait3A_57, %dma_wait3A_58] : memref<16x112x96xi32, #tpu.memory_space<hbm>> -> memref<1x112x96xi32, #tpu.memory_space<hbm>>
      %dma_wait3A_60 = tpu.memref_squeeze %dma_wait3A_59 : memref<1x112x96xi32, #tpu.memory_space<hbm>> -> memref<112x96xi32, #tpu.memory_space<hbm>>
      tpu.wait_dma2 semaphore(%run_scoped3A : memref<!tpu.dma_semaphore, #tpu.memory_space<semaphore_mem>>) src(%dma_wait3A_60 : memref<112x96xi32, #tpu.memory_space<hbm>>) dst(%arg8 : memref<112x96xi32, #tpu.memory_space<vmem>>)
      tpu.yield
    }) : () -> ()
    %scan3A = arith.constant 0 : i32
    %scan3A_0 = arith.constant 64 : i32
    %scan3A_1 = arith.addi %scan3A, %scan3A_0 : i32
    %scan3A_2 = arith.constant 1 : i32
    scf.for %scan3A_46 = %scan3A to %scan3A_1 step %scan3A_2  : i32 {
      %mul3A_47 = arith.constant 1 : i32
      %mul3A_48 = arith.muli %scan3A_46, %mul3A_47 : i32
      %add3A_49 = arith.constant 0 : i32
      %add3A_50 = arith.addi %add3A_49, %mul3A_48 : i32
      %scan3A_51 = arith.constant 0 : i32
      %scan3A_52 = arith.constant 8 : i32
      %scan3A_53 = arith.addi %scan3A_51, %scan3A_52 : i32
      %scan3A_54 = arith.constant 1 : i32
      scf.for %scan3A_56 = %scan3A_51 to %scan3A_53 step %scan3A_54  : i32 {
        %mul3A_57 = arith.constant 1 : i32
        %mul3A_58 = arith.muli %scan3A_56, %mul3A_57 : i32
        %add3A_59 = arith.constant 0 : i32
        %add3A_60 = arith.addi %add3A_59, %mul3A_58 : i32
        %broadcast_in_dim3A = arith.constant 0.000000e+00 : f32
        %broadcast_in_dim3A_61 = vector.broadcast %broadcast_in_dim3A : f32 to vector<16xf32>
        %mul3A_62 = arith.constant 16 : i32
        %mul3A_63 = arith.muli %add3A_60, %mul3A_62 : i32
        %swap3A = arith.index_cast %add3A_50 : i32 to index
        %swap3A_64 = arith.index_cast %mul3A_63 : i32 to index
        %swap3A_65 = tpu.vector_load %arg9[%swap3A, %swap3A_64] {strides = array<i32>} : memref<96x128xf32, #tpu.memory_space<vmem>>, vector<1x16xf32>,
        %swap3A_66 = vector.shape_cast %swap3A_65 : vector<1x16xf32> to vector<16xf32>
        %swap3A_67 = vector.shape_cast %broadcast_in_dim3A_61 : vector<16xf32> to vector<1x16xf32>
        tpu.vector_store %arg9[%swap3A, %swap3A_64], %swap3A_67 {strides = array<i32>} : memref<96x128xf32, #tpu.memory_space<vmem>>, vector<1x16xf32>,
      }
      %scan3A_55 = arith.constant 8 : i32
    }
    %scan3A_3 = arith.constant 64 : i32
    %scan3A_4 = arith.constant 0 : i32
    %scan3A_5 = arith.constant 10 : i32
    %scan3A_6 = arith.addi %scan3A_4, %scan3A_5 : i32
    %scan3A_7 = arith.constant 1 : i32
    scf.for %scan3A_46 = %scan3A_4 to %scan3A_6 step %scan3A_7  : i32 {
      %mul3A_47 = arith.constant 1 : i32
      %mul3A_48 = arith.muli %scan3A_46, %mul3A_47 : i32
      %add3A_49 = arith.constant 0 : i32
      %add3A_50 = arith.addi %add3A_49, %mul3A_48 : i32
      %mul3A_51 = arith.constant 640 : i32
      %mul3A_52 = arith.muli %arg1, %mul3A_51 : i32
      %mul3A_53 = arith.constant 64 : i32
      %mul3A_54 = arith.muli %add3A_50, %mul3A_53 : i32
      %add3A_55 = arith.addi %mul3A_52, %mul3A_54 : i32
      "tpu.region"() ({
        %run_scoped3A = tpu.sem_alloc : memref<!tpu.dma_semaphore, #tpu.memory_space<semaphore_mem>>
        %dma_start3A_56 = arith.constant 0 : i32
        %dma_start3A_57 = arith.constant 0 : i32
        %dma_start3A_58 = tpu.memref_slice %arg9[%dma_start3A_56, %dma_start3A_57] : memref<96x128xf32, #tpu.memory_space<vmem>> -> memref<64x128xf32, #tpu.memory_space<vmem>>
        %dma_start3A_59 = arith.constant 0 : i32
        %dma_start3A_60 = tpu.memref_slice %arg6[%add3A_55, %dma_start3A_59] : memref<10240x128xf32, #tpu.memory_space<vmem_shared>> -> memref<64x128xf32, #tpu.memory_space<vmem_shared>>
        %dma_start3A_61 = arith.constant 0 : i32
        %dma_start3A_62 = tpu.memref_slice %arg6[%add3A_55, %dma_start3A_61] : memref<10240x128xf32, #tpu.memory_space<vmem_shared>> -> memref<64x128xf32, #tpu.memory_space<vmem_shared>>
        %dma_start3A_63 = arith.constant 0 : i32
        %dma_start3A_64 = arith.constant 0 : i32
        %dma_start3A_65 = tpu.memref_slice %arg9[%dma_start3A_63, %dma_start3A_64] : memref<96x128xf32, #tpu.memory_space<vmem>> -> memref<64x128xf32, #tpu.memory_space<vmem>>
        tpu.enqueue_dma source(%dma_start3A_65 : memref<64x128xf32, #tpu.memory_space<vmem>>) target(%dma_start3A_62 : memref<64x128xf32, #tpu.memory_space<vmem_shared>>) target_semaphore(%run_scoped3A : memref<!tpu.dma_semaphore, #tpu.memory_space<semaphore_mem>>)
        %dma_wait3A = arith.constant 0 : i32
        %dma_wait3A_66 = arith.constant 0 : i32
        %dma_wait3A_67 = tpu.memref_slice %arg9[%dma_wait3A, %dma_wait3A_66] : memref<96x128xf32, #tpu.memory_space<vmem>> -> memref<64x128xf32, #tpu.memory_space<vmem>>
        %dma_wait3A_68 = arith.constant 0 : i32
        %dma_wait3A_69 = tpu.memref_slice %arg6[%add3A_55, %dma_wait3A_68] : memref<10240x128xf32, #tpu.memory_space<vmem_shared>> -> memref<64x128xf32, #tpu.memory_space<vmem_shared>>
        %dma_wait3A_70 = arith.constant 0 : i32
        %dma_wait3A_71 = tpu.memref_slice %arg6[%add3A_55, %dma_wait3A_70] : memref<10240x128xf32, #tpu.memory_space<vmem_shared>> -> memref<64x128xf32, #tpu.memory_space<vmem_shared>>
        %dma_wait3A_72 = arith.constant 0 : i32
        %dma_wait3A_73 = arith.constant 0 : i32
        %dma_wait3A_74 = tpu.memref_slice %arg9[%dma_wait3A_72, %dma_wait3A_73] : memref<96x128xf32, #tpu.memory_space<vmem>> -> memref<64x128xf32, #tpu.memory_space<vmem>>
        tpu.wait_dma2 semaphore(%run_scoped3A : memref<!tpu.dma_semaphore, #tpu.memory_space<semaphore_mem>>) src(%dma_wait3A_74 : memref<64x128xf32, #tpu.memory_space<vmem>>) dst(%dma_wait3A_71 : memref<64x128xf32, #tpu.memory_space<vmem_shared>>)
        tpu.yield
      }) : () -> ()
    }
    %scan3A_8 = arith.constant 10 : i32
    %barrier3A = arith.constant 0 : index
    tpu.barrier barrier_id(%barrier3A)
    %mul3A = arith.constant 2 : i32
    %mul3A_9 = arith.muli %mul3A, %arg1 : i32
    %add3A = arith.constant 0 : i32
    %add3A_10 = arith.addi %mul3A_9, %add3A : i32
    "tpu.region"() ({
      %run_scoped3A = tpu.sem_alloc : memref<!tpu.dma_semaphore, #tpu.memory_space<semaphore_mem>>
      %dma_start3A_46 = arith.constant 0 : i32
      %dma_start3A_47 = arith.constant 0 : i32
      %dma_start3A_48 = tpu.memref_slice %arg3[%arg0, %add3A_10, %dma_start3A_46, %dma_start3A_47] : memref<2x32x56x96xi32, #tpu.memory_space<hbm>> -> memref<1x1x56x96xi32, #tpu.memory_space<hbm>>
      %dma_start3A_49 = tpu.memref_squeeze %dma_start3A_48 : memref<1x1x56x96xi32, #tpu.memory_space<hbm>> -> memref<56x96xi32, #tpu.memory_space<hbm>>
      %dma_start3A_50 = arith.constant 0 : i32
      %dma_start3A_51 = arith.constant 0 : i32
      %dma_start3A_52 = tpu.memref_slice %arg3[%arg0, %add3A_10, %dma_start3A_50, %dma_start3A_51] : memref<2x32x56x96xi32, #tpu.memory_space<hbm>> -> memref<1x1x56x96xi32, #tpu.memory_space<hbm>>
      %dma_start3A_53 = tpu.memref_squeeze %dma_start3A_52 : memref<1x1x56x96xi32, #tpu.memory_space<hbm>> -> memref<56x96xi32, #tpu.memory_space<hbm>>
      tpu.enqueue_dma source(%dma_start3A_53 : memref<56x96xi32, #tpu.memory_space<hbm>>) target(%arg7 : memref<56x96xi32, #tpu.memory_space<vmem>>) target_semaphore(%run_scoped3A : memref<!tpu.dma_semaphore, #tpu.memory_space<semaphore_mem>>)
      %dma_wait3A = arith.constant 0 : i32
      %dma_wait3A_54 = arith.constant 0 : i32
      %dma_wait3A_55 = tpu.memref_slice %arg3[%arg0, %add3A_10, %dma_wait3A, %dma_wait3A_54] : memref<2x32x56x96xi32, #tpu.memory_space<hbm>> -> memref<1x1x56x96xi32, #tpu.memory_space<hbm>>
      %dma_wait3A_56 = tpu.memref_squeeze %dma_wait3A_55 : memref<1x1x56x96xi32, #tpu.memory_space<hbm>> -> memref<56x96xi32, #tpu.memory_space<hbm>>
      %dma_wait3A_57 = arith.constant 0 : i32
      %dma_wait3A_58 = arith.constant 0 : i32
      %dma_wait3A_59 = tpu.memref_slice %arg3[%arg0, %add3A_10, %dma_wait3A_57, %dma_wait3A_58] : memref<2x32x56x96xi32, #tpu.memory_space<hbm>> -> memref<1x1x56x96xi32, #tpu.memory_space<hbm>>
      %dma_wait3A_60 = tpu.memref_squeeze %dma_wait3A_59 : memref<1x1x56x96xi32, #tpu.memory_space<hbm>> -> memref<56x96xi32, #tpu.memory_space<hbm>>
      tpu.wait_dma2 semaphore(%run_scoped3A : memref<!tpu.dma_semaphore, #tpu.memory_space<semaphore_mem>>) src(%dma_wait3A_60 : memref<56x96xi32, #tpu.memory_space<hbm>>) dst(%arg7 : memref<56x96xi32, #tpu.memory_space<vmem>>)
      tpu.yield
    }) : () -> ()
    %dma_start3A = arith.constant 0 : i32
    %dma_start3A_11 = arith.constant 0 : i32
    %dma_start3A_12 = tpu.memref_slice %arg7[%dma_start3A, %dma_start3A_11] : memref<56x96xi32, #tpu.memory_space<vmem>> -> memref<1x96xi32, #tpu.memory_space<vmem>>
    %dma_start3A_13 = tpu.memref_squeeze %dma_start3A_12 : memref<1x96xi32, #tpu.memory_space<vmem>> -> memref<96xi32, #tpu.memory_space<vmem>>
    %dma_start3A_14 = arith.constant 0 : i32
    %dma_start3A_15 = arith.constant 0 : i32
    %dma_start3A_16 = tpu.memref_slice %arg2[%dma_start3A_14, %dma_start3A_15] : memref<20000x128xf32, #tpu.memory_space<hbm>> -> memref<20000x128xf32, #tpu.memory_space<hbm>>
    tpu.enqueue_indirect_dma source(%dma_start3A_16 : memref<20000x128xf32, #tpu.memory_space<hbm>>) target(%arg9 : memref<96x128xf32, #tpu.memory_space<vmem>>) offsets(%dma_start3A_13 : memref<96xi32, #tpu.memory_space<vmem>>) semaphore(%arg11 : memref<!tpu.dma_semaphore, #tpu.memory_space<semaphore_mem>>)
    %scan3A_17 = arith.constant 0 : i32
    %scan3A_18 = arith.constant 28 : i32
    %scan3A_19 = arith.addi %scan3A_17, %scan3A_18 : i32
    %scan3A_20 = arith.constant 1 : i32
    scf.for %scan3A_46 = %scan3A_17 to %scan3A_19 step %scan3A_20  : i32 {
      %mul3A_47 = arith.constant 1 : i32
      %mul3A_48 = arith.muli %scan3A_46, %mul3A_47 : i32
      %add3A_49 = arith.constant 0 : i32
      %add3A_50 = arith.addi %add3A_49, %mul3A_48 : i32
      %mul3A_51 = arith.constant 2 : i32
      %mul3A_52 = arith.muli %mul3A_51, %add3A_50 : i32
      %dma_wait3A = arith.constant 0 : i32
      %dma_wait3A_53 = tpu.memref_slice %arg7[%mul3A_52, %dma_wait3A] : memref<56x96xi32, #tpu.memory_space<vmem>> -> memref<1x96xi32, #tpu.memory_space<vmem>>
      %dma_wait3A_54 = tpu.memref_squeeze %dma_wait3A_53 : memref<1x96xi32, #tpu.memory_space<vmem>> -> memref<96xi32, #tpu.memory_space<vmem>>
      %dma_wait3A_55 = arith.constant 0 : i32
      %dma_wait3A_56 = arith.constant 0 : i32
      %dma_wait3A_57 = tpu.memref_slice %arg2[%dma_wait3A_55, %dma_wait3A_56] : memref<20000x128xf32, #tpu.memory_space<hbm>> -> memref<20000x128xf32, #tpu.memory_space<hbm>>
      tpu.wait_indirect_dma semaphore(%arg11 : memref<!tpu.dma_semaphore, #tpu.memory_space<semaphore_mem>>) src(%dma_wait3A_57 : memref<20000x128xf32, #tpu.memory_space<hbm>>) dst(%arg9 : memref<96x128xf32, #tpu.memory_space<vmem>>)
      %add3A_58 = arith.constant 1 : i32
      %add3A_59 = arith.addi %mul3A_52, %add3A_58 : i32
      %dma_start3A_60 = arith.constant 0 : i32
      %dma_start3A_61 = tpu.memref_slice %arg7[%add3A_59, %dma_start3A_60] : memref<56x96xi32, #tpu.memory_space<vmem>> -> memref<1x96xi32, #tpu.memory_space<vmem>>
      %dma_start3A_62 = tpu.memref_squeeze %dma_start3A_61 : memref<1x96xi32, #tpu.memory_space<vmem>> -> memref<96xi32, #tpu.memory_space<vmem>>
      %dma_start3A_63 = arith.constant 0 : i32
      %dma_start3A_64 = arith.constant 0 : i32
      %dma_start3A_65 = tpu.memref_slice %arg2[%dma_start3A_63, %dma_start3A_64] : memref<20000x128xf32, #tpu.memory_space<hbm>> -> memref<20000x128xf32, #tpu.memory_space<hbm>>
      tpu.enqueue_indirect_dma source(%dma_start3A_65 : memref<20000x128xf32, #tpu.memory_space<hbm>>) target(%arg10 : memref<96x128xf32, #tpu.memory_space<vmem>>) offsets(%dma_start3A_62 : memref<96xi32, #tpu.memory_space<vmem>>) semaphore(%arg12 : memref<!tpu.dma_semaphore, #tpu.memory_space<semaphore_mem>>)
      %add3A_66 = arith.constant 0 : i32
      %add3A_67 = arith.addi %add3A_66, %mul3A_52 : i32
      "tpu.region"() ({
        %run_scoped3A = tpu.sem_alloc : memref<!tpu.dma_semaphore, #tpu.memory_space<semaphore_mem>>
        %dma_start3A_87 = arith.constant 0 : i32
        %dma_start3A_88 = tpu.memref_slice %arg8[%add3A_67, %dma_start3A_87] : memref<112x96xi32, #tpu.memory_space<vmem>> -> memref<1x96xi32, #tpu.memory_space<vmem>>
        %dma_start3A_89 = tpu.memref_squeeze %dma_start3A_88 : memref<1x96xi32, #tpu.memory_space<vmem>> -> memref<96xi32, #tpu.memory_space<vmem>>
        %dma_start3A_90 = arith.constant 0 : i32
        %dma_start3A_91 = arith.constant 0 : i32
        %dma_start3A_92 = tpu.memref_slice %arg6[%dma_start3A_90, %dma_start3A_91] : memref<10240x128xf32, #tpu.memory_space<vmem_shared>> -> memref<10240x128xf32, #tpu.memory_space<vmem_shared>>
        tpu.enqueue_indirect_dma source(%arg9 : memref<96x128xf32, #tpu.memory_space<vmem>>) target(%dma_start3A_92 : memref<10240x128xf32, #tpu.memory_space<vmem_shared>>) offsets(%dma_start3A_89 : memref<96xi32, #tpu.memory_space<vmem>>) semaphore(%run_scoped3A : memref<!tpu.dma_semaphore, #tpu.memory_space<semaphore_mem>>) {add = true}
        %dma_wait3A_93 = arith.constant 0 : i32
        %dma_wait3A_94 = tpu.memref_slice %arg8[%add3A_67, %dma_wait3A_93] : memref<112x96xi32, #tpu.memory_space<vmem>> -> memref<1x96xi32, #tpu.memory_space<vmem>>
        %dma_wait3A_95 = tpu.memref_squeeze %dma_wait3A_94 : memref<1x96xi32, #tpu.memory_space<vmem>> -> memref<96xi32, #tpu.memory_space<vmem>>
        %dma_wait3A_96 = arith.constant 0 : i32
        %dma_wait3A_97 = arith.constant 0 : i32
        %dma_wait3A_98 = tpu.memref_slice %arg6[%dma_wait3A_96, %dma_wait3A_97] : memref<10240x128xf32, #tpu.memory_space<vmem_shared>> -> memref<10240x128xf32, #tpu.memory_space<vmem_shared>>
        tpu.wait_indirect_dma semaphore(%run_scoped3A : memref<!tpu.dma_semaphore, #tpu.memory_space<semaphore_mem>>) src(%arg9 : memref<96x128xf32, #tpu.memory_space<vmem>>) dst(%dma_wait3A_98 : memref<10240x128xf32, #tpu.memory_space<vmem_shared>>)
        tpu.yield
      }) : () -> ()
      %add3A_68 = arith.constant 1 : i32
      %add3A_69 = arith.addi %mul3A_52, %add3A_68 : i32
      %dma_wait3A_70 = arith.constant 0 : i32
      %dma_wait3A_71 = tpu.memref_slice %arg7[%add3A_69, %dma_wait3A_70] : memref<56x96xi32, #tpu.memory_space<vmem>> -> memref<1x96xi32, #tpu.memory_space<vmem>>
      %dma_wait3A_72 = tpu.memref_squeeze %dma_wait3A_71 : memref<1x96xi32, #tpu.memory_space<vmem>> -> memref<96xi32, #tpu.memory_space<vmem>>
      %dma_wait3A_73 = arith.constant 0 : i32
      %dma_wait3A_74 = arith.constant 0 : i32
      %dma_wait3A_75 = tpu.memref_slice %arg2[%dma_wait3A_73, %dma_wait3A_74] : memref<20000x128xf32, #tpu.memory_space<hbm>> -> memref<20000x128xf32, #tpu.memory_space<hbm>>
      tpu.wait_indirect_dma semaphore(%arg12 : memref<!tpu.dma_semaphore, #tpu.memory_space<semaphore_mem>>) src(%dma_wait3A_75 : memref<20000x128xf32, #tpu.memory_space<hbm>>) dst(%arg10 : memref<96x128xf32, #tpu.memory_space<vmem>>)
      %add3A_76 = arith.constant 1 : i32
      %add3A_77 = arith.addi %add3A_50, %add3A_76 : i32
      %lt3A_78 = arith.constant 28 : i32
      %lt3A_79 = arith.cmpi slt, %add3A_77, %lt3A_78 : i32
      %convert_element_type3A_80 = arith.extui %lt3A_79 : i1 to i32
      %cond3A_81 = arith.constant 0 : i32
      %cond3A_82 = arith.cmpi ne, %convert_element_type3A_80, %cond3A_81 : i32
      scf.if %cond3A_82 {
        %add3A_87 = arith.constant 2 : i32
        %add3A_88 = arith.addi %mul3A_52, %add3A_87 : i32
        %dma_start3A_89 = arith.constant 0 : i32
        %dma_start3A_90 = tpu.memref_slice %arg7[%add3A_88, %dma_start3A_89] : memref<56x96xi32, #tpu.memory_space<vmem>> -> memref<1x96xi32, #tpu.memory_space<vmem>>
        %dma_start3A_91 = tpu.memref_squeeze %dma_start3A_90 : memref<1x96xi32, #tpu.memory_space<vmem>> -> memref<96xi32, #tpu.memory_space<vmem>>
        %dma_start3A_92 = arith.constant 0 : i32
        %dma_start3A_93 = arith.constant 0 : i32
        %dma_start3A_94 = tpu.memref_slice %arg2[%dma_start3A_92, %dma_start3A_93] : memref<20000x128xf32, #tpu.memory_space<hbm>> -> memref<20000x128xf32, #tpu.memory_space<hbm>>
        tpu.enqueue_indirect_dma source(%dma_start3A_94 : memref<20000x128xf32, #tpu.memory_space<hbm>>) target(%arg9 : memref<96x128xf32, #tpu.memory_space<vmem>>) offsets(%dma_start3A_91 : memref<96xi32, #tpu.memory_space<vmem>>) semaphore(%arg11 : memref<!tpu.dma_semaphore, #tpu.memory_space<semaphore_mem>>)
      } else {
      }
      %add3A_83 = arith.constant 0 : i32
      %add3A_84 = arith.addi %add3A_83, %mul3A_52 : i32
      %add3A_85 = arith.constant 1 : i32
      %add3A_86 = arith.addi %add3A_84, %add3A_85 : i32
      "tpu.region"() ({
        %run_scoped3A = tpu.sem_alloc : memref<!tpu.dma_semaphore, #tpu.memory_space<semaphore_mem>>
        %dma_start3A_87 = arith.constant 0 : i32
        %dma_start3A_88 = tpu.memref_slice %arg8[%add3A_86, %dma_start3A_87] : memref<112x96xi32, #tpu.memory_space<vmem>> -> memref<1x96xi32, #tpu.memory_space<vmem>>
        %dma_start3A_89 = tpu.memref_squeeze %dma_start3A_88 : memref<1x96xi32, #tpu.memory_space<vmem>> -> memref<96xi32, #tpu.memory_space<vmem>>
        %dma_start3A_90 = arith.constant 0 : i32
        %dma_start3A_91 = arith.constant 0 : i32
        %dma_start3A_92 = tpu.memref_slice %arg6[%dma_start3A_90, %dma_start3A_91] : memref<10240x128xf32, #tpu.memory_space<vmem_shared>> -> memref<10240x128xf32, #tpu.memory_space<vmem_shared>>
        tpu.enqueue_indirect_dma source(%arg10 : memref<96x128xf32, #tpu.memory_space<vmem>>) target(%dma_start3A_92 : memref<10240x128xf32, #tpu.memory_space<vmem_shared>>) offsets(%dma_start3A_89 : memref<96xi32, #tpu.memory_space<vmem>>) semaphore(%run_scoped3A : memref<!tpu.dma_semaphore, #tpu.memory_space<semaphore_mem>>) {add = true}
        %dma_wait3A_93 = arith.constant 0 : i32
        %dma_wait3A_94 = tpu.memref_slice %arg8[%add3A_86, %dma_wait3A_93] : memref<112x96xi32, #tpu.memory_space<vmem>> -> memref<1x96xi32, #tpu.memory_space<vmem>>
        %dma_wait3A_95 = tpu.memref_squeeze %dma_wait3A_94 : memref<1x96xi32, #tpu.memory_space<vmem>> -> memref<96xi32, #tpu.memory_space<vmem>>
        %dma_wait3A_96 = arith.constant 0 : i32
        %dma_wait3A_97 = arith.constant 0 : i32
        %dma_wait3A_98 = tpu.memref_slice %arg6[%dma_wait3A_96, %dma_wait3A_97] : memref<10240x128xf32, #tpu.memory_space<vmem_shared>> -> memref<10240x128xf32, #tpu.memory_space<vmem_shared>>
        tpu.wait_indirect_dma semaphore(%run_scoped3A : memref<!tpu.dma_semaphore, #tpu.memory_space<semaphore_mem>>) src(%arg10 : memref<96x128xf32, #tpu.memory_space<vmem>>) dst(%dma_wait3A_98 : memref<10240x128xf32, #tpu.memory_space<vmem_shared>>)
        tpu.yield
      }) : () -> ()
    }
    %scan3A_21 = arith.constant 28 : i32
    %mul3A_22 = arith.constant 2 : i32
    %mul3A_23 = arith.muli %mul3A_22, %arg1 : i32
    %add3A_24 = arith.constant 1 : i32
    %add3A_25 = arith.addi %mul3A_23, %add3A_24 : i32
    "tpu.region"() ({
      %run_scoped3A = tpu.sem_alloc : memref<!tpu.dma_semaphore, #tpu.memory_space<semaphore_mem>>
      %dma_start3A_46 = arith.constant 0 : i32
      %dma_start3A_47 = arith.constant 0 : i32
      %dma_start3A_48 = tpu.memref_slice %arg3[%arg0, %add3A_25, %dma_start3A_46, %dma_start3A_47] : memref<2x32x56x96xi32, #tpu.memory_space<hbm>> -> memref<1x1x56x96xi32, #tpu.memory_space<hbm>>
      %dma_start3A_49 = tpu.memref_squeeze %dma_start3A_48 : memref<1x1x56x96xi32, #tpu.memory_space<hbm>> -> memref<56x96xi32, #tpu.memory_space<hbm>>
      %dma_start3A_50 = arith.constant 0 : i32
      %dma_start3A_51 = arith.constant 0 : i32
      %dma_start3A_52 = tpu.memref_slice %arg3[%arg0, %add3A_25, %dma_start3A_50, %dma_start3A_51] : memref<2x32x56x96xi32, #tpu.memory_space<hbm>> -> memref<1x1x56x96xi32, #tpu.memory_space<hbm>>
      %dma_start3A_53 = tpu.memref_squeeze %dma_start3A_52 : memref<1x1x56x96xi32, #tpu.memory_space<hbm>> -> memref<56x96xi32, #tpu.memory_space<hbm>>
      tpu.enqueue_dma source(%dma_start3A_53 : memref<56x96xi32, #tpu.memory_space<hbm>>) target(%arg7 : memref<56x96xi32, #tpu.memory_space<vmem>>) target_semaphore(%run_scoped3A : memref<!tpu.dma_semaphore, #tpu.memory_space<semaphore_mem>>)
      %dma_wait3A = arith.constant 0 : i32
      %dma_wait3A_54 = arith.constant 0 : i32
      %dma_wait3A_55 = tpu.memref_slice %arg3[%arg0, %add3A_25, %dma_wait3A, %dma_wait3A_54] : memref<2x32x56x96xi32, #tpu.memory_space<hbm>> -> memref<1x1x56x96xi32, #tpu.memory_space<hbm>>
      %dma_wait3A_56 = tpu.memref_squeeze %dma_wait3A_55 : memref<1x1x56x96xi32, #tpu.memory_space<hbm>> -> memref<56x96xi32, #tpu.memory_space<hbm>>
      %dma_wait3A_57 = arith.constant 0 : i32
      %dma_wait3A_58 = arith.constant 0 : i32
      %dma_wait3A_59 = tpu.memref_slice %arg3[%arg0, %add3A_25, %dma_wait3A_57, %dma_wait3A_58] : memref<2x32x56x96xi32, #tpu.memory_space<hbm>> -> memref<1x1x56x96xi32, #tpu.memory_space<hbm>>
      %dma_wait3A_60 = tpu.memref_squeeze %dma_wait3A_59 : memref<1x1x56x96xi32, #tpu.memory_space<hbm>> -> memref<56x96xi32, #tpu.memory_space<hbm>>
      tpu.wait_dma2 semaphore(%run_scoped3A : memref<!tpu.dma_semaphore, #tpu.memory_space<semaphore_mem>>) src(%dma_wait3A_60 : memref<56x96xi32, #tpu.memory_space<hbm>>) dst(%arg7 : memref<56x96xi32, #tpu.memory_space<vmem>>)
      tpu.yield
    }) : () -> ()
    %dma_start3A_26 = arith.constant 0 : i32
    %dma_start3A_27 = arith.constant 0 : i32
    %dma_start3A_28 = tpu.memref_slice %arg7[%dma_start3A_26, %dma_start3A_27] : memref<56x96xi32, #tpu.memory_space<vmem>> -> memref<1x96xi32, #tpu.memory_space<vmem>>
    %dma_start3A_29 = tpu.memref_squeeze %dma_start3A_28 : memref<1x96xi32, #tpu.memory_space<vmem>> -> memref<96xi32, #tpu.memory_space<vmem>>
    %dma_start3A_30 = arith.constant 0 : i32
    %dma_start3A_31 = arith.constant 0 : i32
    %dma_start3A_32 = tpu.memref_slice %arg2[%dma_start3A_30, %dma_start3A_31] : memref<20000x128xf32, #tpu.memory_space<hbm>> -> memref<20000x128xf32, #tpu.memory_space<hbm>>
    tpu.enqueue_indirect_dma source(%dma_start3A_32 : memref<20000x128xf32, #tpu.memory_space<hbm>>) target(%arg9 : memref<96x128xf32, #tpu.memory_space<vmem>>) offsets(%dma_start3A_29 : memref<96xi32, #tpu.memory_space<vmem>>) semaphore(%arg11 : memref<!tpu.dma_semaphore, #tpu.memory_space<semaphore_mem>>)
    %scan3A_33 = arith.constant 0 : i32
    %scan3A_34 = arith.constant 28 : i32
    %scan3A_35 = arith.addi %scan3A_33, %scan3A_34 : i32
    %scan3A_36 = arith.constant 1 : i32
    scf.for %scan3A_46 = %scan3A_33 to %scan3A_35 step %scan3A_36  : i32 {
      %mul3A_47 = arith.constant 1 : i32
      %mul3A_48 = arith.muli %scan3A_46, %mul3A_47 : i32
      %add3A_49 = arith.constant 0 : i32
      %add3A_50 = arith.addi %add3A_49, %mul3A_48 : i32
      %mul3A_51 = arith.constant 2 : i32
      %mul3A_52 = arith.muli %mul3A_51, %add3A_50 : i32
      %dma_wait3A = arith.constant 0 : i32
      %dma_wait3A_53 = tpu.memref_slice %arg7[%mul3A_52, %dma_wait3A] : memref<56x96xi32, #tpu.memory_space<vmem>> -> memref<1x96xi32, #tpu.memory_space<vmem>>
      %dma_wait3A_54 = tpu.memref_squeeze %dma_wait3A_53 : memref<1x96xi32, #tpu.memory_space<vmem>> -> memref<96xi32, #tpu.memory_space<vmem>>
      %dma_wait3A_55 = arith.constant 0 : i32
      %dma_wait3A_56 = arith.constant 0 : i32
      %dma_wait3A_57 = tpu.memref_slice %arg2[%dma_wait3A_55, %dma_wait3A_56] : memref<20000x128xf32, #tpu.memory_space<hbm>> -> memref<20000x128xf32, #tpu.memory_space<hbm>>
      tpu.wait_indirect_dma semaphore(%arg11 : memref<!tpu.dma_semaphore, #tpu.memory_space<semaphore_mem>>) src(%dma_wait3A_57 : memref<20000x128xf32, #tpu.memory_space<hbm>>) dst(%arg9 : memref<96x128xf32, #tpu.memory_space<vmem>>)
      %add3A_58 = arith.constant 1 : i32
      %add3A_59 = arith.addi %mul3A_52, %add3A_58 : i32
      %dma_start3A_60 = arith.constant 0 : i32
      %dma_start3A_61 = tpu.memref_slice %arg7[%add3A_59, %dma_start3A_60] : memref<56x96xi32, #tpu.memory_space<vmem>> -> memref<1x96xi32, #tpu.memory_space<vmem>>
      %dma_start3A_62 = tpu.memref_squeeze %dma_start3A_61 : memref<1x96xi32, #tpu.memory_space<vmem>> -> memref<96xi32, #tpu.memory_space<vmem>>
      %dma_start3A_63 = arith.constant 0 : i32
      %dma_start3A_64 = arith.constant 0 : i32
      %dma_start3A_65 = tpu.memref_slice %arg2[%dma_start3A_63, %dma_start3A_64] : memref<20000x128xf32, #tpu.memory_space<hbm>> -> memref<20000x128xf32, #tpu.memory_space<hbm>>
      tpu.enqueue_indirect_dma source(%dma_start3A_65 : memref<20000x128xf32, #tpu.memory_space<hbm>>) target(%arg10 : memref<96x128xf32, #tpu.memory_space<vmem>>) offsets(%dma_start3A_62 : memref<96xi32, #tpu.memory_space<vmem>>) semaphore(%arg12 : memref<!tpu.dma_semaphore, #tpu.memory_space<semaphore_mem>>)
      %add3A_66 = arith.constant 56 : i32
      %add3A_67 = arith.addi %add3A_66, %mul3A_52 : i32
      "tpu.region"() ({
        %run_scoped3A = tpu.sem_alloc : memref<!tpu.dma_semaphore, #tpu.memory_space<semaphore_mem>>
        %dma_start3A_87 = arith.constant 0 : i32
        %dma_start3A_88 = tpu.memref_slice %arg8[%add3A_67, %dma_start3A_87] : memref<112x96xi32, #tpu.memory_space<vmem>> -> memref<1x96xi32, #tpu.memory_space<vmem>>
        %dma_start3A_89 = tpu.memref_squeeze %dma_start3A_88 : memref<1x96xi32, #tpu.memory_space<vmem>> -> memref<96xi32, #tpu.memory_space<vmem>>
        %dma_start3A_90 = arith.constant 0 : i32
        %dma_start3A_91 = arith.constant 0 : i32
        %dma_start3A_92 = tpu.memref_slice %arg6[%dma_start3A_90, %dma_start3A_91] : memref<10240x128xf32, #tpu.memory_space<vmem_shared>> -> memref<10240x128xf32, #tpu.memory_space<vmem_shared>>
        tpu.enqueue_indirect_dma source(%arg9 : memref<96x128xf32, #tpu.memory_space<vmem>>) target(%dma_start3A_92 : memref<10240x128xf32, #tpu.memory_space<vmem_shared>>) offsets(%dma_start3A_89 : memref<96xi32, #tpu.memory_space<vmem>>) semaphore(%run_scoped3A : memref<!tpu.dma_semaphore, #tpu.memory_space<semaphore_mem>>) {add = true}
        %dma_wait3A_93 = arith.constant 0 : i32
        %dma_wait3A_94 = tpu.memref_slice %arg8[%add3A_67, %dma_wait3A_93] : memref<112x96xi32, #tpu.memory_space<vmem>> -> memref<1x96xi32, #tpu.memory_space<vmem>>
        %dma_wait3A_95 = tpu.memref_squeeze %dma_wait3A_94 : memref<1x96xi32, #tpu.memory_space<vmem>> -> memref<96xi32, #tpu.memory_space<vmem>>
        %dma_wait3A_96 = arith.constant 0 : i32
        %dma_wait3A_97 = arith.constant 0 : i32
        %dma_wait3A_98 = tpu.memref_slice %arg6[%dma_wait3A_96, %dma_wait3A_97] : memref<10240x128xf32, #tpu.memory_space<vmem_shared>> -> memref<10240x128xf32, #tpu.memory_space<vmem_shared>>
        tpu.wait_indirect_dma semaphore(%run_scoped3A : memref<!tpu.dma_semaphore, #tpu.memory_space<semaphore_mem>>) src(%arg9 : memref<96x128xf32, #tpu.memory_space<vmem>>) dst(%dma_wait3A_98 : memref<10240x128xf32, #tpu.memory_space<vmem_shared>>)
        tpu.yield
      }) : () -> ()
      %add3A_68 = arith.constant 1 : i32
      %add3A_69 = arith.addi %mul3A_52, %add3A_68 : i32
      %dma_wait3A_70 = arith.constant 0 : i32
      %dma_wait3A_71 = tpu.memref_slice %arg7[%add3A_69, %dma_wait3A_70] : memref<56x96xi32, #tpu.memory_space<vmem>> -> memref<1x96xi32, #tpu.memory_space<vmem>>
      %dma_wait3A_72 = tpu.memref_squeeze %dma_wait3A_71 : memref<1x96xi32, #tpu.memory_space<vmem>> -> memref<96xi32, #tpu.memory_space<vmem>>
      %dma_wait3A_73 = arith.constant 0 : i32
      %dma_wait3A_74 = arith.constant 0 : i32
      %dma_wait3A_75 = tpu.memref_slice %arg2[%dma_wait3A_73, %dma_wait3A_74] : memref<20000x128xf32, #tpu.memory_space<hbm>> -> memref<20000x128xf32, #tpu.memory_space<hbm>>
      tpu.wait_indirect_dma semaphore(%arg12 : memref<!tpu.dma_semaphore, #tpu.memory_space<semaphore_mem>>) src(%dma_wait3A_75 : memref<20000x128xf32, #tpu.memory_space<hbm>>) dst(%arg10 : memref<96x128xf32, #tpu.memory_space<vmem>>)
      %add3A_76 = arith.constant 1 : i32
      %add3A_77 = arith.addi %add3A_50, %add3A_76 : i32
      %lt3A_78 = arith.constant 28 : i32
      %lt3A_79 = arith.cmpi slt, %add3A_77, %lt3A_78 : i32
      %convert_element_type3A_80 = arith.extui %lt3A_79 : i1 to i32
      %cond3A_81 = arith.constant 0 : i32
      %cond3A_82 = arith.cmpi ne, %convert_element_type3A_80, %cond3A_81 : i32
      scf.if %cond3A_82 {
        %add3A_87 = arith.constant 2 : i32
        %add3A_88 = arith.addi %mul3A_52, %add3A_87 : i32
        %dma_start3A_89 = arith.constant 0 : i32
        %dma_start3A_90 = tpu.memref_slice %arg7[%add3A_88, %dma_start3A_89] : memref<56x96xi32, #tpu.memory_space<vmem>> -> memref<1x96xi32, #tpu.memory_space<vmem>>
        %dma_start3A_91 = tpu.memref_squeeze %dma_start3A_90 : memref<1x96xi32, #tpu.memory_space<vmem>> -> memref<96xi32, #tpu.memory_space<vmem>>
        %dma_start3A_92 = arith.constant 0 : i32
        %dma_start3A_93 = arith.constant 0 : i32
        %dma_start3A_94 = tpu.memref_slice %arg2[%dma_start3A_92, %dma_start3A_93] : memref<20000x128xf32, #tpu.memory_space<hbm>> -> memref<20000x128xf32, #tpu.memory_space<hbm>>
        tpu.enqueue_indirect_dma source(%dma_start3A_94 : memref<20000x128xf32, #tpu.memory_space<hbm>>) target(%arg9 : memref<96x128xf32, #tpu.memory_space<vmem>>) offsets(%dma_start3A_91 : memref<96xi32, #tpu.memory_space<vmem>>) semaphore(%arg11 : memref<!tpu.dma_semaphore, #tpu.memory_space<semaphore_mem>>)
      } else {
      }
      %add3A_83 = arith.constant 56 : i32
      %add3A_84 = arith.addi %add3A_83, %mul3A_52 : i32
      %add3A_85 = arith.constant 1 : i32
      %add3A_86 = arith.addi %add3A_84, %add3A_85 : i32
      "tpu.region"() ({
        %run_scoped3A = tpu.sem_alloc : memref<!tpu.dma_semaphore, #tpu.memory_space<semaphore_mem>>
        %dma_start3A_87 = arith.constant 0 : i32
        %dma_start3A_88 = tpu.memref_slice %arg8[%add3A_86, %dma_start3A_87] : memref<112x96xi32, #tpu.memory_space<vmem>> -> memref<1x96xi32, #tpu.memory_space<vmem>>
        %dma_start3A_89 = tpu.memref_squeeze %dma_start3A_88 : memref<1x96xi32, #tpu.memory_space<vmem>> -> memref<96xi32, #tpu.memory_space<vmem>>
        %dma_start3A_90 = arith.constant 0 : i32
        %dma_start3A_91 = arith.constant 0 : i32
        %dma_start3A_92 = tpu.memref_slice %arg6[%dma_start3A_90, %dma_start3A_91] : memref<10240x128xf32, #tpu.memory_space<vmem_shared>> -> memref<10240x128xf32, #tpu.memory_space<vmem_shared>>
        tpu.enqueue_indirect_dma source(%arg10 : memref<96x128xf32, #tpu.memory_space<vmem>>) target(%dma_start3A_92 : memref<10240x128xf32, #tpu.memory_space<vmem_shared>>) offsets(%dma_start3A_89 : memref<96xi32, #tpu.memory_space<vmem>>) semaphore(%run_scoped3A : memref<!tpu.dma_semaphore, #tpu.memory_space<semaphore_mem>>) {add = true}
        %dma_wait3A_93 = arith.constant 0 : i32
        %dma_wait3A_94 = tpu.memref_slice %arg8[%add3A_86, %dma_wait3A_93] : memref<112x96xi32, #tpu.memory_space<vmem>> -> memref<1x96xi32, #tpu.memory_space<vmem>>
        %dma_wait3A_95 = tpu.memref_squeeze %dma_wait3A_94 : memref<1x96xi32, #tpu.memory_space<vmem>> -> memref<96xi32, #tpu.memory_space<vmem>>
        %dma_wait3A_96 = arith.constant 0 : i32
        %dma_wait3A_97 = arith.constant 0 : i32
        %dma_wait3A_98 = tpu.memref_slice %arg6[%dma_wait3A_96, %dma_wait3A_97] : memref<10240x128xf32, #tpu.memory_space<vmem_shared>> -> memref<10240x128xf32, #tpu.memory_space<vmem_shared>>
        tpu.wait_indirect_dma semaphore(%run_scoped3A : memref<!tpu.dma_semaphore, #tpu.memory_space<semaphore_mem>>) src(%arg10 : memref<96x128xf32, #tpu.memory_space<vmem>>) dst(%dma_wait3A_98 : memref<10240x128xf32, #tpu.memory_space<vmem_shared>>)
        tpu.yield
      }) : () -> ()
    }
    %scan3A_37 = arith.constant 28 : i32
    %barrier3A_38 = arith.constant 0 : index
    tpu.barrier barrier_id(%barrier3A_38)
    %lt3A = arith.constant 15 : i32
    %lt3A_39 = arith.cmpi slt, %arg1, %lt3A : i32
    %convert_element_type3A = arith.extui %lt3A_39 : i1 to i32
    %cond3A = arith.constant 0 : i32
    %cond3A_40 = arith.cmpi ne, %convert_element_type3A, %cond3A : i32
    scf.if %cond3A_40 {
      %mul3A_46 = arith.constant 640 : i32
      %mul3A_47 = arith.muli %arg1, %mul3A_46 : i32
      %mul3A_48 = arith.constant 10000 : i32
      %mul3A_49 = arith.muli %arg0, %mul3A_48 : i32
      %mul3A_50 = arith.constant 640 : i32
      %mul3A_51 = arith.muli %arg1, %mul3A_50 : i32
      %add3A_52 = arith.addi %mul3A_49, %mul3A_51 : i32
      "tpu.region"() ({
        %run_scoped3A = tpu.sem_alloc : memref<!tpu.dma_semaphore, #tpu.memory_space<semaphore_mem>>
        %dma_start3A_53 = arith.constant 0 : i32
        %dma_start3A_54 = tpu.memref_slice %arg5[%add3A_52, %dma_start3A_53] : memref<20000x128xf32, #tpu.memory_space<hbm>> -> memref<640x128xf32, #tpu.memory_space<hbm>>
        %dma_start3A_55 = arith.constant 0 : i32
        %dma_start3A_56 = tpu.memref_slice %arg6[%mul3A_47, %dma_start3A_55] : memref<10240x128xf32, #tpu.memory_space<vmem_shared>> -> memref<640x128xf32, #tpu.memory_space<vmem_shared>>
        tpu.enqueue_dma source(%dma_start3A_56 : memref<640x128xf32, #tpu.memory_space<vmem_shared>>) target(%dma_start3A_54 : memref<640x128xf32, #tpu.memory_space<hbm>>) target_semaphore(%run_scoped3A : memref<!tpu.dma_semaphore, #tpu.memory_space<semaphore_mem>>)
        %dma_wait3A = arith.constant 0 : i32
        %dma_wait3A_57 = tpu.memref_slice %arg5[%add3A_52, %dma_wait3A] : memref<20000x128xf32, #tpu.memory_space<hbm>> -> memref<640x128xf32, #tpu.memory_space<hbm>>
        %dma_wait3A_58 = arith.constant 0 : i32
        %dma_wait3A_59 = tpu.memref_slice %arg6[%mul3A_47, %dma_wait3A_58] : memref<10240x128xf32, #tpu.memory_space<vmem_shared>> -> memref<640x128xf32, #tpu.memory_space<vmem_shared>>
        tpu.wait_dma2 semaphore(%run_scoped3A : memref<!tpu.dma_semaphore, #tpu.memory_space<semaphore_mem>>) src(%dma_wait3A_59 : memref<640x128xf32, #tpu.memory_space<vmem_shared>>) dst(%dma_wait3A_57 : memref<640x128xf32, #tpu.memory_space<hbm>>)
        tpu.yield
      }) : () -> ()
    } else {
    }
    %eq3A = arith.constant 15 : i32
    %eq3A_41 = arith.cmpi eq, %arg1, %eq3A : i32
    %convert_element_type3A_42 = arith.extui %eq3A_41 : i1 to i32
    %cond3A_43 = arith.constant 0 : i32
    %cond3A_44 = arith.cmpi ne, %convert_element_type3A_42, %cond3A_43 : i32
    scf.if %cond3A_44 {
      %mul3A_46 = arith.constant 10000 : i32
      %mul3A_47 = arith.muli %arg0, %mul3A_46 : i32
      %add3A_48 = arith.constant 9600 : i32
      %add3A_49 = arith.addi %mul3A_47, %add3A_48 : i32
      "tpu.region"() ({
        %run_scoped3A = tpu.sem_alloc : memref<!tpu.dma_semaphore, #tpu.memory_space<semaphore_mem>>
        %dma_start3A_50 = arith.constant 0 : i32
        %dma_start3A_51 = tpu.memref_slice %arg5[%add3A_49, %dma_start3A_50] : memref<20000x128xf32, #tpu.memory_space<hbm>> -> memref<400x128xf32, #tpu.memory_space<hbm>>
        %dma_start3A_52 = arith.constant 9600 : i32
        %dma_start3A_53 = arith.constant 0 : i32
        %dma_start3A_54 = tpu.memref_slice %arg6[%dma_start3A_52, %dma_start3A_53] : memref<10240x128xf32, #tpu.memory_space<vmem_shared>> -> memref<400x128xf32, #tpu.memory_space<vmem_shared>>
        tpu.enqueue_dma source(%dma_start3A_54 : memref<400x128xf32, #tpu.memory_space<vmem_shared>>) target(%dma_start3A_51 : memref<400x128xf32, #tpu.memory_space<hbm>>) target_semaphore(%run_scoped3A : memref<!tpu.dma_semaphore, #tpu.memory_space<semaphore_mem>>)
        %dma_wait3A = arith.constant 0 : i32
        %dma_wait3A_55 = tpu.memref_slice %arg5[%add3A_49, %dma_wait3A] : memref<20000x128xf32, #tpu.memory_space<hbm>> -> memref<400x128xf32, #tpu.memory_space<hbm>>
        %dma_wait3A_56 = arith.constant 9600 : i32
        %dma_wait3A_57 = arith.constant 0 : i32
        %dma_wait3A_58 = tpu.memref_slice %arg6[%dma_wait3A_56, %dma_wait3A_57] : memref<10240x128xf32, #tpu.memory_space<vmem_shared>> -> memref<400x128xf32, #tpu.memory_space<vmem_shared>>
        tpu.wait_dma2 semaphore(%run_scoped3A : memref<!tpu.dma_semaphore, #tpu.memory_space<semaphore_mem>>) src(%dma_wait3A_58 : memref<400x128xf32, #tpu.memory_space<vmem_shared>>) dst(%dma_wait3A_55 : memref<400x128xf32, #tpu.memory_space<hbm>>)
        tpu.yield
      }) : () -> ()
    } else {
    }
    %barrier3A_45 = arith.constant 0 : index
    tpu.barrier barrier_id(%barrier3A_45)
    return
  }
}

#map = affine_map<(d0, d1) -> (0, 0)>
#map1 = affine_map<(d0, d1) -> (0, 0, 0, 0)>
#map2 = affine_map<(d0, d1) -> (0, 0, 0)>
module attributes {stable_mosaic.version = 14 : i64} {
  func.func @_prop_body(%arg0: i32, %arg1: i32, %arg2: memref<20000x128xf32, #tpu.memory_space<hbm>>, %arg3: memref<2x32x56x96xi32, #tpu.memory_space<hbm>>, %arg4: memref<16x112x96xi32, #tpu.memory_space<hbm>>, %arg5: memref<20000x128xf32, #tpu.memory_space<hbm>>, %arg6: memref<10240x128xf32, #tpu.memory_space<vmem_shared>>, %arg7: memref<56x96xi32, #tpu.memory_space<vmem>>, %arg8: memref<112x96xi32, #tpu.memory_space<vmem>>, %arg9: memref<96x128xf32, #tpu.memory_space<vmem>>, %arg10: memref<96x128xf32, #tpu.memory_space<vmem>>, %arg11: memref<!tpu.dma_semaphore, #tpu.memory_space<semaphore_mem>>, %arg12: memref<!tpu.dma_semaphore, #tpu.memory_space<semaphore_mem>>) attributes {dimension_semantics = [#tpu.dimension_semantics<core_parallel>, #tpu.dimension_semantics<subcore_parallel>], iteration_bounds = array<i64: 2, 16>, scalar_prefetch = 0 : i64, scratch_operands = 7 : i64, tpu.core_type = #tpu.core_type<sc_vector_subcore>, window_params = [{transform_indices = #map}, {transform_indices = #map1}, {transform_indices = #map2}, {transform_indices = #map}]} {
    "tpu.region"() ({
      %run_scoped3A = tpu.sem_alloc : memref<!tpu.dma_semaphore, #tpu.memory_space<semaphore_mem>>
      %dma_start3A_46 = arith.constant 0 : i32
      %dma_start3A_47 = arith.constant 0 : i32
      %dma_start3A_48 = tpu.memref_slice %arg4[%arg1, %dma_start3A_46, %dma_start3A_47] : memref<16x112x96xi32, #tpu.memory_space<hbm>> -> memref<1x112x96xi32, #tpu.memory_space<hbm>>
      %dma_start3A_49 = tpu.memref_squeeze %dma_start3A_48 : memref<1x112x96xi32, #tpu.memory_space<hbm>> -> memref<112x96xi32, #tpu.memory_space<hbm>>
      %dma_start3A_50 = arith.constant 0 : i32
      %dma_start3A_51 = arith.constant 0 : i32
      %dma_start3A_52 = tpu.memref_slice %arg4[%arg1, %dma_start3A_50, %dma_start3A_51] : memref<16x112x96xi32, #tpu.memory_space<hbm>> -> memref<1x112x96xi32, #tpu.memory_space<hbm>>
      %dma_start3A_53 = tpu.memref_squeeze %dma_start3A_52 : memref<1x112x96xi32, #tpu.memory_space<hbm>> -> memref<112x96xi32, #tpu.memory_space<hbm>>
      tpu.enqueue_dma source(%dma_start3A_53 : memref<112x96xi32, #tpu.memory_space<hbm>>) target(%arg8 : memref<112x96xi32, #tpu.memory_space<vmem>>) target_semaphore(%run_scoped3A : memref<!tpu.dma_semaphore, #tpu.memory_space<semaphore_mem>>)
      %dma_wait3A = arith.constant 0 : i32
      %dma_wait3A_54 = arith.constant 0 : i32
      %dma_wait3A_55 = tpu.memref_slice %arg4[%arg1, %dma_wait3A, %dma_wait3A_54] : memref<16x112x96xi32, #tpu.memory_space<hbm>> -> memref<1x112x96xi32, #tpu.memory_space<hbm>>
      %dma_wait3A_56 = tpu.memref_squeeze %dma_wait3A_55 : memref<1x112x96xi32, #tpu.memory_space<hbm>> -> memref<112x96xi32, #tpu.memory_space<hbm>>
      %dma_wait3A_57 = arith.constant 0 : i32
      %dma_wait3A_58 = arith.constant 0 : i32
      %dma_wait3A_59 = tpu.memref_slice %arg4[%arg1, %dma_wait3A_57, %dma_wait3A_58] : memref<16x112x96xi32, #tpu.memory_space<hbm>> -> memref<1x112x96xi32, #tpu.memory_space<hbm>>
      %dma_wait3A_60 = tpu.memref_squeeze %dma_wait3A_59 : memref<1x112x96xi32, #tpu.memory_space<hbm>> -> memref<112x96xi32, #tpu.memory_space<hbm>>
      tpu.wait_dma2 semaphore(%run_scoped3A : memref<!tpu.dma_semaphore, #tpu.memory_space<semaphore_mem>>) src(%dma_wait3A_60 : memref<112x96xi32, #tpu.memory_space<hbm>>) dst(%arg8 : memref<112x96xi32, #tpu.memory_space<vmem>>)
      tpu.yield
    }) : () -> ()
    %scan3A = arith.constant 0 : i32
    %scan3A_0 = arith.constant 64 : i32
    %scan3A_1 = arith.addi %scan3A, %scan3A_0 : i32
    %scan3A_2 = arith.constant 1 : i32
    scf.for %scan3A_46 = %scan3A to %scan3A_1 step %scan3A_2  : i32 {
      %mul3A_47 = arith.constant 1 : i32
      %mul3A_48 = arith.muli %scan3A_46, %mul3A_47 : i32
      %add3A_49 = arith.constant 0 : i32
      %add3A_50 = arith.addi %add3A_49, %mul3A_48 : i32
      %scan3A_51 = arith.constant 0 : i32
      %scan3A_52 = arith.constant 8 : i32
      %scan3A_53 = arith.addi %scan3A_51, %scan3A_52 : i32
      %scan3A_54 = arith.constant 1 : i32
      scf.for %scan3A_56 = %scan3A_51 to %scan3A_53 step %scan3A_54  : i32 {
        %mul3A_57 = arith.constant 1 : i32
        %mul3A_58 = arith.muli %scan3A_56, %mul3A_57 : i32
        %add3A_59 = arith.constant 0 : i32
        %add3A_60 = arith.addi %add3A_59, %mul3A_58 : i32
        %broadcast_in_dim3A = arith.constant 0.000000e+00 : f32
        %broadcast_in_dim3A_61 = vector.broadcast %broadcast_in_dim3A : f32 to vector<16xf32>
        %mul3A_62 = arith.constant 16 : i32
        %mul3A_63 = arith.muli %add3A_60, %mul3A_62 : i32
        %swap3A = arith.index_cast %add3A_50 : i32 to index
        %swap3A_64 = arith.index_cast %mul3A_63 : i32 to index
        %swap3A_65 = tpu.vector_load %arg9[%swap3A, %swap3A_64] {strides = array<i32>} : memref<96x128xf32, #tpu.memory_space<vmem>>, vector<1x16xf32>,
        %swap3A_66 = vector.shape_cast %swap3A_65 : vector<1x16xf32> to vector<16xf32>
        %swap3A_67 = vector.shape_cast %broadcast_in_dim3A_61 : vector<16xf32> to vector<1x16xf32>
        tpu.vector_store %arg9[%swap3A, %swap3A_64], %swap3A_67 {strides = array<i32>} : memref<96x128xf32, #tpu.memory_space<vmem>>, vector<1x16xf32>,
      }
      %scan3A_55 = arith.constant 8 : i32
    }
    %scan3A_3 = arith.constant 64 : i32
    %scan3A_4 = arith.constant 0 : i32
    %scan3A_5 = arith.constant 10 : i32
    %scan3A_6 = arith.addi %scan3A_4, %scan3A_5 : i32
    %scan3A_7 = arith.constant 1 : i32
    scf.for %scan3A_46 = %scan3A_4 to %scan3A_6 step %scan3A_7  : i32 {
      %mul3A_47 = arith.constant 1 : i32
      %mul3A_48 = arith.muli %scan3A_46, %mul3A_47 : i32
      %add3A_49 = arith.constant 0 : i32
      %add3A_50 = arith.addi %add3A_49, %mul3A_48 : i32
      %mul3A_51 = arith.constant 640 : i32
      %mul3A_52 = arith.muli %arg1, %mul3A_51 : i32
      %mul3A_53 = arith.constant 64 : i32
      %mul3A_54 = arith.muli %add3A_50, %mul3A_53 : i32
      %add3A_55 = arith.addi %mul3A_52, %mul3A_54 : i32
      "tpu.region"() ({
        %run_scoped3A = tpu.sem_alloc : memref<!tpu.dma_semaphore, #tpu.memory_space<semaphore_mem>>
        %dma_start3A_56 = arith.constant 0 : i32
        %dma_start3A_57 = arith.constant 0 : i32
        %dma_start3A_58 = tpu.memref_slice %arg9[%dma_start3A_56, %dma_start3A_57] : memref<96x128xf32, #tpu.memory_space<vmem>> -> memref<64x128xf32, #tpu.memory_space<vmem>>
        %dma_start3A_59 = arith.constant 0 : i32
        %dma_start3A_60 = tpu.memref_slice %arg6[%add3A_55, %dma_start3A_59] : memref<10240x128xf32, #tpu.memory_space<vmem_shared>> -> memref<64x128xf32, #tpu.memory_space<vmem_shared>>
        %dma_start3A_61 = arith.constant 0 : i32
        %dma_start3A_62 = tpu.memref_slice %arg6[%add3A_55, %dma_start3A_61] : memref<10240x128xf32, #tpu.memory_space<vmem_shared>> -> memref<64x128xf32, #tpu.memory_space<vmem_shared>>
        %dma_start3A_63 = arith.constant 0 : i32
        %dma_start3A_64 = arith.constant 0 : i32
        %dma_start3A_65 = tpu.memref_slice %arg9[%dma_start3A_63, %dma_start3A_64] : memref<96x128xf32, #tpu.memory_space<vmem>> -> memref<64x128xf32, #tpu.memory_space<vmem>>
        tpu.enqueue_dma source(%dma_start3A_65 : memref<64x128xf32, #tpu.memory_space<vmem>>) target(%dma_start3A_62 : memref<64x128xf32, #tpu.memory_space<vmem_shared>>) target_semaphore(%run_scoped3A : memref<!tpu.dma_semaphore, #tpu.memory_space<semaphore_mem>>)
        %dma_wait3A = arith.constant 0 : i32
        %dma_wait3A_66 = arith.constant 0 : i32
        %dma_wait3A_67 = tpu.memref_slice %arg9[%dma_wait3A, %dma_wait3A_66] : memref<96x128xf32, #tpu.memory_space<vmem>> -> memref<64x128xf32, #tpu.memory_space<vmem>>
        %dma_wait3A_68 = arith.constant 0 : i32
        %dma_wait3A_69 = tpu.memref_slice %arg6[%add3A_55, %dma_wait3A_68] : memref<10240x128xf32, #tpu.memory_space<vmem_shared>> -> memref<64x128xf32, #tpu.memory_space<vmem_shared>>
        %dma_wait3A_70 = arith.constant 0 : i32
        %dma_wait3A_71 = tpu.memref_slice %arg6[%add3A_55, %dma_wait3A_70] : memref<10240x128xf32, #tpu.memory_space<vmem_shared>> -> memref<64x128xf32, #tpu.memory_space<vmem_shared>>
        %dma_wait3A_72 = arith.constant 0 : i32
        %dma_wait3A_73 = arith.constant 0 : i32
        %dma_wait3A_74 = tpu.memref_slice %arg9[%dma_wait3A_72, %dma_wait3A_73] : memref<96x128xf32, #tpu.memory_space<vmem>> -> memref<64x128xf32, #tpu.memory_space<vmem>>
        tpu.wait_dma2 semaphore(%run_scoped3A : memref<!tpu.dma_semaphore, #tpu.memory_space<semaphore_mem>>) src(%dma_wait3A_74 : memref<64x128xf32, #tpu.memory_space<vmem>>) dst(%dma_wait3A_71 : memref<64x128xf32, #tpu.memory_space<vmem_shared>>)
        tpu.yield
      }) : () -> ()
    }
    %scan3A_8 = arith.constant 10 : i32
    %barrier3A = arith.constant 0 : index
    tpu.barrier barrier_id(%barrier3A)
    %mul3A = arith.constant 2 : i32
    %mul3A_9 = arith.muli %mul3A, %arg1 : i32
    %add3A = arith.constant 0 : i32
    %add3A_10 = arith.addi %mul3A_9, %add3A : i32
    "tpu.region"() ({
      %run_scoped3A = tpu.sem_alloc : memref<!tpu.dma_semaphore, #tpu.memory_space<semaphore_mem>>
      %dma_start3A_46 = arith.constant 0 : i32
      %dma_start3A_47 = arith.constant 0 : i32
      %dma_start3A_48 = tpu.memref_slice %arg3[%arg0, %add3A_10, %dma_start3A_46, %dma_start3A_47] : memref<2x32x56x96xi32, #tpu.memory_space<hbm>> -> memref<1x1x56x96xi32, #tpu.memory_space<hbm>>
      %dma_start3A_49 = tpu.memref_squeeze %dma_start3A_48 : memref<1x1x56x96xi32, #tpu.memory_space<hbm>> -> memref<56x96xi32, #tpu.memory_space<hbm>>
      %dma_start3A_50 = arith.constant 0 : i32
      %dma_start3A_51 = arith.constant 0 : i32
      %dma_start3A_52 = tpu.memref_slice %arg3[%arg0, %add3A_10, %dma_start3A_50, %dma_start3A_51] : memref<2x32x56x96xi32, #tpu.memory_space<hbm>> -> memref<1x1x56x96xi32, #tpu.memory_space<hbm>>
      %dma_start3A_53 = tpu.memref_squeeze %dma_start3A_52 : memref<1x1x56x96xi32, #tpu.memory_space<hbm>> -> memref<56x96xi32, #tpu.memory_space<hbm>>
      tpu.enqueue_dma source(%dma_start3A_53 : memref<56x96xi32, #tpu.memory_space<hbm>>) target(%arg7 : memref<56x96xi32, #tpu.memory_space<vmem>>) target_semaphore(%run_scoped3A : memref<!tpu.dma_semaphore, #tpu.memory_space<semaphore_mem>>)
      %dma_wait3A = arith.constant 0 : i32
      %dma_wait3A_54 = arith.constant 0 : i32
      %dma_wait3A_55 = tpu.memref_slice %arg3[%arg0, %add3A_10, %dma_wait3A, %dma_wait3A_54] : memref<2x32x56x96xi32, #tpu.memory_space<hbm>> -> memref<1x1x56x96xi32, #tpu.memory_space<hbm>>
      %dma_wait3A_56 = tpu.memref_squeeze %dma_wait3A_55 : memref<1x1x56x96xi32, #tpu.memory_space<hbm>> -> memref<56x96xi32, #tpu.memory_space<hbm>>
      %dma_wait3A_57 = arith.constant 0 : i32
      %dma_wait3A_58 = arith.constant 0 : i32
      %dma_wait3A_59 = tpu.memref_slice %arg3[%arg0, %add3A_10, %dma_wait3A_57, %dma_wait3A_58] : memref<2x32x56x96xi32, #tpu.memory_space<hbm>> -> memref<1x1x56x96xi32, #tpu.memory_space<hbm>>
      %dma_wait3A_60 = tpu.memref_squeeze %dma_wait3A_59 : memref<1x1x56x96xi32, #tpu.memory_space<hbm>> -> memref<56x96xi32, #tpu.memory_space<hbm>>
      tpu.wait_dma2 semaphore(%run_scoped3A : memref<!tpu.dma_semaphore, #tpu.memory_space<semaphore_mem>>) src(%dma_wait3A_60 : memref<56x96xi32, #tpu.memory_space<hbm>>) dst(%arg7 : memref<56x96xi32, #tpu.memory_space<vmem>>)
      tpu.yield
    }) : () -> ()
    %dma_start3A = arith.constant 0 : i32
    %dma_start3A_11 = arith.constant 0 : i32
    %dma_start3A_12 = tpu.memref_slice %arg7[%dma_start3A, %dma_start3A_11] : memref<56x96xi32, #tpu.memory_space<vmem>> -> memref<1x96xi32, #tpu.memory_space<vmem>>
    %dma_start3A_13 = tpu.memref_squeeze %dma_start3A_12 : memref<1x96xi32, #tpu.memory_space<vmem>> -> memref<96xi32, #tpu.memory_space<vmem>>
    %dma_start3A_14 = arith.constant 0 : i32
    %dma_start3A_15 = arith.constant 0 : i32
    %dma_start3A_16 = tpu.memref_slice %arg2[%dma_start3A_14, %dma_start3A_15] : memref<20000x128xf32, #tpu.memory_space<hbm>> -> memref<20000x128xf32, #tpu.memory_space<hbm>>
    tpu.enqueue_indirect_dma source(%dma_start3A_16 : memref<20000x128xf32, #tpu.memory_space<hbm>>) target(%arg9 : memref<96x128xf32, #tpu.memory_space<vmem>>) offsets(%dma_start3A_13 : memref<96xi32, #tpu.memory_space<vmem>>) semaphore(%arg11 : memref<!tpu.dma_semaphore, #tpu.memory_space<semaphore_mem>>)
    %scan3A_17 = arith.constant 0 : i32
    %scan3A_18 = arith.constant 28 : i32
    %scan3A_19 = arith.addi %scan3A_17, %scan3A_18 : i32
    %scan3A_20 = arith.constant 1 : i32
    scf.for %scan3A_46 = %scan3A_17 to %scan3A_19 step %scan3A_20  : i32 {
      %mul3A_47 = arith.constant 1 : i32
      %mul3A_48 = arith.muli %scan3A_46, %mul3A_47 : i32
      %add3A_49 = arith.constant 0 : i32
      %add3A_50 = arith.addi %add3A_49, %mul3A_48 : i32
      %mul3A_51 = arith.constant 2 : i32
      %mul3A_52 = arith.muli %mul3A_51, %add3A_50 : i32
      %dma_wait3A = arith.constant 0 : i32
      %dma_wait3A_53 = tpu.memref_slice %arg7[%mul3A_52, %dma_wait3A] : memref<56x96xi32, #tpu.memory_space<vmem>> -> memref<1x96xi32, #tpu.memory_space<vmem>>
      %dma_wait3A_54 = tpu.memref_squeeze %dma_wait3A_53 : memref<1x96xi32, #tpu.memory_space<vmem>> -> memref<96xi32, #tpu.memory_space<vmem>>
      %dma_wait3A_55 = arith.constant 0 : i32
      %dma_wait3A_56 = arith.constant 0 : i32
      %dma_wait3A_57 = tpu.memref_slice %arg2[%dma_wait3A_55, %dma_wait3A_56] : memref<20000x128xf32, #tpu.memory_space<hbm>> -> memref<20000x128xf32, #tpu.memory_space<hbm>>
      tpu.wait_indirect_dma semaphore(%arg11 : memref<!tpu.dma_semaphore, #tpu.memory_space<semaphore_mem>>) src(%dma_wait3A_57 : memref<20000x128xf32, #tpu.memory_space<hbm>>) dst(%arg9 : memref<96x128xf32, #tpu.memory_space<vmem>>)
      %add3A_58 = arith.constant 1 : i32
      %add3A_59 = arith.addi %mul3A_52, %add3A_58 : i32
      %dma_start3A_60 = arith.constant 0 : i32
      %dma_start3A_61 = tpu.memref_slice %arg7[%add3A_59, %dma_start3A_60] : memref<56x96xi32, #tpu.memory_space<vmem>> -> memref<1x96xi32, #tpu.memory_space<vmem>>
      %dma_start3A_62 = tpu.memref_squeeze %dma_start3A_61 : memref<1x96xi32, #tpu.memory_space<vmem>> -> memref<96xi32, #tpu.memory_space<vmem>>
      %dma_start3A_63 = arith.constant 0 : i32
      %dma_start3A_64 = arith.constant 0 : i32
      %dma_start3A_65 = tpu.memref_slice %arg2[%dma_start3A_63, %dma_start3A_64] : memref<20000x128xf32, #tpu.memory_space<hbm>> -> memref<20000x128xf32, #tpu.memory_space<hbm>>
      tpu.enqueue_indirect_dma source(%dma_start3A_65 : memref<20000x128xf32, #tpu.memory_space<hbm>>) target(%arg10 : memref<96x128xf32, #tpu.memory_space<vmem>>) offsets(%dma_start3A_62 : memref<96xi32, #tpu.memory_space<vmem>>) semaphore(%arg12 : memref<!tpu.dma_semaphore, #tpu.memory_space<semaphore_mem>>)
      %add3A_66 = arith.constant 0 : i32
      %add3A_67 = arith.addi %add3A_66, %mul3A_52 : i32
      "tpu.region"() ({
        %run_scoped3A = tpu.sem_alloc : memref<!tpu.dma_semaphore, #tpu.memory_space<semaphore_mem>>
        %dma_start3A_87 = arith.constant 0 : i32
        %dma_start3A_88 = tpu.memref_slice %arg8[%add3A_67, %dma_start3A_87] : memref<112x96xi32, #tpu.memory_space<vmem>> -> memref<1x96xi32, #tpu.memory_space<vmem>>
        %dma_start3A_89 = tpu.memref_squeeze %dma_start3A_88 : memref<1x96xi32, #tpu.memory_space<vmem>> -> memref<96xi32, #tpu.memory_space<vmem>>
        %dma_start3A_90 = arith.constant 0 : i32
        %dma_start3A_91 = arith.constant 0 : i32
        %dma_start3A_92 = tpu.memref_slice %arg6[%dma_start3A_90, %dma_start3A_91] : memref<10240x128xf32, #tpu.memory_space<vmem_shared>> -> memref<10240x128xf32, #tpu.memory_space<vmem_shared>>
        tpu.enqueue_indirect_dma source(%arg9 : memref<96x128xf32, #tpu.memory_space<vmem>>) target(%dma_start3A_92 : memref<10240x128xf32, #tpu.memory_space<vmem_shared>>) offsets(%dma_start3A_89 : memref<96xi32, #tpu.memory_space<vmem>>) semaphore(%run_scoped3A : memref<!tpu.dma_semaphore, #tpu.memory_space<semaphore_mem>>) {add = true}
        %dma_wait3A_93 = arith.constant 0 : i32
        %dma_wait3A_94 = tpu.memref_slice %arg8[%add3A_67, %dma_wait3A_93] : memref<112x96xi32, #tpu.memory_space<vmem>> -> memref<1x96xi32, #tpu.memory_space<vmem>>
        %dma_wait3A_95 = tpu.memref_squeeze %dma_wait3A_94 : memref<1x96xi32, #tpu.memory_space<vmem>> -> memref<96xi32, #tpu.memory_space<vmem>>
        %dma_wait3A_96 = arith.constant 0 : i32
        %dma_wait3A_97 = arith.constant 0 : i32
        %dma_wait3A_98 = tpu.memref_slice %arg6[%dma_wait3A_96, %dma_wait3A_97] : memref<10240x128xf32, #tpu.memory_space<vmem_shared>> -> memref<10240x128xf32, #tpu.memory_space<vmem_shared>>
        tpu.wait_indirect_dma semaphore(%run_scoped3A : memref<!tpu.dma_semaphore, #tpu.memory_space<semaphore_mem>>) src(%arg9 : memref<96x128xf32, #tpu.memory_space<vmem>>) dst(%dma_wait3A_98 : memref<10240x128xf32, #tpu.memory_space<vmem_shared>>)
        tpu.yield
      }) : () -> ()
      %add3A_68 = arith.constant 1 : i32
      %add3A_69 = arith.addi %mul3A_52, %add3A_68 : i32
      %dma_wait3A_70 = arith.constant 0 : i32
      %dma_wait3A_71 = tpu.memref_slice %arg7[%add3A_69, %dma_wait3A_70] : memref<56x96xi32, #tpu.memory_space<vmem>> -> memref<1x96xi32, #tpu.memory_space<vmem>>
      %dma_wait3A_72 = tpu.memref_squeeze %dma_wait3A_71 : memref<1x96xi32, #tpu.memory_space<vmem>> -> memref<96xi32, #tpu.memory_space<vmem>>
      %dma_wait3A_73 = arith.constant 0 : i32
      %dma_wait3A_74 = arith.constant 0 : i32
      %dma_wait3A_75 = tpu.memref_slice %arg2[%dma_wait3A_73, %dma_wait3A_74] : memref<20000x128xf32, #tpu.memory_space<hbm>> -> memref<20000x128xf32, #tpu.memory_space<hbm>>
      tpu.wait_indirect_dma semaphore(%arg12 : memref<!tpu.dma_semaphore, #tpu.memory_space<semaphore_mem>>) src(%dma_wait3A_75 : memref<20000x128xf32, #tpu.memory_space<hbm>>) dst(%arg10 : memref<96x128xf32, #tpu.memory_space<vmem>>)
      %add3A_76 = arith.constant 1 : i32
      %add3A_77 = arith.addi %add3A_50, %add3A_76 : i32
      %lt3A_78 = arith.constant 28 : i32
      %lt3A_79 = arith.cmpi slt, %add3A_77, %lt3A_78 : i32
      %convert_element_type3A_80 = arith.extui %lt3A_79 : i1 to i32
      %cond3A_81 = arith.constant 0 : i32
      %cond3A_82 = arith.cmpi ne, %convert_element_type3A_80, %cond3A_81 : i32
      scf.if %cond3A_82 {
        %add3A_87 = arith.constant 2 : i32
        %add3A_88 = arith.addi %mul3A_52, %add3A_87 : i32
        %dma_start3A_89 = arith.constant 0 : i32
        %dma_start3A_90 = tpu.memref_slice %arg7[%add3A_88, %dma_start3A_89] : memref<56x96xi32, #tpu.memory_space<vmem>> -> memref<1x96xi32, #tpu.memory_space<vmem>>
        %dma_start3A_91 = tpu.memref_squeeze %dma_start3A_90 : memref<1x96xi32, #tpu.memory_space<vmem>> -> memref<96xi32, #tpu.memory_space<vmem>>
        %dma_start3A_92 = arith.constant 0 : i32
        %dma_start3A_93 = arith.constant 0 : i32
        %dma_start3A_94 = tpu.memref_slice %arg2[%dma_start3A_92, %dma_start3A_93] : memref<20000x128xf32, #tpu.memory_space<hbm>> -> memref<20000x128xf32, #tpu.memory_space<hbm>>
        tpu.enqueue_indirect_dma source(%dma_start3A_94 : memref<20000x128xf32, #tpu.memory_space<hbm>>) target(%arg9 : memref<96x128xf32, #tpu.memory_space<vmem>>) offsets(%dma_start3A_91 : memref<96xi32, #tpu.memory_space<vmem>>) semaphore(%arg11 : memref<!tpu.dma_semaphore, #tpu.memory_space<semaphore_mem>>)
      } else {
      }
      %add3A_83 = arith.constant 0 : i32
      %add3A_84 = arith.addi %add3A_83, %mul3A_52 : i32
      %add3A_85 = arith.constant 1 : i32
      %add3A_86 = arith.addi %add3A_84, %add3A_85 : i32
      "tpu.region"() ({
        %run_scoped3A = tpu.sem_alloc : memref<!tpu.dma_semaphore, #tpu.memory_space<semaphore_mem>>
        %dma_start3A_87 = arith.constant 0 : i32
        %dma_start3A_88 = tpu.memref_slice %arg8[%add3A_86, %dma_start3A_87] : memref<112x96xi32, #tpu.memory_space<vmem>> -> memref<1x96xi32, #tpu.memory_space<vmem>>
        %dma_start3A_89 = tpu.memref_squeeze %dma_start3A_88 : memref<1x96xi32, #tpu.memory_space<vmem>> -> memref<96xi32, #tpu.memory_space<vmem>>
        %dma_start3A_90 = arith.constant 0 : i32
        %dma_start3A_91 = arith.constant 0 : i32
        %dma_start3A_92 = tpu.memref_slice %arg6[%dma_start3A_90, %dma_start3A_91] : memref<10240x128xf32, #tpu.memory_space<vmem_shared>> -> memref<10240x128xf32, #tpu.memory_space<vmem_shared>>
        tpu.enqueue_indirect_dma source(%arg10 : memref<96x128xf32, #tpu.memory_space<vmem>>) target(%dma_start3A_92 : memref<10240x128xf32, #tpu.memory_space<vmem_shared>>) offsets(%dma_start3A_89 : memref<96xi32, #tpu.memory_space<vmem>>) semaphore(%run_scoped3A : memref<!tpu.dma_semaphore, #tpu.memory_space<semaphore_mem>>) {add = true}
        %dma_wait3A_93 = arith.constant 0 : i32
        %dma_wait3A_94 = tpu.memref_slice %arg8[%add3A_86, %dma_wait3A_93] : memref<112x96xi32, #tpu.memory_space<vmem>> -> memref<1x96xi32, #tpu.memory_space<vmem>>
        %dma_wait3A_95 = tpu.memref_squeeze %dma_wait3A_94 : memref<1x96xi32, #tpu.memory_space<vmem>> -> memref<96xi32, #tpu.memory_space<vmem>>
        %dma_wait3A_96 = arith.constant 0 : i32
        %dma_wait3A_97 = arith.constant 0 : i32
        %dma_wait3A_98 = tpu.memref_slice %arg6[%dma_wait3A_96, %dma_wait3A_97] : memref<10240x128xf32, #tpu.memory_space<vmem_shared>> -> memref<10240x128xf32, #tpu.memory_space<vmem_shared>>
        tpu.wait_indirect_dma semaphore(%run_scoped3A : memref<!tpu.dma_semaphore, #tpu.memory_space<semaphore_mem>>) src(%arg10 : memref<96x128xf32, #tpu.memory_space<vmem>>) dst(%dma_wait3A_98 : memref<10240x128xf32, #tpu.memory_space<vmem_shared>>)
        tpu.yield
      }) : () -> ()
    }
    %scan3A_21 = arith.constant 28 : i32
    %mul3A_22 = arith.constant 2 : i32
    %mul3A_23 = arith.muli %mul3A_22, %arg1 : i32
    %add3A_24 = arith.constant 1 : i32
    %add3A_25 = arith.addi %mul3A_23, %add3A_24 : i32
    "tpu.region"() ({
      %run_scoped3A = tpu.sem_alloc : memref<!tpu.dma_semaphore, #tpu.memory_space<semaphore_mem>>
      %dma_start3A_46 = arith.constant 0 : i32
      %dma_start3A_47 = arith.constant 0 : i32
      %dma_start3A_48 = tpu.memref_slice %arg3[%arg0, %add3A_25, %dma_start3A_46, %dma_start3A_47] : memref<2x32x56x96xi32, #tpu.memory_space<hbm>> -> memref<1x1x56x96xi32, #tpu.memory_space<hbm>>
      %dma_start3A_49 = tpu.memref_squeeze %dma_start3A_48 : memref<1x1x56x96xi32, #tpu.memory_space<hbm>> -> memref<56x96xi32, #tpu.memory_space<hbm>>
      %dma_start3A_50 = arith.constant 0 : i32
      %dma_start3A_51 = arith.constant 0 : i32
      %dma_start3A_52 = tpu.memref_slice %arg3[%arg0, %add3A_25, %dma_start3A_50, %dma_start3A_51] : memref<2x32x56x96xi32, #tpu.memory_space<hbm>> -> memref<1x1x56x96xi32, #tpu.memory_space<hbm>>
      %dma_start3A_53 = tpu.memref_squeeze %dma_start3A_52 : memref<1x1x56x96xi32, #tpu.memory_space<hbm>> -> memref<56x96xi32, #tpu.memory_space<hbm>>
      tpu.enqueue_dma source(%dma_start3A_53 : memref<56x96xi32, #tpu.memory_space<hbm>>) target(%arg7 : memref<56x96xi32, #tpu.memory_space<vmem>>) target_semaphore(%run_scoped3A : memref<!tpu.dma_semaphore, #tpu.memory_space<semaphore_mem>>)
      %dma_wait3A = arith.constant 0 : i32
      %dma_wait3A_54 = arith.constant 0 : i32
      %dma_wait3A_55 = tpu.memref_slice %arg3[%arg0, %add3A_25, %dma_wait3A, %dma_wait3A_54] : memref<2x32x56x96xi32, #tpu.memory_space<hbm>> -> memref<1x1x56x96xi32, #tpu.memory_space<hbm>>
      %dma_wait3A_56 = tpu.memref_squeeze %dma_wait3A_55 : memref<1x1x56x96xi32, #tpu.memory_space<hbm>> -> memref<56x96xi32, #tpu.memory_space<hbm>>
      %dma_wait3A_57 = arith.constant 0 : i32
      %dma_wait3A_58 = arith.constant 0 : i32
      %dma_wait3A_59 = tpu.memref_slice %arg3[%arg0, %add3A_25, %dma_wait3A_57, %dma_wait3A_58] : memref<2x32x56x96xi32, #tpu.memory_space<hbm>> -> memref<1x1x56x96xi32, #tpu.memory_space<hbm>>
      %dma_wait3A_60 = tpu.memref_squeeze %dma_wait3A_59 : memref<1x1x56x96xi32, #tpu.memory_space<hbm>> -> memref<56x96xi32, #tpu.memory_space<hbm>>
      tpu.wait_dma2 semaphore(%run_scoped3A : memref<!tpu.dma_semaphore, #tpu.memory_space<semaphore_mem>>) src(%dma_wait3A_60 : memref<56x96xi32, #tpu.memory_space<hbm>>) dst(%arg7 : memref<56x96xi32, #tpu.memory_space<vmem>>)
      tpu.yield
    }) : () -> ()
    %dma_start3A_26 = arith.constant 0 : i32
    %dma_start3A_27 = arith.constant 0 : i32
    %dma_start3A_28 = tpu.memref_slice %arg7[%dma_start3A_26, %dma_start3A_27] : memref<56x96xi32, #tpu.memory_space<vmem>> -> memref<1x96xi32, #tpu.memory_space<vmem>>
    %dma_start3A_29 = tpu.memref_squeeze %dma_start3A_28 : memref<1x96xi32, #tpu.memory_space<vmem>> -> memref<96xi32, #tpu.memory_space<vmem>>
    %dma_start3A_30 = arith.constant 0 : i32
    %dma_start3A_31 = arith.constant 0 : i32
    %dma_start3A_32 = tpu.memref_slice %arg2[%dma_start3A_30, %dma_start3A_31] : memref<20000x128xf32, #tpu.memory_space<hbm>> -> memref<20000x128xf32, #tpu.memory_space<hbm>>
    tpu.enqueue_indirect_dma source(%dma_start3A_32 : memref<20000x128xf32, #tpu.memory_space<hbm>>) target(%arg9 : memref<96x128xf32, #tpu.memory_space<vmem>>) offsets(%dma_start3A_29 : memref<96xi32, #tpu.memory_space<vmem>>) semaphore(%arg11 : memref<!tpu.dma_semaphore, #tpu.memory_space<semaphore_mem>>)
    %scan3A_33 = arith.constant 0 : i32
    %scan3A_34 = arith.constant 28 : i32
    %scan3A_35 = arith.addi %scan3A_33, %scan3A_34 : i32
    %scan3A_36 = arith.constant 1 : i32
    scf.for %scan3A_46 = %scan3A_33 to %scan3A_35 step %scan3A_36  : i32 {
      %mul3A_47 = arith.constant 1 : i32
      %mul3A_48 = arith.muli %scan3A_46, %mul3A_47 : i32
      %add3A_49 = arith.constant 0 : i32
      %add3A_50 = arith.addi %add3A_49, %mul3A_48 : i32
      %mul3A_51 = arith.constant 2 : i32
      %mul3A_52 = arith.muli %mul3A_51, %add3A_50 : i32
      %dma_wait3A = arith.constant 0 : i32
      %dma_wait3A_53 = tpu.memref_slice %arg7[%mul3A_52, %dma_wait3A] : memref<56x96xi32, #tpu.memory_space<vmem>> -> memref<1x96xi32, #tpu.memory_space<vmem>>
      %dma_wait3A_54 = tpu.memref_squeeze %dma_wait3A_53 : memref<1x96xi32, #tpu.memory_space<vmem>> -> memref<96xi32, #tpu.memory_space<vmem>>
      %dma_wait3A_55 = arith.constant 0 : i32
      %dma_wait3A_56 = arith.constant 0 : i32
      %dma_wait3A_57 = tpu.memref_slice %arg2[%dma_wait3A_55, %dma_wait3A_56] : memref<20000x128xf32, #tpu.memory_space<hbm>> -> memref<20000x128xf32, #tpu.memory_space<hbm>>
      tpu.wait_indirect_dma semaphore(%arg11 : memref<!tpu.dma_semaphore, #tpu.memory_space<semaphore_mem>>) src(%dma_wait3A_57 : memref<20000x128xf32, #tpu.memory_space<hbm>>) dst(%arg9 : memref<96x128xf32, #tpu.memory_space<vmem>>)
      %add3A_58 = arith.constant 1 : i32
      %add3A_59 = arith.addi %mul3A_52, %add3A_58 : i32
      %dma_start3A_60 = arith.constant 0 : i32
      %dma_start3A_61 = tpu.memref_slice %arg7[%add3A_59, %dma_start3A_60] : memref<56x96xi32, #tpu.memory_space<vmem>> -> memref<1x96xi32, #tpu.memory_space<vmem>>
      %dma_start3A_62 = tpu.memref_squeeze %dma_start3A_61 : memref<1x96xi32, #tpu.memory_space<vmem>> -> memref<96xi32, #tpu.memory_space<vmem>>
      %dma_start3A_63 = arith.constant 0 : i32
      %dma_start3A_64 = arith.constant 0 : i32
      %dma_start3A_65 = tpu.memref_slice %arg2[%dma_start3A_63, %dma_start3A_64] : memref<20000x128xf32, #tpu.memory_space<hbm>> -> memref<20000x128xf32, #tpu.memory_space<hbm>>
      tpu.enqueue_indirect_dma source(%dma_start3A_65 : memref<20000x128xf32, #tpu.memory_space<hbm>>) target(%arg10 : memref<96x128xf32, #tpu.memory_space<vmem>>) offsets(%dma_start3A_62 : memref<96xi32, #tpu.memory_space<vmem>>) semaphore(%arg12 : memref<!tpu.dma_semaphore, #tpu.memory_space<semaphore_mem>>)
      %add3A_66 = arith.constant 56 : i32
      %add3A_67 = arith.addi %add3A_66, %mul3A_52 : i32
      "tpu.region"() ({
        %run_scoped3A = tpu.sem_alloc : memref<!tpu.dma_semaphore, #tpu.memory_space<semaphore_mem>>
        %dma_start3A_87 = arith.constant 0 : i32
        %dma_start3A_88 = tpu.memref_slice %arg8[%add3A_67, %dma_start3A_87] : memref<112x96xi32, #tpu.memory_space<vmem>> -> memref<1x96xi32, #tpu.memory_space<vmem>>
        %dma_start3A_89 = tpu.memref_squeeze %dma_start3A_88 : memref<1x96xi32, #tpu.memory_space<vmem>> -> memref<96xi32, #tpu.memory_space<vmem>>
        %dma_start3A_90 = arith.constant 0 : i32
        %dma_start3A_91 = arith.constant 0 : i32
        %dma_start3A_92 = tpu.memref_slice %arg6[%dma_start3A_90, %dma_start3A_91] : memref<10240x128xf32, #tpu.memory_space<vmem_shared>> -> memref<10240x128xf32, #tpu.memory_space<vmem_shared>>
        tpu.enqueue_indirect_dma source(%arg9 : memref<96x128xf32, #tpu.memory_space<vmem>>) target(%dma_start3A_92 : memref<10240x128xf32, #tpu.memory_space<vmem_shared>>) offsets(%dma_start3A_89 : memref<96xi32, #tpu.memory_space<vmem>>) semaphore(%run_scoped3A : memref<!tpu.dma_semaphore, #tpu.memory_space<semaphore_mem>>) {add = true}
        %dma_wait3A_93 = arith.constant 0 : i32
        %dma_wait3A_94 = tpu.memref_slice %arg8[%add3A_67, %dma_wait3A_93] : memref<112x96xi32, #tpu.memory_space<vmem>> -> memref<1x96xi32, #tpu.memory_space<vmem>>
        %dma_wait3A_95 = tpu.memref_squeeze %dma_wait3A_94 : memref<1x96xi32, #tpu.memory_space<vmem>> -> memref<96xi32, #tpu.memory_space<vmem>>
        %dma_wait3A_96 = arith.constant 0 : i32
        %dma_wait3A_97 = arith.constant 0 : i32
        %dma_wait3A_98 = tpu.memref_slice %arg6[%dma_wait3A_96, %dma_wait3A_97] : memref<10240x128xf32, #tpu.memory_space<vmem_shared>> -> memref<10240x128xf32, #tpu.memory_space<vmem_shared>>
        tpu.wait_indirect_dma semaphore(%run_scoped3A : memref<!tpu.dma_semaphore, #tpu.memory_space<semaphore_mem>>) src(%arg9 : memref<96x128xf32, #tpu.memory_space<vmem>>) dst(%dma_wait3A_98 : memref<10240x128xf32, #tpu.memory_space<vmem_shared>>)
        tpu.yield
      }) : () -> ()
      %add3A_68 = arith.constant 1 : i32
      %add3A_69 = arith.addi %mul3A_52, %add3A_68 : i32
      %dma_wait3A_70 = arith.constant 0 : i32
      %dma_wait3A_71 = tpu.memref_slice %arg7[%add3A_69, %dma_wait3A_70] : memref<56x96xi32, #tpu.memory_space<vmem>> -> memref<1x96xi32, #tpu.memory_space<vmem>>
      %dma_wait3A_72 = tpu.memref_squeeze %dma_wait3A_71 : memref<1x96xi32, #tpu.memory_space<vmem>> -> memref<96xi32, #tpu.memory_space<vmem>>
      %dma_wait3A_73 = arith.constant 0 : i32
      %dma_wait3A_74 = arith.constant 0 : i32
      %dma_wait3A_75 = tpu.memref_slice %arg2[%dma_wait3A_73, %dma_wait3A_74] : memref<20000x128xf32, #tpu.memory_space<hbm>> -> memref<20000x128xf32, #tpu.memory_space<hbm>>
      tpu.wait_indirect_dma semaphore(%arg12 : memref<!tpu.dma_semaphore, #tpu.memory_space<semaphore_mem>>) src(%dma_wait3A_75 : memref<20000x128xf32, #tpu.memory_space<hbm>>) dst(%arg10 : memref<96x128xf32, #tpu.memory_space<vmem>>)
      %add3A_76 = arith.constant 1 : i32
      %add3A_77 = arith.addi %add3A_50, %add3A_76 : i32
      %lt3A_78 = arith.constant 28 : i32
      %lt3A_79 = arith.cmpi slt, %add3A_77, %lt3A_78 : i32
      %convert_element_type3A_80 = arith.extui %lt3A_79 : i1 to i32
      %cond3A_81 = arith.constant 0 : i32
      %cond3A_82 = arith.cmpi ne, %convert_element_type3A_80, %cond3A_81 : i32
      scf.if %cond3A_82 {
        %add3A_87 = arith.constant 2 : i32
        %add3A_88 = arith.addi %mul3A_52, %add3A_87 : i32
        %dma_start3A_89 = arith.constant 0 : i32
        %dma_start3A_90 = tpu.memref_slice %arg7[%add3A_88, %dma_start3A_89] : memref<56x96xi32, #tpu.memory_space<vmem>> -> memref<1x96xi32, #tpu.memory_space<vmem>>
        %dma_start3A_91 = tpu.memref_squeeze %dma_start3A_90 : memref<1x96xi32, #tpu.memory_space<vmem>> -> memref<96xi32, #tpu.memory_space<vmem>>
        %dma_start3A_92 = arith.constant 0 : i32
        %dma_start3A_93 = arith.constant 0 : i32
        %dma_start3A_94 = tpu.memref_slice %arg2[%dma_start3A_92, %dma_start3A_93] : memref<20000x128xf32, #tpu.memory_space<hbm>> -> memref<20000x128xf32, #tpu.memory_space<hbm>>
        tpu.enqueue_indirect_dma source(%dma_start3A_94 : memref<20000x128xf32, #tpu.memory_space<hbm>>) target(%arg9 : memref<96x128xf32, #tpu.memory_space<vmem>>) offsets(%dma_start3A_91 : memref<96xi32, #tpu.memory_space<vmem>>) semaphore(%arg11 : memref<!tpu.dma_semaphore, #tpu.memory_space<semaphore_mem>>)
      } else {
      }
      %add3A_83 = arith.constant 56 : i32
      %add3A_84 = arith.addi %add3A_83, %mul3A_52 : i32
      %add3A_85 = arith.constant 1 : i32
      %add3A_86 = arith.addi %add3A_84, %add3A_85 : i32
      "tpu.region"() ({
        %run_scoped3A = tpu.sem_alloc : memref<!tpu.dma_semaphore, #tpu.memory_space<semaphore_mem>>
        %dma_start3A_87 = arith.constant 0 : i32
        %dma_start3A_88 = tpu.memref_slice %arg8[%add3A_86, %dma_start3A_87] : memref<112x96xi32, #tpu.memory_space<vmem>> -> memref<1x96xi32, #tpu.memory_space<vmem>>
        %dma_start3A_89 = tpu.memref_squeeze %dma_start3A_88 : memref<1x96xi32, #tpu.memory_space<vmem>> -> memref<96xi32, #tpu.memory_space<vmem>>
        %dma_start3A_90 = arith.constant 0 : i32
        %dma_start3A_91 = arith.constant 0 : i32
        %dma_start3A_92 = tpu.memref_slice %arg6[%dma_start3A_90, %dma_start3A_91] : memref<10240x128xf32, #tpu.memory_space<vmem_shared>> -> memref<10240x128xf32, #tpu.memory_space<vmem_shared>>
        tpu.enqueue_indirect_dma source(%arg10 : memref<96x128xf32, #tpu.memory_space<vmem>>) target(%dma_start3A_92 : memref<10240x128xf32, #tpu.memory_space<vmem_shared>>) offsets(%dma_start3A_89 : memref<96xi32, #tpu.memory_space<vmem>>) semaphore(%run_scoped3A : memref<!tpu.dma_semaphore, #tpu.memory_space<semaphore_mem>>) {add = true}
        %dma_wait3A_93 = arith.constant 0 : i32
        %dma_wait3A_94 = tpu.memref_slice %arg8[%add3A_86, %dma_wait3A_93] : memref<112x96xi32, #tpu.memory_space<vmem>> -> memref<1x96xi32, #tpu.memory_space<vmem>>
        %dma_wait3A_95 = tpu.memref_squeeze %dma_wait3A_94 : memref<1x96xi32, #tpu.memory_space<vmem>> -> memref<96xi32, #tpu.memory_space<vmem>>
        %dma_wait3A_96 = arith.constant 0 : i32
        %dma_wait3A_97 = arith.constant 0 : i32
        %dma_wait3A_98 = tpu.memref_slice %arg6[%dma_wait3A_96, %dma_wait3A_97] : memref<10240x128xf32, #tpu.memory_space<vmem_shared>> -> memref<10240x128xf32, #tpu.memory_space<vmem_shared>>
        tpu.wait_indirect_dma semaphore(%run_scoped3A : memref<!tpu.dma_semaphore, #tpu.memory_space<semaphore_mem>>) src(%arg10 : memref<96x128xf32, #tpu.memory_space<vmem>>) dst(%dma_wait3A_98 : memref<10240x128xf32, #tpu.memory_space<vmem_shared>>)
        tpu.yield
      }) : () -> ()
    }
    %scan3A_37 = arith.constant 28 : i32
    %barrier3A_38 = arith.constant 0 : index
    tpu.barrier barrier_id(%barrier3A_38)
    %lt3A = arith.constant 15 : i32
    %lt3A_39 = arith.cmpi slt, %arg1, %lt3A : i32
    %convert_element_type3A = arith.extui %lt3A_39 : i1 to i32
    %cond3A = arith.constant 0 : i32
    %cond3A_40 = arith.cmpi ne, %convert_element_type3A, %cond3A : i32
    scf.if %cond3A_40 {
      %mul3A_46 = arith.constant 640 : i32
      %mul3A_47 = arith.muli %arg1, %mul3A_46 : i32
      %mul3A_48 = arith.constant 10000 : i32
      %mul3A_49 = arith.muli %arg0, %mul3A_48 : i32
      %mul3A_50 = arith.constant 640 : i32
      %mul3A_51 = arith.muli %arg1, %mul3A_50 : i32
      %add3A_52 = arith.addi %mul3A_49, %mul3A_51 : i32
      "tpu.region"() ({
        %run_scoped3A = tpu.sem_alloc : memref<!tpu.dma_semaphore, #tpu.memory_space<semaphore_mem>>
        %dma_start3A_53 = arith.constant 0 : i32
        %dma_start3A_54 = tpu.memref_slice %arg5[%add3A_52, %dma_start3A_53] : memref<20000x128xf32, #tpu.memory_space<hbm>> -> memref<640x128xf32, #tpu.memory_space<hbm>>
        %dma_start3A_55 = arith.constant 0 : i32
        %dma_start3A_56 = tpu.memref_slice %arg6[%mul3A_47, %dma_start3A_55] : memref<10240x128xf32, #tpu.memory_space<vmem_shared>> -> memref<640x128xf32, #tpu.memory_space<vmem_shared>>
        tpu.enqueue_dma source(%dma_start3A_56 : memref<640x128xf32, #tpu.memory_space<vmem_shared>>) target(%dma_start3A_54 : memref<640x128xf32, #tpu.memory_space<hbm>>) target_semaphore(%run_scoped3A : memref<!tpu.dma_semaphore, #tpu.memory_space<semaphore_mem>>)
        %dma_wait3A = arith.constant 0 : i32
        %dma_wait3A_57 = tpu.memref_slice %arg5[%add3A_52, %dma_wait3A] : memref<20000x128xf32, #tpu.memory_space<hbm>> -> memref<640x128xf32, #tpu.memory_space<hbm>>
        %dma_wait3A_58 = arith.constant 0 : i32
        %dma_wait3A_59 = tpu.memref_slice %arg6[%mul3A_47, %dma_wait3A_58] : memref<10240x128xf32, #tpu.memory_space<vmem_shared>> -> memref<640x128xf32, #tpu.memory_space<vmem_shared>>
        tpu.wait_dma2 semaphore(%run_scoped3A : memref<!tpu.dma_semaphore, #tpu.memory_space<semaphore_mem>>) src(%dma_wait3A_59 : memref<640x128xf32, #tpu.memory_space<vmem_shared>>) dst(%dma_wait3A_57 : memref<640x128xf32, #tpu.memory_space<hbm>>)
        tpu.yield
      }) : () -> ()
    } else {
    }
    %eq3A = arith.constant 15 : i32
    %eq3A_41 = arith.cmpi eq, %arg1, %eq3A : i32
    %convert_element_type3A_42 = arith.extui %eq3A_41 : i1 to i32
    %cond3A_43 = arith.constant 0 : i32
    %cond3A_44 = arith.cmpi ne, %convert_element_type3A_42, %cond3A_43 : i32
    scf.if %cond3A_44 {
      %mul3A_46 = arith.constant 10000 : i32
      %mul3A_47 = arith.muli %arg0, %mul3A_46 : i32
      %add3A_48 = arith.constant 9600 : i32
      %add3A_49 = arith.addi %mul3A_47, %add3A_48 : i32
      "tpu.region"() ({
        %run_scoped3A = tpu.sem_alloc : memref<!tpu.dma_semaphore, #tpu.memory_space<semaphore_mem>>
        %dma_start3A_50 = arith.constant 0 : i32
        %dma_start3A_51 = tpu.memref_slice %arg5[%add3A_49, %dma_start3A_50] : memref<20000x128xf32, #tpu.memory_space<hbm>> -> memref<400x128xf32, #tpu.memory_space<hbm>>
        %dma_start3A_52 = arith.constant 9600 : i32
        %dma_start3A_53 = arith.constant 0 : i32
        %dma_start3A_54 = tpu.memref_slice %arg6[%dma_start3A_52, %dma_start3A_53] : memref<10240x128xf32, #tpu.memory_space<vmem_shared>> -> memref<400x128xf32, #tpu.memory_space<vmem_shared>>
        tpu.enqueue_dma source(%dma_start3A_54 : memref<400x128xf32, #tpu.memory_space<vmem_shared>>) target(%dma_start3A_51 : memref<400x128xf32, #tpu.memory_space<hbm>>) target_semaphore(%run_scoped3A : memref<!tpu.dma_semaphore, #tpu.memory_space<semaphore_mem>>)
        %dma_wait3A = arith.constant 0 : i32
        %dma_wait3A_55 = tpu.memref_slice %arg5[%add3A_49, %dma_wait3A] : memref<20000x128xf32, #tpu.memory_space<hbm>> -> memref<400x128xf32, #tpu.memory_space<hbm>>
        %dma_wait3A_56 = arith.constant 9600 : i32
        %dma_wait3A_57 = arith.constant 0 : i32
        %dma_wait3A_58 = tpu.memref_slice %arg6[%dma_wait3A_56, %dma_wait3A_57] : memref<10240x128xf32, #tpu.memory_space<vmem_shared>> -> memref<400x128xf32, #tpu.memory_space<vmem_shared>>
        tpu.wait_dma2 semaphore(%run_scoped3A : memref<!tpu.dma_semaphore, #tpu.memory_space<semaphore_mem>>) src(%dma_wait3A_58 : memref<400x128xf32, #tpu.memory_space<vmem_shared>>) dst(%dma_wait3A_55 : memref<400x128xf32, #tpu.memory_space<hbm>>)
        tpu.yield
      }) : () -> ()
    } else {
    }
    %barrier3A_45 = arith.constant 0 : index
    tpu.barrier barrier_id(%barrier3A_45)
    return
  }
}

module attributes {stable_mosaic.version = 14 : i64} {
  func.func @_dinv_body(%arg0: memref<2x10240x16xf32, #tpu.memory_space<vmem>>, %arg1: memref<10240x1xf32, #tpu.memory_space<vmem>>) attributes {dimension_semantics = [], scalar_prefetch = 0 : i64, scratch_operands = 0 : i64, tpu.core_type = #tpu.core_type<tc>} {
    %get3A = arith.constant 0 : index
    %get3A_0 = arith.constant 0 : index
    %get3A_1 = arith.constant 0 : index
    %get3A_2 = vector.load %arg0[%get3A, %get3A_0, %get3A_1] : memref<2x10240x16xf32, #tpu.memory_space<vmem>>, vector<1x10240x1xf32>
    %get3A_3 = vector.shape_cast %get3A_2 : vector<1x10240x1xf32> to vector<10240x1xf32>
    %get3A_4 = arith.constant 1 : index
    %get3A_5 = arith.constant 0 : index
    %get3A_6 = arith.constant 0 : index
    %get3A_7 = vector.load %arg0[%get3A_4, %get3A_5, %get3A_6] : memref<2x10240x16xf32, #tpu.memory_space<vmem>>, vector<1x10240x1xf32>
    %get3A_8 = vector.shape_cast %get3A_7 : vector<1x10240x1xf32> to vector<10240x1xf32>
    %add3A = arith.addf %get3A_3, %get3A_8 : vector<10240x1xf32>
    %rsqrt3A = math.rsqrt %add3A : vector<10240x1xf32>
    %swap3A = arith.constant 0 : index
    %swap3A_9 = arith.constant 0 : index
    %swap3A_10 = vector.load %arg1[%swap3A, %swap3A_9] : memref<10240x1xf32, #tpu.memory_space<vmem>>, vector<10240x1xf32>
    tpu.vector_store %arg1[%swap3A, %swap3A_9], %rsqrt3A {strides = array<i32>} : memref<10240x1xf32, #tpu.memory_space<vmem>>, vector<10240x1xf32>,
    return
  }
}

module attributes {stable_mosaic.version = 14 : i64} {
  func.func @_mm1_body(%arg0: i32, %arg1: i32, %arg2: memref<400x256xf32, #tpu.memory_space<vmem>>, %arg3: memref<256x128xf32, #tpu.memory_space<vmem>>, %arg4: memref<400x1xf32, #tpu.memory_space<vmem>>, %arg5: memref<1x400x128xf32, #tpu.memory_space<vmem>>) attributes {dimension_semantics = [#tpu.dimension_semantics<arbitrary>, #tpu.dimension_semantics<arbitrary>], iteration_bounds = array<i64: 25, 2>, scalar_prefetch = 0 : i64, scratch_operands = 0 : i64, tpu.core_type = #tpu.core_type<tc>, window_params = [{transform_indices = @transform_0, window_bounds = array<i64: 400, 256>}, {transform_indices = @transform_1, window_bounds = array<i64: 256, 128>}, {transform_indices = @transform_2, window_bounds = array<i64: 400, 1>}, {transform_indices = @transform_3, window_bounds = array<i64: 1, 400, 128>}]} {
    %get3A = arith.constant 0 : index
    %get3A_0 = arith.constant 0 : index
    %get3A_1 = vector.load %arg2[%get3A, %get3A_0] : memref<400x256xf32, #tpu.memory_space<vmem>>, vector<400x256xf32>
    %get3A_2 = arith.constant 0 : index
    %get3A_3 = arith.constant 0 : index
    %get3A_4 = vector.load %arg3[%get3A_2, %get3A_3] : memref<256x128xf32, #tpu.memory_space<vmem>>, vector<256x128xf32>
    %dot_general3A = arith.constant dense<0.000000e+00> : vector<400x128xf32>
    %dot_general3A_5 = tpu.matmul %get3A_1, %get3A_4, %dot_general3A {dimension_numbers = #tpu.dot_dimension_numbers<[1], [0], [0], [1], [0, 0, 1, 1], [], []>, transpose_lhs_hint = false} : vector<400x256xf32>, vector<256x128xf32>, vector<400x128xf32> -> vector<400x128xf32>
    %get3A_6 = arith.constant 0 : index
    %get3A_7 = arith.constant 0 : index
    %get3A_8 = vector.load %arg4[%get3A_6, %get3A_7] : memref<400x1xf32, #tpu.memory_space<vmem>>, vector<400x1xf32>
    %mul3A = vector.broadcast %get3A_8 : vector<400x1xf32> to vector<400x128xf32>
    %mul3A_9 = arith.mulf %dot_general3A_5, %mul3A : vector<400x128xf32>
    %broadcast_in_dim3A = vector.shape_cast %mul3A_9 : vector<400x128xf32> to vector<1x400x128xf32>
    %swap3A = arith.constant 0 : index
    %swap3A_10 = arith.constant 0 : index
    %swap3A_11 = arith.constant 0 : index
    %swap3A_12 = vector.load %arg5[%swap3A, %swap3A_10, %swap3A_11] : memref<1x400x128xf32, #tpu.memory_space<vmem>>, vector<1x400x128xf32>
    tpu.vector_store %arg5[%swap3A, %swap3A_10, %swap3A_11], %broadcast_in_dim3A {strides = array<i32>} : memref<1x400x128xf32, #tpu.memory_space<vmem>>, vector<1x400x128xf32>,
    return
  }
  func.func @transform_0(%arg0: i32, %arg1: i32) -> (i32, i32) {
    %c0_i32 = arith.constant 0 : i32
    %c0_i32_0 = arith.constant 0 : i32
    return %arg0, %c0_i32 : i32, i32
  }
  func.func @transform_1(%arg0: i32, %arg1: i32) -> (i32, i32) {
    %c0_i32 = arith.constant 0 : i32
    %c0_i32_0 = arith.constant 0 : i32
    return %c0_i32, %arg1 : i32, i32
  }
  func.func @transform_2(%arg0: i32, %arg1: i32) -> (i32, i32) {
    %c0_i32 = arith.constant 0 : i32
    %c0_i32_0 = arith.constant 0 : i32
    return %arg0, %c0_i32 : i32, i32
  }
  func.func @transform_3(%arg0: i32, %arg1: i32) -> (i32, i32, i32) {
    %c0_i32 = arith.constant 0 : i32
    %c0_i32_0 = arith.constant 0 : i32
    return %arg1, %arg0, %c0_i32 : i32, i32, i32
  }
}

module attributes {stable_mosaic.version = 14 : i64} {
  func.func @_mmxa_body(%arg0: i32, %arg1: i32, %arg2: memref<2x400x128xf32, #tpu.memory_space<vmem>>, %arg3: memref<256x128xf32, #tpu.memory_space<vmem>>, %arg4: memref<1x256xf32, #tpu.memory_space<vmem>>, %arg5: memref<400x1xf32, #tpu.memory_space<vmem>>, %arg6: memref<1x400x128xf32, #tpu.memory_space<vmem>>) attributes {dimension_semantics = [#tpu.dimension_semantics<arbitrary>, #tpu.dimension_semantics<arbitrary>], iteration_bounds = array<i64: 25, 2>, scalar_prefetch = 0 : i64, scratch_operands = 0 : i64, tpu.core_type = #tpu.core_type<tc>, window_params = [{transform_indices = @transform_0, window_bounds = array<i64: 2, 400, 128>}, {transform_indices = @transform_1, window_bounds = array<i64: 256, 128>}, {pipeline_mode = #tpu.pipeline_mode<synchronous>, transform_indices = @transform_2, window_bounds = array<i64: 1, 256>}, {transform_indices = @transform_3, window_bounds = array<i64: 400, 1>}, {transform_indices = @transform_4, window_bounds = array<i64: 1, 400, 128>}]} {
    %get3A = arith.constant 0 : index
    %get3A_0 = arith.constant 0 : index
    %get3A_1 = arith.constant 0 : index
    %get3A_2 = vector.load %arg2[%get3A, %get3A_0, %get3A_1] : memref<2x400x128xf32, #tpu.memory_space<vmem>>, vector<1x400x128xf32>
    %get3A_3 = vector.shape_cast %get3A_2 : vector<1x400x128xf32> to vector<400x128xf32>
    %get3A_4 = arith.constant 1 : index
    %get3A_5 = arith.constant 0 : index
    %get3A_6 = arith.constant 0 : index
    %get3A_7 = vector.load %arg2[%get3A_4, %get3A_5, %get3A_6] : memref<2x400x128xf32, #tpu.memory_space<vmem>>, vector<1x400x128xf32>
    %get3A_8 = vector.shape_cast %get3A_7 : vector<1x400x128xf32> to vector<400x128xf32>
    %concatenate3A = tpu.concatenate %get3A_3, %get3A_8 in 1 : vector<400x128xf32>, vector<400x128xf32> -> vector<400x256xf32>
    %get3A_9 = arith.constant 0 : index
    %get3A_10 = arith.constant 0 : index
    %get3A_11 = vector.load %arg5[%get3A_9, %get3A_10] : memref<400x1xf32, #tpu.memory_space<vmem>>, vector<400x1xf32>
    %mul3A = vector.broadcast %get3A_11 : vector<400x1xf32> to vector<400x256xf32>
    %mul3A_12 = arith.mulf %concatenate3A, %mul3A : vector<400x256xf32>
    %get3A_13 = arith.constant 0 : index
    %get3A_14 = arith.constant 0 : index
    %get3A_15 = vector.load %arg4[%get3A_13, %get3A_14] : memref<1x256xf32, #tpu.memory_space<vmem>>, vector<1x256xf32>
    %add3A = vector.broadcast %get3A_15 : vector<1x256xf32> to vector<400x256xf32>
    %add3A_16 = arith.addf %mul3A_12, %add3A : vector<400x256xf32>
    %get3A_17 = arith.constant 0 : index
    %get3A_18 = arith.constant 0 : index
    %get3A_19 = vector.load %arg3[%get3A_17, %get3A_18] : memref<256x128xf32, #tpu.memory_space<vmem>>, vector<256x128xf32>
    %dot_general3A = arith.constant dense<0.000000e+00> : vector<400x128xf32>
    %dot_general3A_20 = tpu.matmul %add3A_16, %get3A_19, %dot_general3A {dimension_numbers = #tpu.dot_dimension_numbers<[1], [0], [0], [1], [0, 0, 1, 1], [], []>, transpose_lhs_hint = false} : vector<400x256xf32>, vector<256x128xf32>, vector<400x128xf32> -> vector<400x128xf32>
    %broadcast_in_dim3A = vector.shape_cast %dot_general3A_20 : vector<400x128xf32> to vector<1x400x128xf32>
    %swap3A = arith.constant 0 : index
    %swap3A_21 = arith.constant 0 : index
    %swap3A_22 = arith.constant 0 : index
    %swap3A_23 = vector.load %arg6[%swap3A, %swap3A_21, %swap3A_22] : memref<1x400x128xf32, #tpu.memory_space<vmem>>, vector<1x400x128xf32>
    tpu.vector_store %arg6[%swap3A, %swap3A_21, %swap3A_22], %broadcast_in_dim3A {strides = array<i32>} : memref<1x400x128xf32, #tpu.memory_space<vmem>>, vector<1x400x128xf32>,
    return
  }
  func.func @transform_0(%arg0: i32, %arg1: i32) -> (i32, i32, i32) {
    %c0_i32 = arith.constant 0 : i32
    %c0_i32_0 = arith.constant 0 : i32
    %c0_i32_1 = arith.constant 0 : i32
    return %c0_i32, %arg0, %c0_i32_0 : i32, i32, i32
  }
  func.func @transform_1(%arg0: i32, %arg1: i32) -> (i32, i32) {
    %c0_i32 = arith.constant 0 : i32
    %c0_i32_0 = arith.constant 0 : i32
    return %c0_i32, %arg1 : i32, i32
  }
  func.func @transform_2(%arg0: i32, %arg1: i32) -> (i32, i32) {
    %c0_i32 = arith.constant 0 : i32
    %c0_i32_0 = arith.constant 0 : i32
    %c0_i32_1 = arith.constant 0 : i32
    return %c0_i32, %c0_i32_0 : i32, i32
  }
  func.func @transform_3(%arg0: i32, %arg1: i32) -> (i32, i32) {
    %c0_i32 = arith.constant 0 : i32
    %c0_i32_0 = arith.constant 0 : i32
    return %arg0, %c0_i32 : i32, i32
  }
  func.func @transform_4(%arg0: i32, %arg1: i32) -> (i32, i32, i32) {
    %c0_i32 = arith.constant 0 : i32
    %c0_i32_0 = arith.constant 0 : i32
    return %arg1, %arg0, %c0_i32 : i32, i32, i32
  }
}

module attributes {stable_mosaic.version = 14 : i64} {
  func.func @_mmxb_body(%arg0: i32, %arg1: i32, %arg2: memref<2x400x128xf32, #tpu.memory_space<vmem>>, %arg3: memref<1x400x128xf32, #tpu.memory_space<vmem>>, %arg4: memref<256x128xf32, #tpu.memory_space<vmem>>, %arg5: memref<1x256xf32, #tpu.memory_space<vmem>>, %arg6: memref<400x1xf32, #tpu.memory_space<vmem>>, %arg7: memref<1x400x128xf32, #tpu.memory_space<vmem>>) attributes {dimension_semantics = [#tpu.dimension_semantics<arbitrary>, #tpu.dimension_semantics<arbitrary>], iteration_bounds = array<i64: 25, 2>, scalar_prefetch = 0 : i64, scratch_operands = 0 : i64, tpu.core_type = #tpu.core_type<tc>, window_params = [{transform_indices = @transform_0, window_bounds = array<i64: 2, 400, 128>}, {transform_indices = @transform_1, window_bounds = array<i64: 1, 400, 128>}, {transform_indices = @transform_2, window_bounds = array<i64: 256, 128>}, {pipeline_mode = #tpu.pipeline_mode<synchronous>, transform_indices = @transform_3, window_bounds = array<i64: 1, 256>}, {transform_indices = @transform_4, window_bounds = array<i64: 400, 1>}, {transform_indices = @transform_5, window_bounds = array<i64: 1, 400, 128>}]} {
    %get3A = arith.constant 0 : index
    %get3A_0 = arith.constant 0 : index
    %get3A_1 = arith.constant 0 : index
    %get3A_2 = vector.load %arg2[%get3A, %get3A_0, %get3A_1] : memref<2x400x128xf32, #tpu.memory_space<vmem>>, vector<1x400x128xf32>
    %get3A_3 = vector.shape_cast %get3A_2 : vector<1x400x128xf32> to vector<400x128xf32>
    %get3A_4 = arith.constant 1 : index
    %get3A_5 = arith.constant 0 : index
    %get3A_6 = arith.constant 0 : index
    %get3A_7 = vector.load %arg2[%get3A_4, %get3A_5, %get3A_6] : memref<2x400x128xf32, #tpu.memory_space<vmem>>, vector<1x400x128xf32>
    %get3A_8 = vector.shape_cast %get3A_7 : vector<1x400x128xf32> to vector<400x128xf32>
    %concatenate3A = tpu.concatenate %get3A_3, %get3A_8 in 1 : vector<400x128xf32>, vector<400x128xf32> -> vector<400x256xf32>
    %get3A_9 = arith.constant 0 : index
    %get3A_10 = arith.constant 0 : index
    %get3A_11 = vector.load %arg6[%get3A_9, %get3A_10] : memref<400x1xf32, #tpu.memory_space<vmem>>, vector<400x1xf32>
    %mul3A = vector.broadcast %get3A_11 : vector<400x1xf32> to vector<400x256xf32>
    %mul3A_12 = arith.mulf %concatenate3A, %mul3A : vector<400x256xf32>
    %get3A_13 = arith.constant 0 : index
    %get3A_14 = arith.constant 0 : index
    %get3A_15 = vector.load %arg5[%get3A_13, %get3A_14] : memref<1x256xf32, #tpu.memory_space<vmem>>, vector<1x256xf32>
    %add3A = vector.broadcast %get3A_15 : vector<1x256xf32> to vector<400x256xf32>
    %add3A_16 = arith.addf %mul3A_12, %add3A : vector<400x256xf32>
    %get3A_17 = arith.constant 0 : index
    %get3A_18 = arith.constant 0 : index
    %get3A_19 = arith.constant 0 : index
    %get3A_20 = vector.load %arg3[%get3A_17, %get3A_18, %get3A_19] : memref<1x400x128xf32, #tpu.memory_space<vmem>>, vector<1x400x128xf32>
    %get3A_21 = vector.shape_cast %get3A_20 : vector<1x400x128xf32> to vector<400x128xf32>
    %get3A_22 = arith.constant 0 : index
    %get3A_23 = arith.constant 0 : index
    %get3A_24 = vector.load %arg4[%get3A_22, %get3A_23] : memref<256x128xf32, #tpu.memory_space<vmem>>, vector<256x128xf32>
    %dot_general3A = arith.constant dense<0.000000e+00> : vector<400x128xf32>
    %dot_general3A_25 = tpu.matmul %add3A_16, %get3A_24, %dot_general3A {dimension_numbers = #tpu.dot_dimension_numbers<[1], [0], [0], [1], [0, 0, 1, 1], [], []>, transpose_lhs_hint = false} : vector<400x256xf32>, vector<256x128xf32>, vector<400x128xf32> -> vector<400x128xf32>
    %add3A_26 = arith.addf %get3A_21, %dot_general3A_25 : vector<400x128xf32>
    %get3A_27 = arith.constant 0 : index
    %get3A_28 = arith.constant 0 : index
    %get3A_29 = vector.load %arg6[%get3A_27, %get3A_28] : memref<400x1xf32, #tpu.memory_space<vmem>>, vector<400x1xf32>
    %mul3A_30 = vector.broadcast %get3A_29 : vector<400x1xf32> to vector<400x128xf32>
    %mul3A_31 = arith.mulf %add3A_26, %mul3A_30 : vector<400x128xf32>
    %broadcast_in_dim3A = vector.shape_cast %mul3A_31 : vector<400x128xf32> to vector<1x400x128xf32>
    %swap3A = arith.constant 0 : index
    %swap3A_32 = arith.constant 0 : index
    %swap3A_33 = arith.constant 0 : index
    %swap3A_34 = vector.load %arg7[%swap3A, %swap3A_32, %swap3A_33] : memref<1x400x128xf32, #tpu.memory_space<vmem>>, vector<1x400x128xf32>
    tpu.vector_store %arg7[%swap3A, %swap3A_32, %swap3A_33], %broadcast_in_dim3A {strides = array<i32>} : memref<1x400x128xf32, #tpu.memory_space<vmem>>, vector<1x400x128xf32>,
    return
  }
  func.func @transform_0(%arg0: i32, %arg1: i32) -> (i32, i32, i32) {
    %c0_i32 = arith.constant 0 : i32
    %c0_i32_0 = arith.constant 0 : i32
    %c0_i32_1 = arith.constant 0 : i32
    return %c0_i32, %arg0, %c0_i32_0 : i32, i32, i32
  }
  func.func @transform_1(%arg0: i32, %arg1: i32) -> (i32, i32, i32) {
    %c0_i32 = arith.constant 0 : i32
    %c0_i32_0 = arith.constant 0 : i32
    return %arg1, %arg0, %c0_i32 : i32, i32, i32
  }
  func.func @transform_2(%arg0: i32, %arg1: i32) -> (i32, i32) {
    %c0_i32 = arith.constant 0 : i32
    %c0_i32_0 = arith.constant 0 : i32
    return %c0_i32, %arg1 : i32, i32
  }
  func.func @transform_3(%arg0: i32, %arg1: i32) -> (i32, i32) {
    %c0_i32 = arith.constant 0 : i32
    %c0_i32_0 = arith.constant 0 : i32
    %c0_i32_1 = arith.constant 0 : i32
    return %c0_i32, %c0_i32_0 : i32, i32
  }
  func.func @transform_4(%arg0: i32, %arg1: i32) -> (i32, i32) {
    %c0_i32 = arith.constant 0 : i32
    %c0_i32_0 = arith.constant 0 : i32
    return %arg0, %c0_i32 : i32, i32
  }
  func.func @transform_5(%arg0: i32, %arg1: i32) -> (i32, i32, i32) {
    %c0_i32 = arith.constant 0 : i32
    %c0_i32_0 = arith.constant 0 : i32
    return %arg1, %arg0, %c0_i32 : i32, i32, i32
  }
}

module attributes {stable_mosaic.version = 14 : i64} {
  func.func @_fin_body(%arg0: i32, %arg1: memref<2x400x128xf32, #tpu.memory_space<vmem>>, %arg2: memref<2x400x128xf32, #tpu.memory_space<vmem>>, %arg3: memref<1x512xf32, #tpu.memory_space<vmem>>, %arg4: memref<400x1xf32, #tpu.memory_space<vmem>>, %arg5: memref<400x512xf32, #tpu.memory_space<vmem>>) attributes {dimension_semantics = [#tpu.dimension_semantics<arbitrary>], iteration_bounds = array<i64: 25>, scalar_prefetch = 0 : i64, scratch_operands = 0 : i64, tpu.core_type = #tpu.core_type<tc>, window_params = [{transform_indices = @transform_0, window_bounds = array<i64: 2, 400, 128>}, {transform_indices = @transform_1, window_bounds = array<i64: 2, 400, 128>}, {pipeline_mode = #tpu.pipeline_mode<synchronous>, transform_indices = @transform_2, window_bounds = array<i64: 1, 512>}, {transform_indices = @transform_3, window_bounds = array<i64: 400, 1>}, {transform_indices = @transform_4, window_bounds = array<i64: 400, 512>}]} {
    %get3A = arith.constant 0 : index
    %get3A_0 = arith.constant 0 : index
    %get3A_1 = arith.constant 0 : index
    %get3A_2 = vector.load %arg1[%get3A, %get3A_0, %get3A_1] : memref<2x400x128xf32, #tpu.memory_space<vmem>>, vector<1x400x128xf32>
    %get3A_3 = vector.shape_cast %get3A_2 : vector<1x400x128xf32> to vector<400x128xf32>
    %get3A_4 = arith.constant 1 : index
    %get3A_5 = arith.constant 0 : index
    %get3A_6 = arith.constant 0 : index
    %get3A_7 = vector.load %arg1[%get3A_4, %get3A_5, %get3A_6] : memref<2x400x128xf32, #tpu.memory_space<vmem>>, vector<1x400x128xf32>
    %get3A_8 = vector.shape_cast %get3A_7 : vector<1x400x128xf32> to vector<400x128xf32>
    %get3A_9 = arith.constant 0 : index
    %get3A_10 = arith.constant 0 : index
    %get3A_11 = arith.constant 0 : index
    %get3A_12 = vector.load %arg2[%get3A_9, %get3A_10, %get3A_11] : memref<2x400x128xf32, #tpu.memory_space<vmem>>, vector<1x400x128xf32>
    %get3A_13 = vector.shape_cast %get3A_12 : vector<1x400x128xf32> to vector<400x128xf32>
    %get3A_14 = arith.constant 1 : index
    %get3A_15 = arith.constant 0 : index
    %get3A_16 = arith.constant 0 : index
    %get3A_17 = vector.load %arg2[%get3A_14, %get3A_15, %get3A_16] : memref<2x400x128xf32, #tpu.memory_space<vmem>>, vector<1x400x128xf32>
    %get3A_18 = vector.shape_cast %get3A_17 : vector<1x400x128xf32> to vector<400x128xf32>
    %concatenate3A = tpu.concatenate %get3A_3, %get3A_8, %get3A_13, %get3A_18 in 1 : vector<400x128xf32>, vector<400x128xf32>, vector<400x128xf32>, vector<400x128xf32> -> vector<400x512xf32>
    %get3A_19 = arith.constant 0 : index
    %get3A_20 = arith.constant 0 : index
    %get3A_21 = vector.load %arg4[%get3A_19, %get3A_20] : memref<400x1xf32, #tpu.memory_space<vmem>>, vector<400x1xf32>
    %mul3A = vector.broadcast %get3A_21 : vector<400x1xf32> to vector<400x512xf32>
    %mul3A_22 = arith.mulf %concatenate3A, %mul3A : vector<400x512xf32>
    %get3A_23 = arith.constant 0 : index
    %get3A_24 = arith.constant 0 : index
    %get3A_25 = vector.load %arg3[%get3A_23, %get3A_24] : memref<1x512xf32, #tpu.memory_space<vmem>>, vector<1x512xf32>
    %add3A = vector.broadcast %get3A_25 : vector<1x512xf32> to vector<400x512xf32>
    %add3A_26 = arith.addf %mul3A_22, %add3A : vector<400x512xf32>
    %swap3A = arith.constant 0 : index
    %swap3A_27 = arith.constant 0 : index
    %swap3A_28 = vector.load %arg5[%swap3A, %swap3A_27] : memref<400x512xf32, #tpu.memory_space<vmem>>, vector<400x512xf32>
    tpu.vector_store %arg5[%swap3A, %swap3A_27], %add3A_26 {strides = array<i32>} : memref<400x512xf32, #tpu.memory_space<vmem>>, vector<400x512xf32>,
    return
  }
  func.func @transform_0(%arg0: i32) -> (i32, i32, i32) {
    %c0_i32 = arith.constant 0 : i32
    %c0_i32_0 = arith.constant 0 : i32
    %c0_i32_1 = arith.constant 0 : i32
    return %c0_i32, %arg0, %c0_i32_0 : i32, i32, i32
  }
  func.func @transform_1(%arg0: i32) -> (i32, i32, i32) {
    %c0_i32 = arith.constant 0 : i32
    %c0_i32_0 = arith.constant 0 : i32
    %c0_i32_1 = arith.constant 0 : i32
    return %c0_i32, %arg0, %c0_i32_0 : i32, i32, i32
  }
  func.func @transform_2(%arg0: i32) -> (i32, i32) {
    %c0_i32 = arith.constant 0 : i32
    %c0_i32_0 = arith.constant 0 : i32
    %c0_i32_1 = arith.constant 0 : i32
    return %c0_i32, %c0_i32_0 : i32, i32
  }
  func.func @transform_3(%arg0: i32) -> (i32, i32) {
    %c0_i32 = arith.constant 0 : i32
    %c0_i32_0 = arith.constant 0 : i32
    return %arg0, %c0_i32 : i32, i32
  }
  func.func @transform_4(%arg0: i32) -> (i32, i32) {
    %c0_i32 = arith.constant 0 : i32
    %c0_i32_0 = arith.constant 0 : i32
    return %arg0, %c0_i32 : i32, i32
  }
}

</mosaic_0001>

<sc_bundles>
// kernel: kernel.21.cloned.1.call-start
scs
__scs_entry_jumppad:
0x0: {  	(pc) =	sbr.rel $0x88, $3  }
0x1: {  	(tag) =	ssettag $0x0;
	lr =	simm.s32 $0x1  }
0x2: {  	[smem:$0x3F99] =	sst lr;
	_ =	strace $0xD0000000  }
0x3: {  	_ = 	snop  }
0x4: {  	_ = 	snop  }
0x5: {  	_ = 	snop  }
0x6: {  	_ = 	snop  }
0x7: {  	_ = 	snop  }
__scs_overlays_trampoline_lowered:
0x8: {  	[smem:$0x3FA8] =	sst s0  }
0x9: {  	[smem:$0x3FA9] =	sst s1  }
0xa: {  	[smem:$0x3FAA] =	sst s2  }
0xb: {  	[smem:$0x3FAB] =	sst s3  }
0xc: {  	[smem:$0x3FAC] =	sst s4  }
0xd: {  	[smem:$0x3FAD] =	sst s5  }
0xe: {  	[smem:$0x3FAE] =	sst s6  }
0xf: {  	[smem:$0x3FAF] =	sst s7  }
0x10: {  	[smem:$0x3FB0] =	sst s8  }
0x11: {  	[smem:$0x3FB1] =	sst s9;
	s0 =	simm.s32 @!p0 $0x0  }
0x12: {  	s1 =	sld [smem:$0x3F97];
	s0 =	simm.s32 @p0 $0x1  }
0x13: {  	[smem:$0x3FB2] =	sst s0;
	s0 =	simm.s32 @!p1 $0x0  }
0x14: {  	s2 =	sld [smem:$0x3F96];
	s0 =	simm.s32 @p1 $0x1  }
0x15: {  	[smem:$0x3FB3] =	sst s0;
	s0 =	simm.s32 @!p2 $0x0  }
0x16: {  	s3 =	sld [smem:$0x3FDB];
	s0 =	simm.s32 @p2 $0x1  }
0x17: {  	s4 =	simm.s32 $0x1BF5;
	[smem:$0x3FB5] =	sst s0  }
0x18: {  	s0 =	sld [smem:$0x3F98];
	_ =	swait.ge [sflag:s4], $0x0  }
0x19: {  	s7 =	sld [smem:$0x3F99]  }
0x1a: {  	s8 =	sadd.s32 $0xFFFFE003, lr  }
0x1b: {  	s9 =	sadd.s32 $0xFFFFFEF7, lr;
	s5 =	simm.s32 $0xFFFFFFFF;
	p2 =	slt.u32 s8, $0xFFFFF086  }
0x1c: {  	p1 =	slt.u32 s9, $0xF7A;
	s5 =	simm.s32 @!p2 $0x0  }
0x1d: {  	s5 =	simm.s32 @p1 $0x1;
	p0 =	seq.s32 s7, s2  }
0x1e: {  	s7 =	smul.u32 @!p0 $0xF7A, s2;
	p2 =	seq.s32 @!p0 s5, $0x0  }
0x1f: {  	s9 =	smul.u32 $0xF7A, s1;
	s8 =	simm.s32 @!p0 $0x1BF5;
	p2 =	por !p2, p0  }
0x20: {  	[sflag:s8] =	ssyncset.s32 @!p0 $0xFFFFF086;
	s6 =	sadd.s32 @!p0 s3, s7;
	s7 =	simm.s32 @!p0 $0x108  }
0x21: {  	s3 =	sadd.s32 s3, s9;
	s6 =	sadd.s32 @!p0 $0x88, s6;
	s7 =	simm.s32 @p2 $0x1082  }
0x22: {  	[simem:s7], [sflag:s8] =	dma.local @!p0 [hbm:s6], $0xF7A  }
0x23: {  	s9 =	sor.u32 $0xD0000000, s2;
	s6 =	simm.s32 $0x108;
	_ =	swait.ge @!p0 [sflag:s8], $0x0  }
0x24: {  	s3 =	sadd.s32 $0x88, s3;
	s6 =	simm.s32 @!p1 $0x1082;
	[sflag:s4] =	ssyncset.s32 $0xFFFFF086  }
0x25: {  	[simem:s6], [sflag:s4] =	dma.local [hbm:s3], $0xF7A  }
0x26: {  	[smem:$0x3F99] =	sst s1;
	(tag) =	ssettag s2;
	_ =	strace s9  }
0x27: {  	s1 =	sld [smem:$0x3FA9]  }
0x28: {  	s2 =	sld [smem:$0x3FAA]  }
0x29: {  	s4 =	sld [smem:$0x3FAC]  }
0x2a: {  	p0 =	seq.s32 s5, $0x0;
	s5 =	sld [smem:$0x3FAD]  }
0x2b: {  	s6 =	sld [smem:$0x3FAE]  }
0x2c: {  	s7 =	sld [smem:$0x3FAF]  }
0x2d: {  	s3 =	simm.s32 $0x108;
	s8 =	sld [smem:$0x3FB0]  }
0x2e: {  	s3 =	simm.s32 @!p0 $0x1082;
	s9 =	sld [smem:$0x3FB1]  }
0x2f: {  	lr =	sadd.s32 s0, s3;
	s0 =	sld [smem:$0x3FA8]  }
0x30: {  	s3 =	sld [smem:$0x3FAB]  }
0x31: {  	[smem:$0x3FB4] =	sst s10  }
0x32: {  	s10 =	sld [smem:$0x3FB2];
	_ =	sdelay $0x3  }
0x33: {  	p0 =	seq.s32 s10, $0x1;
	s10 =	sld [smem:$0x3FB4];
	_ =	sdelay $0x3  }
0x34: {  	[smem:$0x3FB4] =	sst s10  }
0x35: {  	s10 =	sld [smem:$0x3FB3];
	_ =	sdelay $0x3  }
0x36: {  	p1 =	seq.s32 s10, $0x1;
	s10 =	sld [smem:$0x3FB4];
	_ =	sdelay $0x3  }
0x37: {  	[smem:$0x3FB4] =	sst s10  }
0x38: {  	s10 =	sld [smem:$0x3FB5]  }
0x39: {  	_ = 	snop;
	(pc) =	sbr.ind lr, $3  }
0x3a: {  	_ = 	snop  }
0x3b: {  	_ = 	snop  }
0x3c: {  	p2 =	seq.s32 s10, $0x1;
	s10 =	sld [smem:$0x3FB4]  }
0x3d: {  	_ =	shalt  }
0x3e: {  	_ =	shalt  }
0x3f: {  	_ =	shalt  }
0x40: {  	_ =	shalt  }
0x41: {  	_ =	shalt  }
0x42: {  	_ =	shalt  }
0x43: {  	_ =	shalt  }
0x44: {  	_ =	shalt  }
0x45: {  	_ =	shalt  }
0x46: {  	_ =	shalt  }
0x47: {  	_ =	shalt  }
0x48: {  	_ =	shalt  }
0x49: {  	_ =	shalt  }
0x4a: {  	_ =	shalt  }
0x4b: {  	_ =	shalt  }
0x4c: {  	_ =	shalt  }
0x4d: {  	_ =	shalt  }
0x4e: {  	_ =	shalt  }
0x4f: {  	_ =	shalt  }
0x50: {  	_ =	shalt  }
0x51: {  	_ =	shalt  }
0x52: {  	_ =	shalt  }
0x53: {  	_ =	shalt  }
0x54: {  	_ =	shalt  }
0x55: {  	_ =	shalt  }
0x56: {  	_ =	shalt  }
0x57: {  	_ =	shalt  }
0x58: {  	_ =	shalt  }
0x59: {  	_ =	shalt  }
0x5a: {  	_ =	shalt  }
0x5b: {  	_ =	shalt  }
0x5c: {  	_ =	shalt  }
0x5d: {  	_ =	shalt  }
0x5e: {  	_ =	shalt  }
0x5f: {  	_ =	shalt  }
0x60: {  	_ =	shalt  }
0x61: {  	_ =	shalt  }
0x62: {  	_ =	shalt  }
0x63: {  	_ =	shalt  }
0x64: {  	_ =	shalt  }
0x65: {  	_ =	shalt  }
0x66: {  	_ =	shalt  }
0x67: {  	_ =	shalt  }
0x68: {  	_ =	shalt  }
0x69: {  	_ =	shalt  }
0x6a: {  	_ =	shalt  }
0x6b: {  	_ =	shalt  }
0x6c: {  	_ =	shalt  }
0x6d: {  	_ =	shalt  }
0x6e: {  	_ =	shalt  }
0x6f: {  	_ =	shalt  }
0x70: {  	_ =	shalt  }
0x71: {  	_ =	shalt  }
0x72: {  	_ =	shalt  }
0x73: {  	_ =	shalt  }
0x74: {  	_ =	shalt  }
0x75: {  	_ =	shalt  }
0x76: {  	_ =	shalt  }
0x77: {  	_ =	shalt  }
0x78: {  	_ =	shalt  }
0x79: {  	_ =	shalt  }
0x7a: {  	_ =	shalt  }
0x7b: {  	_ =	shalt  }
0x7c: {  	_ =	shalt  }
0x7d: {  	_ =	shalt  }
0x7e: {  	_ =	shalt  }
0x7f: {  	_ =	shalt  }
0x80: {  	_ =	shalt  }
0x81: {  	_ =	shalt  }
0x82: {  	_ =	shalt  }
0x83: {  	_ =	shalt  }
0x84: {  	_ =	shalt  }
0x85: {  	_ =	shalt  }
0x86: {  	_ =	shalt  }
0x87: {  	_ =	shalt  }
.Lfunc_end0:
.L_simem_size_0:
called_computation_lowered:
.L_overlay_start_0:
0x88: {  	s2 =	sld [smem:$0x3FD9]  }
0x89: {  	s3 =	sld [smem:$0x3FFE];
	_ =	sdelay $0x1  }
0x8a: {  	s1 =	srdreg.scid  }
0x8b: {  	s0 =	sand.u32 $0x1, s1  }
0x8c: {  	s17 =	sshll.u32 s0, $0xA;
	s2 =	sadd.s32 s3, s2  }
0x8d: {  	s2 =	sadd.s32 s2, s17  }
0x8e: {  	[smem:$0x3FC0] =	sst s2  }
0x8f: {  	_ = 	snop  }
0x90: {  	s2 =	sld [smem:$0x3FD0];
	(tm) =	ssettm $0x1  }
0x91: {  	s18 =	sld [smem:$0x3FFB];
	_ =	sdelay $0x3  }
0x92: {  	_ =	strace s18  }
0x93: {  	s3 =	sld [smem:$0x3FFC];
	_ =	sdelay $0x3  }
0x94: {  	_ =	strace s3  }
0x95: {  	s3 =	sld [smem:$0x3FFD];
	_ =	sdelay $0x3  }
0x96: {  	_ =	strace s3  }
0x97: {  	_ =	strace $0x8FFFFFFF  }
0x98: {  	s19 =	sld [smem:$0x3FDB];
	_ =	sdelay $0x1  }
0x99: {  	s4 =	simm.s32 $_scs_section_size  }
0x9a: {  	s5 =	simm.s32 $_size__tile_overlayer_lowered;
	s6 =	simm.s32 $_tile_overlayer_lowered  }
0x9b: {  	s22 =	simm.s32 $0x1BFF;
	s21 =	sshll.u32 s6, $0x1;
	s3 =	sadd.s32 s4, s19  }
0x9c: {  	s7 =	simm.s32 $0x0;
	s20 =	sshll.u32 s5, $0x1;
	s5 =	sadd.s32 s21, s3  }
0x9d: {  	[timem:s7], [sflag:s22] =	dma.local [hbm:s5], s20  }
0x9e: {  	_ =	swait.ge [sflag:s22], s20  }
0x9f: {  	s4 =	ssub.s32 $0x0, s20;
	[sflag:s22] =	ssyncset.done $0x0  }
0xa0: {  	[sflag:s22] =	ssyncadd.s32 s4;
	_ =	sdelay $0x1  }
0xa1: {  	s23 =	simm.s32 $0x1B8B  }
0xa2: {  	_ =	swait.ge [sflag:s23], $0x1  }
0xa3: {  	[sflag:s23] =	ssyncset.done $0x0  }
0xa4: {  	s25 =	simm.s32 $0x1B8E;
	s24 =	sld [smem:$0x3FFE];
	[sflag:s23] =	ssyncadd.s32 $0xFFFFFFFF  }
0xa5: {  	s26 =	simm.s32 $execute0_lowered;
	[smem:$0x3FD2] =	sst s25  }
0xa6: {  	s5 =	sshll.u32 s26, $0x1;
	_ =	strace $0x80000046;
	[dreg:$0x1] =	wrdreg $0xFFFFFFFF  }
0xa7: {  	s28 =	simm.s32 $_size_execute0_lowered;
	s3 =	sadd.s32 s3, s5;
	[dreg:$0x0] =	wrdreg $0x0  }
0xa8: {  	s5 =	sshll.u32 s28, $0x1;
	[dreg:$0x2] =	wrdreg s3  }
0xa9: {  	[dreg:$0x3] =	wrdreg s5  }
0xaa: {  	[dreg:$0x4] =	wrdreg $0xC0  }
0xab: {  	_ =	task [dreg:s7], $0x5FFFF  }
0xac: {  	[dreg:$0x1] =	wrdreg $0xFFFFFFFF  }
0xad: {  	[dreg:$0x0] =	wrdreg $0x60  }
0xae: {  	[dreg:$0x2] =	wrdreg s24  }
0xaf: {  	[dreg:$0x3] =	wrdreg s2  }
0xb0: {  	[dreg:$0x4] =	wrdreg $0x0  }
0xb1: {  	[dreg:$0x5] =	wrdreg $0x9  }
0xb2: {  	_ =	task.clear_ibuf [dreg:s7], $0x6FFFF;
	_ =	strace $0x90000046  }
0xb3: {  	s29 =	simm.s32 $0x9;
	_ =	strace $0x80000048  }
0xb4: {  	_ =	swait.ge [sflag:s29], $0x1  }
0xb5: {  	[sflag:s29] =	ssyncadd.s32 $0xFFFFFFFF  }
0xb6: {  	_ =	strace $0x90000048  }
0xb7: {  	_ =	sfence  }
0xb8: {  	s30 =	sld [smem:$0x0];
	_ =	sdelay $0x2  }
0xb9: {  	s31 =	sshll.u32 s1, $0xD;
	s1 =	sshrl.u32 s1, $0x2  }
0xba: {  	s3 =	sand.u32 $0x4000, s31;
	s1 =	sadd.s32 s1, s30  }
0xbb: {  	s0 =	sor.u32 s3, s0;
	s1 =	sshll.u32 s1, $0x11  }
0xbc: {  	s0 =	sor.u32 s1, s0  }
0xbd: {  	s0 =	sadd.s32 $0x8F2B, s0  }
0xbe: {  	[sflag:s0] =	ssyncadd.remote.s32 $0x1  }
0xbf: {  	_ =	sfence.sel $0xFFFF  }
0xc0: {  	[dreg:$0x0] =	wrdreg $0xFFFFFFFF;
	(pc) =	sbr.abs _section_cstart, $3  }
0xc1: {  	[dreg:$0x1] =	wrdreg $0xFFFFFFFF  }
0xc2: {  	_ =	task.clear_ibuf [dreg:s7], $0x2FFFF;
	_ =	strace $0x9FFFFFFF  }
0xc3: {  	(tm) =	ssettm $0x7FFFFFFF  }
tec
execute0_lowered:
.L_overlay_start_1:
0x0: {  	(tag) =	ssettag $0x1  }
0x1: {  	s3 =	rddreg [dreg:$0x0]  }
0x2: {  	s0 =	srdreg.scid;
	s5 =	rddreg [dreg:$0x1]  }
0x3: {  	s14 =	stileid.u32;
	s1 =	rddreg [dreg:$0x2]  }
0x4: {  	s2 =	simm.s32 $0x0;
	s11 =	simm.s32 $0x5800;
	s12 =	simm.s32 $0x1  }
0x5: {  	s13 =	simm.s32 $0x9800;
	s15 =	simm.s32 $0x2800;
	s4 =	sand.u32 $0x1, s0  }
0x6: {  	[smem:$0x7FF] =	sst s2;
	s8 =	smul.u32 $0x50000, s14;
	p0 =	sne.s32 s14, $0x0  }
0x7: {  	s0 =	sshll.u32 s4, $0x4;
	s7 =	ssub.s32 $0x2, s4;
	s10 =	smul.u32 $0x28000, s4  }
0x8: {  	s16 =	sshrl.u32 @!p0 s1, $0x3;
	s6 =	sor.u32 s14, s0;
	s0 =	rddreg [dreg:$0x3]  }
0x9: {  	_ =	strace $0x80000047;
	s9 =	sshrl.u32 s7, $0x1;
	s6 =	smul.u32 $0x380, s6  }
0xa: {  	s31 =	sshrl.u32 s8, $0x2;
	s14 =	simm.s32 $0x60;
	s30 =	ssub.s32 s7, s9  }
0xb: {  	s5 =	sadd.s32 s5, s10;
	s29 =	sadd.s32 s6, s3;
	s3 =	sadd.s32 s31, s1  }
0xc: {  	s6 =	smax.u32 s30, $0x1;
	s4 =	sadd.s32 $0x4200, s29;
	s7 =	sadd.s32 $0x4000, s3  }
0xd: {  	v0 =	vimm.f32 $0.0e+00;
	v1 =	vimm.f32 $1.000000000e+00;
	s8 =	sadd.s32 $0x8000, s3;
	s9 =	sadd.s32 $0xC000, s3;
	s10 =	sadd.s32 $0x10000, s3  }
.LBB2_1:
0xe: {  	s17 =	simm.s32 $0x0  }
.LBB2_2:
0xf: {  	p1 =	sne.s32 s17, $0xFE00  }
.Ltmp0:
0x10: {  	_ = 	snop;
	(pc) =	sbr.rel @p1 .LBB2_2-.Ltmp0, $3  }
0x11: {  	_ =	sdelay $0x1  }
0x12: {  	s18 =	sshra.s32 s17, $0x2  }
0x13: {  	s17 =	sadd.s32 $0x200, s17;
	[tilespmem:s18+$0x5800] =	vst v0  }
0x14: {  	s17 =	simm.s32 $0x200;
	s18 =	simm.s32 $0x0  }
.LBB2_4:
0x15: {  	p1 =	sne.s32 s17, $0xBE00;
	[tilespmem:s18+$0x2800] =	vst v1;
	s18 =	smov.u32 s17;
	s17 =	sadd.s32 $0x200, s17  }
.Ltmp1:
0x16: {  	(pc) =	sbr.rel @p1 .LBB2_4-.Ltmp1, $2  }
0x17: {  	_ =	sdelay $0x2  }
0x18: {  	s18 =	sshra.s32 s18, $0x2  }
0x19: {  	[tilespmem:s18+$0x2800] =	vst v1  }
0x1a: {  	[spmem:s3] =	stream.linear.scatter [tilespmem:s11], [sflag:$0x1], $0x4000, $0x38;
	[tilespmem:$0xB400] =	vst v63  }
0x1b: {  	_ =	swait.ge [sflag:s12], $0x4000  }
0x1c: {  	[sflag:s12] =	ssyncset.done $0x0  }
0x1d: {  	[sflag:s12] =	ssyncadd.s32 $0xFFFFC000  }
0x1e: {  	[spmem:s7] =	stream.linear.scatter [tilespmem:s11], [sflag:$0x1], $0x4000, $0x38;
	[tilespmem:$0xB400] =	vst v63  }
0x1f: {  	_ =	swait.ge [sflag:s12], $0x4000  }
0x20: {  	[sflag:s12] =	ssyncset.done $0x0  }
0x21: {  	[sflag:s12] =	ssyncadd.s32 $0xFFFFC000  }
0x22: {  	[spmem:s8] =	stream.linear.scatter [tilespmem:s11], [sflag:$0x1], $0x4000, $0x38;
	[tilespmem:$0xB400] =	vst v63  }
0x23: {  	_ =	swait.ge [sflag:s12], $0x4000  }
0x24: {  	[sflag:s12] =	ssyncset.done $0x0  }
0x25: {  	[sflag:s12] =	ssyncadd.s32 $0xFFFFC000  }
0x26: {  	[spmem:s9] =	stream.linear.scatter [tilespmem:s11], [sflag:$0x1], $0x4000, $0x38;
	[tilespmem:$0xB400] =	vst v63  }
0x27: {  	_ =	swait.ge [sflag:s12], $0x4000  }
0x28: {  	[sflag:s12] =	ssyncset.done $0x0  }
0x29: {  	[sflag:s12] =	ssyncadd.s32 $0xFFFFC000  }
0x2a: {  	[spmem:s10] =	stream.linear.scatter [tilespmem:s11], [sflag:$0x1], $0x4000, $0x38;
	[tilespmem:$0xB400] =	vst v63  }
0x2b: {  	_ =	swait.ge [sflag:s12], $0x4000  }
0x2c: {  	[sflag:s12] =	ssyncset.done $0x0  }
0x2d: {  	[sflag:s12] =	ssyncadd.s32 $0xFFFFC000  }
0x2e: {  	s17 =	simm.s32 $0x0;
	[bflag:$0x0] =	sbarrier.arrive $0xFFFF  }
0x2f: {  	[tilespmem:s13], [sflag:$0x1] =	stream.linear.gather [hbm4b:s4+s17], $0x1C00, $0x38;
	[tilespmem:$0xB400] =	vst v63  }
0x30: {  	_ =	swait.ge [sflag:s12], $0x1C00  }
0x31: {  	[sflag:s12] =	ssyncset.done $0x0  }
0x32: {  	s31 =	simm.s32 $0x9800;
	[sflag:s12] =	ssyncadd.s32 $0xFFFFE400  }
0x33: {  	[spmem:s1] =	stream.indirect.scatter.add.f32 [tilespmem:s15], [sflag:$0x1], $0x10, s31, s14, $0xb8;
	[tilespmem:$0xB400] =	vst v63  }
0x34: {  	s17 =	simm.s32 $0x200;
	_ =	swait.ge [sflag:s12], $0x600  }
.LBB2_6:
0x35: {  	s18 =	sshra.s32 s17, $0x2;
	[sflag:s12] =	ssyncset.done $0x0;
	p1 =	sne.s32 s17, $0x6E00  }
.Ltmp2:
0x36: {  	s18 =	sadd.s32 $0x9800, s18;
	[sflag:s12] =	ssyncadd.s32 $0xFFFFFA00;
	(pc) =	sbr.rel @p1 .LBB2_6-.Ltmp2, $3  }
0x37: {  	[spmem:s1] =	stream.indirect.scatter.add.f32 [tilespmem:s15], [sflag:$0x1], $0x10, s18, s14, $0xb8;
	[tilespmem:$0xB400] =	vst v63  }
0x38: {  	s17 =	sadd.s32 $0x200, s17;
	_ =	sdelay $0x1  }
0x39: {  	_ =	swait.ge [sflag:s12], $0x600  }
0x3a: {  	[sflag:s12] =	ssyncset.done $0x0  }
0x3b: {  	s2 =	sadd.s32 $0x1, s2;
	[sflag:s12] =	ssyncadd.s32 $0xFFFFFA00  }
0x3c: {  	s17 =	simm.s32 @!p0 $0x1C01;
	p1 =	sne.s32 s2, s6;
	[bflag:$0x0] =	sbarrier.arrive $0xFFFF  }
0x3d: {  	[hbm:s5], [sflag:s17] =	dma.local @!p0 [spmem:s16], $0x28000  }
.Ltmp3:
0x3e: {  	_ = 	snop;
	(pc) =	sbr.rel @p1 .LBB2_1-.Ltmp3, $4  }
0x3f: {  	s17 =	simm.s32 @!p0 $0x1  }
0x40: {  	_ =	swait.ge @!p0 [sflag:s17], $0x28000  }
0x41: {  	[sflag:s17] =	ssyncset.done @!p0 $0x0  }
0x42: {  	[sflag:s17] =	ssyncadd.s32 @!p0 $0xFFFD8000  }
0x43: {  	_ =	sfence.sel $0x180000  }
0x44: {  	[bflag:$0x0] =	sbarrier.arrive $0xFFFF  }
0x45: {  	_ =	strace $0x90000047  }
0x46: {  	s0 =	sadd.s32 @!p0 $0x100000, s0;
	[bflag:$0x2] =	sbarrier.arrive $0xFFFF  }
0x47: {  	[sflag:s0] =	ssyncadd.tile.s32 @!p0 $0x1;
	_ =	shalt  }
.Lfunc_end2:
_tile_overlayer_lowered:
.L_overlay_start_2:
0x48: {  	(tag) =	ssettag $0x2  }
0x49: {  	s0 =	rddreg [dreg:$0x0];
	s2 =	stileid.u32  }
0x4a: {  	s1 =	rddreg [dreg:$0x1];
	p0 =	sne.s32 s2, $0x0  }
0x4b: {  	s3 =	rddreg [dreg:$0x2];
	[bflag:$0x3] =	sbarrier.arrive $0xFFFF;
	s2 =	simm.s32 @!p0 $0x1C01  }
0x4c: {  	[timem:s3], [sflag:s2] =	dma.local @!p0 [hbm:s0], s1  }
0x4d: {  	s0 =	simm.s32 @!p0 $0x1  }
0x4e: {  	_ =	swait.ge @!p0 [sflag:s0], s1  }
0x4f: {  	s1 =	ssub.s32 @!p0 $0x0, s1;
	[sflag:s0] =	ssyncset.done @!p0 $0x0  }
0x50: {  	[sflag:s0] =	ssyncadd.s32 @!p0 s1  }
0x51: {  	[bflag:$0x3] =	sbarrier.arrive $0xFFFF  }
0x52: {  	_ =	shalt  }

// kernel: kernel.24.cloned.1.call-start
scs
__scs_entry_jumppad:
0x0: {  	(pc) =	sbr.rel $0x88, $3  }
0x1: {  	(tag) =	ssettag $0x0;
	lr =	simm.s32 $0x1  }
0x2: {  	[smem:$0x3F99] =	sst lr;
	_ =	strace $0xD0000000  }
0x3: {  	_ = 	snop  }
0x4: {  	_ = 	snop  }
0x5: {  	_ = 	snop  }
0x6: {  	_ = 	snop  }
0x7: {  	_ = 	snop  }
__scs_overlays_trampoline_lowered:
0x8: {  	[smem:$0x3FA8] =	sst s0  }
0x9: {  	[smem:$0x3FA9] =	sst s1  }
0xa: {  	[smem:$0x3FAA] =	sst s2  }
0xb: {  	[smem:$0x3FAB] =	sst s3  }
0xc: {  	[smem:$0x3FAC] =	sst s4  }
0xd: {  	[smem:$0x3FAD] =	sst s5  }
0xe: {  	[smem:$0x3FAE] =	sst s6  }
0xf: {  	[smem:$0x3FAF] =	sst s7  }
0x10: {  	[smem:$0x3FB0] =	sst s8  }
0x11: {  	[smem:$0x3FB1] =	sst s9;
	s0 =	simm.s32 @!p0 $0x0  }
0x12: {  	s1 =	sld [smem:$0x3F97];
	s0 =	simm.s32 @p0 $0x1  }
0x13: {  	[smem:$0x3FB2] =	sst s0;
	s0 =	simm.s32 @!p1 $0x0  }
0x14: {  	s2 =	sld [smem:$0x3F96];
	s0 =	simm.s32 @p1 $0x1  }
0x15: {  	[smem:$0x3FB3] =	sst s0;
	s0 =	simm.s32 @!p2 $0x0  }
0x16: {  	s3 =	sld [smem:$0x3FDB];
	s0 =	simm.s32 @p2 $0x1  }
0x17: {  	s4 =	simm.s32 $0x1BF5;
	[smem:$0x3FB5] =	sst s0  }
0x18: {  	s0 =	sld [smem:$0x3F98];
	_ =	swait.ge [sflag:s4], $0x0  }
0x19: {  	s7 =	sld [smem:$0x3F99]  }
0x1a: {  	s8 =	sadd.s32 $0xFFFFE003, lr  }
0x1b: {  	s9 =	sadd.s32 $0xFFFFFEF7, lr;
	s5 =	simm.s32 $0xFFFFFFFF;
	p2 =	slt.u32 s8, $0xFFFFF086  }
0x1c: {  	p1 =	slt.u32 s9, $0xF7A;
	s5 =	simm.s32 @!p2 $0x0  }
0x1d: {  	s5 =	simm.s32 @p1 $0x1;
	p0 =	seq.s32 s7, s2  }
0x1e: {  	s7 =	smul.u32 @!p0 $0xF7A, s2;
	p2 =	seq.s32 @!p0 s5, $0x0  }
0x1f: {  	s9 =	smul.u32 $0xF7A, s1;
	s8 =	simm.s32 @!p0 $0x1BF5;
	p2 =	por !p2, p0  }
0x20: {  	[sflag:s8] =	ssyncset.s32 @!p0 $0xFFFFF086;
	s6 =	sadd.s32 @!p0 s3, s7;
	s7 =	simm.s32 @!p0 $0x108  }
0x21: {  	s3 =	sadd.s32 s3, s9;
	s6 =	sadd.s32 @!p0 $0x88, s6;
	s7 =	simm.s32 @p2 $0x1082  }
0x22: {  	[simem:s7], [sflag:s8] =	dma.local @!p0 [hbm:s6], $0xF7A  }
0x23: {  	s9 =	sor.u32 $0xD0000000, s2;
	s6 =	simm.s32 $0x108;
	_ =	swait.ge @!p0 [sflag:s8], $0x0  }
0x24: {  	s3 =	sadd.s32 $0x88, s3;
	s6 =	simm.s32 @!p1 $0x1082;
	[sflag:s4] =	ssyncset.s32 $0xFFFFF086  }
0x25: {  	[simem:s6], [sflag:s4] =	dma.local [hbm:s3], $0xF7A  }
0x26: {  	[smem:$0x3F99] =	sst s1;
	(tag) =	ssettag s2;
	_ =	strace s9  }
0x27: {  	s1 =	sld [smem:$0x3FA9]  }
0x28: {  	s2 =	sld [smem:$0x3FAA]  }
0x29: {  	s4 =	sld [smem:$0x3FAC]  }
0x2a: {  	p0 =	seq.s32 s5, $0x0;
	s5 =	sld [smem:$0x3FAD]  }
0x2b: {  	s6 =	sld [smem:$0x3FAE]  }
0x2c: {  	s7 =	sld [smem:$0x3FAF]  }
0x2d: {  	s3 =	simm.s32 $0x108;
	s8 =	sld [smem:$0x3FB0]  }
0x2e: {  	s3 =	simm.s32 @!p0 $0x1082;
	s9 =	sld [smem:$0x3FB1]  }
0x2f: {  	lr =	sadd.s32 s0, s3;
	s0 =	sld [smem:$0x3FA8]  }
0x30: {  	s3 =	sld [smem:$0x3FAB]  }
0x31: {  	[smem:$0x3FB4] =	sst s10  }
0x32: {  	s10 =	sld [smem:$0x3FB2];
	_ =	sdelay $0x3  }
0x33: {  	p0 =	seq.s32 s10, $0x1;
	s10 =	sld [smem:$0x3FB4];
	_ =	sdelay $0x3  }
0x34: {  	[smem:$0x3FB4] =	sst s10  }
0x35: {  	s10 =	sld [smem:$0x3FB3];
	_ =	sdelay $0x3  }
0x36: {  	p1 =	seq.s32 s10, $0x1;
	s10 =	sld [smem:$0x3FB4];
	_ =	sdelay $0x3  }
0x37: {  	[smem:$0x3FB4] =	sst s10  }
0x38: {  	s10 =	sld [smem:$0x3FB5]  }
0x39: {  	_ = 	snop;
	(pc) =	sbr.ind lr, $3  }
0x3a: {  	_ = 	snop  }
0x3b: {  	_ = 	snop  }
0x3c: {  	p2 =	seq.s32 s10, $0x1;
	s10 =	sld [smem:$0x3FB4]  }
0x3d: {  	_ =	shalt  }
0x3e: {  	_ =	shalt  }
0x3f: {  	_ =	shalt  }
0x40: {  	_ =	shalt  }
0x41: {  	_ =	shalt  }
0x42: {  	_ =	shalt  }
0x43: {  	_ =	shalt  }
0x44: {  	_ =	shalt  }
0x45: {  	_ =	shalt  }
0x46: {  	_ =	shalt  }
0x47: {  	_ =	shalt  }
0x48: {  	_ =	shalt  }
0x49: {  	_ =	shalt  }
0x4a: {  	_ =	shalt  }
0x4b: {  	_ =	shalt  }
0x4c: {  	_ =	shalt  }
0x4d: {  	_ =	shalt  }
0x4e: {  	_ =	shalt  }
0x4f: {  	_ =	shalt  }
0x50: {  	_ =	shalt  }
0x51: {  	_ =	shalt  }
0x52: {  	_ =	shalt  }
0x53: {  	_ =	shalt  }
0x54: {  	_ =	shalt  }
0x55: {  	_ =	shalt  }
0x56: {  	_ =	shalt  }
0x57: {  	_ =	shalt  }
0x58: {  	_ =	shalt  }
0x59: {  	_ =	shalt  }
0x5a: {  	_ =	shalt  }
0x5b: {  	_ =	shalt  }
0x5c: {  	_ =	shalt  }
0x5d: {  	_ =	shalt  }
0x5e: {  	_ =	shalt  }
0x5f: {  	_ =	shalt  }
0x60: {  	_ =	shalt  }
0x61: {  	_ =	shalt  }
0x62: {  	_ =	shalt  }
0x63: {  	_ =	shalt  }
0x64: {  	_ =	shalt  }
0x65: {  	_ =	shalt  }
0x66: {  	_ =	shalt  }
0x67: {  	_ =	shalt  }
0x68: {  	_ =	shalt  }
0x69: {  	_ =	shalt  }
0x6a: {  	_ =	shalt  }
0x6b: {  	_ =	shalt  }
0x6c: {  	_ =	shalt  }
0x6d: {  	_ =	shalt  }
0x6e: {  	_ =	shalt  }
0x6f: {  	_ =	shalt  }
0x70: {  	_ =	shalt  }
0x71: {  	_ =	shalt  }
0x72: {  	_ =	shalt  }
0x73: {  	_ =	shalt  }
0x74: {  	_ =	shalt  }
0x75: {  	_ =	shalt  }
0x76: {  	_ =	shalt  }
0x77: {  	_ =	shalt  }
0x78: {  	_ =	shalt  }
0x79: {  	_ =	shalt  }
0x7a: {  	_ =	shalt  }
0x7b: {  	_ =	shalt  }
0x7c: {  	_ =	shalt  }
0x7d: {  	_ =	shalt  }
0x7e: {  	_ =	shalt  }
0x7f: {  	_ =	shalt  }
0x80: {  	_ =	shalt  }
0x81: {  	_ =	shalt  }
0x82: {  	_ =	shalt  }
0x83: {  	_ =	shalt  }
0x84: {  	_ =	shalt  }
0x85: {  	_ =	shalt  }
0x86: {  	_ =	shalt  }
0x87: {  	_ =	shalt  }
.Lfunc_end0:
.L_simem_size_0:
called_computation.1_lowered:
.L_overlay_start_0:
0x88: {  	s2 =	sld [smem:$0x3FD9]  }
0x89: {  	s3 =	sld [smem:$0x3FFE];
	_ =	sdelay $0x1  }
0x8a: {  	s1 =	srdreg.scid  }
0x8b: {  	s0 =	sand.u32 $0x1, s1  }
0x8c: {  	s16 =	sshll.u32 s0, $0xA;
	s2 =	sadd.s32 s3, s2  }
0x8d: {  	s2 =	sadd.s32 s2, s16  }
0x8e: {  	[smem:$0x3FC0] =	sst s2  }
0x8f: {  	_ = 	snop  }
0x90: {  	(tm) =	ssettm $0x1  }
0x91: {  	s17 =	sld [smem:$0x3FFB];
	_ =	sdelay $0x3  }
0x92: {  	_ =	strace s17  }
0x93: {  	s2 =	sld [smem:$0x3FFC];
	_ =	sdelay $0x3  }
0x94: {  	_ =	strace s2  }
0x95: {  	s2 =	sld [smem:$0x3FFD];
	_ =	sdelay $0x3  }
0x96: {  	_ =	strace s2  }
0x97: {  	_ =	strace $0x8FFFFFFF  }
0x98: {  	s18 =	sld [smem:$0x3FDB];
	_ =	sdelay $0x1  }
0x99: {  	s19 =	simm.s32 $_scs_section_size  }
0x9a: {  	s4 =	simm.s32 $_size__tile_overlayer_lowered;
	s5 =	simm.s32 $_tile_overlayer_lowered  }
0x9b: {  	s22 =	simm.s32 $0x1BFF;
	s21 =	sshll.u32 s5, $0x1;
	s2 =	sadd.s32 s19, s18  }
0x9c: {  	s6 =	simm.s32 $0x0;
	s20 =	sshll.u32 s4, $0x1;
	s4 =	sadd.s32 s21, s2  }
0x9d: {  	[timem:s6], [sflag:s22] =	dma.local [hbm:s4], s20  }
0x9e: {  	_ =	swait.ge [sflag:s22], s20  }
0x9f: {  	s3 =	ssub.s32 $0x0, s20;
	[sflag:s22] =	ssyncset.done $0x0  }
0xa0: {  	[sflag:s22] =	ssyncadd.s32 s3;
	_ =	sdelay $0x1  }
0xa1: {  	s23 =	simm.s32 $0x1B8B  }
0xa2: {  	_ =	swait.ge [sflag:s23], $0x1  }
0xa3: {  	[sflag:s23] =	ssyncset.done $0x0  }
0xa4: {  	s25 =	simm.s32 $0x1B8E;
	s24 =	sld [smem:$0x3FFE];
	[sflag:s23] =	ssyncadd.s32 $0xFFFFFFFF  }
0xa5: {  	s26 =	simm.s32 $execute0_lowered;
	[smem:$0x3FD2] =	sst s25  }
0xa6: {  	s4 =	sshll.u32 s26, $0x1;
	_ =	strace $0x80000049;
	[dreg:$0x1] =	wrdreg $0xFFFFFFFF  }
0xa7: {  	s28 =	simm.s32 $_size_execute0_lowered;
	s2 =	sadd.s32 s2, s4;
	[dreg:$0x0] =	wrdreg $0x0  }
0xa8: {  	s4 =	sshll.u32 s28, $0x1;
	[dreg:$0x2] =	wrdreg s2  }
0xa9: {  	[dreg:$0x3] =	wrdreg s4  }
0xaa: {  	[dreg:$0x4] =	wrdreg $0xC0  }
0xab: {  	_ =	task [dreg:s6], $0x5FFFF  }
0xac: {  	[dreg:$0x1] =	wrdreg $0xFFFFFFFF  }
0xad: {  	[dreg:$0x0] =	wrdreg $0x60  }
0xae: {  	[dreg:$0x2] =	wrdreg s24  }
0xaf: {  	[dreg:$0x3] =	wrdreg $0x0  }
0xb0: {  	[dreg:$0x4] =	wrdreg $0x9  }
0xb1: {  	_ =	task.clear_ibuf [dreg:s6], $0x5FFFF;
	_ =	strace $0x90000049  }
0xb2: {  	s29 =	simm.s32 $0x9;
	_ =	strace $0x8000004B  }
0xb3: {  	_ =	swait.ge [sflag:s29], $0x1  }
0xb4: {  	[sflag:s29] =	ssyncadd.s32 $0xFFFFFFFF  }
0xb5: {  	_ =	strace $0x9000004B  }
0xb6: {  	_ =	sfence  }
0xb7: {  	s30 =	sld [smem:$0x0];
	_ =	sdelay $0x2  }
0xb8: {  	s31 =	sshll.u32 s1, $0xD;
	s1 =	sshrl.u32 s1, $0x2  }
0xb9: {  	s3 =	sand.u32 $0x4000, s31;
	s1 =	sadd.s32 s1, s30  }
0xba: {  	s0 =	sor.u32 s3, s0;
	s1 =	sshll.u32 s1, $0x11  }
0xbb: {  	s0 =	sor.u32 s1, s0  }
0xbc: {  	s0 =	sadd.s32 $0x8F2B, s0  }
0xbd: {  	[sflag:s0] =	ssyncadd.remote.s32 $0x1  }
0xbe: {  	_ =	sfence.sel $0xFFFF  }
0xbf: {  	[dreg:$0x0] =	wrdreg $0xFFFFFFFF;
	(pc) =	sbr.abs _section_cstart, $3  }
0xc0: {  	[dreg:$0x1] =	wrdreg $0xFFFFFFFF  }
0xc1: {  	_ =	task.clear_ibuf [dreg:s6], $0x2FFFF;
	_ =	strace $0x9FFFFFFF  }
0xc2: {  	(tm) =	ssettm $0x7FFFFFFF  }
0xc3: {  	_ =	shalt  }
tec
execute0_lowered:
.L_overlay_start_1:
0x0: {  	(tag) =	ssettag $0x1  }
0x1: {  	s0 =	srdreg.scid;
	s1 =	rddreg [dreg:$0x0]  }
0x2: {  	s3 =	stileid.u32;
	s2 =	rddreg [dreg:$0x1];
	s6 =	simm.s32 $0x0  }
0x3: {  	s22 =	simm.s32 $0x3;
	s23 =	simm.s32 $0x19400;
	s5 =	smul.u32 $0x3800, s3  }
0x4: {  	s28 =	simm.s32 $0x1;
	s29 =	simm.s32 $0x1C400;
	s24 =	smul.u32 $0x700, s3  }
0x5: {  	s30 =	simm.s32 $0x2;
	s31 =	simm.s32 $0x15B80;
	s25 =	smul.u32 $0x50000, s3  }
0x6: {  	s0 =	sand.u32 $0x1, s0;
	[smem:$0x7FF] =	sst s6;
	s11 =	smul.u32 $0x2800, s3  }
0x7: {  	s21 =	sadd.s32 $0x12C000, s2;
	p0 =	seq.s32 s3, $0xF;
	s4 =	smul.u32 $0x38000, s0  }
0x8: {  	_ =	strace $0x8000004A;
	s7 =	ssub.s32 $0x2, s0;
	s9 =	smul.u32 $0x27100, s0  }
0x9: {  	s0 =	smul.u32 $0x138800, s0;
	s6 =	sadd.s32 s24, s1;
	s10 =	sshrl.u32 s7, $0x1  }
0xa: {  	s26 =	sshrl.u32 s25, $0x2;
	s24 =	simm.s32 $0x14000;
	s25 =	sshrl.u32 @p0 s21, $0x3  }
0xb: {  	s21 =	simm.s32 $0x0;
	s4 =	sadd.s32 s5, s4;
	s12 =	ssub.s32 s7, s10  }
0xc: {  	s9 =	sadd.s32 s11, s9;
	s0 =	sshrl.u32 s0, $0x3;
	s5 =	sshrl.u32 s4, $0x3  }
0xd: {  	s4 =	sadd.s32 $0x20200, s1;
	s11 =	smax.u32 s12, $0x1;
	s8 =	sadd.s32 s5, s1  }
0xe: {  	s1 =	sadd.s32 $0x6E400, s1;
	s5 =	sadd.s32 $0xB200, s6;
	s6 =	sadd.s32 s26, s2  }
0xf: {  	s26 =	simm.s32 $0x60;
	s7 =	sadd.s32 $0x12200, s8;
	s8 =	sadd.s32 $0x12580, s8  }
0x10: {  	s9 =	sadd.s32 s1, s9;
	s0 =	sadd.s32 s1, s0;
	s12 =	sadd.s32 $0x2000, s6  }
0x11: {  	s13 =	sadd.s32 $0x4000, s6;
	s14 =	sadd.s32 $0x6000, s6;
	s15 =	sadd.s32 $0x8000, s6  }
0x12: {  	s16 =	sadd.s32 $0xA000, s6;
	s17 =	sadd.s32 $0xC000, s6;
	s18 =	sadd.s32 $0xE000, s6  }
0x13: {  	v0 =	vimm.f32 $0.0e+00;
	s19 =	sadd.s32 $0x10000, s6;
	s20 =	sadd.s32 $0x12000, s6;
	s10 =	sadd.s32 $0x25800, s0  }
.LBB2_1:
0x14: {  	s0 =	simm.s32 $0x0;
	s1 =	simm.s32 $0x15C00  }
0x15: {  	[tilespmem:s1], [sflag:$0x3] =	stream.linear.gather [hbm4b:s5+s0], $0x3800, $0x38;
	[tilespmem:$0x1F400] =	vst v63  }
0x16: {  	_ =	swait.ge [sflag:s22], $0x3800  }
0x17: {  	[sflag:s22] =	ssyncset.done $0x0  }
0x18: {  	s0 =	simm.s32 $0x0;
	s1 =	simm.s32 $0x200;
	[sflag:s22] =	ssyncadd.s32 $0xFFFFC800  }
.LBB2_2:
0x19: {  	p1 =	sne.s32 s1, $0x7E00;
	[tilespmem:s0+$0x19470] =	vst v0  }
0x1a: {  	[tilespmem:s0+$0x19400] =	vst v0  }
0x1b: {  	[tilespmem:s0+$0x19410] =	vst v0  }
.Ltmp0:
0x1c: {  	[tilespmem:s0+$0x19420] =	vst v0;
	(pc) =	sbr.rel @p1 .LBB2_2-.Ltmp0, $4  }
0x1d: {  	[tilespmem:s0+$0x19430] =	vst v0  }
0x1e: {  	[tilespmem:s0+$0x19440] =	vst v0  }
0x1f: {  	[tilespmem:s0+$0x19450] =	vst v0  }
0x20: {  	[tilespmem:s0+$0x19460] =	vst v0;
	s0 =	sshra.s32 s1, $0x2;
	s1 =	sadd.s32 $0x200, s1  }
0x21: {  	[tilespmem:s0+$0x19470] =	vst v0  }
0x22: {  	[tilespmem:s0+$0x19400] =	vst v0  }
0x23: {  	[tilespmem:s0+$0x19410] =	vst v0  }
0x24: {  	[tilespmem:s0+$0x19420] =	vst v0  }
0x25: {  	[tilespmem:s0+$0x19430] =	vst v0  }
0x26: {  	[tilespmem:s0+$0x19440] =	vst v0  }
0x27: {  	[tilespmem:s0+$0x19450] =	vst v0  }
0x28: {  	[tilespmem:s0+$0x19460] =	vst v0  }
0x29: {  	[spmem:s6] =	stream.linear.scatter [tilespmem:s23], [sflag:$0x3], $0x2000, $0x38;
	[tilespmem:$0x1F400] =	vst v63  }
0x2a: {  	_ =	swait.ge [sflag:s22], $0x2000  }
0x2b: {  	[sflag:s22] =	ssyncset.done $0x0  }
0x2c: {  	[sflag:s22] =	ssyncadd.s32 $0xFFFFE000  }
0x2d: {  	[spmem:s12] =	stream.linear.scatter [tilespmem:s23], [sflag:$0x3], $0x2000, $0x38;
	[tilespmem:$0x1F400] =	vst v63  }
0x2e: {  	_ =	swait.ge [sflag:s22], $0x2000  }
0x2f: {  	[sflag:s22] =	ssyncset.done $0x0  }
0x30: {  	[sflag:s22] =	ssyncadd.s32 $0xFFFFE000  }
0x31: {  	[spmem:s13] =	stream.linear.scatter [tilespmem:s23], [sflag:$0x3], $0x2000, $0x38;
	[tilespmem:$0x1F400] =	vst v63  }
0x32: {  	_ =	swait.ge [sflag:s22], $0x2000  }
0x33: {  	[sflag:s22] =	ssyncset.done $0x0  }
0x34: {  	[sflag:s22] =	ssyncadd.s32 $0xFFFFE000  }
0x35: {  	[spmem:s14] =	stream.linear.scatter [tilespmem:s23], [sflag:$0x3], $0x2000, $0x38;
	[tilespmem:$0x1F400] =	vst v63  }
0x36: {  	_ =	swait.ge [sflag:s22], $0x2000  }
0x37: {  	[sflag:s22] =	ssyncset.done $0x0  }
0x38: {  	[sflag:s22] =	ssyncadd.s32 $0xFFFFE000  }
0x39: {  	[spmem:s15] =	stream.linear.scatter [tilespmem:s23], [sflag:$0x3], $0x2000, $0x38;
	[tilespmem:$0x1F400] =	vst v63  }
0x3a: {  	_ =	swait.ge [sflag:s22], $0x2000  }
0x3b: {  	[sflag:s22] =	ssyncset.done $0x0  }
0x3c: {  	[sflag:s22] =	ssyncadd.s32 $0xFFFFE000  }
0x3d: {  	[spmem:s16] =	stream.linear.scatter [tilespmem:s23], [sflag:$0x3], $0x2000, $0x38;
	[tilespmem:$0x1F400] =	vst v63  }
0x3e: {  	_ =	swait.ge [sflag:s22], $0x2000  }
0x3f: {  	[sflag:s22] =	ssyncset.done $0x0  }
0x40: {  	[sflag:s22] =	ssyncadd.s32 $0xFFFFE000  }
0x41: {  	[spmem:s17] =	stream.linear.scatter [tilespmem:s23], [sflag:$0x3], $0x2000, $0x38;
	[tilespmem:$0x1F400] =	vst v63  }
0x42: {  	_ =	swait.ge [sflag:s22], $0x2000  }
0x43: {  	[sflag:s22] =	ssyncset.done $0x0  }
0x44: {  	[sflag:s22] =	ssyncadd.s32 $0xFFFFE000  }
0x45: {  	[spmem:s18] =	stream.linear.scatter [tilespmem:s23], [sflag:$0x3], $0x2000, $0x38;
	[tilespmem:$0x1F400] =	vst v63  }
0x46: {  	_ =	swait.ge [sflag:s22], $0x2000  }
0x47: {  	[sflag:s22] =	ssyncset.done $0x0  }
0x48: {  	[sflag:s22] =	ssyncadd.s32 $0xFFFFE000  }
0x49: {  	[spmem:s19] =	stream.linear.scatter [tilespmem:s23], [sflag:$0x3], $0x2000, $0x38;
	[tilespmem:$0x1F400] =	vst v63  }
0x4a: {  	_ =	swait.ge [sflag:s22], $0x2000  }
0x4b: {  	[sflag:s22] =	ssyncset.done $0x0  }
0x4c: {  	[sflag:s22] =	ssyncadd.s32 $0xFFFFE000  }
0x4d: {  	[spmem:s20] =	stream.linear.scatter [tilespmem:s23], [sflag:$0x3], $0x2000, $0x38;
	[tilespmem:$0x1F400] =	vst v63  }
0x4e: {  	_ =	swait.ge [sflag:s22], $0x2000  }
0x4f: {  	[sflag:s22] =	ssyncset.done $0x0  }
0x50: {  	[sflag:s22] =	ssyncadd.s32 $0xFFFFE000  }
0x51: {  	s3 =	simm.s32 $0x0;
	[bflag:$0x0] =	sbarrier.arrive $0xFFFF  }
0x52: {  	[tilespmem:s24], [sflag:$0x3] =	stream.linear.gather [hbm4b:s7+s3], $0x1C00, $0x38;
	[tilespmem:$0x1F400] =	vst v63  }
0x53: {  	_ =	swait.ge [sflag:s22], $0x1C00  }
0x54: {  	[sflag:s22] =	ssyncset.done $0x0  }
0x55: {  	[sflag:s22] =	ssyncadd.s32 $0xFFFFE400  }
0x56: {  	[tilespmem:s23], [sflag:$0x1] =	stream.indirect.gather [hbm4b:s4+s26], $0x80, s24, s26, $0xb8;
	[tilespmem:$0x1F400] =	vst v63  }
0x57: {  	_ =	swait.ge [sflag:s28], $0x3000  }
0x58: {  	[sflag:s28] =	ssyncset.done $0x0  }
0x59: {  	s1 =	simm.s32 $0x14080;
	[sflag:s28] =	ssyncadd.s32 $0xFFFFD000  }
0x5a: {  	[tilespmem:s29], [sflag:$0x2] =	stream.indirect.gather [hbm4b:s4+s26], $0x80, s1, s26, $0xb8;
	[tilespmem:$0x1F400] =	vst v63  }
0x5b: {  	s3 =	simm.s32 $0x15C00  }
0x5c: {  	[spmem:s2] =	stream.indirect.scatter.add.f32 [tilespmem:s23], [sflag:$0x3], $0x80, s3, s26, $0xb8;
	[tilespmem:$0x1F400] =	vst v63  }
0x5d: {  	_ =	swait.ge [sflag:s22], $0x3000  }
0x5e: {  	[sflag:s22] =	ssyncset.done $0x0  }
0x5f: {  	[sflag:s22] =	ssyncadd.s32 $0xFFFFD000  }
0x60: {  	_ =	swait.ge [sflag:s30], $0x3000  }
0x61: {  	[sflag:s30] =	ssyncset.done $0x0  }
0x62: {  	s1 =	simm.s32 $0x14100;
	[sflag:s30] =	ssyncadd.s32 $0xFFFFD000  }
0x63: {  	[tilespmem:s23], [sflag:$0x1] =	stream.indirect.gather [hbm4b:s4+s26], $0x80, s1, s26, $0xb8;
	[tilespmem:$0x1F400] =	vst v63  }
0x64: {  	s3 =	simm.s32 $0x15C80  }
0x65: {  	[spmem:s2] =	stream.indirect.scatter.add.f32 [tilespmem:s29], [sflag:$0x3], $0x80, s3, s26, $0xb8;
	[tilespmem:$0x1F400] =	vst v63  }
0x66: {  	_ =	swait.ge [sflag:s22], $0x3000  }
0x67: {  	s0 =	simm.s32 $0x400;
	[sflag:s22] =	ssyncset.done $0x0  }
.LBB2_4:
0x68: {  	p1 =	sne.s32 s0, $0x6800  }
0x69: {  	[sflag:s22] =	ssyncadd.s32 $0xFFFFD000;
	s1 =	smov.u32 s0;
	s0 =	sadd.s32 $0x400, s0  }
0x6a: {  	_ = 	snop  }
0x6b: {  	_ =	swait.ge [sflag:s28], $0x3000  }
0x6c: {  	s1 =	sshra.s32 s1, $0x2;
	[sflag:s28] =	ssyncset.done $0x0  }
0x6d: {  	s3 =	sadd.s32 $0x14080, s1;
	[sflag:s28] =	ssyncadd.s32 $0xFFFFD000  }
0x6e: {  	[tilespmem:s29], [sflag:$0x2] =	stream.indirect.gather [hbm4b:s4+s26], $0x80, s3, s26, $0xb8;
	[tilespmem:$0x1F400] =	vst v63  }
0x6f: {  	s3 =	sadd.s32 $0x15C00, s1  }
0x70: {  	[spmem:s2] =	stream.indirect.scatter.add.f32 [tilespmem:s23], [sflag:$0x3], $0x80, s3, s26, $0xb8;
	[tilespmem:$0x1F400] =	vst v63  }
0x71: {  	_ =	swait.ge [sflag:s22], $0x3000  }
0x72: {  	[sflag:s22] =	ssyncset.done $0x0  }
0x73: {  	[sflag:s22] =	ssyncadd.s32 $0xFFFFD000  }
0x74: {  	_ =	swait.ge [sflag:s30], $0x3000  }
0x75: {  	[sflag:s30] =	ssyncset.done $0x0  }
0x76: {  	s3 =	sadd.s32 $0x14100, s1;
	[sflag:s30] =	ssyncadd.s32 $0xFFFFD000  }
0x77: {  	[tilespmem:s23], [sflag:$0x1] =	stream.indirect.gather [hbm4b:s4+s26], $0x80, s3, s26, $0xb8;
	[tilespmem:$0x1F400] =	vst v63  }
.Ltmp1:
0x78: {  	_ = 	snop;
	(pc) =	sbr.rel @p1 .LBB2_4-.Ltmp1, $4  }
0x79: {  	s1 =	sadd.s32 $0x15C80, s1  }
0x7a: {  	[spmem:s2] =	stream.indirect.scatter.add.f32 [tilespmem:s29], [sflag:$0x3], $0x80, s1, s26, $0xb8;
	[tilespmem:$0x1F400] =	vst v63  }
0x7b: {  	_ =	swait.ge [sflag:s22], $0x3000  }
0x7c: {  	[sflag:s22] =	ssyncset.done $0x0  }
0x7d: {  	[sflag:s22] =	ssyncadd.s32 $0xFFFFD000  }
0x7e: {  	_ =	swait.ge [sflag:s28], $0x3000  }
0x7f: {  	[sflag:s28] =	ssyncset.done $0x0  }
0x80: {  	[sflag:s28] =	ssyncadd.s32 $0xFFFFD000  }
0x81: {  	[tilespmem:s29], [sflag:$0x2] =	stream.indirect.gather [hbm4b:s4+s26], $0x80, s31, s26, $0xb8;
	[tilespmem:$0x1F400] =	vst v63  }
0x82: {  	s0 =	simm.s32 $0x17700  }
0x83: {  	[spmem:s2] =	stream.indirect.scatter.add.f32 [tilespmem:s23], [sflag:$0x3], $0x80, s0, s26, $0xb8;
	[tilespmem:$0x1F400] =	vst v63  }
0x84: {  	_ =	swait.ge [sflag:s22], $0x3000  }
0x85: {  	[sflag:s22] =	ssyncset.done $0x0  }
0x86: {  	[sflag:s22] =	ssyncadd.s32 $0xFFFFD000  }
0x87: {  	_ =	swait.ge [sflag:s30], $0x3000  }
0x88: {  	[sflag:s30] =	ssyncset.done $0x0  }
0x89: {  	s1 =	simm.s32 $0x17780;
	[sflag:s30] =	ssyncadd.s32 $0xFFFFD000  }
0x8a: {  	[spmem:s2] =	stream.indirect.scatter.add.f32 [tilespmem:s29], [sflag:$0x3], $0x80, s1, s26, $0xb8;
	[tilespmem:$0x1F400] =	vst v63  }
0x8b: {  	_ =	swait.ge [sflag:s22], $0x3000  }
0x8c: {  	[sflag:s22] =	ssyncset.done $0x0  }
0x8d: {  	s3 =	simm.s32 $0x0;
	[sflag:s22] =	ssyncadd.s32 $0xFFFFD000  }
0x8e: {  	[tilespmem:s24], [sflag:$0x3] =	stream.linear.gather [hbm4b:s8+s3], $0x1C00, $0x38;
	[tilespmem:$0x1F400] =	vst v63  }
0x8f: {  	_ =	swait.ge [sflag:s22], $0x1C00  }
0x90: {  	[sflag:s22] =	ssyncset.done $0x0  }
0x91: {  	[sflag:s22] =	ssyncadd.s32 $0xFFFFE400  }
0x92: {  	[tilespmem:s23], [sflag:$0x1] =	stream.indirect.gather [hbm4b:s4+s26], $0x80, s24, s26, $0xb8;
	[tilespmem:$0x1F400] =	vst v63  }
0x93: {  	_ =	swait.ge [sflag:s28], $0x3000  }
0x94: {  	[sflag:s28] =	ssyncset.done $0x0  }
0x95: {  	s1 =	simm.s32 $0x14080;
	[sflag:s28] =	ssyncadd.s32 $0xFFFFD000  }
0x96: {  	[tilespmem:s29], [sflag:$0x2] =	stream.indirect.gather [hbm4b:s4+s26], $0x80, s1, s26, $0xb8;
	[tilespmem:$0x1F400] =	vst v63  }
0x97: {  	s3 =	simm.s32 $0x17800  }
0x98: {  	[spmem:s2] =	stream.indirect.scatter.add.f32 [tilespmem:s23], [sflag:$0x3], $0x80, s3, s26, $0xb8;
	[tilespmem:$0x1F400] =	vst v63  }
0x99: {  	_ =	swait.ge [sflag:s22], $0x3000  }
0x9a: {  	[sflag:s22] =	ssyncset.done $0x0  }
0x9b: {  	[sflag:s22] =	ssyncadd.s32 $0xFFFFD000  }
0x9c: {  	_ =	swait.ge [sflag:s30], $0x3000  }
0x9d: {  	[sflag:s30] =	ssyncset.done $0x0  }
0x9e: {  	s1 =	simm.s32 $0x14100;
	[sflag:s30] =	ssyncadd.s32 $0xFFFFD000  }
0x9f: {  	[tilespmem:s23], [sflag:$0x1] =	stream.indirect.gather [hbm4b:s4+s26], $0x80, s1, s26, $0xb8;
	[tilespmem:$0x1F400] =	vst v63  }
0xa0: {  	s3 =	simm.s32 $0x17880  }
0xa1: {  	[spmem:s2] =	stream.indirect.scatter.add.f32 [tilespmem:s29], [sflag:$0x3], $0x80, s3, s26, $0xb8;
	[tilespmem:$0x1F400] =	vst v63  }
0xa2: {  	_ =	swait.ge [sflag:s22], $0x3000  }
0xa3: {  	s0 =	simm.s32 $0xFFFF9800;
	[sflag:s22] =	ssyncset.done $0x0  }
.LBB2_6:
0xa4: {  	p1 =	sne.s32 s0, $0xFFFFFC00  }
0xa5: {  	[sflag:s22] =	ssyncadd.s32 $0xFFFFD000;
	s1 =	smov.u32 s0;
	s0 =	sadd.s32 $0x400, s0  }
0xa6: {  	_ = 	snop  }
0xa7: {  	_ =	swait.ge [sflag:s28], $0x3000  }
0xa8: {  	s1 =	sshra.s32 s1, $0x2;
	[sflag:s28] =	ssyncset.done $0x0  }
0xa9: {  	s3 =	sadd.s32 $0x15B80, s1;
	[sflag:s28] =	ssyncadd.s32 $0xFFFFD000  }
0xaa: {  	[tilespmem:s29], [sflag:$0x2] =	stream.indirect.gather [hbm4b:s4+s26], $0x80, s3, s26, $0xb8;
	[tilespmem:$0x1F400] =	vst v63  }
0xab: {  	s3 =	sadd.s32 $0x19300, s1  }
0xac: {  	[spmem:s2] =	stream.indirect.scatter.add.f32 [tilespmem:s23], [sflag:$0x3], $0x80, s3, s26, $0xb8;
	[tilespmem:$0x1F400] =	vst v63  }
0xad: {  	_ =	swait.ge [sflag:s22], $0x3000  }
0xae: {  	[sflag:s22] =	ssyncset.done $0x0  }
0xaf: {  	[sflag:s22] =	ssyncadd.s32 $0xFFFFD000  }
0xb0: {  	_ =	swait.ge [sflag:s30], $0x3000  }
0xb1: {  	[sflag:s30] =	ssyncset.done $0x0  }
0xb2: {  	s3 =	sadd.s32 $0x15C00, s1;
	[sflag:s30] =	ssyncadd.s32 $0xFFFFD000  }
0xb3: {  	[tilespmem:s23], [sflag:$0x1] =	stream.indirect.gather [hbm4b:s4+s26], $0x80, s3, s26, $0xb8;
	[tilespmem:$0x1F400] =	vst v63  }
.Ltmp2:
0xb4: {  	_ = 	snop;
	(pc) =	sbr.rel @p1 .LBB2_6-.Ltmp2, $4  }
0xb5: {  	s1 =	sadd.s32 $0x19380, s1  }
0xb6: {  	[spmem:s2] =	stream.indirect.scatter.add.f32 [tilespmem:s29], [sflag:$0x3], $0x80, s1, s26, $0xb8;
	[tilespmem:$0x1F400] =	vst v63  }
0xb7: {  	_ =	swait.ge [sflag:s22], $0x3000  }
0xb8: {  	[sflag:s22] =	ssyncset.done $0x0  }
0xb9: {  	[sflag:s22] =	ssyncadd.s32 $0xFFFFD000  }
0xba: {  	_ =	swait.ge [sflag:s28], $0x3000  }
0xbb: {  	[sflag:s28] =	ssyncset.done $0x0  }
0xbc: {  	[sflag:s28] =	ssyncadd.s32 $0xFFFFD000  }
0xbd: {  	[tilespmem:s29], [sflag:$0x2] =	stream.indirect.gather [hbm4b:s4+s26], $0x80, s31, s26, $0xb8;
	[tilespmem:$0x1F400] =	vst v63  }
0xbe: {  	s0 =	simm.s32 $0x19300  }
0xbf: {  	[spmem:s2] =	stream.indirect.scatter.add.f32 [tilespmem:s23], [sflag:$0x3], $0x80, s0, s26, $0xb8;
	[tilespmem:$0x1F400] =	vst v63  }
0xc0: {  	_ =	swait.ge [sflag:s22], $0x3000  }
0xc1: {  	[sflag:s22] =	ssyncset.done $0x0  }
0xc2: {  	[sflag:s22] =	ssyncadd.s32 $0xFFFFD000  }
0xc3: {  	_ =	swait.ge [sflag:s30], $0x3000  }
0xc4: {  	[sflag:s30] =	ssyncset.done $0x0  }
0xc5: {  	s3 =	simm.s32 $0x19380;
	[sflag:s30] =	ssyncadd.s32 $0xFFFFD000  }
0xc6: {  	[spmem:s2] =	stream.indirect.scatter.add.f32 [tilespmem:s29], [sflag:$0x3], $0x80, s3, s26, $0xb8;
	[tilespmem:$0x1F400] =	vst v63  }
0xc7: {  	_ =	swait.ge [sflag:s22], $0x3000  }
0xc8: {  	[sflag:s22] =	ssyncset.done $0x0  }
0xc9: {  	[sflag:s22] =	ssyncadd.s32 $0xFFFFD000  }
0xca: {  	s0 =	simm.s32 @p0 $0x1FC3;
	[bflag:$0x0] =	sbarrier.arrive $0xFFFF  }
0xcb: {  	[hbm:s10], [sflag:s0] =	dma.local @p0 [spmem:s25], $0x1900  }
0xcc: {  	s0 =	simm.s32 @p0 $0x3  }
0xcd: {  	s1 =	stileid.u32;
	_ =	swait.ge @p0 [sflag:s0], $0x1900  }
0xce: {  	s21 =	sadd.s32 $0x1, s21;
	s1 =	sshll.u32 @!p0 s1, $0x6;
	[sflag:s0] =	ssyncset.done @p0 $0x0  }
0xcf: {  	[sflag:s0] =	ssyncadd.s32 @p0 $0xFFFFE700;
	s0 =	sor.u32 @!p0 $0x1C03, s1;
	s1 =	sshrl.u32 @!p0 s6, $0x3  }
0xd0: {  	[hbm:s9], [sflag:s0] =	dma.local @!p0 [spmem:s1], $0x2800  }
0xd1: {  	p1 =	sne.s32 s21, s11;
	s0 =	simm.s32 @!p0 $0x3  }
.Ltmp3:
0xd2: {  	_ =	swait.ge @!p0 [sflag:s0], $0x2800;
	(pc) =	sbr.rel @p1 .LBB2_1-.Ltmp3, $3  }
0xd3: {  	[sflag:s0] =	ssyncset.done @!p0 $0x0  }
0xd4: {  	[sflag:s0] =	ssyncadd.s32 @!p0 $0xFFFFD800  }
0xd5: {  	[bflag:$0x0] =	sbarrier.arrive $0xFFFF;
	_ =	sdelay $0x1  }
0xd6: {  	_ =	sfence.sel $0x180000  }
0xd7: {  	[bflag:$0x0] =	sbarrier.arrive $0xFFFF  }
0xd8: {  	_ =	strace $0x9000004A  }
0xd9: {  	s0 =	stileid.u32;
	[bflag:$0x2] =	sbarrier.arrive $0xFFFF  }
0xda: {  	p0 =	sne.s32 s0, $0x0;
	s0 =	rddreg [dreg:$0x2]  }
0xdb: {  	s0 =	sadd.s32 @!p0 $0x100000, s0  }
0xdc: {  	[sflag:s0] =	ssyncadd.tile.s32 @!p0 $0x1;
	_ =	shalt  }
.Lfunc_end2:
_tile_overlayer_lowered:
.L_overlay_start_2:
0xdd: {  	(tag) =	ssettag $0x2  }
0xde: {  	s0 =	rddreg [dreg:$0x0];
	s2 =	stileid.u32  }
0xdf: {  	s1 =	rddreg [dreg:$0x1];
	p0 =	sne.s32 s2, $0x0  }
0xe0: {  	s3 =	rddreg [dreg:$0x2];
	[bflag:$0x3] =	sbarrier.arrive $0xFFFF;
	s2 =	simm.s32 @!p0 $0x1C03  }
0xe1: {  	[timem:s3], [sflag:s2] =	dma.local @!p0 [hbm:s0], s1  }
0xe2: {  	s0 =	simm.s32 @!p0 $0x3  }
0xe3: {  	_ =	swait.ge @!p0 [sflag:s0], s1  }
0xe4: {  	s1 =	ssub.s32 @!p0 $0x0, s1;
	[sflag:s0] =	ssyncset.done @!p0 $0x0  }
0xe5: {  	[sflag:s0] =	ssyncadd.s32 @!p0 s1  }
0xe6: {  	[bflag:$0x3] =	sbarrier.arrive $0xFFFF  }
0xe7: {  	_ =	shalt  }

// kernel: kernel.27.cloned.1.call-start
scs
__scs_entry_jumppad:
0x0: {  	(pc) =	sbr.rel $0x88, $3  }
0x1: {  	(tag) =	ssettag $0x0;
	lr =	simm.s32 $0x1  }
0x2: {  	[smem:$0x3F99] =	sst lr;
	_ =	strace $0xD0000000  }
0x3: {  	_ = 	snop  }
0x4: {  	_ = 	snop  }
0x5: {  	_ = 	snop  }
0x6: {  	_ = 	snop  }
0x7: {  	_ = 	snop  }
__scs_overlays_trampoline_lowered:
0x8: {  	[smem:$0x3FA8] =	sst s0  }
0x9: {  	[smem:$0x3FA9] =	sst s1  }
0xa: {  	[smem:$0x3FAA] =	sst s2  }
0xb: {  	[smem:$0x3FAB] =	sst s3  }
0xc: {  	[smem:$0x3FAC] =	sst s4  }
0xd: {  	[smem:$0x3FAD] =	sst s5  }
0xe: {  	[smem:$0x3FAE] =	sst s6  }
0xf: {  	[smem:$0x3FAF] =	sst s7  }
0x10: {  	[smem:$0x3FB0] =	sst s8  }
0x11: {  	[smem:$0x3FB1] =	sst s9;
	s0 =	simm.s32 @!p0 $0x0  }
0x12: {  	s1 =	sld [smem:$0x3F97];
	s0 =	simm.s32 @p0 $0x1  }
0x13: {  	[smem:$0x3FB2] =	sst s0;
	s0 =	simm.s32 @!p1 $0x0  }
0x14: {  	s2 =	sld [smem:$0x3F96];
	s0 =	simm.s32 @p1 $0x1  }
0x15: {  	[smem:$0x3FB3] =	sst s0;
	s0 =	simm.s32 @!p2 $0x0  }
0x16: {  	s3 =	sld [smem:$0x3FDB];
	s0 =	simm.s32 @p2 $0x1  }
0x17: {  	s4 =	simm.s32 $0x1BF5;
	[smem:$0x3FB5] =	sst s0  }
0x18: {  	s0 =	sld [smem:$0x3F98];
	_ =	swait.ge [sflag:s4], $0x0  }
0x19: {  	s7 =	sld [smem:$0x3F99]  }
0x1a: {  	s8 =	sadd.s32 $0xFFFFE003, lr  }
0x1b: {  	s9 =	sadd.s32 $0xFFFFFEF7, lr;
	s5 =	simm.s32 $0xFFFFFFFF;
	p2 =	slt.u32 s8, $0xFFFFF086  }
0x1c: {  	p1 =	slt.u32 s9, $0xF7A;
	s5 =	simm.s32 @!p2 $0x0  }
0x1d: {  	s5 =	simm.s32 @p1 $0x1;
	p0 =	seq.s32 s7, s2  }
0x1e: {  	s7 =	smul.u32 @!p0 $0xF7A, s2;
	p2 =	seq.s32 @!p0 s5, $0x0  }
0x1f: {  	s9 =	smul.u32 $0xF7A, s1;
	s8 =	simm.s32 @!p0 $0x1BF5;
	p2 =	por !p2, p0  }
0x20: {  	[sflag:s8] =	ssyncset.s32 @!p0 $0xFFFFF086;
	s6 =	sadd.s32 @!p0 s3, s7;
	s7 =	simm.s32 @!p0 $0x108  }
0x21: {  	s3 =	sadd.s32 s3, s9;
	s6 =	sadd.s32 @!p0 $0x88, s6;
	s7 =	simm.s32 @p2 $0x1082  }
0x22: {  	[simem:s7], [sflag:s8] =	dma.local @!p0 [hbm:s6], $0xF7A  }
0x23: {  	s9 =	sor.u32 $0xD0000000, s2;
	s6 =	simm.s32 $0x108;
	_ =	swait.ge @!p0 [sflag:s8], $0x0  }
0x24: {  	s3 =	sadd.s32 $0x88, s3;
	s6 =	simm.s32 @!p1 $0x1082;
	[sflag:s4] =	ssyncset.s32 $0xFFFFF086  }
0x25: {  	[simem:s6], [sflag:s4] =	dma.local [hbm:s3], $0xF7A  }
0x26: {  	[smem:$0x3F99] =	sst s1;
	(tag) =	ssettag s2;
	_ =	strace s9  }
0x27: {  	s1 =	sld [smem:$0x3FA9]  }
0x28: {  	s2 =	sld [smem:$0x3FAA]  }
0x29: {  	s4 =	sld [smem:$0x3FAC]  }
0x2a: {  	p0 =	seq.s32 s5, $0x0;
	s5 =	sld [smem:$0x3FAD]  }
0x2b: {  	s6 =	sld [smem:$0x3FAE]  }
0x2c: {  	s7 =	sld [smem:$0x3FAF]  }
0x2d: {  	s3 =	simm.s32 $0x108;
	s8 =	sld [smem:$0x3FB0]  }
0x2e: {  	s3 =	simm.s32 @!p0 $0x1082;
	s9 =	sld [smem:$0x3FB1]  }
0x2f: {  	lr =	sadd.s32 s0, s3;
	s0 =	sld [smem:$0x3FA8]  }
0x30: {  	s3 =	sld [smem:$0x3FAB]  }
0x31: {  	[smem:$0x3FB4] =	sst s10  }
0x32: {  	s10 =	sld [smem:$0x3FB2];
	_ =	sdelay $0x3  }
0x33: {  	p0 =	seq.s32 s10, $0x1;
	s10 =	sld [smem:$0x3FB4];
	_ =	sdelay $0x3  }
0x34: {  	[smem:$0x3FB4] =	sst s10  }
0x35: {  	s10 =	sld [smem:$0x3FB3];
	_ =	sdelay $0x3  }
0x36: {  	p1 =	seq.s32 s10, $0x1;
	s10 =	sld [smem:$0x3FB4];
	_ =	sdelay $0x3  }
0x37: {  	[smem:$0x3FB4] =	sst s10  }
0x38: {  	s10 =	sld [smem:$0x3FB5]  }
0x39: {  	_ = 	snop;
	(pc) =	sbr.ind lr, $3  }
0x3a: {  	_ = 	snop  }
0x3b: {  	_ = 	snop  }
0x3c: {  	p2 =	seq.s32 s10, $0x1;
	s10 =	sld [smem:$0x3FB4]  }
0x3d: {  	_ =	shalt  }
0x3e: {  	_ =	shalt  }
0x3f: {  	_ =	shalt  }
0x40: {  	_ =	shalt  }
0x41: {  	_ =	shalt  }
0x42: {  	_ =	shalt  }
0x43: {  	_ =	shalt  }
0x44: {  	_ =	shalt  }
0x45: {  	_ =	shalt  }
0x46: {  	_ =	shalt  }
0x47: {  	_ =	shalt  }
0x48: {  	_ =	shalt  }
0x49: {  	_ =	shalt  }
0x4a: {  	_ =	shalt  }
0x4b: {  	_ =	shalt  }
0x4c: {  	_ =	shalt  }
0x4d: {  	_ =	shalt  }
0x4e: {  	_ =	shalt  }
0x4f: {  	_ =	shalt  }
0x50: {  	_ =	shalt  }
0x51: {  	_ =	shalt  }
0x52: {  	_ =	shalt  }
0x53: {  	_ =	shalt  }
0x54: {  	_ =	shalt  }
0x55: {  	_ =	shalt  }
0x56: {  	_ =	shalt  }
0x57: {  	_ =	shalt  }
0x58: {  	_ =	shalt  }
0x59: {  	_ =	shalt  }
0x5a: {  	_ =	shalt  }
0x5b: {  	_ =	shalt  }
0x5c: {  	_ =	shalt  }
0x5d: {  	_ =	shalt  }
0x5e: {  	_ =	shalt  }
0x5f: {  	_ =	shalt  }
0x60: {  	_ =	shalt  }
0x61: {  	_ =	shalt  }
0x62: {  	_ =	shalt  }
0x63: {  	_ =	shalt  }
0x64: {  	_ =	shalt  }
0x65: {  	_ =	shalt  }
0x66: {  	_ =	shalt  }
0x67: {  	_ =	shalt  }
0x68: {  	_ =	shalt  }
0x69: {  	_ =	shalt  }
0x6a: {  	_ =	shalt  }
0x6b: {  	_ =	shalt  }
0x6c: {  	_ =	shalt  }
0x6d: {  	_ =	shalt  }
0x6e: {  	_ =	shalt  }
0x6f: {  	_ =	shalt  }
0x70: {  	_ =	shalt  }
0x71: {  	_ =	shalt  }
0x72: {  	_ =	shalt  }
0x73: {  	_ =	shalt  }
0x74: {  	_ =	shalt  }
0x75: {  	_ =	shalt  }
0x76: {  	_ =	shalt  }
0x77: {  	_ =	shalt  }
0x78: {  	_ =	shalt  }
0x79: {  	_ =	shalt  }
0x7a: {  	_ =	shalt  }
0x7b: {  	_ =	shalt  }
0x7c: {  	_ =	shalt  }
0x7d: {  	_ =	shalt  }
0x7e: {  	_ =	shalt  }
0x7f: {  	_ =	shalt  }
0x80: {  	_ =	shalt  }
0x81: {  	_ =	shalt  }
0x82: {  	_ =	shalt  }
0x83: {  	_ =	shalt  }
0x84: {  	_ =	shalt  }
0x85: {  	_ =	shalt  }
0x86: {  	_ =	shalt  }
0x87: {  	_ =	shalt  }
.Lfunc_end0:
.L_simem_size_0:
called_computation.2_lowered:
.L_overlay_start_0:
0x88: {  	s2 =	sld [smem:$0x3FD9]  }
0x89: {  	s3 =	sld [smem:$0x3FFE];
	_ =	sdelay $0x1  }
0x8a: {  	s1 =	srdreg.scid  }
0x8b: {  	s0 =	sand.u32 $0x1, s1  }
0x8c: {  	s17 =	sshll.u32 s0, $0xA;
	s2 =	sadd.s32 s3, s2  }
0x8d: {  	s2 =	sadd.s32 s2, s17  }
0x8e: {  	[smem:$0x3FC0] =	sst s2  }
0x8f: {  	_ = 	snop  }
0x90: {  	s18 =	sld [smem:$0x3FD0];
	(tm) =	ssettm $0x1  }
0x91: {  	s19 =	sld [smem:$0x3FFB];
	_ =	sdelay $0x3  }
0x92: {  	_ =	strace s19  }
0x93: {  	s2 =	sld [smem:$0x3FFC];
	_ =	sdelay $0x3  }
0x94: {  	_ =	strace s2  }
0x95: {  	s2 =	sld [smem:$0x3FFD];
	_ =	sdelay $0x3  }
0x96: {  	_ =	strace s2  }
0x97: {  	_ =	strace $0x8FFFFFFF  }
0x98: {  	s20 =	sld [smem:$0x3FDB];
	_ =	sdelay $0x1  }
0x99: {  	s4 =	simm.s32 $_scs_section_size  }
0x9a: {  	s5 =	simm.s32 $_size__tile_overlayer_lowered;
	s6 =	simm.s32 $_tile_overlayer_lowered  }
0x9b: {  	s7 =	simm.s32 $0x1BFF;
	s21 =	sshll.u32 s6, $0x1;
	s4 =	sadd.s32 s4, s20  }
0x9c: {  	s22 =	simm.s32 $0x0;
	s5 =	sshll.u32 s5, $0x1;
	s6 =	sadd.s32 s21, s4  }
0x9d: {  	[timem:s22], [sflag:s7] =	dma.local [hbm:s6], s5  }
0x9e: {  	_ =	swait.ge [sflag:s7], s5  }
0x9f: {  	s5 =	ssub.s32 $0x0, s5;
	[sflag:s7] =	ssyncset.done $0x0  }
0xa0: {  	[sflag:s7] =	ssyncadd.s32 s5;
	_ =	sdelay $0x1  }
0xa1: {  	s23 =	simm.s32 $0x1B8B  }
0xa2: {  	_ =	swait.ge [sflag:s23], $0x1  }
0xa3: {  	[sflag:s23] =	ssyncset.done $0x0  }
0xa4: {  	[sflag:s23] =	ssyncadd.s32 $0xFFFFFFFF  }
0xa5: {  	s5 =	sld [smem:$0x0]  }
0xa6: {  	s6 =	sand.u32 $0xFFFFFFFE, s1  }
0xa7: {  	p0 =	sne.s32 s1, s6  }
0xa8: {  	s6 =	sshll.u32 @p0 s6, $0xE  }
0xa9: {  	s6 =	sadd.s32 @p0 $0x11B8D, s6;
	s7 =	sshll.u32 @p0 s5, $0x11  }
0xaa: {  	s6 =	sor.u32 @p0 s7, s6  }
0xab: {  	[sflag:s6] =	ssyncadd.remote.s32 @p0 $0x1;
	_ =	sdelay $0x1  }
0xac: {  	s6 =	simm.s32 @p0 $0x1B8D  }
0xad: {  	_ =	swait.eq @p0 [sflag:s6], $0x1  }
0xae: {  	[sflag:s6] =	ssyncadd.s32 @p0 $0xFFFFFFFF  }
0xaf: {  	s7 =	sshll.u32 @!p0 s1, $0xE  }
0xb0: {  	s7 =	sor.u32 @!p0 $0x4000, s7;
	s6 =	simm.s32 @!p0 $0x1B8D  }
0xb1: {  	s5 =	sshll.u32 @!p0 s5, $0x11;
	s7 =	sadd.s32 @!p0 $0x11B8D, s7;
	_ =	swait.eq @!p0 [sflag:s6], $0x1  }
0xb2: {  	s5 =	sor.u32 @!p0 s5, s7;
	[sflag:s6] =	ssyncadd.s32 @!p0 $0xFFFFFFFF  }
0xb3: {  	s25 =	simm.s32 $0x1B8E;
	s24 =	sld [smem:$0x3FFE];
	[sflag:s5] =	ssyncadd.remote.s32 @!p0 $0x1  }
0xb4: {  	s26 =	simm.s32 $execute0_lowered;
	[smem:$0x3FD2] =	sst s25  }
0xb5: {  	s6 =	sshll.u32 s26, $0x1;
	_ =	strace $0x8000004C;
	[dreg:$0x1] =	wrdreg $0xFFFFFFFF  }
0xb6: {  	s28 =	simm.s32 $_size_execute0_lowered;
	s4 =	sadd.s32 s4, s6;
	[dreg:$0x0] =	wrdreg $0x0  }
0xb7: {  	s6 =	sshll.u32 s28, $0x1;
	[dreg:$0x2] =	wrdreg s4  }
0xb8: {  	[dreg:$0x3] =	wrdreg s6  }
0xb9: {  	[dreg:$0x4] =	wrdreg $0xC0  }
0xba: {  	_ =	task [dreg:s22], $0x5FFFF  }
0xbb: {  	[dreg:$0x1] =	wrdreg $0xFFFFFFFF  }
0xbc: {  	[dreg:$0x0] =	wrdreg $0x60  }
0xbd: {  	[dreg:$0x2] =	wrdreg s18  }
0xbe: {  	[dreg:$0x3] =	wrdreg s24  }
0xbf: {  	[dreg:$0x4] =	wrdreg $0x0  }
0xc0: {  	[dreg:$0x5] =	wrdreg $0xA  }
0xc1: {  	_ =	task.clear_ibuf [dreg:s22], $0x6FFFF;
	_ =	strace $0x9000004C  }
0xc2: {  	s29 =	simm.s32 $0xA;
	_ =	strace $0x8000004E  }
0xc3: {  	_ =	swait.ge [sflag:s29], $0x1  }
0xc4: {  	[sflag:s29] =	ssyncadd.s32 $0xFFFFFFFF  }
0xc5: {  	_ =	strace $0x9000004E  }
0xc6: {  	_ =	sfence  }
0xc7: {  	s30 =	sld [smem:$0x0];
	_ =	sdelay $0x2  }
0xc8: {  	s31 =	sshll.u32 s1, $0xD;
	s1 =	sshrl.u32 s1, $0x2  }
0xc9: {  	s4 =	sand.u32 $0x4000, s31;
	s1 =	sadd.s32 s1, s30  }
0xca: {  	s0 =	sor.u32 s4, s0;
	s1 =	sshll.u32 s1, $0x11  }
0xcb: {  	s0 =	sor.u32 s1, s0  }
0xcc: {  	s0 =	sadd.s32 $0x8F2B, s0  }
0xcd: {  	[sflag:s0] =	ssyncadd.remote.s32 $0x1  }
0xce: {  	_ =	sfence.sel $0xFFFF  }
0xcf: {  	[dreg:$0x0] =	wrdreg $0xFFFFFFFF;
	(pc) =	sbr.abs _section_cstart, $3  }
0xd0: {  	[dreg:$0x1] =	wrdreg $0xFFFFFFFF  }
0xd1: {  	_ =	task.clear_ibuf [dreg:s22], $0x2FFFF;
	_ =	strace $0x9FFFFFFF  }
0xd2: {  	(tm) =	ssettm $0x7FFFFFFF  }
0xd3: {  	_ =	shalt  }
tec
execute0_lowered:
.L_overlay_start_1:
0x0: {  	(tag) =	ssettag $0x1  }
0x1: {  	s1 =	rddreg [dreg:$0x0]  }
0x2: {  	s0 =	srdreg.scid;
	s5 =	rddreg [dreg:$0x1]  }
0x3: {  	s4 =	stileid.u32;
	s3 =	rddreg [dreg:$0x2]  }
0x4: {  	s7 =	simm.s32 $0x0;
	s22 =	simm.s32 $0x3;
	s6 =	smul.u32 $0x3800, s4  }
0x5: {  	s28 =	simm.s32 $0x1;
	s29 =	simm.s32 $0x1C400;
	s23 =	smul.u32 $0x700, s4  }
0x6: {  	s30 =	simm.s32 $0x2;
	s31 =	simm.s32 $0x15B80;
	s24 =	smul.u32 $0x50000, s4  }
0x7: {  	s21 =	simm.s32 $0x0;
	s0 =	sand.u32 $0x1, s0;
	s11 =	smul.u32 $0x2800, s4  }
0x8: {  	[smem:$0x7FF] =	sst s7;
	s10 =	sadd.s32 $0xBC600, s5;
	s2 =	smul.u32 $0x38000, s0  }
0x9: {  	p0 =	seq.s32 s4, $0xF;
	s8 =	ssub.s32 $0x2, s0;
	s9 =	smul.u32 $0x27100, s0  }
0xa: {  	_ =	strace $0x8000004D;
	s0 =	smul.u32 $0x138800, s0;
	s25 =	sshrl.u32 s8, $0x1  }
0xb: {  	s7 =	sshrl.u32 s24, $0x2;
	s24 =	simm.s32 $0x14000;
	s2 =	sadd.s32 s6, s2  }
0xc: {  	s6 =	sadd.s32 s23, s5;
	s12 =	ssub.s32 s8, s25;
	s26 =	sadd.s32 s11, s9  }
0xd: {  	s0 =	sshrl.u32 s0, $0x3;
	s23 =	simm.s32 $0x19400;
	s2 =	sshrl.u32 s2, $0x3  }
0xe: {  	s9 =	sadd.s32 s10, s26;
	s0 =	sadd.s32 s10, s0;
	s11 =	smax.u32 s12, $0x1  }
0xf: {  	s26 =	simm.s32 $0x60;
	s2 =	sadd.s32 s2, s5;
	s5 =	sadd.s32 $0xB200, s6  }
0x10: {  	s6 =	sadd.s32 s7, s3;
	s10 =	sadd.s32 $0x25800, s0;
	s7 =	sadd.s32 $0x12200, s2  }
0x11: {  	s8 =	sadd.s32 $0x12580, s2;
	s2 =	sadd.s32 $0x12C000, s3;
	s12 =	sadd.s32 $0x2000, s6  }
0x12: {  	s13 =	sadd.s32 $0x4000, s6;
	s14 =	sadd.s32 $0x6000, s6;
	s15 =	sadd.s32 $0x8000, s6  }
0x13: {  	s16 =	sadd.s32 $0xA000, s6;
	s17 =	sadd.s32 $0xC000, s6;
	s18 =	sadd.s32 $0xE000, s6  }
0x14: {  	v0 =	vimm.f32 $0.0e+00;
	s19 =	sadd.s32 $0x10000, s6;
	s20 =	sadd.s32 $0x12000, s6;
	s25 =	sshrl.u32 @p0 s2, $0x3  }
.LBB2_1:
0x15: {  	s0 =	simm.s32 $0x0;
	s2 =	simm.s32 $0x15C00  }
0x16: {  	[tilespmem:s2], [sflag:$0x3] =	stream.linear.gather [hbm4b:s5+s0], $0x3800, $0x38;
	[tilespmem:$0x1F400] =	vst v63  }
0x17: {  	_ =	swait.ge [sflag:s22], $0x3800  }
0x18: {  	[sflag:s22] =	ssyncset.done $0x0  }
0x19: {  	s0 =	simm.s32 $0x0;
	s2 =	simm.s32 $0x200;
	[sflag:s22] =	ssyncadd.s32 $0xFFFFC800  }
.LBB2_2:
0x1a: {  	p1 =	sne.s32 s2, $0x7E00;
	[tilespmem:s0+$0x19470] =	vst v0  }
0x1b: {  	[tilespmem:s0+$0x19400] =	vst v0  }
0x1c: {  	[tilespmem:s0+$0x19410] =	vst v0  }
.Ltmp0:
0x1d: {  	[tilespmem:s0+$0x19420] =	vst v0;
	(pc) =	sbr.rel @p1 .LBB2_2-.Ltmp0, $4  }
0x1e: {  	[tilespmem:s0+$0x19430] =	vst v0  }
0x1f: {  	[tilespmem:s0+$0x19440] =	vst v0  }
0x20: {  	[tilespmem:s0+$0x19450] =	vst v0  }
0x21: {  	[tilespmem:s0+$0x19460] =	vst v0;
	s0 =	sshra.s32 s2, $0x2;
	s2 =	sadd.s32 $0x200, s2  }
0x22: {  	[tilespmem:s0+$0x19470] =	vst v0  }
0x23: {  	[tilespmem:s0+$0x19400] =	vst v0  }
0x24: {  	[tilespmem:s0+$0x19410] =	vst v0  }
0x25: {  	[tilespmem:s0+$0x19420] =	vst v0  }
0x26: {  	[tilespmem:s0+$0x19430] =	vst v0  }
0x27: {  	[tilespmem:s0+$0x19440] =	vst v0  }
0x28: {  	[tilespmem:s0+$0x19450] =	vst v0  }
0x29: {  	[tilespmem:s0+$0x19460] =	vst v0  }
0x2a: {  	[spmem:s6] =	stream.linear.scatter [tilespmem:s23], [sflag:$0x3], $0x2000, $0x38;
	[tilespmem:$0x1F400] =	vst v63  }
0x2b: {  	_ =	swait.ge [sflag:s22], $0x2000  }
0x2c: {  	[sflag:s22] =	ssyncset.done $0x0  }
0x2d: {  	[sflag:s22] =	ssyncadd.s32 $0xFFFFE000  }
0x2e: {  	[spmem:s12] =	stream.linear.scatter [tilespmem:s23], [sflag:$0x3], $0x2000, $0x38;
	[tilespmem:$0x1F400] =	vst v63  }
0x2f: {  	_ =	swait.ge [sflag:s22], $0x2000  }
0x30: {  	[sflag:s22] =	ssyncset.done $0x0  }
0x31: {  	[sflag:s22] =	ssyncadd.s32 $0xFFFFE000  }
0x32: {  	[spmem:s13] =	stream.linear.scatter [tilespmem:s23], [sflag:$0x3], $0x2000, $0x38;
	[tilespmem:$0x1F400] =	vst v63  }
0x33: {  	_ =	swait.ge [sflag:s22], $0x2000  }
0x34: {  	[sflag:s22] =	ssyncset.done $0x0  }
0x35: {  	[sflag:s22] =	ssyncadd.s32 $0xFFFFE000  }
0x36: {  	[spmem:s14] =	stream.linear.scatter [tilespmem:s23], [sflag:$0x3], $0x2000, $0x38;
	[tilespmem:$0x1F400] =	vst v63  }
0x37: {  	_ =	swait.ge [sflag:s22], $0x2000  }
0x38: {  	[sflag:s22] =	ssyncset.done $0x0  }
0x39: {  	[sflag:s22] =	ssyncadd.s32 $0xFFFFE000  }
0x3a: {  	[spmem:s15] =	stream.linear.scatter [tilespmem:s23], [sflag:$0x3], $0x2000, $0x38;
	[tilespmem:$0x1F400] =	vst v63  }
0x3b: {  	_ =	swait.ge [sflag:s22], $0x2000  }
0x3c: {  	[sflag:s22] =	ssyncset.done $0x0  }
0x3d: {  	[sflag:s22] =	ssyncadd.s32 $0xFFFFE000  }
0x3e: {  	[spmem:s16] =	stream.linear.scatter [tilespmem:s23], [sflag:$0x3], $0x2000, $0x38;
	[tilespmem:$0x1F400] =	vst v63  }
0x3f: {  	_ =	swait.ge [sflag:s22], $0x2000  }
0x40: {  	[sflag:s22] =	ssyncset.done $0x0  }
0x41: {  	[sflag:s22] =	ssyncadd.s32 $0xFFFFE000  }
0x42: {  	[spmem:s17] =	stream.linear.scatter [tilespmem:s23], [sflag:$0x3], $0x2000, $0x38;
	[tilespmem:$0x1F400] =	vst v63  }
0x43: {  	_ =	swait.ge [sflag:s22], $0x2000  }
0x44: {  	[sflag:s22] =	ssyncset.done $0x0  }
0x45: {  	[sflag:s22] =	ssyncadd.s32 $0xFFFFE000  }
0x46: {  	[spmem:s18] =	stream.linear.scatter [tilespmem:s23], [sflag:$0x3], $0x2000, $0x38;
	[tilespmem:$0x1F400] =	vst v63  }
0x47: {  	_ =	swait.ge [sflag:s22], $0x2000  }
0x48: {  	[sflag:s22] =	ssyncset.done $0x0  }
0x49: {  	[sflag:s22] =	ssyncadd.s32 $0xFFFFE000  }
0x4a: {  	[spmem:s19] =	stream.linear.scatter [tilespmem:s23], [sflag:$0x3], $0x2000, $0x38;
	[tilespmem:$0x1F400] =	vst v63  }
0x4b: {  	_ =	swait.ge [sflag:s22], $0x2000  }
0x4c: {  	[sflag:s22] =	ssyncset.done $0x0  }
0x4d: {  	[sflag:s22] =	ssyncadd.s32 $0xFFFFE000  }
0x4e: {  	[spmem:s20] =	stream.linear.scatter [tilespmem:s23], [sflag:$0x3], $0x2000, $0x38;
	[tilespmem:$0x1F400] =	vst v63  }
0x4f: {  	_ =	swait.ge [sflag:s22], $0x2000  }
0x50: {  	[sflag:s22] =	ssyncset.done $0x0  }
0x51: {  	[sflag:s22] =	ssyncadd.s32 $0xFFFFE000  }
0x52: {  	s4 =	simm.s32 $0x0;
	[bflag:$0x0] =	sbarrier.arrive $0xFFFF  }
0x53: {  	[tilespmem:s24], [sflag:$0x3] =	stream.linear.gather [hbm4b:s7+s4], $0x1C00, $0x38;
	[tilespmem:$0x1F400] =	vst v63  }
0x54: {  	_ =	swait.ge [sflag:s22], $0x1C00  }
0x55: {  	[sflag:s22] =	ssyncset.done $0x0  }
0x56: {  	[sflag:s22] =	ssyncadd.s32 $0xFFFFE400  }
0x57: {  	[tilespmem:s23], [sflag:$0x1] =	stream.indirect.gather [hbm4b:s1+s26], $0x80, s24, s26, $0xb8;
	[tilespmem:$0x1F400] =	vst v63  }
0x58: {  	_ =	swait.ge [sflag:s28], $0x3000  }
0x59: {  	[sflag:s28] =	ssyncset.done $0x0  }
0x5a: {  	s2 =	simm.s32 $0x14080;
	[sflag:s28] =	ssyncadd.s32 $0xFFFFD000  }
0x5b: {  	[tilespmem:s29], [sflag:$0x2] =	stream.indirect.gather [hbm4b:s1+s26], $0x80, s2, s26, $0xb8;
	[tilespmem:$0x1F400] =	vst v63  }
0x5c: {  	s4 =	simm.s32 $0x15C00  }
0x5d: {  	[spmem:s3] =	stream.indirect.scatter.add.f32 [tilespmem:s23], [sflag:$0x3], $0x80, s4, s26, $0xb8;
	[tilespmem:$0x1F400] =	vst v63  }
0x5e: {  	_ =	swait.ge [sflag:s22], $0x3000  }
0x5f: {  	[sflag:s22] =	ssyncset.done $0x0  }
0x60: {  	[sflag:s22] =	ssyncadd.s32 $0xFFFFD000  }
0x61: {  	_ =	swait.ge [sflag:s30], $0x3000  }
0x62: {  	[sflag:s30] =	ssyncset.done $0x0  }
0x63: {  	s2 =	simm.s32 $0x14100;
	[sflag:s30] =	ssyncadd.s32 $0xFFFFD000  }
0x64: {  	[tilespmem:s23], [sflag:$0x1] =	stream.indirect.gather [hbm4b:s1+s26], $0x80, s2, s26, $0xb8;
	[tilespmem:$0x1F400] =	vst v63  }
0x65: {  	s4 =	simm.s32 $0x15C80  }
0x66: {  	[spmem:s3] =	stream.indirect.scatter.add.f32 [tilespmem:s29], [sflag:$0x3], $0x80, s4, s26, $0xb8;
	[tilespmem:$0x1F400] =	vst v63  }
0x67: {  	_ =	swait.ge [sflag:s22], $0x3000  }
0x68: {  	s0 =	simm.s32 $0x400;
	[sflag:s22] =	ssyncset.done $0x0  }
.LBB2_4:
0x69: {  	p1 =	sne.s32 s0, $0x6800  }
0x6a: {  	[sflag:s22] =	ssyncadd.s32 $0xFFFFD000;
	s2 =	smov.u32 s0;
	s0 =	sadd.s32 $0x400, s0  }
0x6b: {  	_ = 	snop  }
0x6c: {  	_ =	swait.ge [sflag:s28], $0x3000  }
0x6d: {  	s2 =	sshra.s32 s2, $0x2;
	[sflag:s28] =	ssyncset.done $0x0  }
0x6e: {  	s4 =	sadd.s32 $0x14080, s2;
	[sflag:s28] =	ssyncadd.s32 $0xFFFFD000  }
0x6f: {  	[tilespmem:s29], [sflag:$0x2] =	stream.indirect.gather [hbm4b:s1+s26], $0x80, s4, s26, $0xb8;
	[tilespmem:$0x1F400] =	vst v63  }
0x70: {  	s4 =	sadd.s32 $0x15C00, s2  }
0x71: {  	[spmem:s3] =	stream.indirect.scatter.add.f32 [tilespmem:s23], [sflag:$0x3], $0x80, s4, s26, $0xb8;
	[tilespmem:$0x1F400] =	vst v63  }
0x72: {  	_ =	swait.ge [sflag:s22], $0x3000  }
0x73: {  	[sflag:s22] =	ssyncset.done $0x0  }
0x74: {  	[sflag:s22] =	ssyncadd.s32 $0xFFFFD000  }
0x75: {  	_ =	swait.ge [sflag:s30], $0x3000  }
0x76: {  	[sflag:s30] =	ssyncset.done $0x0  }
0x77: {  	s4 =	sadd.s32 $0x14100, s2;
	[sflag:s30] =	ssyncadd.s32 $0xFFFFD000  }
0x78: {  	[tilespmem:s23], [sflag:$0x1] =	stream.indirect.gather [hbm4b:s1+s26], $0x80, s4, s26, $0xb8;
	[tilespmem:$0x1F400] =	vst v63  }
.Ltmp1:
0x79: {  	_ = 	snop;
	(pc) =	sbr.rel @p1 .LBB2_4-.Ltmp1, $4  }
0x7a: {  	s2 =	sadd.s32 $0x15C80, s2  }
0x7b: {  	[spmem:s3] =	stream.indirect.scatter.add.f32 [tilespmem:s29], [sflag:$0x3], $0x80, s2, s26, $0xb8;
	[tilespmem:$0x1F400] =	vst v63  }
0x7c: {  	_ =	swait.ge [sflag:s22], $0x3000  }
0x7d: {  	[sflag:s22] =	ssyncset.done $0x0  }
0x7e: {  	[sflag:s22] =	ssyncadd.s32 $0xFFFFD000  }
0x7f: {  	_ =	swait.ge [sflag:s28], $0x3000  }
0x80: {  	[sflag:s28] =	ssyncset.done $0x0  }
0x81: {  	[sflag:s28] =	ssyncadd.s32 $0xFFFFD000  }
0x82: {  	[tilespmem:s29], [sflag:$0x2] =	stream.indirect.gather [hbm4b:s1+s26], $0x80, s31, s26, $0xb8;
	[tilespmem:$0x1F400] =	vst v63  }
0x83: {  	s0 =	simm.s32 $0x17700  }
0x84: {  	[spmem:s3] =	stream.indirect.scatter.add.f32 [tilespmem:s23], [sflag:$0x3], $0x80, s0, s26, $0xb8;
	[tilespmem:$0x1F400] =	vst v63  }
0x85: {  	_ =	swait.ge [sflag:s22], $0x3000  }
0x86: {  	[sflag:s22] =	ssyncset.done $0x0  }
0x87: {  	[sflag:s22] =	ssyncadd.s32 $0xFFFFD000  }
0x88: {  	_ =	swait.ge [sflag:s30], $0x3000  }
0x89: {  	[sflag:s30] =	ssyncset.done $0x0  }
0x8a: {  	s2 =	simm.s32 $0x17780;
	[sflag:s30] =	ssyncadd.s32 $0xFFFFD000  }
0x8b: {  	[spmem:s3] =	stream.indirect.scatter.add.f32 [tilespmem:s29], [sflag:$0x3], $0x80, s2, s26, $0xb8;
	[tilespmem:$0x1F400] =	vst v63  }
0x8c: {  	_ =	swait.ge [sflag:s22], $0x3000  }
0x8d: {  	[sflag:s22] =	ssyncset.done $0x0  }
0x8e: {  	s4 =	simm.s32 $0x0;
	[sflag:s22] =	ssyncadd.s32 $0xFFFFD000  }
0x8f: {  	[tilespmem:s24], [sflag:$0x3] =	stream.linear.gather [hbm4b:s8+s4], $0x1C00, $0x38;
	[tilespmem:$0x1F400] =	vst v63  }
0x90: {  	_ =	swait.ge [sflag:s22], $0x1C00  }
0x91: {  	[sflag:s22] =	ssyncset.done $0x0  }
0x92: {  	[sflag:s22] =	ssyncadd.s32 $0xFFFFE400  }
0x93: {  	[tilespmem:s23], [sflag:$0x1] =	stream.indirect.gather [hbm4b:s1+s26], $0x80, s24, s26, $0xb8;
	[tilespmem:$0x1F400] =	vst v63  }
0x94: {  	_ =	swait.ge [sflag:s28], $0x3000  }
0x95: {  	[sflag:s28] =	ssyncset.done $0x0  }
0x96: {  	s2 =	simm.s32 $0x14080;
	[sflag:s28] =	ssyncadd.s32 $0xFFFFD000  }
0x97: {  	[tilespmem:s29], [sflag:$0x2] =	stream.indirect.gather [hbm4b:s1+s26], $0x80, s2, s26, $0xb8;
	[tilespmem:$0x1F400] =	vst v63  }
0x98: {  	s4 =	simm.s32 $0x17800  }
0x99: {  	[spmem:s3] =	stream.indirect.scatter.add.f32 [tilespmem:s23], [sflag:$0x3], $0x80, s4, s26, $0xb8;
	[tilespmem:$0x1F400] =	vst v63  }
0x9a: {  	_ =	swait.ge [sflag:s22], $0x3000  }
0x9b: {  	[sflag:s22] =	ssyncset.done $0x0  }
0x9c: {  	[sflag:s22] =	ssyncadd.s32 $0xFFFFD000  }
0x9d: {  	_ =	swait.ge [sflag:s30], $0x3000  }
0x9e: {  	[sflag:s30] =	ssyncset.done $0x0  }
0x9f: {  	s2 =	simm.s32 $0x14100;
	[sflag:s30] =	ssyncadd.s32 $0xFFFFD000  }
0xa0: {  	[tilespmem:s23], [sflag:$0x1] =	stream.indirect.gather [hbm4b:s1+s26], $0x80, s2, s26, $0xb8;
	[tilespmem:$0x1F400] =	vst v63  }
0xa1: {  	s4 =	simm.s32 $0x17880  }
0xa2: {  	[spmem:s3] =	stream.indirect.scatter.add.f32 [tilespmem:s29], [sflag:$0x3], $0x80, s4, s26, $0xb8;
	[tilespmem:$0x1F400] =	vst v63  }
0xa3: {  	_ =	swait.ge [sflag:s22], $0x3000  }
0xa4: {  	s0 =	simm.s32 $0xFFFF9800;
	[sflag:s22] =	ssyncset.done $0x0  }
.LBB2_6:
0xa5: {  	p1 =	sne.s32 s0, $0xFFFFFC00  }
0xa6: {  	[sflag:s22] =	ssyncadd.s32 $0xFFFFD000;
	s2 =	smov.u32 s0;
	s0 =	sadd.s32 $0x400, s0  }
0xa7: {  	_ = 	snop  }
0xa8: {  	_ =	swait.ge [sflag:s28], $0x3000  }
0xa9: {  	s2 =	sshra.s32 s2, $0x2;
	[sflag:s28] =	ssyncset.done $0x0  }
0xaa: {  	s4 =	sadd.s32 $0x15B80, s2;
	[sflag:s28] =	ssyncadd.s32 $0xFFFFD000  }
0xab: {  	[tilespmem:s29], [sflag:$0x2] =	stream.indirect.gather [hbm4b:s1+s26], $0x80, s4, s26, $0xb8;
	[tilespmem:$0x1F400] =	vst v63  }
0xac: {  	s4 =	sadd.s32 $0x19300, s2  }
0xad: {  	[spmem:s3] =	stream.indirect.scatter.add.f32 [tilespmem:s23], [sflag:$0x3], $0x80, s4, s26, $0xb8;
	[tilespmem:$0x1F400] =	vst v63  }
0xae: {  	_ =	swait.ge [sflag:s22], $0x3000  }
0xaf: {  	[sflag:s22] =	ssyncset.done $0x0  }
0xb0: {  	[sflag:s22] =	ssyncadd.s32 $0xFFFFD000  }
0xb1: {  	_ =	swait.ge [sflag:s30], $0x3000  }
0xb2: {  	[sflag:s30] =	ssyncset.done $0x0  }
0xb3: {  	s4 =	sadd.s32 $0x15C00, s2;
	[sflag:s30] =	ssyncadd.s32 $0xFFFFD000  }
0xb4: {  	[tilespmem:s23], [sflag:$0x1] =	stream.indirect.gather [hbm4b:s1+s26], $0x80, s4, s26, $0xb8;
	[tilespmem:$0x1F400] =	vst v63  }
.Ltmp2:
0xb5: {  	_ = 	snop;
	(pc) =	sbr.rel @p1 .LBB2_6-.Ltmp2, $4  }
0xb6: {  	s2 =	sadd.s32 $0x19380, s2  }
0xb7: {  	[spmem:s3] =	stream.indirect.scatter.add.f32 [tilespmem:s29], [sflag:$0x3], $0x80, s2, s26, $0xb8;
	[tilespmem:$0x1F400] =	vst v63  }
0xb8: {  	_ =	swait.ge [sflag:s22], $0x3000  }
0xb9: {  	[sflag:s22] =	ssyncset.done $0x0  }
0xba: {  	[sflag:s22] =	ssyncadd.s32 $0xFFFFD000  }
0xbb: {  	_ =	swait.ge [sflag:s28], $0x3000  }
0xbc: {  	[sflag:s28] =	ssyncset.done $0x0  }
0xbd: {  	[sflag:s28] =	ssyncadd.s32 $0xFFFFD000  }
0xbe: {  	[tilespmem:s29], [sflag:$0x2] =	stream.indirect.gather [hbm4b:s1+s26], $0x80, s31, s26, $0xb8;
	[tilespmem:$0x1F400] =	vst v63  }
0xbf: {  	s0 =	simm.s32 $0x19300  }
0xc0: {  	[spmem:s3] =	stream.indirect.scatter.add.f32 [tilespmem:s23], [sflag:$0x3], $0x80, s0, s26, $0xb8;
	[tilespmem:$0x1F400] =	vst v63  }
0xc1: {  	_ =	swait.ge [sflag:s22], $0x3000  }
0xc2: {  	[sflag:s22] =	ssyncset.done $0x0  }
0xc3: {  	[sflag:s22] =	ssyncadd.s32 $0xFFFFD000  }
0xc4: {  	_ =	swait.ge [sflag:s30], $0x3000  }
0xc5: {  	[sflag:s30] =	ssyncset.done $0x0  }
0xc6: {  	s4 =	simm.s32 $0x19380;
	[sflag:s30] =	ssyncadd.s32 $0xFFFFD000  }
0xc7: {  	[spmem:s3] =	stream.indirect.scatter.add.f32 [tilespmem:s29], [sflag:$0x3], $0x80, s4, s26, $0xb8;
	[tilespmem:$0x1F400] =	vst v63  }
0xc8: {  	_ =	swait.ge [sflag:s22], $0x3000  }
0xc9: {  	[sflag:s22] =	ssyncset.done $0x0  }
0xca: {  	[sflag:s22] =	ssyncadd.s32 $0xFFFFD000  }
0xcb: {  	s0 =	simm.s32 @p0 $0x1FC3;
	[bflag:$0x0] =	sbarrier.arrive $0xFFFF  }
0xcc: {  	[hbm:s10], [sflag:s0] =	dma.local @p0 [spmem:s25], $0x1900  }
0xcd: {  	s0 =	simm.s32 @p0 $0x3  }
0xce: {  	s2 =	stileid.u32;
	_ =	swait.ge @p0 [sflag:s0], $0x1900  }
0xcf: {  	s21 =	sadd.s32 $0x1, s21;
	s2 =	sshll.u32 @!p0 s2, $0x6;
	[sflag:s0] =	ssyncset.done @p0 $0x0  }
0xd0: {  	[sflag:s0] =	ssyncadd.s32 @p0 $0xFFFFE700;
	s0 =	sor.u32 @!p0 $0x1C03, s2;
	s2 =	sshrl.u32 @!p0 s6, $0x3  }
0xd1: {  	[hbm:s9], [sflag:s0] =	dma.local @!p0 [spmem:s2], $0x2800  }
0xd2: {  	p1 =	sne.s32 s21, s11;
	s0 =	simm.s32 @!p0 $0x3  }
.Ltmp3:
0xd3: {  	_ =	swait.ge @!p0 [sflag:s0], $0x2800;
	(pc) =	sbr.rel @p1 .LBB2_1-.Ltmp3, $3  }
0xd4: {  	[sflag:s0] =	ssyncset.done @!p0 $0x0  }
0xd5: {  	[sflag:s0] =	ssyncadd.s32 @!p0 $0xFFFFD800  }
0xd6: {  	[bflag:$0x0] =	sbarrier.arrive $0xFFFF;
	_ =	sdelay $0x1  }
0xd7: {  	_ =	sfence.sel $0x180000  }
0xd8: {  	[bflag:$0x0] =	sbarrier.arrive $0xFFFF  }
0xd9: {  	_ =	strace $0x9000004D  }
0xda: {  	s0 =	stileid.u32;
	[bflag:$0x2] =	sbarrier.arrive $0xFFFF  }
0xdb: {  	p0 =	sne.s32 s0, $0x0;
	s0 =	rddreg [dreg:$0x3]  }
0xdc: {  	s0 =	sadd.s32 @!p0 $0x100000, s0  }
0xdd: {  	[sflag:s0] =	ssyncadd.tile.s32 @!p0 $0x1;
	_ =	shalt  }
.Lfunc_end2:
_tile_overlayer_lowered:
.L_overlay_start_2:
0xde: {  	(tag) =	ssettag $0x2  }
0xdf: {  	s0 =	rddreg [dreg:$0x0];
	s2 =	stileid.u32  }
0xe0: {  	s1 =	rddreg [dreg:$0x1];
	p0 =	sne.s32 s2, $0x0  }
0xe1: {  	s3 =	rddreg [dreg:$0x2];
	[bflag:$0x3] =	sbarrier.arrive $0xFFFF;
	s2 =	simm.s32 @!p0 $0x1C03  }
0xe2: {  	[timem:s3], [sflag:s2] =	dma.local @!p0 [hbm:s0], s1  }
0xe3: {  	s0 =	simm.s32 @!p0 $0x3  }
0xe4: {  	_ =	swait.ge @!p0 [sflag:s0], s1  }
0xe5: {  	s1 =	ssub.s32 @!p0 $0x0, s1;
	[sflag:s0] =	ssyncset.done @!p0 $0x0  }
0xe6: {  	[sflag:s0] =	ssyncadd.s32 @!p0 s1  }
0xe7: {  	[bflag:$0x3] =	sbarrier.arrive $0xFFFF  }
0xe8: {  	_ =	shalt  }

// kernel: kernel.30.cloned.1.call-start
scs
__scs_entry_jumppad:
0x0: {  	(pc) =	sbr.rel $0x88, $3  }
0x1: {  	(tag) =	ssettag $0x0;
	lr =	simm.s32 $0x1  }
0x2: {  	[smem:$0x3F99] =	sst lr;
	_ =	strace $0xD0000000  }
0x3: {  	_ = 	snop  }
0x4: {  	_ = 	snop  }
0x5: {  	_ = 	snop  }
0x6: {  	_ = 	snop  }
0x7: {  	_ = 	snop  }
__scs_overlays_trampoline_lowered:
0x8: {  	[smem:$0x3FA8] =	sst s0  }
0x9: {  	[smem:$0x3FA9] =	sst s1  }
0xa: {  	[smem:$0x3FAA] =	sst s2  }
0xb: {  	[smem:$0x3FAB] =	sst s3  }
0xc: {  	[smem:$0x3FAC] =	sst s4  }
0xd: {  	[smem:$0x3FAD] =	sst s5  }
0xe: {  	[smem:$0x3FAE] =	sst s6  }
0xf: {  	[smem:$0x3FAF] =	sst s7  }
0x10: {  	[smem:$0x3FB0] =	sst s8  }
0x11: {  	[smem:$0x3FB1] =	sst s9;
	s0 =	simm.s32 @!p0 $0x0  }
0x12: {  	s1 =	sld [smem:$0x3F97];
	s0 =	simm.s32 @p0 $0x1  }
0x13: {  	[smem:$0x3FB2] =	sst s0;
	s0 =	simm.s32 @!p1 $0x0  }
0x14: {  	s2 =	sld [smem:$0x3F96];
	s0 =	simm.s32 @p1 $0x1  }
0x15: {  	[smem:$0x3FB3] =	sst s0;
	s0 =	simm.s32 @!p2 $0x0  }
0x16: {  	s3 =	sld [smem:$0x3FDB];
	s0 =	simm.s32 @p2 $0x1  }
0x17: {  	s4 =	simm.s32 $0x1BF5;
	[smem:$0x3FB5] =	sst s0  }
0x18: {  	s0 =	sld [smem:$0x3F98];
	_ =	swait.ge [sflag:s4], $0x0  }
0x19: {  	s7 =	sld [smem:$0x3F99]  }
0x1a: {  	s8 =	sadd.s32 $0xFFFFE003, lr  }
0x1b: {  	s9 =	sadd.s32 $0xFFFFFEF7, lr;
	s5 =	simm.s32 $0xFFFFFFFF;
	p2 =	slt.u32 s8, $0xFFFFF086  }
0x1c: {  	p1 =	slt.u32 s9, $0xF7A;
	s5 =	simm.s32 @!p2 $0x0  }
0x1d: {  	s5 =	simm.s32 @p1 $0x1;
	p0 =	seq.s32 s7, s2  }
0x1e: {  	s7 =	smul.u32 @!p0 $0xF7A, s2;
	p2 =	seq.s32 @!p0 s5, $0x0  }
0x1f: {  	s9 =	smul.u32 $0xF7A, s1;
	s8 =	simm.s32 @!p0 $0x1BF5;
	p2 =	por !p2, p0  }
0x20: {  	[sflag:s8] =	ssyncset.s32 @!p0 $0xFFFFF086;
	s6 =	sadd.s32 @!p0 s3, s7;
	s7 =	simm.s32 @!p0 $0x108  }
0x21: {  	s3 =	sadd.s32 s3, s9;
	s6 =	sadd.s32 @!p0 $0x88, s6;
	s7 =	simm.s32 @p2 $0x1082  }
0x22: {  	[simem:s7], [sflag:s8] =	dma.local @!p0 [hbm:s6], $0xF7A  }
0x23: {  	s9 =	sor.u32 $0xD0000000, s2;
	s6 =	simm.s32 $0x108;
	_ =	swait.ge @!p0 [sflag:s8], $0x0  }
0x24: {  	s3 =	sadd.s32 $0x88, s3;
	s6 =	simm.s32 @!p1 $0x1082;
	[sflag:s4] =	ssyncset.s32 $0xFFFFF086  }
0x25: {  	[simem:s6], [sflag:s4] =	dma.local [hbm:s3], $0xF7A  }
0x26: {  	[smem:$0x3F99] =	sst s1;
	(tag) =	ssettag s2;
	_ =	strace s9  }
0x27: {  	s1 =	sld [smem:$0x3FA9]  }
0x28: {  	s2 =	sld [smem:$0x3FAA]  }
0x29: {  	s4 =	sld [smem:$0x3FAC]  }
0x2a: {  	p0 =	seq.s32 s5, $0x0;
	s5 =	sld [smem:$0x3FAD]  }
0x2b: {  	s6 =	sld [smem:$0x3FAE]  }
0x2c: {  	s7 =	sld [smem:$0x3FAF]  }
0x2d: {  	s3 =	simm.s32 $0x108;
	s8 =	sld [smem:$0x3FB0]  }
0x2e: {  	s3 =	simm.s32 @!p0 $0x1082;
	s9 =	sld [smem:$0x3FB1]  }
0x2f: {  	lr =	sadd.s32 s0, s3;
	s0 =	sld [smem:$0x3FA8]  }
0x30: {  	s3 =	sld [smem:$0x3FAB]  }
0x31: {  	[smem:$0x3FB4] =	sst s10  }
0x32: {  	s10 =	sld [smem:$0x3FB2];
	_ =	sdelay $0x3  }
0x33: {  	p0 =	seq.s32 s10, $0x1;
	s10 =	sld [smem:$0x3FB4];
	_ =	sdelay $0x3  }
0x34: {  	[smem:$0x3FB4] =	sst s10  }
0x35: {  	s10 =	sld [smem:$0x3FB3];
	_ =	sdelay $0x3  }
0x36: {  	p1 =	seq.s32 s10, $0x1;
	s10 =	sld [smem:$0x3FB4];
	_ =	sdelay $0x3  }
0x37: {  	[smem:$0x3FB4] =	sst s10  }
0x38: {  	s10 =	sld [smem:$0x3FB5]  }
0x39: {  	_ = 	snop;
	(pc) =	sbr.ind lr, $3  }
0x3a: {  	_ = 	snop  }
0x3b: {  	_ = 	snop  }
0x3c: {  	p2 =	seq.s32 s10, $0x1;
	s10 =	sld [smem:$0x3FB4]  }
0x3d: {  	_ =	shalt  }
0x3e: {  	_ =	shalt  }
0x3f: {  	_ =	shalt  }
0x40: {  	_ =	shalt  }
0x41: {  	_ =	shalt  }
0x42: {  	_ =	shalt  }
0x43: {  	_ =	shalt  }
0x44: {  	_ =	shalt  }
0x45: {  	_ =	shalt  }
0x46: {  	_ =	shalt  }
0x47: {  	_ =	shalt  }
0x48: {  	_ =	shalt  }
0x49: {  	_ =	shalt  }
0x4a: {  	_ =	shalt  }
0x4b: {  	_ =	shalt  }
0x4c: {  	_ =	shalt  }
0x4d: {  	_ =	shalt  }
0x4e: {  	_ =	shalt  }
0x4f: {  	_ =	shalt  }
0x50: {  	_ =	shalt  }
0x51: {  	_ =	shalt  }
0x52: {  	_ =	shalt  }
0x53: {  	_ =	shalt  }
0x54: {  	_ =	shalt  }
0x55: {  	_ =	shalt  }
0x56: {  	_ =	shalt  }
0x57: {  	_ =	shalt  }
0x58: {  	_ =	shalt  }
0x59: {  	_ =	shalt  }
0x5a: {  	_ =	shalt  }
0x5b: {  	_ =	shalt  }
0x5c: {  	_ =	shalt  }
0x5d: {  	_ =	shalt  }
0x5e: {  	_ =	shalt  }
0x5f: {  	_ =	shalt  }
0x60: {  	_ =	shalt  }
0x61: {  	_ =	shalt  }
0x62: {  	_ =	shalt  }
0x63: {  	_ =	shalt  }
0x64: {  	_ =	shalt  }
0x65: {  	_ =	shalt  }
0x66: {  	_ =	shalt  }
0x67: {  	_ =	shalt  }
0x68: {  	_ =	shalt  }
0x69: {  	_ =	shalt  }
0x6a: {  	_ =	shalt  }
0x6b: {  	_ =	shalt  }
0x6c: {  	_ =	shalt  }
0x6d: {  	_ =	shalt  }
0x6e: {  	_ =	shalt  }
0x6f: {  	_ =	shalt  }
0x70: {  	_ =	shalt  }
0x71: {  	_ =	shalt  }
0x72: {  	_ =	shalt  }
0x73: {  	_ =	shalt  }
0x74: {  	_ =	shalt  }
0x75: {  	_ =	shalt  }
0x76: {  	_ =	shalt  }
0x77: {  	_ =	shalt  }
0x78: {  	_ =	shalt  }
0x79: {  	_ =	shalt  }
0x7a: {  	_ =	shalt  }
0x7b: {  	_ =	shalt  }
0x7c: {  	_ =	shalt  }
0x7d: {  	_ =	shalt  }
0x7e: {  	_ =	shalt  }
0x7f: {  	_ =	shalt  }
0x80: {  	_ =	shalt  }
0x81: {  	_ =	shalt  }
0x82: {  	_ =	shalt  }
0x83: {  	_ =	shalt  }
0x84: {  	_ =	shalt  }
0x85: {  	_ =	shalt  }
0x86: {  	_ =	shalt  }
0x87: {  	_ =	shalt  }
.Lfunc_end0:
.L_simem_size_0:
called_computation.3_lowered:
.L_overlay_start_0:
0x88: {  	s2 =	sld [smem:$0x3FD9]  }
0x89: {  	s3 =	sld [smem:$0x3FFE];
	_ =	sdelay $0x1  }
0x8a: {  	s1 =	srdreg.scid  }
0x8b: {  	s0 =	sand.u32 $0x1, s1  }
0x8c: {  	s16 =	sshll.u32 s0, $0xA;
	s2 =	sadd.s32 s3, s2  }
0x8d: {  	s2 =	sadd.s32 s2, s16  }
0x8e: {  	[smem:$0x3FC0] =	sst s2  }
0x8f: {  	_ = 	snop  }
0x90: {  	(tm) =	ssettm $0x1  }
0x91: {  	s17 =	sld [smem:$0x3FFB];
	_ =	sdelay $0x3  }
0x92: {  	_ =	strace s17  }
0x93: {  	s2 =	sld [smem:$0x3FFC];
	_ =	sdelay $0x3  }
0x94: {  	_ =	strace s2  }
0x95: {  	s2 =	sld [smem:$0x3FFD];
	_ =	sdelay $0x3  }
0x96: {  	_ =	strace s2  }
0x97: {  	_ =	strace $0x8FFFFFFF  }
0x98: {  	s18 =	sld [smem:$0x3FDB];
	_ =	sdelay $0x1  }
0x99: {  	s19 =	simm.s32 $_scs_section_size  }
0x9a: {  	s4 =	simm.s32 $_size__tile_overlayer_lowered;
	s5 =	simm.s32 $_tile_overlayer_lowered  }
0x9b: {  	s22 =	simm.s32 $0x1BFF;
	s21 =	sshll.u32 s5, $0x1;
	s2 =	sadd.s32 s19, s18  }
0x9c: {  	s6 =	simm.s32 $0x0;
	s20 =	sshll.u32 s4, $0x1;
	s4 =	sadd.s32 s21, s2  }
0x9d: {  	[timem:s6], [sflag:s22] =	dma.local [hbm:s4], s20  }
0x9e: {  	_ =	swait.ge [sflag:s22], s20  }
0x9f: {  	s3 =	ssub.s32 $0x0, s20;
	[sflag:s22] =	ssyncset.done $0x0  }
0xa0: {  	[sflag:s22] =	ssyncadd.s32 s3;
	_ =	sdelay $0x1  }
0xa1: {  	s23 =	simm.s32 $0x1B8B  }
0xa2: {  	_ =	swait.ge [sflag:s23], $0x1  }
0xa3: {  	[sflag:s23] =	ssyncset.done $0x0  }
0xa4: {  	s25 =	simm.s32 $0x1B8E;
	s24 =	sld [smem:$0x3FFE];
	[sflag:s23] =	ssyncadd.s32 $0xFFFFFFFF  }
0xa5: {  	s26 =	simm.s32 $execute0_lowered;
	[smem:$0x3FD2] =	sst s25  }
0xa6: {  	s4 =	sshll.u32 s26, $0x1;
	_ =	strace $0x8000004F;
	[dreg:$0x1] =	wrdreg $0xFFFFFFFF  }
0xa7: {  	s28 =	simm.s32 $_size_execute0_lowered;
	s2 =	sadd.s32 s2, s4;
	[dreg:$0x0] =	wrdreg $0x0  }
0xa8: {  	s4 =	sshll.u32 s28, $0x1;
	[dreg:$0x2] =	wrdreg s2  }
0xa9: {  	[dreg:$0x3] =	wrdreg s4  }
0xaa: {  	[dreg:$0x4] =	wrdreg $0xC0  }
0xab: {  	_ =	task [dreg:s6], $0x5FFFF  }
0xac: {  	[dreg:$0x1] =	wrdreg $0xFFFFFFFF  }
0xad: {  	[dreg:$0x0] =	wrdreg $0x60  }
0xae: {  	[dreg:$0x2] =	wrdreg s24  }
0xaf: {  	[dreg:$0x3] =	wrdreg $0x0  }
0xb0: {  	[dreg:$0x4] =	wrdreg $0x9  }
0xb1: {  	_ =	task.clear_ibuf [dreg:s6], $0x5FFFF;
	_ =	strace $0x9000004F  }
0xb2: {  	s29 =	simm.s32 $0x9;
	_ =	strace $0x80000051  }
0xb3: {  	_ =	swait.ge [sflag:s29], $0x1  }
0xb4: {  	[sflag:s29] =	ssyncadd.s32 $0xFFFFFFFF  }
0xb5: {  	_ =	strace $0x90000051  }
0xb6: {  	_ =	sfence  }
0xb7: {  	s30 =	sld [smem:$0x0];
	_ =	sdelay $0x2  }
0xb8: {  	s31 =	sshll.u32 s1, $0xD;
	s1 =	sshrl.u32 s1, $0x2  }
0xb9: {  	s3 =	sand.u32 $0x4000, s31;
	s1 =	sadd.s32 s1, s30  }
0xba: {  	s0 =	sor.u32 s3, s0;
	s1 =	sshll.u32 s1, $0x11  }
0xbb: {  	s0 =	sor.u32 s1, s0  }
0xbc: {  	s0 =	sadd.s32 $0x8F2B, s0  }
0xbd: {  	[sflag:s0] =	ssyncadd.remote.s32 $0x1  }
0xbe: {  	_ =	sfence.sel $0xFFFF  }
0xbf: {  	[dreg:$0x0] =	wrdreg $0xFFFFFFFF;
	(pc) =	sbr.abs _section_cstart, $3  }
0xc0: {  	[dreg:$0x1] =	wrdreg $0xFFFFFFFF  }
0xc1: {  	_ =	task.clear_ibuf [dreg:s6], $0x2FFFF;
	_ =	strace $0x9FFFFFFF  }
0xc2: {  	(tm) =	ssettm $0x7FFFFFFF  }
0xc3: {  	_ =	shalt  }
tec
execute0_lowered:
.L_overlay_start_1:
0x0: {  	(tag) =	ssettag $0x1  }
0x1: {  	s0 =	srdreg.scid;
	s1 =	rddreg [dreg:$0x0]  }
0x2: {  	s3 =	stileid.u32;
	s2 =	rddreg [dreg:$0x1];
	s6 =	simm.s32 $0x0  }
0x3: {  	s22 =	simm.s32 $0x3;
	s23 =	simm.s32 $0x19400;
	s5 =	smul.u32 $0x3800, s3  }
0x4: {  	s28 =	simm.s32 $0x1;
	s29 =	simm.s32 $0x1C400;
	s24 =	smul.u32 $0x700, s3  }
0x5: {  	s30 =	simm.s32 $0x2;
	s31 =	simm.s32 $0x15B80;
	s25 =	smul.u32 $0x50000, s3  }
0x6: {  	s0 =	sand.u32 $0x1, s0;
	[smem:$0x7FF] =	sst s6;
	s11 =	smul.u32 $0x2800, s3  }
0x7: {  	s21 =	sadd.s32 $0x12C000, s2;
	p0 =	seq.s32 s3, $0xF;
	s4 =	smul.u32 $0x38000, s0  }
0x8: {  	_ =	strace $0x80000050;
	s7 =	ssub.s32 $0x2, s0;
	s9 =	smul.u32 $0x27100, s0  }
0x9: {  	s0 =	smul.u32 $0x138800, s0;
	s6 =	sadd.s32 s24, s1;
	s10 =	sshrl.u32 s7, $0x1  }
0xa: {  	s26 =	sshrl.u32 s25, $0x2;
	s24 =	simm.s32 $0x14000;
	s25 =	sshrl.u32 @p0 s21, $0x3  }
0xb: {  	s21 =	simm.s32 $0x0;
	s4 =	sadd.s32 s5, s4;
	s12 =	ssub.s32 s7, s10  }
0xc: {  	s9 =	sadd.s32 s11, s9;
	s0 =	sshrl.u32 s0, $0x3;
	s5 =	sshrl.u32 s4, $0x3  }
0xd: {  	s4 =	sadd.s32 $0x20200, s1;
	s11 =	smax.u32 s12, $0x1;
	s8 =	sadd.s32 s5, s1  }
0xe: {  	s1 =	sadd.s32 $0x10A800, s1;
	s5 =	sadd.s32 $0xB200, s6;
	s6 =	sadd.s32 s26, s2  }
0xf: {  	s26 =	simm.s32 $0x60;
	s7 =	sadd.s32 $0x12200, s8;
	s8 =	sadd.s32 $0x12580, s8  }
0x10: {  	s9 =	sadd.s32 s1, s9;
	s0 =	sadd.s32 s1, s0;
	s12 =	sadd.s32 $0x2000, s6  }
0x11: {  	s13 =	sadd.s32 $0x4000, s6;
	s14 =	sadd.s32 $0x6000, s6;
	s15 =	sadd.s32 $0x8000, s6  }
0x12: {  	s16 =	sadd.s32 $0xA000, s6;
	s17 =	sadd.s32 $0xC000, s6;
	s18 =	sadd.s32 $0xE000, s6  }
0x13: {  	v0 =	vimm.f32 $0.0e+00;
	s19 =	sadd.s32 $0x10000, s6;
	s20 =	sadd.s32 $0x12000, s6;
	s10 =	sadd.s32 $0x25800, s0  }
.LBB2_1:
0x14: {  	s0 =	simm.s32 $0x0;
	s1 =	simm.s32 $0x15C00  }
0x15: {  	[tilespmem:s1], [sflag:$0x3] =	stream.linear.gather [hbm4b:s5+s0], $0x3800, $0x38;
	[tilespmem:$0x1F400] =	vst v63  }
0x16: {  	_ =	swait.ge [sflag:s22], $0x3800  }
0x17: {  	[sflag:s22] =	ssyncset.done $0x0  }
0x18: {  	s0 =	simm.s32 $0x0;
	s1 =	simm.s32 $0x200;
	[sflag:s22] =	ssyncadd.s32 $0xFFFFC800  }
.LBB2_2:
0x19: {  	p1 =	sne.s32 s1, $0x7E00;
	[tilespmem:s0+$0x19470] =	vst v0  }
0x1a: {  	[tilespmem:s0+$0x19400] =	vst v0  }
0x1b: {  	[tilespmem:s0+$0x19410] =	vst v0  }
.Ltmp0:
0x1c: {  	[tilespmem:s0+$0x19420] =	vst v0;
	(pc) =	sbr.rel @p1 .LBB2_2-.Ltmp0, $4  }
0x1d: {  	[tilespmem:s0+$0x19430] =	vst v0  }
0x1e: {  	[tilespmem:s0+$0x19440] =	vst v0  }
0x1f: {  	[tilespmem:s0+$0x19450] =	vst v0  }
0x20: {  	[tilespmem:s0+$0x19460] =	vst v0;
	s0 =	sshra.s32 s1, $0x2;
	s1 =	sadd.s32 $0x200, s1  }
0x21: {  	[tilespmem:s0+$0x19470] =	vst v0  }
0x22: {  	[tilespmem:s0+$0x19400] =	vst v0  }
0x23: {  	[tilespmem:s0+$0x19410] =	vst v0  }
0x24: {  	[tilespmem:s0+$0x19420] =	vst v0  }
0x25: {  	[tilespmem:s0+$0x19430] =	vst v0  }
0x26: {  	[tilespmem:s0+$0x19440] =	vst v0  }
0x27: {  	[tilespmem:s0+$0x19450] =	vst v0  }
0x28: {  	[tilespmem:s0+$0x19460] =	vst v0  }
0x29: {  	[spmem:s6] =	stream.linear.scatter [tilespmem:s23], [sflag:$0x3], $0x2000, $0x38;
	[tilespmem:$0x1F400] =	vst v63  }
0x2a: {  	_ =	swait.ge [sflag:s22], $0x2000  }
0x2b: {  	[sflag:s22] =	ssyncset.done $0x0  }
0x2c: {  	[sflag:s22] =	ssyncadd.s32 $0xFFFFE000  }
0x2d: {  	[spmem:s12] =	stream.linear.scatter [tilespmem:s23], [sflag:$0x3], $0x2000, $0x38;
	[tilespmem:$0x1F400] =	vst v63  }
0x2e: {  	_ =	swait.ge [sflag:s22], $0x2000  }
0x2f: {  	[sflag:s22] =	ssyncset.done $0x0  }
0x30: {  	[sflag:s22] =	ssyncadd.s32 $0xFFFFE000  }
0x31: {  	[spmem:s13] =	stream.linear.scatter [tilespmem:s23], [sflag:$0x3], $0x2000, $0x38;
	[tilespmem:$0x1F400] =	vst v63  }
0x32: {  	_ =	swait.ge [sflag:s22], $0x2000  }
0x33: {  	[sflag:s22] =	ssyncset.done $0x0  }
0x34: {  	[sflag:s22] =	ssyncadd.s32 $0xFFFFE000  }
0x35: {  	[spmem:s14] =	stream.linear.scatter [tilespmem:s23], [sflag:$0x3], $0x2000, $0x38;
	[tilespmem:$0x1F400] =	vst v63  }
0x36: {  	_ =	swait.ge [sflag:s22], $0x2000  }
0x37: {  	[sflag:s22] =	ssyncset.done $0x0  }
0x38: {  	[sflag:s22] =	ssyncadd.s32 $0xFFFFE000  }
0x39: {  	[spmem:s15] =	stream.linear.scatter [tilespmem:s23], [sflag:$0x3], $0x2000, $0x38;
	[tilespmem:$0x1F400] =	vst v63  }
0x3a: {  	_ =	swait.ge [sflag:s22], $0x2000  }
0x3b: {  	[sflag:s22] =	ssyncset.done $0x0  }
0x3c: {  	[sflag:s22] =	ssyncadd.s32 $0xFFFFE000  }
0x3d: {  	[spmem:s16] =	stream.linear.scatter [tilespmem:s23], [sflag:$0x3], $0x2000, $0x38;
	[tilespmem:$0x1F400] =	vst v63  }
0x3e: {  	_ =	swait.ge [sflag:s22], $0x2000  }
0x3f: {  	[sflag:s22] =	ssyncset.done $0x0  }
0x40: {  	[sflag:s22] =	ssyncadd.s32 $0xFFFFE000  }
0x41: {  	[spmem:s17] =	stream.linear.scatter [tilespmem:s23], [sflag:$0x3], $0x2000, $0x38;
	[tilespmem:$0x1F400] =	vst v63  }
0x42: {  	_ =	swait.ge [sflag:s22], $0x2000  }
0x43: {  	[sflag:s22] =	ssyncset.done $0x0  }
0x44: {  	[sflag:s22] =	ssyncadd.s32 $0xFFFFE000  }
0x45: {  	[spmem:s18] =	stream.linear.scatter [tilespmem:s23], [sflag:$0x3], $0x2000, $0x38;
	[tilespmem:$0x1F400] =	vst v63  }
0x46: {  	_ =	swait.ge [sflag:s22], $0x2000  }
0x47: {  	[sflag:s22] =	ssyncset.done $0x0  }
0x48: {  	[sflag:s22] =	ssyncadd.s32 $0xFFFFE000  }
0x49: {  	[spmem:s19] =	stream.linear.scatter [tilespmem:s23], [sflag:$0x3], $0x2000, $0x38;
	[tilespmem:$0x1F400] =	vst v63  }
0x4a: {  	_ =	swait.ge [sflag:s22], $0x2000  }
0x4b: {  	[sflag:s22] =	ssyncset.done $0x0  }
0x4c: {  	[sflag:s22] =	ssyncadd.s32 $0xFFFFE000  }
0x4d: {  	[spmem:s20] =	stream.linear.scatter [tilespmem:s23], [sflag:$0x3], $0x2000, $0x38;
	[tilespmem:$0x1F400] =	vst v63  }
0x4e: {  	_ =	swait.ge [sflag:s22], $0x2000  }
0x4f: {  	[sflag:s22] =	ssyncset.done $0x0  }
0x50: {  	[sflag:s22] =	ssyncadd.s32 $0xFFFFE000  }
0x51: {  	s3 =	simm.s32 $0x0;
	[bflag:$0x0] =	sbarrier.arrive $0xFFFF  }
0x52: {  	[tilespmem:s24], [sflag:$0x3] =	stream.linear.gather [hbm4b:s7+s3], $0x1C00, $0x38;
	[tilespmem:$0x1F400] =	vst v63  }
0x53: {  	_ =	swait.ge [sflag:s22], $0x1C00  }
0x54: {  	[sflag:s22] =	ssyncset.done $0x0  }
0x55: {  	[sflag:s22] =	ssyncadd.s32 $0xFFFFE400  }
0x56: {  	[tilespmem:s23], [sflag:$0x1] =	stream.indirect.gather [hbm4b:s4+s26], $0x80, s24, s26, $0xb8;
	[tilespmem:$0x1F400] =	vst v63  }
0x57: {  	_ =	swait.ge [sflag:s28], $0x3000  }
0x58: {  	[sflag:s28] =	ssyncset.done $0x0  }
0x59: {  	s1 =	simm.s32 $0x14080;
	[sflag:s28] =	ssyncadd.s32 $0xFFFFD000  }
0x5a: {  	[tilespmem:s29], [sflag:$0x2] =	stream.indirect.gather [hbm4b:s4+s26], $0x80, s1, s26, $0xb8;
	[tilespmem:$0x1F400] =	vst v63  }
0x5b: {  	s3 =	simm.s32 $0x15C00  }
0x5c: {  	[spmem:s2] =	stream.indirect.scatter.add.f32 [tilespmem:s23], [sflag:$0x3], $0x80, s3, s26, $0xb8;
	[tilespmem:$0x1F400] =	vst v63  }
0x5d: {  	_ =	swait.ge [sflag:s22], $0x3000  }
0x5e: {  	[sflag:s22] =	ssyncset.done $0x0  }
0x5f: {  	[sflag:s22] =	ssyncadd.s32 $0xFFFFD000  }
0x60: {  	_ =	swait.ge [sflag:s30], $0x3000  }
0x61: {  	[sflag:s30] =	ssyncset.done $0x0  }
0x62: {  	s1 =	simm.s32 $0x14100;
	[sflag:s30] =	ssyncadd.s32 $0xFFFFD000  }
0x63: {  	[tilespmem:s23], [sflag:$0x1] =	stream.indirect.gather [hbm4b:s4+s26], $0x80, s1, s26, $0xb8;
	[tilespmem:$0x1F400] =	vst v63  }
0x64: {  	s3 =	simm.s32 $0x15C80  }
0x65: {  	[spmem:s2] =	stream.indirect.scatter.add.f32 [tilespmem:s29], [sflag:$0x3], $0x80, s3, s26, $0xb8;
	[tilespmem:$0x1F400] =	vst v63  }
0x66: {  	_ =	swait.ge [sflag:s22], $0x3000  }
0x67: {  	s0 =	simm.s32 $0x400;
	[sflag:s22] =	ssyncset.done $0x0  }
.LBB2_4:
0x68: {  	p1 =	sne.s32 s0, $0x6800  }
0x69: {  	[sflag:s22] =	ssyncadd.s32 $0xFFFFD000;
	s1 =	smov.u32 s0;
	s0 =	sadd.s32 $0x400, s0  }
0x6a: {  	_ = 	snop  }
0x6b: {  	_ =	swait.ge [sflag:s28], $0x3000  }
0x6c: {  	s1 =	sshra.s32 s1, $0x2;
	[sflag:s28] =	ssyncset.done $0x0  }
0x6d: {  	s3 =	sadd.s32 $0x14080, s1;
	[sflag:s28] =	ssyncadd.s32 $0xFFFFD000  }
0x6e: {  	[tilespmem:s29], [sflag:$0x2] =	stream.indirect.gather [hbm4b:s4+s26], $0x80, s3, s26, $0xb8;
	[tilespmem:$0x1F400] =	vst v63  }
0x6f: {  	s3 =	sadd.s32 $0x15C00, s1  }
0x70: {  	[spmem:s2] =	stream.indirect.scatter.add.f32 [tilespmem:s23], [sflag:$0x3], $0x80, s3, s26, $0xb8;
	[tilespmem:$0x1F400] =	vst v63  }
0x71: {  	_ =	swait.ge [sflag:s22], $0x3000  }
0x72: {  	[sflag:s22] =	ssyncset.done $0x0  }
0x73: {  	[sflag:s22] =	ssyncadd.s32 $0xFFFFD000  }
0x74: {  	_ =	swait.ge [sflag:s30], $0x3000  }
0x75: {  	[sflag:s30] =	ssyncset.done $0x0  }
0x76: {  	s3 =	sadd.s32 $0x14100, s1;
	[sflag:s30] =	ssyncadd.s32 $0xFFFFD000  }
0x77: {  	[tilespmem:s23], [sflag:$0x1] =	stream.indirect.gather [hbm4b:s4+s26], $0x80, s3, s26, $0xb8;
	[tilespmem:$0x1F400] =	vst v63  }
.Ltmp1:
0x78: {  	_ = 	snop;
	(pc) =	sbr.rel @p1 .LBB2_4-.Ltmp1, $4  }
0x79: {  	s1 =	sadd.s32 $0x15C80, s1  }
0x7a: {  	[spmem:s2] =	stream.indirect.scatter.add.f32 [tilespmem:s29], [sflag:$0x3], $0x80, s1, s26, $0xb8;
	[tilespmem:$0x1F400] =	vst v63  }
0x7b: {  	_ =	swait.ge [sflag:s22], $0x3000  }
0x7c: {  	[sflag:s22] =	ssyncset.done $0x0  }
0x7d: {  	[sflag:s22] =	ssyncadd.s32 $0xFFFFD000  }
0x7e: {  	_ =	swait.ge [sflag:s28], $0x3000  }
0x7f: {  	[sflag:s28] =	ssyncset.done $0x0  }
0x80: {  	[sflag:s28] =	ssyncadd.s32 $0xFFFFD000  }
0x81: {  	[tilespmem:s29], [sflag:$0x2] =	stream.indirect.gather [hbm4b:s4+s26], $0x80, s31, s26, $0xb8;
	[tilespmem:$0x1F400] =	vst v63  }
0x82: {  	s0 =	simm.s32 $0x17700  }
0x83: {  	[spmem:s2] =	stream.indirect.scatter.add.f32 [tilespmem:s23], [sflag:$0x3], $0x80, s0, s26, $0xb8;
	[tilespmem:$0x1F400] =	vst v63  }
0x84: {  	_ =	swait.ge [sflag:s22], $0x3000  }
0x85: {  	[sflag:s22] =	ssyncset.done $0x0  }
0x86: {  	[sflag:s22] =	ssyncadd.s32 $0xFFFFD000  }
0x87: {  	_ =	swait.ge [sflag:s30], $0x3000  }
0x88: {  	[sflag:s30] =	ssyncset.done $0x0  }
0x89: {  	s1 =	simm.s32 $0x17780;
	[sflag:s30] =	ssyncadd.s32 $0xFFFFD000  }
0x8a: {  	[spmem:s2] =	stream.indirect.scatter.add.f32 [tilespmem:s29], [sflag:$0x3], $0x80, s1, s26, $0xb8;
	[tilespmem:$0x1F400] =	vst v63  }
0x8b: {  	_ =	swait.ge [sflag:s22], $0x3000  }
0x8c: {  	[sflag:s22] =	ssyncset.done $0x0  }
0x8d: {  	s3 =	simm.s32 $0x0;
	[sflag:s22] =	ssyncadd.s32 $0xFFFFD000  }
0x8e: {  	[tilespmem:s24], [sflag:$0x3] =	stream.linear.gather [hbm4b:s8+s3], $0x1C00, $0x38;
	[tilespmem:$0x1F400] =	vst v63  }
0x8f: {  	_ =	swait.ge [sflag:s22], $0x1C00  }
0x90: {  	[sflag:s22] =	ssyncset.done $0x0  }
0x91: {  	[sflag:s22] =	ssyncadd.s32 $0xFFFFE400  }
0x92: {  	[tilespmem:s23], [sflag:$0x1] =	stream.indirect.gather [hbm4b:s4+s26], $0x80, s24, s26, $0xb8;
	[tilespmem:$0x1F400] =	vst v63  }
0x93: {  	_ =	swait.ge [sflag:s28], $0x3000  }
0x94: {  	[sflag:s28] =	ssyncset.done $0x0  }
0x95: {  	s1 =	simm.s32 $0x14080;
	[sflag:s28] =	ssyncadd.s32 $0xFFFFD000  }
0x96: {  	[tilespmem:s29], [sflag:$0x2] =	stream.indirect.gather [hbm4b:s4+s26], $0x80, s1, s26, $0xb8;
	[tilespmem:$0x1F400] =	vst v63  }
0x97: {  	s3 =	simm.s32 $0x17800  }
0x98: {  	[spmem:s2] =	stream.indirect.scatter.add.f32 [tilespmem:s23], [sflag:$0x3], $0x80, s3, s26, $0xb8;
	[tilespmem:$0x1F400] =	vst v63  }
0x99: {  	_ =	swait.ge [sflag:s22], $0x3000  }
0x9a: {  	[sflag:s22] =	ssyncset.done $0x0  }
0x9b: {  	[sflag:s22] =	ssyncadd.s32 $0xFFFFD000  }
0x9c: {  	_ =	swait.ge [sflag:s30], $0x3000  }
0x9d: {  	[sflag:s30] =	ssyncset.done $0x0  }
0x9e: {  	s1 =	simm.s32 $0x14100;
	[sflag:s30] =	ssyncadd.s32 $0xFFFFD000  }
0x9f: {  	[tilespmem:s23], [sflag:$0x1] =	stream.indirect.gather [hbm4b:s4+s26], $0x80, s1, s26, $0xb8;
	[tilespmem:$0x1F400] =	vst v63  }
0xa0: {  	s3 =	simm.s32 $0x17880  }
0xa1: {  	[spmem:s2] =	stream.indirect.scatter.add.f32 [tilespmem:s29], [sflag:$0x3], $0x80, s3, s26, $0xb8;
	[tilespmem:$0x1F400] =	vst v63  }
0xa2: {  	_ =	swait.ge [sflag:s22], $0x3000  }
0xa3: {  	s0 =	simm.s32 $0xFFFF9800;
	[sflag:s22] =	ssyncset.done $0x0  }
.LBB2_6:
0xa4: {  	p1 =	sne.s32 s0, $0xFFFFFC00  }
0xa5: {  	[sflag:s22] =	ssyncadd.s32 $0xFFFFD000;
	s1 =	smov.u32 s0;
	s0 =	sadd.s32 $0x400, s0  }
0xa6: {  	_ = 	snop  }
0xa7: {  	_ =	swait.ge [sflag:s28], $0x3000  }
0xa8: {  	s1 =	sshra.s32 s1, $0x2;
	[sflag:s28] =	ssyncset.done $0x0  }
0xa9: {  	s3 =	sadd.s32 $0x15B80, s1;
	[sflag:s28] =	ssyncadd.s32 $0xFFFFD000  }
0xaa: {  	[tilespmem:s29], [sflag:$0x2] =	stream.indirect.gather [hbm4b:s4+s26], $0x80, s3, s26, $0xb8;
	[tilespmem:$0x1F400] =	vst v63  }
0xab: {  	s3 =	sadd.s32 $0x19300, s1  }
0xac: {  	[spmem:s2] =	stream.indirect.scatter.add.f32 [tilespmem:s23], [sflag:$0x3], $0x80, s3, s26, $0xb8;
	[tilespmem:$0x1F400] =	vst v63  }
0xad: {  	_ =	swait.ge [sflag:s22], $0x3000  }
0xae: {  	[sflag:s22] =	ssyncset.done $0x0  }
0xaf: {  	[sflag:s22] =	ssyncadd.s32 $0xFFFFD000  }
0xb0: {  	_ =	swait.ge [sflag:s30], $0x3000  }
0xb1: {  	[sflag:s30] =	ssyncset.done $0x0  }
0xb2: {  	s3 =	sadd.s32 $0x15C00, s1;
	[sflag:s30] =	ssyncadd.s32 $0xFFFFD000  }
0xb3: {  	[tilespmem:s23], [sflag:$0x1] =	stream.indirect.gather [hbm4b:s4+s26], $0x80, s3, s26, $0xb8;
	[tilespmem:$0x1F400] =	vst v63  }
.Ltmp2:
0xb4: {  	_ = 	snop;
	(pc) =	sbr.rel @p1 .LBB2_6-.Ltmp2, $4  }
0xb5: {  	s1 =	sadd.s32 $0x19380, s1  }
0xb6: {  	[spmem:s2] =	stream.indirect.scatter.add.f32 [tilespmem:s29], [sflag:$0x3], $0x80, s1, s26, $0xb8;
	[tilespmem:$0x1F400] =	vst v63  }
0xb7: {  	_ =	swait.ge [sflag:s22], $0x3000  }
0xb8: {  	[sflag:s22] =	ssyncset.done $0x0  }
0xb9: {  	[sflag:s22] =	ssyncadd.s32 $0xFFFFD000  }
0xba: {  	_ =	swait.ge [sflag:s28], $0x3000  }
0xbb: {  	[sflag:s28] =	ssyncset.done $0x0  }
0xbc: {  	[sflag:s28] =	ssyncadd.s32 $0xFFFFD000  }
0xbd: {  	[tilespmem:s29], [sflag:$0x2] =	stream.indirect.gather [hbm4b:s4+s26], $0x80, s31, s26, $0xb8;
	[tilespmem:$0x1F400] =	vst v63  }
0xbe: {  	s0 =	simm.s32 $0x19300  }
0xbf: {  	[spmem:s2] =	stream.indirect.scatter.add.f32 [tilespmem:s23], [sflag:$0x3], $0x80, s0, s26, $0xb8;
	[tilespmem:$0x1F400] =	vst v63  }
0xc0: {  	_ =	swait.ge [sflag:s22], $0x3000  }
0xc1: {  	[sflag:s22] =	ssyncset.done $0x0  }
0xc2: {  	[sflag:s22] =	ssyncadd.s32 $0xFFFFD000  }
0xc3: {  	_ =	swait.ge [sflag:s30], $0x3000  }
0xc4: {  	[sflag:s30] =	ssyncset.done $0x0  }
0xc5: {  	s3 =	simm.s32 $0x19380;
	[sflag:s30] =	ssyncadd.s32 $0xFFFFD000  }
0xc6: {  	[spmem:s2] =	stream.indirect.scatter.add.f32 [tilespmem:s29], [sflag:$0x3], $0x80, s3, s26, $0xb8;
	[tilespmem:$0x1F400] =	vst v63  }
0xc7: {  	_ =	swait.ge [sflag:s22], $0x3000  }
0xc8: {  	[sflag:s22] =	ssyncset.done $0x0  }
0xc9: {  	[sflag:s22] =	ssyncadd.s32 $0xFFFFD000  }
0xca: {  	s0 =	simm.s32 @p0 $0x1FC3;
	[bflag:$0x0] =	sbarrier.arrive $0xFFFF  }
0xcb: {  	[hbm:s10], [sflag:s0] =	dma.local @p0 [spmem:s25], $0x1900  }
0xcc: {  	s0 =	simm.s32 @p0 $0x3  }
0xcd: {  	s1 =	stileid.u32;
	_ =	swait.ge @p0 [sflag:s0], $0x1900  }
0xce: {  	s21 =	sadd.s32 $0x1, s21;
	s1 =	sshll.u32 @!p0 s1, $0x6;
	[sflag:s0] =	ssyncset.done @p0 $0x0  }
0xcf: {  	[sflag:s0] =	ssyncadd.s32 @p0 $0xFFFFE700;
	s0 =	sor.u32 @!p0 $0x1C03, s1;
	s1 =	sshrl.u32 @!p0 s6, $0x3  }
0xd0: {  	[hbm:s9], [sflag:s0] =	dma.local @!p0 [spmem:s1], $0x2800  }
0xd1: {  	p1 =	sne.s32 s21, s11;
	s0 =	simm.s32 @!p0 $0x3  }
.Ltmp3:
0xd2: {  	_ =	swait.ge @!p0 [sflag:s0], $0x2800;
	(pc) =	sbr.rel @p1 .LBB2_1-.Ltmp3, $3  }
0xd3: {  	[sflag:s0] =	ssyncset.done @!p0 $0x0  }
0xd4: {  	[sflag:s0] =	ssyncadd.s32 @!p0 $0xFFFFD800  }
0xd5: {  	[bflag:$0x0] =	sbarrier.arrive $0xFFFF;
	_ =	sdelay $0x1  }
0xd6: {  	_ =	sfence.sel $0x180000  }
0xd7: {  	[bflag:$0x0] =	sbarrier.arrive $0xFFFF  }
0xd8: {  	_ =	strace $0x90000050  }
0xd9: {  	s0 =	stileid.u32;
	[bflag:$0x2] =	sbarrier.arrive $0xFFFF  }
0xda: {  	p0 =	sne.s32 s0, $0x0;
	s0 =	rddreg [dreg:$0x2]  }
0xdb: {  	s0 =	sadd.s32 @!p0 $0x100000, s0  }
0xdc: {  	[sflag:s0] =	ssyncadd.tile.s32 @!p0 $0x1;
	_ =	shalt  }
.Lfunc_end2:
_tile_overlayer_lowered:
.L_overlay_start_2:
0xdd: {  	(tag) =	ssettag $0x2  }
0xde: {  	s0 =	rddreg [dreg:$0x0];
	s2 =	stileid.u32  }
0xdf: {  	s1 =	rddreg [dreg:$0x1];
	p0 =	sne.s32 s2, $0x0  }
0xe0: {  	s3 =	rddreg [dreg:$0x2];
	[bflag:$0x3] =	sbarrier.arrive $0xFFFF;
	s2 =	simm.s32 @!p0 $0x1C03  }
0xe1: {  	[timem:s3], [sflag:s2] =	dma.local @!p0 [hbm:s0], s1  }
0xe2: {  	s0 =	simm.s32 @!p0 $0x3  }
0xe3: {  	_ =	swait.ge @!p0 [sflag:s0], s1  }
0xe4: {  	s1 =	ssub.s32 @!p0 $0x0, s1;
	[sflag:s0] =	ssyncset.done @!p0 $0x0  }
0xe5: {  	[sflag:s0] =	ssyncadd.s32 @!p0 s1  }
0xe6: {  	[bflag:$0x3] =	sbarrier.arrive $0xFFFF  }
0xe7: {  	_ =	shalt  }

// kernel: kernel.33.cloned.1.call-start
scs
__scs_entry_jumppad:
0x0: {  	(pc) =	sbr.rel $0x88, $3  }
0x1: {  	(tag) =	ssettag $0x0;
	lr =	simm.s32 $0x1  }
0x2: {  	[smem:$0x3F99] =	sst lr;
	_ =	strace $0xD0000000  }
0x3: {  	_ = 	snop  }
0x4: {  	_ = 	snop  }
0x5: {  	_ = 	snop  }
0x6: {  	_ = 	snop  }
0x7: {  	_ = 	snop  }
__scs_overlays_trampoline_lowered:
0x8: {  	[smem:$0x3FA8] =	sst s0  }
0x9: {  	[smem:$0x3FA9] =	sst s1  }
0xa: {  	[smem:$0x3FAA] =	sst s2  }
0xb: {  	[smem:$0x3FAB] =	sst s3  }
0xc: {  	[smem:$0x3FAC] =	sst s4  }
0xd: {  	[smem:$0x3FAD] =	sst s5  }
0xe: {  	[smem:$0x3FAE] =	sst s6  }
0xf: {  	[smem:$0x3FAF] =	sst s7  }
0x10: {  	[smem:$0x3FB0] =	sst s8  }
0x11: {  	[smem:$0x3FB1] =	sst s9;
	s0 =	simm.s32 @!p0 $0x0  }
0x12: {  	s1 =	sld [smem:$0x3F97];
	s0 =	simm.s32 @p0 $0x1  }
0x13: {  	[smem:$0x3FB2] =	sst s0;
	s0 =	simm.s32 @!p1 $0x0  }
0x14: {  	s2 =	sld [smem:$0x3F96];
	s0 =	simm.s32 @p1 $0x1  }
0x15: {  	[smem:$0x3FB3] =	sst s0;
	s0 =	simm.s32 @!p2 $0x0  }
0x16: {  	s3 =	sld [smem:$0x3FDB];
	s0 =	simm.s32 @p2 $0x1  }
0x17: {  	s4 =	simm.s32 $0x1BF5;
	[smem:$0x3FB5] =	sst s0  }
0x18: {  	s0 =	sld [smem:$0x3F98];
	_ =	swait.ge [sflag:s4], $0x0  }
0x19: {  	s7 =	sld [smem:$0x3F99]  }
0x1a: {  	s8 =	sadd.s32 $0xFFFFE003, lr  }
0x1b: {  	s9 =	sadd.s32 $0xFFFFFEF7, lr;
	s5 =	simm.s32 $0xFFFFFFFF;
	p2 =	slt.u32 s8, $0xFFFFF086  }
0x1c: {  	p1 =	slt.u32 s9, $0xF7A;
	s5 =	simm.s32 @!p2 $0x0  }
0x1d: {  	s5 =	simm.s32 @p1 $0x1;
	p0 =	seq.s32 s7, s2  }
0x1e: {  	s7 =	smul.u32 @!p0 $0xF7A, s2;
	p2 =	seq.s32 @!p0 s5, $0x0  }
0x1f: {  	s9 =	smul.u32 $0xF7A, s1;
	s8 =	simm.s32 @!p0 $0x1BF5;
	p2 =	por !p2, p0  }
0x20: {  	[sflag:s8] =	ssyncset.s32 @!p0 $0xFFFFF086;
	s6 =	sadd.s32 @!p0 s3, s7;
	s7 =	simm.s32 @!p0 $0x108  }
0x21: {  	s3 =	sadd.s32 s3, s9;
	s6 =	sadd.s32 @!p0 $0x88, s6;
	s7 =	simm.s32 @p2 $0x1082  }
0x22: {  	[simem:s7], [sflag:s8] =	dma.local @!p0 [hbm:s6], $0xF7A  }
0x23: {  	s9 =	sor.u32 $0xD0000000, s2;
	s6 =	simm.s32 $0x108;
	_ =	swait.ge @!p0 [sflag:s8], $0x0  }
0x24: {  	s3 =	sadd.s32 $0x88, s3;
	s6 =	simm.s32 @!p1 $0x1082;
	[sflag:s4] =	ssyncset.s32 $0xFFFFF086  }
0x25: {  	[simem:s6], [sflag:s4] =	dma.local [hbm:s3], $0xF7A  }
0x26: {  	[smem:$0x3F99] =	sst s1;
	(tag) =	ssettag s2;
	_ =	strace s9  }
0x27: {  	s1 =	sld [smem:$0x3FA9]  }
0x28: {  	s2 =	sld [smem:$0x3FAA]  }
0x29: {  	s4 =	sld [smem:$0x3FAC]  }
0x2a: {  	p0 =	seq.s32 s5, $0x0;
	s5 =	sld [smem:$0x3FAD]  }
0x2b: {  	s6 =	sld [smem:$0x3FAE]  }
0x2c: {  	s7 =	sld [smem:$0x3FAF]  }
0x2d: {  	s3 =	simm.s32 $0x108;
	s8 =	sld [smem:$0x3FB0]  }
0x2e: {  	s3 =	simm.s32 @!p0 $0x1082;
	s9 =	sld [smem:$0x3FB1]  }
0x2f: {  	lr =	sadd.s32 s0, s3;
	s0 =	sld [smem:$0x3FA8]  }
0x30: {  	s3 =	sld [smem:$0x3FAB]  }
0x31: {  	[smem:$0x3FB4] =	sst s10  }
0x32: {  	s10 =	sld [smem:$0x3FB2];
	_ =	sdelay $0x3  }
0x33: {  	p0 =	seq.s32 s10, $0x1;
	s10 =	sld [smem:$0x3FB4];
	_ =	sdelay $0x3  }
0x34: {  	[smem:$0x3FB4] =	sst s10  }
0x35: {  	s10 =	sld [smem:$0x3FB3];
	_ =	sdelay $0x3  }
0x36: {  	p1 =	seq.s32 s10, $0x1;
	s10 =	sld [smem:$0x3FB4];
	_ =	sdelay $0x3  }
0x37: {  	[smem:$0x3FB4] =	sst s10  }
0x38: {  	s10 =	sld [smem:$0x3FB5]  }
0x39: {  	_ = 	snop;
	(pc) =	sbr.ind lr, $3  }
0x3a: {  	_ = 	snop  }
0x3b: {  	_ = 	snop  }
0x3c: {  	p2 =	seq.s32 s10, $0x1;
	s10 =	sld [smem:$0x3FB4]  }
0x3d: {  	_ =	shalt  }
0x3e: {  	_ =	shalt  }
0x3f: {  	_ =	shalt  }
0x40: {  	_ =	shalt  }
0x41: {  	_ =	shalt  }
0x42: {  	_ =	shalt  }
0x43: {  	_ =	shalt  }
0x44: {  	_ =	shalt  }
0x45: {  	_ =	shalt  }
0x46: {  	_ =	shalt  }
0x47: {  	_ =	shalt  }
0x48: {  	_ =	shalt  }
0x49: {  	_ =	shalt  }
0x4a: {  	_ =	shalt  }
0x4b: {  	_ =	shalt  }
0x4c: {  	_ =	shalt  }
0x4d: {  	_ =	shalt  }
0x4e: {  	_ =	shalt  }
0x4f: {  	_ =	shalt  }
0x50: {  	_ =	shalt  }
0x51: {  	_ =	shalt  }
0x52: {  	_ =	shalt  }
0x53: {  	_ =	shalt  }
0x54: {  	_ =	shalt  }
0x55: {  	_ =	shalt  }
0x56: {  	_ =	shalt  }
0x57: {  	_ =	shalt  }
0x58: {  	_ =	shalt  }
0x59: {  	_ =	shalt  }
0x5a: {  	_ =	shalt  }
0x5b: {  	_ =	shalt  }
0x5c: {  	_ =	shalt  }
0x5d: {  	_ =	shalt  }
0x5e: {  	_ =	shalt  }
0x5f: {  	_ =	shalt  }
0x60: {  	_ =	shalt  }
0x61: {  	_ =	shalt  }
0x62: {  	_ =	shalt  }
0x63: {  	_ =	shalt  }
0x64: {  	_ =	shalt  }
0x65: {  	_ =	shalt  }
0x66: {  	_ =	shalt  }
0x67: {  	_ =	shalt  }
0x68: {  	_ =	shalt  }
0x69: {  	_ =	shalt  }
0x6a: {  	_ =	shalt  }
0x6b: {  	_ =	shalt  }
0x6c: {  	_ =	shalt  }
0x6d: {  	_ =	shalt  }
0x6e: {  	_ =	shalt  }
0x6f: {  	_ =	shalt  }
0x70: {  	_ =	shalt  }
0x71: {  	_ =	shalt  }
0x72: {  	_ =	shalt  }
0x73: {  	_ =	shalt  }
0x74: {  	_ =	shalt  }
0x75: {  	_ =	shalt  }
0x76: {  	_ =	shalt  }
0x77: {  	_ =	shalt  }
0x78: {  	_ =	shalt  }
0x79: {  	_ =	shalt  }
0x7a: {  	_ =	shalt  }
0x7b: {  	_ =	shalt  }
0x7c: {  	_ =	shalt  }
0x7d: {  	_ =	shalt  }
0x7e: {  	_ =	shalt  }
0x7f: {  	_ =	shalt  }
0x80: {  	_ =	shalt  }
0x81: {  	_ =	shalt  }
0x82: {  	_ =	shalt  }
0x83: {  	_ =	shalt  }
0x84: {  	_ =	shalt  }
0x85: {  	_ =	shalt  }
0x86: {  	_ =	shalt  }
0x87: {  	_ =	shalt  }
.Lfunc_end0:
.L_simem_size_0:
called_computation.4_lowered:
.L_overlay_start_0:
0x88: {  	s2 =	sld [smem:$0x3FD9]  }
0x89: {  	s3 =	sld [smem:$0x3FFE];
	_ =	sdelay $0x1  }
0x8a: {  	s1 =	srdreg.scid  }
0x8b: {  	s0 =	sand.u32 $0x1, s1  }
0x8c: {  	s17 =	sshll.u32 s0, $0xA;
	s2 =	sadd.s32 s3, s2  }
0x8d: {  	s2 =	sadd.s32 s2, s17  }
0x8e: {  	[smem:$0x3FC0] =	sst s2  }
0x8f: {  	_ = 	snop  }
0x90: {  	s18 =	sld [smem:$0x3FD0];
	(tm) =	ssettm $0x1  }
0x91: {  	s19 =	sld [smem:$0x3FFB];
	_ =	sdelay $0x3  }
0x92: {  	_ =	strace s19  }
0x93: {  	s2 =	sld [smem:$0x3FFC];
	_ =	sdelay $0x3  }
0x94: {  	_ =	strace s2  }
0x95: {  	s2 =	sld [smem:$0x3FFD];
	_ =	sdelay $0x3  }
0x96: {  	_ =	strace s2  }
0x97: {  	_ =	strace $0x8FFFFFFF  }
0x98: {  	s20 =	sld [smem:$0x3FDB];
	_ =	sdelay $0x1  }
0x99: {  	s4 =	simm.s32 $_scs_section_size  }
0x9a: {  	s5 =	simm.s32 $_size__tile_overlayer_lowered;
	s6 =	simm.s32 $_tile_overlayer_lowered  }
0x9b: {  	s7 =	simm.s32 $0x1BFF;
	s21 =	sshll.u32 s6, $0x1;
	s4 =	sadd.s32 s4, s20  }
0x9c: {  	s22 =	simm.s32 $0x0;
	s5 =	sshll.u32 s5, $0x1;
	s6 =	sadd.s32 s21, s4  }
0x9d: {  	[timem:s22], [sflag:s7] =	dma.local [hbm:s6], s5  }
0x9e: {  	_ =	swait.ge [sflag:s7], s5  }
0x9f: {  	s5 =	ssub.s32 $0x0, s5;
	[sflag:s7] =	ssyncset.done $0x0  }
0xa0: {  	[sflag:s7] =	ssyncadd.s32 s5;
	_ =	sdelay $0x1  }
0xa1: {  	s23 =	simm.s32 $0x1B8B  }
0xa2: {  	_ =	swait.ge [sflag:s23], $0x1  }
0xa3: {  	[sflag:s23] =	ssyncset.done $0x0  }
0xa4: {  	[sflag:s23] =	ssyncadd.s32 $0xFFFFFFFF  }
0xa5: {  	s5 =	sld [smem:$0x0]  }
0xa6: {  	s6 =	sand.u32 $0xFFFFFFFE, s1  }
0xa7: {  	p0 =	sne.s32 s1, s6  }
0xa8: {  	s6 =	sshll.u32 @p0 s6, $0xE  }
0xa9: {  	s6 =	sadd.s32 @p0 $0x11B8D, s6;
	s7 =	sshll.u32 @p0 s5, $0x11  }
0xaa: {  	s6 =	sor.u32 @p0 s7, s6  }
0xab: {  	[sflag:s6] =	ssyncadd.remote.s32 @p0 $0x1;
	_ =	sdelay $0x1  }
0xac: {  	s6 =	simm.s32 @p0 $0x1B8D  }
0xad: {  	_ =	swait.eq @p0 [sflag:s6], $0x1  }
0xae: {  	[sflag:s6] =	ssyncadd.s32 @p0 $0xFFFFFFFF  }
0xaf: {  	s7 =	sshll.u32 @!p0 s1, $0xE  }
0xb0: {  	s7 =	sor.u32 @!p0 $0x4000, s7;
	s6 =	simm.s32 @!p0 $0x1B8D  }
0xb1: {  	s5 =	sshll.u32 @!p0 s5, $0x11;
	s7 =	sadd.s32 @!p0 $0x11B8D, s7;
	_ =	swait.eq @!p0 [sflag:s6], $0x1  }
0xb2: {  	s5 =	sor.u32 @!p0 s5, s7;
	[sflag:s6] =	ssyncadd.s32 @!p0 $0xFFFFFFFF  }
0xb3: {  	s25 =	simm.s32 $0x1B8E;
	s24 =	sld [smem:$0x3FFE];
	[sflag:s5] =	ssyncadd.remote.s32 @!p0 $0x1  }
0xb4: {  	s26 =	simm.s32 $execute0_lowered;
	[smem:$0x3FD2] =	sst s25  }
0xb5: {  	s6 =	sshll.u32 s26, $0x1;
	_ =	strace $0x80000052;
	[dreg:$0x1] =	wrdreg $0xFFFFFFFF  }
0xb6: {  	s28 =	simm.s32 $_size_execute0_lowered;
	s4 =	sadd.s32 s4, s6;
	[dreg:$0x0] =	wrdreg $0x0  }
0xb7: {  	s6 =	sshll.u32 s28, $0x1;
	[dreg:$0x2] =	wrdreg s4  }
0xb8: {  	[dreg:$0x3] =	wrdreg s6  }
0xb9: {  	[dreg:$0x4] =	wrdreg $0xC0  }
0xba: {  	_ =	task [dreg:s22], $0x5FFFF  }
0xbb: {  	[dreg:$0x1] =	wrdreg $0xFFFFFFFF  }
0xbc: {  	[dreg:$0x0] =	wrdreg $0x60  }
0xbd: {  	[dreg:$0x2] =	wrdreg s18  }
0xbe: {  	[dreg:$0x3] =	wrdreg s24  }
0xbf: {  	[dreg:$0x4] =	wrdreg $0x0  }
0xc0: {  	[dreg:$0x5] =	wrdreg $0xA  }
0xc1: {  	_ =	task.clear_ibuf [dreg:s22], $0x6FFFF;
	_ =	strace $0x90000052  }
0xc2: {  	s29 =	simm.s32 $0xA;
	_ =	strace $0x80000054  }
0xc3: {  	_ =	swait.ge [sflag:s29], $0x1  }
0xc4: {  	[sflag:s29] =	ssyncadd.s32 $0xFFFFFFFF  }
0xc5: {  	_ =	strace $0x90000054  }
0xc6: {  	_ =	sfence  }
0xc7: {  	s30 =	sld [smem:$0x0];
	_ =	sdelay $0x2  }
0xc8: {  	s31 =	sshll.u32 s1, $0xD;
	s1 =	sshrl.u32 s1, $0x2  }
0xc9: {  	s4 =	sand.u32 $0x4000, s31;
	s1 =	sadd.s32 s1, s30  }
0xca: {  	s0 =	sor.u32 s4, s0;
	s1 =	sshll.u32 s1, $0x11  }
0xcb: {  	s0 =	sor.u32 s1, s0  }
0xcc: {  	s0 =	sadd.s32 $0x8F2B, s0  }
0xcd: {  	[sflag:s0] =	ssyncadd.remote.s32 $0x1  }
0xce: {  	_ =	sfence.sel $0xFFFF  }
0xcf: {  	[dreg:$0x0] =	wrdreg $0xFFFFFFFF;
	(pc) =	sbr.abs _section_cstart, $3  }
0xd0: {  	[dreg:$0x1] =	wrdreg $0xFFFFFFFF  }
0xd1: {  	_ =	task.clear_ibuf [dreg:s22], $0x2FFFF;
	_ =	strace $0x9FFFFFFF  }
0xd2: {  	(tm) =	ssettm $0x7FFFFFFF  }
0xd3: {  	_ =	shalt  }
tec
execute0_lowered:
.L_overlay_start_1:
0x0: {  	(tag) =	ssettag $0x1  }
0x1: {  	s1 =	rddreg [dreg:$0x0]  }
0x2: {  	s0 =	srdreg.scid;
	s5 =	rddreg [dreg:$0x1]  }
0x3: {  	s4 =	stileid.u32;
	s3 =	rddreg [dreg:$0x2]  }
0x4: {  	s7 =	simm.s32 $0x0;
	s22 =	simm.s32 $0x3;
	s6 =	smul.u32 $0x3800, s4  }
0x5: {  	s28 =	simm.s32 $0x1;
	s29 =	simm.s32 $0x1C400;
	s23 =	smul.u32 $0x700, s4  }
0x6: {  	s30 =	simm.s32 $0x2;
	s31 =	simm.s32 $0x15B80;
	s24 =	smul.u32 $0x50000, s4  }
0x7: {  	s21 =	simm.s32 $0x0;
	s0 =	sand.u32 $0x1, s0;
	s11 =	smul.u32 $0x2800, s4  }
0x8: {  	[smem:$0x7FF] =	sst s7;
	s10 =	sadd.s32 $0x6E400, s5;
	s2 =	smul.u32 $0x38000, s0  }
0x9: {  	p0 =	seq.s32 s4, $0xF;
	s8 =	ssub.s32 $0x2, s0;
	s9 =	smul.u32 $0x27100, s0  }
0xa: {  	_ =	strace $0x80000053;
	s0 =	smul.u32 $0x138800, s0;
	s25 =	sshrl.u32 s8, $0x1  }
0xb: {  	s7 =	sshrl.u32 s24, $0x2;
	s24 =	simm.s32 $0x14000;
	s2 =	sadd.s32 s6, s2  }
0xc: {  	s6 =	sadd.s32 s23, s5;
	s12 =	ssub.s32 s8, s25;
	s26 =	sadd.s32 s11, s9  }
0xd: {  	s0 =	sshrl.u32 s0, $0x3;
	s23 =	simm.s32 $0x19400;
	s2 =	sshrl.u32 s2, $0x3  }
0xe: {  	s9 =	sadd.s32 s10, s26;
	s0 =	sadd.s32 s10, s0;
	s11 =	smax.u32 s12, $0x1  }
0xf: {  	s26 =	simm.s32 $0x60;
	s2 =	sadd.s32 s2, s5;
	s5 =	sadd.s32 $0xB200, s6  }
0x10: {  	s6 =	sadd.s32 s7, s3;
	s10 =	sadd.s32 $0x25800, s0;
	s7 =	sadd.s32 $0x12200, s2  }
0x11: {  	s8 =	sadd.s32 $0x12580, s2;
	s2 =	sadd.s32 $0x12C000, s3;
	s12 =	sadd.s32 $0x2000, s6  }
0x12: {  	s13 =	sadd.s32 $0x4000, s6;
	s14 =	sadd.s32 $0x6000, s6;
	s15 =	sadd.s32 $0x8000, s6  }
0x13: {  	s16 =	sadd.s32 $0xA000, s6;
	s17 =	sadd.s32 $0xC000, s6;
	s18 =	sadd.s32 $0xE000, s6  }
0x14: {  	v0 =	vimm.f32 $0.0e+00;
	s19 =	sadd.s32 $0x10000, s6;
	s20 =	sadd.s32 $0x12000, s6;
	s25 =	sshrl.u32 @p0 s2, $0x3  }
.LBB2_1:
0x15: {  	s0 =	simm.s32 $0x0;
	s2 =	simm.s32 $0x15C00  }
0x16: {  	[tilespmem:s2], [sflag:$0x3] =	stream.linear.gather [hbm4b:s5+s0], $0x3800, $0x38;
	[tilespmem:$0x1F400] =	vst v63  }
0x17: {  	_ =	swait.ge [sflag:s22], $0x3800  }
0x18: {  	[sflag:s22] =	ssyncset.done $0x0  }
0x19: {  	s0 =	simm.s32 $0x0;
	s2 =	simm.s32 $0x200;
	[sflag:s22] =	ssyncadd.s32 $0xFFFFC800  }
.LBB2_2:
0x1a: {  	p1 =	sne.s32 s2, $0x7E00;
	[tilespmem:s0+$0x19470] =	vst v0  }
0x1b: {  	[tilespmem:s0+$0x19400] =	vst v0  }
0x1c: {  	[tilespmem:s0+$0x19410] =	vst v0  }
.Ltmp0:
0x1d: {  	[tilespmem:s0+$0x19420] =	vst v0;
	(pc) =	sbr.rel @p1 .LBB2_2-.Ltmp0, $4  }
0x1e: {  	[tilespmem:s0+$0x19430] =	vst v0  }
0x1f: {  	[tilespmem:s0+$0x19440] =	vst v0  }
0x20: {  	[tilespmem:s0+$0x19450] =	vst v0  }
0x21: {  	[tilespmem:s0+$0x19460] =	vst v0;
	s0 =	sshra.s32 s2, $0x2;
	s2 =	sadd.s32 $0x200, s2  }
0x22: {  	[tilespmem:s0+$0x19470] =	vst v0  }
0x23: {  	[tilespmem:s0+$0x19400] =	vst v0  }
0x24: {  	[tilespmem:s0+$0x19410] =	vst v0  }
0x25: {  	[tilespmem:s0+$0x19420] =	vst v0  }
0x26: {  	[tilespmem:s0+$0x19430] =	vst v0  }
0x27: {  	[tilespmem:s0+$0x19440] =	vst v0  }
0x28: {  	[tilespmem:s0+$0x19450] =	vst v0  }
0x29: {  	[tilespmem:s0+$0x19460] =	vst v0  }
0x2a: {  	[spmem:s6] =	stream.linear.scatter [tilespmem:s23], [sflag:$0x3], $0x2000, $0x38;
	[tilespmem:$0x1F400] =	vst v63  }
0x2b: {  	_ =	swait.ge [sflag:s22], $0x2000  }
0x2c: {  	[sflag:s22] =	ssyncset.done $0x0  }
0x2d: {  	[sflag:s22] =	ssyncadd.s32 $0xFFFFE000  }
0x2e: {  	[spmem:s12] =	stream.linear.scatter [tilespmem:s23], [sflag:$0x3], $0x2000, $0x38;
	[tilespmem:$0x1F400] =	vst v63  }
0x2f: {  	_ =	swait.ge [sflag:s22], $0x2000  }
0x30: {  	[sflag:s22] =	ssyncset.done $0x0  }
0x31: {  	[sflag:s22] =	ssyncadd.s32 $0xFFFFE000  }
0x32: {  	[spmem:s13] =	stream.linear.scatter [tilespmem:s23], [sflag:$0x3], $0x2000, $0x38;
	[tilespmem:$0x1F400] =	vst v63  }
0x33: {  	_ =	swait.ge [sflag:s22], $0x2000  }
0x34: {  	[sflag:s22] =	ssyncset.done $0x0  }
0x35: {  	[sflag:s22] =	ssyncadd.s32 $0xFFFFE000  }
0x36: {  	[spmem:s14] =	stream.linear.scatter [tilespmem:s23], [sflag:$0x3], $0x2000, $0x38;
	[tilespmem:$0x1F400] =	vst v63  }
0x37: {  	_ =	swait.ge [sflag:s22], $0x2000  }
0x38: {  	[sflag:s22] =	ssyncset.done $0x0  }
0x39: {  	[sflag:s22] =	ssyncadd.s32 $0xFFFFE000  }
0x3a: {  	[spmem:s15] =	stream.linear.scatter [tilespmem:s23], [sflag:$0x3], $0x2000, $0x38;
	[tilespmem:$0x1F400] =	vst v63  }
0x3b: {  	_ =	swait.ge [sflag:s22], $0x2000  }
0x3c: {  	[sflag:s22] =	ssyncset.done $0x0  }
0x3d: {  	[sflag:s22] =	ssyncadd.s32 $0xFFFFE000  }
0x3e: {  	[spmem:s16] =	stream.linear.scatter [tilespmem:s23], [sflag:$0x3], $0x2000, $0x38;
	[tilespmem:$0x1F400] =	vst v63  }
0x3f: {  	_ =	swait.ge [sflag:s22], $0x2000  }
0x40: {  	[sflag:s22] =	ssyncset.done $0x0  }
0x41: {  	[sflag:s22] =	ssyncadd.s32 $0xFFFFE000  }
0x42: {  	[spmem:s17] =	stream.linear.scatter [tilespmem:s23], [sflag:$0x3], $0x2000, $0x38;
	[tilespmem:$0x1F400] =	vst v63  }
0x43: {  	_ =	swait.ge [sflag:s22], $0x2000  }
0x44: {  	[sflag:s22] =	ssyncset.done $0x0  }
0x45: {  	[sflag:s22] =	ssyncadd.s32 $0xFFFFE000  }
0x46: {  	[spmem:s18] =	stream.linear.scatter [tilespmem:s23], [sflag:$0x3], $0x2000, $0x38;
	[tilespmem:$0x1F400] =	vst v63  }
0x47: {  	_ =	swait.ge [sflag:s22], $0x2000  }
0x48: {  	[sflag:s22] =	ssyncset.done $0x0  }
0x49: {  	[sflag:s22] =	ssyncadd.s32 $0xFFFFE000  }
0x4a: {  	[spmem:s19] =	stream.linear.scatter [tilespmem:s23], [sflag:$0x3], $0x2000, $0x38;
	[tilespmem:$0x1F400] =	vst v63  }
0x4b: {  	_ =	swait.ge [sflag:s22], $0x2000  }
0x4c: {  	[sflag:s22] =	ssyncset.done $0x0  }
0x4d: {  	[sflag:s22] =	ssyncadd.s32 $0xFFFFE000  }
0x4e: {  	[spmem:s20] =	stream.linear.scatter [tilespmem:s23], [sflag:$0x3], $0x2000, $0x38;
	[tilespmem:$0x1F400] =	vst v63  }
0x4f: {  	_ =	swait.ge [sflag:s22], $0x2000  }
0x50: {  	[sflag:s22] =	ssyncset.done $0x0  }
0x51: {  	[sflag:s22] =	ssyncadd.s32 $0xFFFFE000  }
0x52: {  	s4 =	simm.s32 $0x0;
	[bflag:$0x0] =	sbarrier.arrive $0xFFFF  }
0x53: {  	[tilespmem:s24], [sflag:$0x3] =	stream.linear.gather [hbm4b:s7+s4], $0x1C00, $0x38;
	[tilespmem:$0x1F400] =	vst v63  }
0x54: {  	_ =	swait.ge [sflag:s22], $0x1C00  }
0x55: {  	[sflag:s22] =	ssyncset.done $0x0  }
0x56: {  	[sflag:s22] =	ssyncadd.s32 $0xFFFFE400  }
0x57: {  	[tilespmem:s23], [sflag:$0x1] =	stream.indirect.gather [hbm4b:s1+s26], $0x80, s24, s26, $0xb8;
	[tilespmem:$0x1F400] =	vst v63  }
0x58: {  	_ =	swait.ge [sflag:s28], $0x3000  }
0x59: {  	[sflag:s28] =	ssyncset.done $0x0  }
0x5a: {  	s2 =	simm.s32 $0x14080;
	[sflag:s28] =	ssyncadd.s32 $0xFFFFD000  }
0x5b: {  	[tilespmem:s29], [sflag:$0x2] =	stream.indirect.gather [hbm4b:s1+s26], $0x80, s2, s26, $0xb8;
	[tilespmem:$0x1F400] =	vst v63  }
0x5c: {  	s4 =	simm.s32 $0x15C00  }
0x5d: {  	[spmem:s3] =	stream.indirect.scatter.add.f32 [tilespmem:s23], [sflag:$0x3], $0x80, s4, s26, $0xb8;
	[tilespmem:$0x1F400] =	vst v63  }
0x5e: {  	_ =	swait.ge [sflag:s22], $0x3000  }
0x5f: {  	[sflag:s22] =	ssyncset.done $0x0  }
0x60: {  	[sflag:s22] =	ssyncadd.s32 $0xFFFFD000  }
0x61: {  	_ =	swait.ge [sflag:s30], $0x3000  }
0x62: {  	[sflag:s30] =	ssyncset.done $0x0  }
0x63: {  	s2 =	simm.s32 $0x14100;
	[sflag:s30] =	ssyncadd.s32 $0xFFFFD000  }
0x64: {  	[tilespmem:s23], [sflag:$0x1] =	stream.indirect.gather [hbm4b:s1+s26], $0x80, s2, s26, $0xb8;
	[tilespmem:$0x1F400] =	vst v63  }
0x65: {  	s4 =	simm.s32 $0x15C80  }
0x66: {  	[spmem:s3] =	stream.indirect.scatter.add.f32 [tilespmem:s29], [sflag:$0x3], $0x80, s4, s26, $0xb8;
	[tilespmem:$0x1F400] =	vst v63  }
0x67: {  	_ =	swait.ge [sflag:s22], $0x3000  }
0x68: {  	s0 =	simm.s32 $0x400;
	[sflag:s22] =	ssyncset.done $0x0  }
.LBB2_4:
0x69: {  	p1 =	sne.s32 s0, $0x6800  }
0x6a: {  	[sflag:s22] =	ssyncadd.s32 $0xFFFFD000;
	s2 =	smov.u32 s0;
	s0 =	sadd.s32 $0x400, s0  }
0x6b: {  	_ = 	snop  }
0x6c: {  	_ =	swait.ge [sflag:s28], $0x3000  }
0x6d: {  	s2 =	sshra.s32 s2, $0x2;
	[sflag:s28] =	ssyncset.done $0x0  }
0x6e: {  	s4 =	sadd.s32 $0x14080, s2;
	[sflag:s28] =	ssyncadd.s32 $0xFFFFD000  }
0x6f: {  	[tilespmem:s29], [sflag:$0x2] =	stream.indirect.gather [hbm4b:s1+s26], $0x80, s4, s26, $0xb8;
	[tilespmem:$0x1F400] =	vst v63  }
0x70: {  	s4 =	sadd.s32 $0x15C00, s2  }
0x71: {  	[spmem:s3] =	stream.indirect.scatter.add.f32 [tilespmem:s23], [sflag:$0x3], $0x80, s4, s26, $0xb8;
	[tilespmem:$0x1F400] =	vst v63  }
0x72: {  	_ =	swait.ge [sflag:s22], $0x3000  }
0x73: {  	[sflag:s22] =	ssyncset.done $0x0  }
0x74: {  	[sflag:s22] =	ssyncadd.s32 $0xFFFFD000  }
0x75: {  	_ =	swait.ge [sflag:s30], $0x3000  }
0x76: {  	[sflag:s30] =	ssyncset.done $0x0  }
0x77: {  	s4 =	sadd.s32 $0x14100, s2;
	[sflag:s30] =	ssyncadd.s32 $0xFFFFD000  }
0x78: {  	[tilespmem:s23], [sflag:$0x1] =	stream.indirect.gather [hbm4b:s1+s26], $0x80, s4, s26, $0xb8;
	[tilespmem:$0x1F400] =	vst v63  }
.Ltmp1:
0x79: {  	_ = 	snop;
	(pc) =	sbr.rel @p1 .LBB2_4-.Ltmp1, $4  }
0x7a: {  	s2 =	sadd.s32 $0x15C80, s2  }
0x7b: {  	[spmem:s3] =	stream.indirect.scatter.add.f32 [tilespmem:s29], [sflag:$0x3], $0x80, s2, s26, $0xb8;
	[tilespmem:$0x1F400] =	vst v63  }
0x7c: {  	_ =	swait.ge [sflag:s22], $0x3000  }
0x7d: {  	[sflag:s22] =	ssyncset.done $0x0  }
0x7e: {  	[sflag:s22] =	ssyncadd.s32 $0xFFFFD000  }
0x7f: {  	_ =	swait.ge [sflag:s28], $0x3000  }
0x80: {  	[sflag:s28] =	ssyncset.done $0x0  }
0x81: {  	[sflag:s28] =	ssyncadd.s32 $0xFFFFD000  }
0x82: {  	[tilespmem:s29], [sflag:$0x2] =	stream.indirect.gather [hbm4b:s1+s26], $0x80, s31, s26, $0xb8;
	[tilespmem:$0x1F400] =	vst v63  }
0x83: {  	s0 =	simm.s32 $0x17700  }
0x84: {  	[spmem:s3] =	stream.indirect.scatter.add.f32 [tilespmem:s23], [sflag:$0x3], $0x80, s0, s26, $0xb8;
	[tilespmem:$0x1F400] =	vst v63  }
0x85: {  	_ =	swait.ge [sflag:s22], $0x3000  }
0x86: {  	[sflag:s22] =	ssyncset.done $0x0  }
0x87: {  	[sflag:s22] =	ssyncadd.s32 $0xFFFFD000  }
0x88: {  	_ =	swait.ge [sflag:s30], $0x3000  }
0x89: {  	[sflag:s30] =	ssyncset.done $0x0  }
0x8a: {  	s2 =	simm.s32 $0x17780;
	[sflag:s30] =	ssyncadd.s32 $0xFFFFD000  }
0x8b: {  	[spmem:s3] =	stream.indirect.scatter.add.f32 [tilespmem:s29], [sflag:$0x3], $0x80, s2, s26, $0xb8;
	[tilespmem:$0x1F400] =	vst v63  }
0x8c: {  	_ =	swait.ge [sflag:s22], $0x3000  }
0x8d: {  	[sflag:s22] =	ssyncset.done $0x0  }
0x8e: {  	s4 =	simm.s32 $0x0;
	[sflag:s22] =	ssyncadd.s32 $0xFFFFD000  }
0x8f: {  	[tilespmem:s24], [sflag:$0x3] =	stream.linear.gather [hbm4b:s8+s4], $0x1C00, $0x38;
	[tilespmem:$0x1F400] =	vst v63  }
0x90: {  	_ =	swait.ge [sflag:s22], $0x1C00  }
0x91: {  	[sflag:s22] =	ssyncset.done $0x0  }
0x92: {  	[sflag:s22] =	ssyncadd.s32 $0xFFFFE400  }
0x93: {  	[tilespmem:s23], [sflag:$0x1] =	stream.indirect.gather [hbm4b:s1+s26], $0x80, s24, s26, $0xb8;
	[tilespmem:$0x1F400] =	vst v63  }
0x94: {  	_ =	swait.ge [sflag:s28], $0x3000  }
0x95: {  	[sflag:s28] =	ssyncset.done $0x0  }
0x96: {  	s2 =	simm.s32 $0x14080;
	[sflag:s28] =	ssyncadd.s32 $0xFFFFD000  }
0x97: {  	[tilespmem:s29], [sflag:$0x2] =	stream.indirect.gather [hbm4b:s1+s26], $0x80, s2, s26, $0xb8;
	[tilespmem:$0x1F400] =	vst v63  }
0x98: {  	s4 =	simm.s32 $0x17800  }
0x99: {  	[spmem:s3] =	stream.indirect.scatter.add.f32 [tilespmem:s23], [sflag:$0x3], $0x80, s4, s26, $0xb8;
	[tilespmem:$0x1F400] =	vst v63  }
0x9a: {  	_ =	swait.ge [sflag:s22], $0x3000  }
0x9b: {  	[sflag:s22] =	ssyncset.done $0x0  }
0x9c: {  	[sflag:s22] =	ssyncadd.s32 $0xFFFFD000  }
0x9d: {  	_ =	swait.ge [sflag:s30], $0x3000  }
0x9e: {  	[sflag:s30] =	ssyncset.done $0x0  }
0x9f: {  	s2 =	simm.s32 $0x14100;
	[sflag:s30] =	ssyncadd.s32 $0xFFFFD000  }
0xa0: {  	[tilespmem:s23], [sflag:$0x1] =	stream.indirect.gather [hbm4b:s1+s26], $0x80, s2, s26, $0xb8;
	[tilespmem:$0x1F400] =	vst v63  }
0xa1: {  	s4 =	simm.s32 $0x17880  }
0xa2: {  	[spmem:s3] =	stream.indirect.scatter.add.f32 [tilespmem:s29], [sflag:$0x3], $0x80, s4, s26, $0xb8;
	[tilespmem:$0x1F400] =	vst v63  }
0xa3: {  	_ =	swait.ge [sflag:s22], $0x3000  }
0xa4: {  	s0 =	simm.s32 $0xFFFF9800;
	[sflag:s22] =	ssyncset.done $0x0  }
.LBB2_6:
0xa5: {  	p1 =	sne.s32 s0, $0xFFFFFC00  }
0xa6: {  	[sflag:s22] =	ssyncadd.s32 $0xFFFFD000;
	s2 =	smov.u32 s0;
	s0 =	sadd.s32 $0x400, s0  }
0xa7: {  	_ = 	snop  }
0xa8: {  	_ =	swait.ge [sflag:s28], $0x3000  }
0xa9: {  	s2 =	sshra.s32 s2, $0x2;
	[sflag:s28] =	ssyncset.done $0x0  }
0xaa: {  	s4 =	sadd.s32 $0x15B80, s2;
	[sflag:s28] =	ssyncadd.s32 $0xFFFFD000  }
0xab: {  	[tilespmem:s29], [sflag:$0x2] =	stream.indirect.gather [hbm4b:s1+s26], $0x80, s4, s26, $0xb8;
	[tilespmem:$0x1F400] =	vst v63  }
0xac: {  	s4 =	sadd.s32 $0x19300, s2  }
0xad: {  	[spmem:s3] =	stream.indirect.scatter.add.f32 [tilespmem:s23], [sflag:$0x3], $0x80, s4, s26, $0xb8;
	[tilespmem:$0x1F400] =	vst v63  }
0xae: {  	_ =	swait.ge [sflag:s22], $0x3000  }
0xaf: {  	[sflag:s22] =	ssyncset.done $0x0  }
0xb0: {  	[sflag:s22] =	ssyncadd.s32 $0xFFFFD000  }
0xb1: {  	_ =	swait.ge [sflag:s30], $0x3000  }
0xb2: {  	[sflag:s30] =	ssyncset.done $0x0  }
0xb3: {  	s4 =	sadd.s32 $0x15C00, s2;
	[sflag:s30] =	ssyncadd.s32 $0xFFFFD000  }
0xb4: {  	[tilespmem:s23], [sflag:$0x1] =	stream.indirect.gather [hbm4b:s1+s26], $0x80, s4, s26, $0xb8;
	[tilespmem:$0x1F400] =	vst v63  }
.Ltmp2:
0xb5: {  	_ = 	snop;
	(pc) =	sbr.rel @p1 .LBB2_6-.Ltmp2, $4  }
0xb6: {  	s2 =	sadd.s32 $0x19380, s2  }
0xb7: {  	[spmem:s3] =	stream.indirect.scatter.add.f32 [tilespmem:s29], [sflag:$0x3], $0x80, s2, s26, $0xb8;
	[tilespmem:$0x1F400] =	vst v63  }
0xb8: {  	_ =	swait.ge [sflag:s22], $0x3000  }
0xb9: {  	[sflag:s22] =	ssyncset.done $0x0  }
0xba: {  	[sflag:s22] =	ssyncadd.s32 $0xFFFFD000  }
0xbb: {  	_ =	swait.ge [sflag:s28], $0x3000  }
0xbc: {  	[sflag:s28] =	ssyncset.done $0x0  }
0xbd: {  	[sflag:s28] =	ssyncadd.s32 $0xFFFFD000  }
0xbe: {  	[tilespmem:s29], [sflag:$0x2] =	stream.indirect.gather [hbm4b:s1+s26], $0x80, s31, s26, $0xb8;
	[tilespmem:$0x1F400] =	vst v63  }
0xbf: {  	s0 =	simm.s32 $0x19300  }
0xc0: {  	[spmem:s3] =	stream.indirect.scatter.add.f32 [tilespmem:s23], [sflag:$0x3], $0x80, s0, s26, $0xb8;
	[tilespmem:$0x1F400] =	vst v63  }
0xc1: {  	_ =	swait.ge [sflag:s22], $0x3000  }
0xc2: {  	[sflag:s22] =	ssyncset.done $0x0  }
0xc3: {  	[sflag:s22] =	ssyncadd.s32 $0xFFFFD000  }
0xc4: {  	_ =	swait.ge [sflag:s30], $0x3000  }
0xc5: {  	[sflag:s30] =	ssyncset.done $0x0  }
0xc6: {  	s4 =	simm.s32 $0x19380;
	[sflag:s30] =	ssyncadd.s32 $0xFFFFD000  }
0xc7: {  	[spmem:s3] =	stream.indirect.scatter.add.f32 [tilespmem:s29], [sflag:$0x3], $0x80, s4, s26, $0xb8;
	[tilespmem:$0x1F400] =	vst v63  }
0xc8: {  	_ =	swait.ge [sflag:s22], $0x3000  }
0xc9: {  	[sflag:s22] =	ssyncset.done $0x0  }
0xca: {  	[sflag:s22] =	ssyncadd.s32 $0xFFFFD000  }
0xcb: {  	s0 =	simm.s32 @p0 $0x1FC3;
	[bflag:$0x0] =	sbarrier.arrive $0xFFFF  }
0xcc: {  	[hbm:s10], [sflag:s0] =	dma.local @p0 [spmem:s25], $0x1900  }
0xcd: {  	s0 =	simm.s32 @p0 $0x3  }
0xce: {  	s2 =	stileid.u32;
	_ =	swait.ge @p0 [sflag:s0], $0x1900  }
0xcf: {  	s21 =	sadd.s32 $0x1, s21;
	s2 =	sshll.u32 @!p0 s2, $0x6;
	[sflag:s0] =	ssyncset.done @p0 $0x0  }
0xd0: {  	[sflag:s0] =	ssyncadd.s32 @p0 $0xFFFFE700;
	s0 =	sor.u32 @!p0 $0x1C03, s2;
	s2 =	sshrl.u32 @!p0 s6, $0x3  }
0xd1: {  	[hbm:s9], [sflag:s0] =	dma.local @!p0 [spmem:s2], $0x2800  }
0xd2: {  	p1 =	sne.s32 s21, s11;
	s0 =	simm.s32 @!p0 $0x3  }
.Ltmp3:
0xd3: {  	_ =	swait.ge @!p0 [sflag:s0], $0x2800;
	(pc) =	sbr.rel @p1 .LBB2_1-.Ltmp3, $3  }
0xd4: {  	[sflag:s0] =	ssyncset.done @!p0 $0x0  }
0xd5: {  	[sflag:s0] =	ssyncadd.s32 @!p0 $0xFFFFD800  }
0xd6: {  	[bflag:$0x0] =	sbarrier.arrive $0xFFFF;
	_ =	sdelay $0x1  }
0xd7: {  	_ =	sfence.sel $0x180000  }
0xd8: {  	[bflag:$0x0] =	sbarrier.arrive $0xFFFF  }
0xd9: {  	_ =	strace $0x90000053  }
0xda: {  	s0 =	stileid.u32;
	[bflag:$0x2] =	sbarrier.arrive $0xFFFF  }
0xdb: {  	p0 =	sne.s32 s0, $0x0;
	s0 =	rddreg [dreg:$0x3]  }
0xdc: {  	s0 =	sadd.s32 @!p0 $0x100000, s0  }
0xdd: {  	[sflag:s0] =	ssyncadd.tile.s32 @!p0 $0x1;
	_ =	shalt  }
.Lfunc_end2:
_tile_overlayer_lowered:
.L_overlay_start_2:
0xde: {  	(tag) =	ssettag $0x2  }
0xdf: {  	s0 =	rddreg [dreg:$0x0];
	s2 =	stileid.u32  }
0xe0: {  	s1 =	rddreg [dreg:$0x1];
	p0 =	sne.s32 s2, $0x0  }
0xe1: {  	s3 =	rddreg [dreg:$0x2];
	[bflag:$0x3] =	sbarrier.arrive $0xFFFF;
	s2 =	simm.s32 @!p0 $0x1C03  }
0xe2: {  	[timem:s3], [sflag:s2] =	dma.local @!p0 [hbm:s0], s1  }
0xe3: {  	s0 =	simm.s32 @!p0 $0x3  }
0xe4: {  	_ =	swait.ge @!p0 [sflag:s0], s1  }
0xe5: {  	s1 =	ssub.s32 @!p0 $0x0, s1;
	[sflag:s0] =	ssyncset.done @!p0 $0x0  }
0xe6: {  	[sflag:s0] =	ssyncadd.s32 @!p0 s1  }
0xe7: {  	[bflag:$0x3] =	sbarrier.arrive $0xFFFF  }
0xe8: {  	_ =	shalt  }

// kernel: kernel.36.cloned.1.call-start
scs
__scs_entry_jumppad:
0x0: {  	(pc) =	sbr.rel $0x88, $3  }
0x1: {  	(tag) =	ssettag $0x0;
	lr =	simm.s32 $0x1  }
0x2: {  	[smem:$0x3F99] =	sst lr;
	_ =	strace $0xD0000000  }
0x3: {  	_ = 	snop  }
0x4: {  	_ = 	snop  }
0x5: {  	_ = 	snop  }
0x6: {  	_ = 	snop  }
0x7: {  	_ = 	snop  }
__scs_overlays_trampoline_lowered:
0x8: {  	[smem:$0x3FA8] =	sst s0  }
0x9: {  	[smem:$0x3FA9] =	sst s1  }
0xa: {  	[smem:$0x3FAA] =	sst s2  }
0xb: {  	[smem:$0x3FAB] =	sst s3  }
0xc: {  	[smem:$0x3FAC] =	sst s4  }
0xd: {  	[smem:$0x3FAD] =	sst s5  }
0xe: {  	[smem:$0x3FAE] =	sst s6  }
0xf: {  	[smem:$0x3FAF] =	sst s7  }
0x10: {  	[smem:$0x3FB0] =	sst s8  }
0x11: {  	[smem:$0x3FB1] =	sst s9;
	s0 =	simm.s32 @!p0 $0x0  }
0x12: {  	s1 =	sld [smem:$0x3F97];
	s0 =	simm.s32 @p0 $0x1  }
0x13: {  	[smem:$0x3FB2] =	sst s0;
	s0 =	simm.s32 @!p1 $0x0  }
0x14: {  	s2 =	sld [smem:$0x3F96];
	s0 =	simm.s32 @p1 $0x1  }
0x15: {  	[smem:$0x3FB3] =	sst s0;
	s0 =	simm.s32 @!p2 $0x0  }
0x16: {  	s3 =	sld [smem:$0x3FDB];
	s0 =	simm.s32 @p2 $0x1  }
0x17: {  	s4 =	simm.s32 $0x1BF5;
	[smem:$0x3FB5] =	sst s0  }
0x18: {  	s0 =	sld [smem:$0x3F98];
	_ =	swait.ge [sflag:s4], $0x0  }
0x19: {  	s7 =	sld [smem:$0x3F99]  }
0x1a: {  	s8 =	sadd.s32 $0xFFFFE003, lr  }
0x1b: {  	s9 =	sadd.s32 $0xFFFFFEF7, lr;
	s5 =	simm.s32 $0xFFFFFFFF;
	p2 =	slt.u32 s8, $0xFFFFF086  }
0x1c: {  	p1 =	slt.u32 s9, $0xF7A;
	s5 =	simm.s32 @!p2 $0x0  }
0x1d: {  	s5 =	simm.s32 @p1 $0x1;
	p0 =	seq.s32 s7, s2  }
0x1e: {  	s7 =	smul.u32 @!p0 $0xF7A, s2;
	p2 =	seq.s32 @!p0 s5, $0x0  }
0x1f: {  	s9 =	smul.u32 $0xF7A, s1;
	s8 =	simm.s32 @!p0 $0x1BF5;
	p2 =	por !p2, p0  }
0x20: {  	[sflag:s8] =	ssyncset.s32 @!p0 $0xFFFFF086;
	s6 =	sadd.s32 @!p0 s3, s7;
	s7 =	simm.s32 @!p0 $0x108  }
0x21: {  	s3 =	sadd.s32 s3, s9;
	s6 =	sadd.s32 @!p0 $0x88, s6;
	s7 =	simm.s32 @p2 $0x1082  }
0x22: {  	[simem:s7], [sflag:s8] =	dma.local @!p0 [hbm:s6], $0xF7A  }
0x23: {  	s9 =	sor.u32 $0xD0000000, s2;
	s6 =	simm.s32 $0x108;
	_ =	swait.ge @!p0 [sflag:s8], $0x0  }
0x24: {  	s3 =	sadd.s32 $0x88, s3;
	s6 =	simm.s32 @!p1 $0x1082;
	[sflag:s4] =	ssyncset.s32 $0xFFFFF086  }
0x25: {  	[simem:s6], [sflag:s4] =	dma.local [hbm:s3], $0xF7A  }
0x26: {  	[smem:$0x3F99] =	sst s1;
	(tag) =	ssettag s2;
	_ =	strace s9  }
0x27: {  	s1 =	sld [smem:$0x3FA9]  }
0x28: {  	s2 =	sld [smem:$0x3FAA]  }
0x29: {  	s4 =	sld [smem:$0x3FAC]  }
0x2a: {  	p0 =	seq.s32 s5, $0x0;
	s5 =	sld [smem:$0x3FAD]  }
0x2b: {  	s6 =	sld [smem:$0x3FAE]  }
0x2c: {  	s7 =	sld [smem:$0x3FAF]  }
0x2d: {  	s3 =	simm.s32 $0x108;
	s8 =	sld [smem:$0x3FB0]  }
0x2e: {  	s3 =	simm.s32 @!p0 $0x1082;
	s9 =	sld [smem:$0x3FB1]  }
0x2f: {  	lr =	sadd.s32 s0, s3;
	s0 =	sld [smem:$0x3FA8]  }
0x30: {  	s3 =	sld [smem:$0x3FAB]  }
0x31: {  	[smem:$0x3FB4] =	sst s10  }
0x32: {  	s10 =	sld [smem:$0x3FB2];
	_ =	sdelay $0x3  }
0x33: {  	p0 =	seq.s32 s10, $0x1;
	s10 =	sld [smem:$0x3FB4];
	_ =	sdelay $0x3  }
0x34: {  	[smem:$0x3FB4] =	sst s10  }
0x35: {  	s10 =	sld [smem:$0x3FB3];
	_ =	sdelay $0x3  }
0x36: {  	p1 =	seq.s32 s10, $0x1;
	s10 =	sld [smem:$0x3FB4];
	_ =	sdelay $0x3  }
0x37: {  	[smem:$0x3FB4] =	sst s10  }
0x38: {  	s10 =	sld [smem:$0x3FB5]  }
0x39: {  	_ = 	snop;
	(pc) =	sbr.ind lr, $3  }
0x3a: {  	_ = 	snop  }
0x3b: {  	_ = 	snop  }
0x3c: {  	p2 =	seq.s32 s10, $0x1;
	s10 =	sld [smem:$0x3FB4]  }
0x3d: {  	_ =	shalt  }
0x3e: {  	_ =	shalt  }
0x3f: {  	_ =	shalt  }
0x40: {  	_ =	shalt  }
0x41: {  	_ =	shalt  }
0x42: {  	_ =	shalt  }
0x43: {  	_ =	shalt  }
0x44: {  	_ =	shalt  }
0x45: {  	_ =	shalt  }
0x46: {  	_ =	shalt  }
0x47: {  	_ =	shalt  }
0x48: {  	_ =	shalt  }
0x49: {  	_ =	shalt  }
0x4a: {  	_ =	shalt  }
0x4b: {  	_ =	shalt  }
0x4c: {  	_ =	shalt  }
0x4d: {  	_ =	shalt  }
0x4e: {  	_ =	shalt  }
0x4f: {  	_ =	shalt  }
0x50: {  	_ =	shalt  }
0x51: {  	_ =	shalt  }
0x52: {  	_ =	shalt  }
0x53: {  	_ =	shalt  }
0x54: {  	_ =	shalt  }
0x55: {  	_ =	shalt  }
0x56: {  	_ =	shalt  }
0x57: {  	_ =	shalt  }
0x58: {  	_ =	shalt  }
0x59: {  	_ =	shalt  }
0x5a: {  	_ =	shalt  }
0x5b: {  	_ =	shalt  }
0x5c: {  	_ =	shalt  }
0x5d: {  	_ =	shalt  }
0x5e: {  	_ =	shalt  }
0x5f: {  	_ =	shalt  }
0x60: {  	_ =	shalt  }
0x61: {  	_ =	shalt  }
0x62: {  	_ =	shalt  }
0x63: {  	_ =	shalt  }
0x64: {  	_ =	shalt  }
0x65: {  	_ =	shalt  }
0x66: {  	_ =	shalt  }
0x67: {  	_ =	shalt  }
0x68: {  	_ =	shalt  }
0x69: {  	_ =	shalt  }
0x6a: {  	_ =	shalt  }
0x6b: {  	_ =	shalt  }
0x6c: {  	_ =	shalt  }
0x6d: {  	_ =	shalt  }
0x6e: {  	_ =	shalt  }
0x6f: {  	_ =	shalt  }
0x70: {  	_ =	shalt  }
0x71: {  	_ =	shalt  }
0x72: {  	_ =	shalt  }
0x73: {  	_ =	shalt  }
0x74: {  	_ =	shalt  }
0x75: {  	_ =	shalt  }
0x76: {  	_ =	shalt  }
0x77: {  	_ =	shalt  }
0x78: {  	_ =	shalt  }
0x79: {  	_ =	shalt  }
0x7a: {  	_ =	shalt  }
0x7b: {  	_ =	shalt  }
0x7c: {  	_ =	shalt  }
0x7d: {  	_ =	shalt  }
0x7e: {  	_ =	shalt  }
0x7f: {  	_ =	shalt  }
0x80: {  	_ =	shalt  }
0x81: {  	_ =	shalt  }
0x82: {  	_ =	shalt  }
0x83: {  	_ =	shalt  }
0x84: {  	_ =	shalt  }
0x85: {  	_ =	shalt  }
0x86: {  	_ =	shalt  }
0x87: {  	_ =	shalt  }
.Lfunc_end0:
.L_simem_size_0:
called_computation.5_lowered:
.L_overlay_start_0:
0x88: {  	s2 =	sld [smem:$0x3FD9]  }
0x89: {  	s3 =	sld [smem:$0x3FFE];
	_ =	sdelay $0x1  }
0x8a: {  	s1 =	srdreg.scid  }
0x8b: {  	s0 =	sand.u32 $0x1, s1  }
0x8c: {  	s17 =	sshll.u32 s0, $0xA;
	s2 =	sadd.s32 s3, s2  }
0x8d: {  	s2 =	sadd.s32 s2, s17  }
0x8e: {  	[smem:$0x3FC0] =	sst s2  }
0x8f: {  	_ = 	snop  }
0x90: {  	s2 =	sld [smem:$0x3FD0];
	(tm) =	ssettm $0x1  }
0x91: {  	s18 =	sld [smem:$0x3FFB];
	_ =	sdelay $0x3  }
0x92: {  	_ =	strace s18  }
0x93: {  	s3 =	sld [smem:$0x3FFC];
	_ =	sdelay $0x3  }
0x94: {  	_ =	strace s3  }
0x95: {  	s3 =	sld [smem:$0x3FFD];
	_ =	sdelay $0x3  }
0x96: {  	_ =	strace s3  }
0x97: {  	_ =	strace $0x8FFFFFFF  }
0x98: {  	s19 =	sld [smem:$0x3FDB];
	_ =	sdelay $0x1  }
0x99: {  	s4 =	simm.s32 $_scs_section_size  }
0x9a: {  	s5 =	simm.s32 $_size__tile_overlayer_lowered;
	s6 =	simm.s32 $_tile_overlayer_lowered  }
0x9b: {  	s22 =	simm.s32 $0x1BFF;
	s21 =	sshll.u32 s6, $0x1;
	s3 =	sadd.s32 s4, s19  }
0x9c: {  	s7 =	simm.s32 $0x0;
	s20 =	sshll.u32 s5, $0x1;
	s5 =	sadd.s32 s21, s3  }
0x9d: {  	[timem:s7], [sflag:s22] =	dma.local [hbm:s5], s20  }
0x9e: {  	_ =	swait.ge [sflag:s22], s20  }
0x9f: {  	s4 =	ssub.s32 $0x0, s20;
	[sflag:s22] =	ssyncset.done $0x0  }
0xa0: {  	[sflag:s22] =	ssyncadd.s32 s4;
	_ =	sdelay $0x1  }
0xa1: {  	s23 =	simm.s32 $0x1B8B  }
0xa2: {  	_ =	swait.ge [sflag:s23], $0x1  }
0xa3: {  	[sflag:s23] =	ssyncset.done $0x0  }
0xa4: {  	s25 =	simm.s32 $0x1B8E;
	s24 =	sld [smem:$0x3FFE];
	[sflag:s23] =	ssyncadd.s32 $0xFFFFFFFF  }
0xa5: {  	s26 =	simm.s32 $execute0_lowered;
	[smem:$0x3FD2] =	sst s25  }
0xa6: {  	s5 =	sshll.u32 s26, $0x1;
	_ =	strace $0x80000055;
	[dreg:$0x1] =	wrdreg $0xFFFFFFFF  }
0xa7: {  	s28 =	simm.s32 $_size_execute0_lowered;
	s3 =	sadd.s32 s3, s5;
	[dreg:$0x0] =	wrdreg $0x0  }
0xa8: {  	s5 =	sshll.u32 s28, $0x1;
	[dreg:$0x2] =	wrdreg s3  }
0xa9: {  	[dreg:$0x3] =	wrdreg s5  }
0xaa: {  	[dreg:$0x4] =	wrdreg $0xC0  }
0xab: {  	_ =	task [dreg:s7], $0x5FFFF  }
0xac: {  	[dreg:$0x1] =	wrdreg $0xFFFFFFFF  }
0xad: {  	[dreg:$0x0] =	wrdreg $0x60  }
0xae: {  	[dreg:$0x2] =	wrdreg s2  }
0xaf: {  	[dreg:$0x3] =	wrdreg s24  }
0xb0: {  	[dreg:$0x4] =	wrdreg $0x0  }
0xb1: {  	[dreg:$0x5] =	wrdreg $0x9  }
0xb2: {  	_ =	task.clear_ibuf [dreg:s7], $0x6FFFF;
	_ =	strace $0x90000055  }
0xb3: {  	s29 =	simm.s32 $0x9;
	_ =	strace $0x80000057  }
0xb4: {  	_ =	swait.ge [sflag:s29], $0x1  }
0xb5: {  	[sflag:s29] =	ssyncadd.s32 $0xFFFFFFFF  }
0xb6: {  	_ =	strace $0x90000057  }
0xb7: {  	_ =	sfence  }
0xb8: {  	s30 =	sld [smem:$0x0];
	_ =	sdelay $0x2  }
0xb9: {  	s31 =	sshll.u32 s1, $0xD;
	s1 =	sshrl.u32 s1, $0x2  }
0xba: {  	s3 =	sand.u32 $0x4000, s31;
	s1 =	sadd.s32 s1, s30  }
0xbb: {  	s0 =	sor.u32 s3, s0;
	s1 =	sshll.u32 s1, $0x11  }
0xbc: {  	s0 =	sor.u32 s1, s0  }
0xbd: {  	s0 =	sadd.s32 $0x8F2B, s0  }
0xbe: {  	[sflag:s0] =	ssyncadd.remote.s32 $0x1  }
0xbf: {  	_ =	sfence.sel $0xFFFF  }
0xc0: {  	[dreg:$0x0] =	wrdreg $0xFFFFFFFF;
	(pc) =	sbr.abs _section_cstart, $3  }
0xc1: {  	[dreg:$0x1] =	wrdreg $0xFFFFFFFF  }
0xc2: {  	_ =	task.clear_ibuf [dreg:s7], $0x2FFFF;
	_ =	strace $0x9FFFFFFF  }
0xc3: {  	(tm) =	ssettm $0x7FFFFFFF  }
tec
execute0_lowered:
.L_overlay_start_1:
0x0: {  	(tag) =	ssettag $0x1  }
0x1: {  	s1 =	rddreg [dreg:$0x0]  }
0x2: {  	s0 =	srdreg.scid;
	s5 =	rddreg [dreg:$0x1]  }
0x3: {  	s4 =	stileid.u32;
	s3 =	rddreg [dreg:$0x2]  }
0x4: {  	s7 =	simm.s32 $0x0;
	s22 =	simm.s32 $0x3;
	s6 =	smul.u32 $0x3800, s4  }
0x5: {  	s28 =	simm.s32 $0x1;
	s29 =	simm.s32 $0x1C400;
	s23 =	smul.u32 $0x700, s4  }
0x6: {  	s30 =	simm.s32 $0x2;
	s31 =	simm.s32 $0x15B80;
	s24 =	smul.u32 $0x50000, s4  }
0x7: {  	s21 =	simm.s32 $0x0;
	s0 =	sand.u32 $0x1, s0;
	s11 =	smul.u32 $0x2800, s4  }
0x8: {  	[smem:$0x7FF] =	sst s7;
	s10 =	sadd.s32 $0x20200, s5;
	s2 =	smul.u32 $0x38000, s0  }
0x9: {  	p0 =	seq.s32 s4, $0xF;
	s8 =	ssub.s32 $0x2, s0;
	s9 =	smul.u32 $0x27100, s0  }
0xa: {  	_ =	strace $0x80000056;
	s0 =	smul.u32 $0x138800, s0;
	s25 =	sshrl.u32 s8, $0x1  }
0xb: {  	s7 =	sshrl.u32 s24, $0x2;
	s24 =	simm.s32 $0x14000;
	s2 =	sadd.s32 s6, s2  }
0xc: {  	s6 =	sadd.s32 s23, s5;
	s12 =	ssub.s32 s8, s25;
	s26 =	sadd.s32 s11, s9  }
0xd: {  	s0 =	sshrl.u32 s0, $0x3;
	s23 =	simm.s32 $0x19400;
	s2 =	sshrl.u32 s2, $0x3  }
0xe: {  	s9 =	sadd.s32 s10, s26;
	s0 =	sadd.s32 s10, s0;
	s11 =	smax.u32 s12, $0x1  }
0xf: {  	s26 =	simm.s32 $0x60;
	s2 =	sadd.s32 s2, s5;
	s5 =	sadd.s32 $0xB200, s6  }
0x10: {  	s6 =	sadd.s32 s7, s3;
	s10 =	sadd.s32 $0x25800, s0;
	s7 =	sadd.s32 $0x12200, s2  }
0x11: {  	s8 =	sadd.s32 $0x12580, s2;
	s2 =	sadd.s32 $0x12C000, s3;
	s12 =	sadd.s32 $0x2000, s6  }
0x12: {  	s13 =	sadd.s32 $0x4000, s6;
	s14 =	sadd.s32 $0x6000, s6;
	s15 =	sadd.s32 $0x8000, s6  }
0x13: {  	s16 =	sadd.s32 $0xA000, s6;
	s17 =	sadd.s32 $0xC000, s6;
	s18 =	sadd.s32 $0xE000, s6  }
0x14: {  	v0 =	vimm.f32 $0.0e+00;
	s19 =	sadd.s32 $0x10000, s6;
	s20 =	sadd.s32 $0x12000, s6;
	s25 =	sshrl.u32 @p0 s2, $0x3  }
.LBB2_1:
0x15: {  	s0 =	simm.s32 $0x0;
	s2 =	simm.s32 $0x15C00  }
0x16: {  	[tilespmem:s2], [sflag:$0x3] =	stream.linear.gather [hbm4b:s5+s0], $0x3800, $0x38;
	[tilespmem:$0x1F400] =	vst v63  }
0x17: {  	_ =	swait.ge [sflag:s22], $0x3800  }
0x18: {  	[sflag:s22] =	ssyncset.done $0x0  }
0x19: {  	s0 =	simm.s32 $0x0;
	s2 =	simm.s32 $0x200;
	[sflag:s22] =	ssyncadd.s32 $0xFFFFC800  }
.LBB2_2:
0x1a: {  	p1 =	sne.s32 s2, $0x7E00;
	[tilespmem:s0+$0x19470] =	vst v0  }
0x1b: {  	[tilespmem:s0+$0x19400] =	vst v0  }
0x1c: {  	[tilespmem:s0+$0x19410] =	vst v0  }
.Ltmp0:
0x1d: {  	[tilespmem:s0+$0x19420] =	vst v0;
	(pc) =	sbr.rel @p1 .LBB2_2-.Ltmp0, $4  }
0x1e: {  	[tilespmem:s0+$0x19430] =	vst v0  }
0x1f: {  	[tilespmem:s0+$0x19440] =	vst v0  }
0x20: {  	[tilespmem:s0+$0x19450] =	vst v0  }
0x21: {  	[tilespmem:s0+$0x19460] =	vst v0;
	s0 =	sshra.s32 s2, $0x2;
	s2 =	sadd.s32 $0x200, s2  }
0x22: {  	[tilespmem:s0+$0x19470] =	vst v0  }
0x23: {  	[tilespmem:s0+$0x19400] =	vst v0  }
0x24: {  	[tilespmem:s0+$0x19410] =	vst v0  }
0x25: {  	[tilespmem:s0+$0x19420] =	vst v0  }
0x26: {  	[tilespmem:s0+$0x19430] =	vst v0  }
0x27: {  	[tilespmem:s0+$0x19440] =	vst v0  }
0x28: {  	[tilespmem:s0+$0x19450] =	vst v0  }
0x29: {  	[tilespmem:s0+$0x19460] =	vst v0  }
0x2a: {  	[spmem:s6] =	stream.linear.scatter [tilespmem:s23], [sflag:$0x3], $0x2000, $0x38;
	[tilespmem:$0x1F400] =	vst v63  }
0x2b: {  	_ =	swait.ge [sflag:s22], $0x2000  }
0x2c: {  	[sflag:s22] =	ssyncset.done $0x0  }
0x2d: {  	[sflag:s22] =	ssyncadd.s32 $0xFFFFE000  }
0x2e: {  	[spmem:s12] =	stream.linear.scatter [tilespmem:s23], [sflag:$0x3], $0x2000, $0x38;
	[tilespmem:$0x1F400] =	vst v63  }
0x2f: {  	_ =	swait.ge [sflag:s22], $0x2000  }
0x30: {  	[sflag:s22] =	ssyncset.done $0x0  }
0x31: {  	[sflag:s22] =	ssyncadd.s32 $0xFFFFE000  }
0x32: {  	[spmem:s13] =	stream.linear.scatter [tilespmem:s23], [sflag:$0x3], $0x2000, $0x38;
	[tilespmem:$0x1F400] =	vst v63  }
0x33: {  	_ =	swait.ge [sflag:s22], $0x2000  }
0x34: {  	[sflag:s22] =	ssyncset.done $0x0  }
0x35: {  	[sflag:s22] =	ssyncadd.s32 $0xFFFFE000  }
0x36: {  	[spmem:s14] =	stream.linear.scatter [tilespmem:s23], [sflag:$0x3], $0x2000, $0x38;
	[tilespmem:$0x1F400] =	vst v63  }
0x37: {  	_ =	swait.ge [sflag:s22], $0x2000  }
0x38: {  	[sflag:s22] =	ssyncset.done $0x0  }
0x39: {  	[sflag:s22] =	ssyncadd.s32 $0xFFFFE000  }
0x3a: {  	[spmem:s15] =	stream.linear.scatter [tilespmem:s23], [sflag:$0x3], $0x2000, $0x38;
	[tilespmem:$0x1F400] =	vst v63  }
0x3b: {  	_ =	swait.ge [sflag:s22], $0x2000  }
0x3c: {  	[sflag:s22] =	ssyncset.done $0x0  }
0x3d: {  	[sflag:s22] =	ssyncadd.s32 $0xFFFFE000  }
0x3e: {  	[spmem:s16] =	stream.linear.scatter [tilespmem:s23], [sflag:$0x3], $0x2000, $0x38;
	[tilespmem:$0x1F400] =	vst v63  }
0x3f: {  	_ =	swait.ge [sflag:s22], $0x2000  }
0x40: {  	[sflag:s22] =	ssyncset.done $0x0  }
0x41: {  	[sflag:s22] =	ssyncadd.s32 $0xFFFFE000  }
0x42: {  	[spmem:s17] =	stream.linear.scatter [tilespmem:s23], [sflag:$0x3], $0x2000, $0x38;
	[tilespmem:$0x1F400] =	vst v63  }
0x43: {  	_ =	swait.ge [sflag:s22], $0x2000  }
0x44: {  	[sflag:s22] =	ssyncset.done $0x0  }
0x45: {  	[sflag:s22] =	ssyncadd.s32 $0xFFFFE000  }
0x46: {  	[spmem:s18] =	stream.linear.scatter [tilespmem:s23], [sflag:$0x3], $0x2000, $0x38;
	[tilespmem:$0x1F400] =	vst v63  }
0x47: {  	_ =	swait.ge [sflag:s22], $0x2000  }
0x48: {  	[sflag:s22] =	ssyncset.done $0x0  }
0x49: {  	[sflag:s22] =	ssyncadd.s32 $0xFFFFE000  }
0x4a: {  	[spmem:s19] =	stream.linear.scatter [tilespmem:s23], [sflag:$0x3], $0x2000, $0x38;
	[tilespmem:$0x1F400] =	vst v63  }
0x4b: {  	_ =	swait.ge [sflag:s22], $0x2000  }
0x4c: {  	[sflag:s22] =	ssyncset.done $0x0  }
0x4d: {  	[sflag:s22] =	ssyncadd.s32 $0xFFFFE000  }
0x4e: {  	[spmem:s20] =	stream.linear.scatter [tilespmem:s23], [sflag:$0x3], $0x2000, $0x38;
	[tilespmem:$0x1F400] =	vst v63  }
0x4f: {  	_ =	swait.ge [sflag:s22], $0x2000  }
0x50: {  	[sflag:s22] =	ssyncset.done $0x0  }
0x51: {  	[sflag:s22] =	ssyncadd.s32 $0xFFFFE000  }
0x52: {  	s4 =	simm.s32 $0x0;
	[bflag:$0x0] =	sbarrier.arrive $0xFFFF  }
0x53: {  	[tilespmem:s24], [sflag:$0x3] =	stream.linear.gather [hbm4b:s7+s4], $0x1C00, $0x38;
	[tilespmem:$0x1F400] =	vst v63  }
0x54: {  	_ =	swait.ge [sflag:s22], $0x1C00  }
0x55: {  	[sflag:s22] =	ssyncset.done $0x0  }
0x56: {  	[sflag:s22] =	ssyncadd.s32 $0xFFFFE400  }
0x57: {  	[tilespmem:s23], [sflag:$0x1] =	stream.indirect.gather [hbm4b:s1+s26], $0x80, s24, s26, $0xb8;
	[tilespmem:$0x1F400] =	vst v63  }
0x58: {  	_ =	swait.ge [sflag:s28], $0x3000  }
0x59: {  	[sflag:s28] =	ssyncset.done $0x0  }
0x5a: {  	s2 =	simm.s32 $0x14080;
	[sflag:s28] =	ssyncadd.s32 $0xFFFFD000  }
0x5b: {  	[tilespmem:s29], [sflag:$0x2] =	stream.indirect.gather [hbm4b:s1+s26], $0x80, s2, s26, $0xb8;
	[tilespmem:$0x1F400] =	vst v63  }
0x5c: {  	s4 =	simm.s32 $0x15C00  }
0x5d: {  	[spmem:s3] =	stream.indirect.scatter.add.f32 [tilespmem:s23], [sflag:$0x3], $0x80, s4, s26, $0xb8;
	[tilespmem:$0x1F400] =	vst v63  }
0x5e: {  	_ =	swait.ge [sflag:s22], $0x3000  }
0x5f: {  	[sflag:s22] =	ssyncset.done $0x0  }
0x60: {  	[sflag:s22] =	ssyncadd.s32 $0xFFFFD000  }
0x61: {  	_ =	swait.ge [sflag:s30], $0x3000  }
0x62: {  	[sflag:s30] =	ssyncset.done $0x0  }
0x63: {  	s2 =	simm.s32 $0x14100;
	[sflag:s30] =	ssyncadd.s32 $0xFFFFD000  }
0x64: {  	[tilespmem:s23], [sflag:$0x1] =	stream.indirect.gather [hbm4b:s1+s26], $0x80, s2, s26, $0xb8;
	[tilespmem:$0x1F400] =	vst v63  }
0x65: {  	s4 =	simm.s32 $0x15C80  }
0x66: {  	[spmem:s3] =	stream.indirect.scatter.add.f32 [tilespmem:s29], [sflag:$0x3], $0x80, s4, s26, $0xb8;
	[tilespmem:$0x1F400] =	vst v63  }
0x67: {  	_ =	swait.ge [sflag:s22], $0x3000  }
0x68: {  	s0 =	simm.s32 $0x400;
	[sflag:s22] =	ssyncset.done $0x0  }
.LBB2_4:
0x69: {  	p1 =	sne.s32 s0, $0x6800  }
0x6a: {  	[sflag:s22] =	ssyncadd.s32 $0xFFFFD000;
	s2 =	smov.u32 s0;
	s0 =	sadd.s32 $0x400, s0  }
0x6b: {  	_ = 	snop  }
0x6c: {  	_ =	swait.ge [sflag:s28], $0x3000  }
0x6d: {  	s2 =	sshra.s32 s2, $0x2;
	[sflag:s28] =	ssyncset.done $0x0  }
0x6e: {  	s4 =	sadd.s32 $0x14080, s2;
	[sflag:s28] =	ssyncadd.s32 $0xFFFFD000  }
0x6f: {  	[tilespmem:s29], [sflag:$0x2] =	stream.indirect.gather [hbm4b:s1+s26], $0x80, s4, s26, $0xb8;
	[tilespmem:$0x1F400] =	vst v63  }
0x70: {  	s4 =	sadd.s32 $0x15C00, s2  }
0x71: {  	[spmem:s3] =	stream.indirect.scatter.add.f32 [tilespmem:s23], [sflag:$0x3], $0x80, s4, s26, $0xb8;
	[tilespmem:$0x1F400] =	vst v63  }
0x72: {  	_ =	swait.ge [sflag:s22], $0x3000  }
0x73: {  	[sflag:s22] =	ssyncset.done $0x0  }
0x74: {  	[sflag:s22] =	ssyncadd.s32 $0xFFFFD000  }
0x75: {  	_ =	swait.ge [sflag:s30], $0x3000  }
0x76: {  	[sflag:s30] =	ssyncset.done $0x0  }
0x77: {  	s4 =	sadd.s32 $0x14100, s2;
	[sflag:s30] =	ssyncadd.s32 $0xFFFFD000  }
0x78: {  	[tilespmem:s23], [sflag:$0x1] =	stream.indirect.gather [hbm4b:s1+s26], $0x80, s4, s26, $0xb8;
	[tilespmem:$0x1F400] =	vst v63  }
.Ltmp1:
0x79: {  	_ = 	snop;
	(pc) =	sbr.rel @p1 .LBB2_4-.Ltmp1, $4  }
0x7a: {  	s2 =	sadd.s32 $0x15C80, s2  }
0x7b: {  	[spmem:s3] =	stream.indirect.scatter.add.f32 [tilespmem:s29], [sflag:$0x3], $0x80, s2, s26, $0xb8;
	[tilespmem:$0x1F400] =	vst v63  }
0x7c: {  	_ =	swait.ge [sflag:s22], $0x3000  }
0x7d: {  	[sflag:s22] =	ssyncset.done $0x0  }
0x7e: {  	[sflag:s22] =	ssyncadd.s32 $0xFFFFD000  }
0x7f: {  	_ =	swait.ge [sflag:s28], $0x3000  }
0x80: {  	[sflag:s28] =	ssyncset.done $0x0  }
0x81: {  	[sflag:s28] =	ssyncadd.s32 $0xFFFFD000  }
0x82: {  	[tilespmem:s29], [sflag:$0x2] =	stream.indirect.gather [hbm4b:s1+s26], $0x80, s31, s26, $0xb8;
	[tilespmem:$0x1F400] =	vst v63  }
0x83: {  	s0 =	simm.s32 $0x17700  }
0x84: {  	[spmem:s3] =	stream.indirect.scatter.add.f32 [tilespmem:s23], [sflag:$0x3], $0x80, s0, s26, $0xb8;
	[tilespmem:$0x1F400] =	vst v63  }
0x85: {  	_ =	swait.ge [sflag:s22], $0x3000  }
0x86: {  	[sflag:s22] =	ssyncset.done $0x0  }
0x87: {  	[sflag:s22] =	ssyncadd.s32 $0xFFFFD000  }
0x88: {  	_ =	swait.ge [sflag:s30], $0x3000  }
0x89: {  	[sflag:s30] =	ssyncset.done $0x0  }
0x8a: {  	s2 =	simm.s32 $0x17780;
	[sflag:s30] =	ssyncadd.s32 $0xFFFFD000  }
0x8b: {  	[spmem:s3] =	stream.indirect.scatter.add.f32 [tilespmem:s29], [sflag:$0x3], $0x80, s2, s26, $0xb8;
	[tilespmem:$0x1F400] =	vst v63  }
0x8c: {  	_ =	swait.ge [sflag:s22], $0x3000  }
0x8d: {  	[sflag:s22] =	ssyncset.done $0x0  }
0x8e: {  	s4 =	simm.s32 $0x0;
	[sflag:s22] =	ssyncadd.s32 $0xFFFFD000  }
0x8f: {  	[tilespmem:s24], [sflag:$0x3] =	stream.linear.gather [hbm4b:s8+s4], $0x1C00, $0x38;
	[tilespmem:$0x1F400] =	vst v63  }
0x90: {  	_ =	swait.ge [sflag:s22], $0x1C00  }
0x91: {  	[sflag:s22] =	ssyncset.done $0x0  }
0x92: {  	[sflag:s22] =	ssyncadd.s32 $0xFFFFE400  }
0x93: {  	[tilespmem:s23], [sflag:$0x1] =	stream.indirect.gather [hbm4b:s1+s26], $0x80, s24, s26, $0xb8;
	[tilespmem:$0x1F400] =	vst v63  }
0x94: {  	_ =	swait.ge [sflag:s28], $0x3000  }
0x95: {  	[sflag:s28] =	ssyncset.done $0x0  }
0x96: {  	s2 =	simm.s32 $0x14080;
	[sflag:s28] =	ssyncadd.s32 $0xFFFFD000  }
0x97: {  	[tilespmem:s29], [sflag:$0x2] =	stream.indirect.gather [hbm4b:s1+s26], $0x80, s2, s26, $0xb8;
	[tilespmem:$0x1F400] =	vst v63  }
0x98: {  	s4 =	simm.s32 $0x17800  }
0x99: {  	[spmem:s3] =	stream.indirect.scatter.add.f32 [tilespmem:s23], [sflag:$0x3], $0x80, s4, s26, $0xb8;
	[tilespmem:$0x1F400] =	vst v63  }
0x9a: {  	_ =	swait.ge [sflag:s22], $0x3000  }
0x9b: {  	[sflag:s22] =	ssyncset.done $0x0  }
0x9c: {  	[sflag:s22] =	ssyncadd.s32 $0xFFFFD000  }
0x9d: {  	_ =	swait.ge [sflag:s30], $0x3000  }
0x9e: {  	[sflag:s30] =	ssyncset.done $0x0  }
0x9f: {  	s2 =	simm.s32 $0x14100;
	[sflag:s30] =	ssyncadd.s32 $0xFFFFD000  }
0xa0: {  	[tilespmem:s23], [sflag:$0x1] =	stream.indirect.gather [hbm4b:s1+s26], $0x80, s2, s26, $0xb8;
	[tilespmem:$0x1F400] =	vst v63  }
0xa1: {  	s4 =	simm.s32 $0x17880  }
0xa2: {  	[spmem:s3] =	stream.indirect.scatter.add.f32 [tilespmem:s29], [sflag:$0x3], $0x80, s4, s26, $0xb8;
	[tilespmem:$0x1F400] =	vst v63  }
0xa3: {  	_ =	swait.ge [sflag:s22], $0x3000  }
0xa4: {  	s0 =	simm.s32 $0xFFFF9800;
	[sflag:s22] =	ssyncset.done $0x0  }
.LBB2_6:
0xa5: {  	p1 =	sne.s32 s0, $0xFFFFFC00  }
0xa6: {  	[sflag:s22] =	ssyncadd.s32 $0xFFFFD000;
	s2 =	smov.u32 s0;
	s0 =	sadd.s32 $0x400, s0  }
0xa7: {  	_ = 	snop  }
0xa8: {  	_ =	swait.ge [sflag:s28], $0x3000  }
0xa9: {  	s2 =	sshra.s32 s2, $0x2;
	[sflag:s28] =	ssyncset.done $0x0  }
0xaa: {  	s4 =	sadd.s32 $0x15B80, s2;
	[sflag:s28] =	ssyncadd.s32 $0xFFFFD000  }
0xab: {  	[tilespmem:s29], [sflag:$0x2] =	stream.indirect.gather [hbm4b:s1+s26], $0x80, s4, s26, $0xb8;
	[tilespmem:$0x1F400] =	vst v63  }
0xac: {  	s4 =	sadd.s32 $0x19300, s2  }
0xad: {  	[spmem:s3] =	stream.indirect.scatter.add.f32 [tilespmem:s23], [sflag:$0x3], $0x80, s4, s26, $0xb8;
	[tilespmem:$0x1F400] =	vst v63  }
0xae: {  	_ =	swait.ge [sflag:s22], $0x3000  }
0xaf: {  	[sflag:s22] =	ssyncset.done $0x0  }
0xb0: {  	[sflag:s22] =	ssyncadd.s32 $0xFFFFD000  }
0xb1: {  	_ =	swait.ge [sflag:s30], $0x3000  }
0xb2: {  	[sflag:s30] =	ssyncset.done $0x0  }
0xb3: {  	s4 =	sadd.s32 $0x15C00, s2;
	[sflag:s30] =	ssyncadd.s32 $0xFFFFD000  }
0xb4: {  	[tilespmem:s23], [sflag:$0x1] =	stream.indirect.gather [hbm4b:s1+s26], $0x80, s4, s26, $0xb8;
	[tilespmem:$0x1F400] =	vst v63  }
.Ltmp2:
0xb5: {  	_ = 	snop;
	(pc) =	sbr.rel @p1 .LBB2_6-.Ltmp2, $4  }
0xb6: {  	s2 =	sadd.s32 $0x19380, s2  }
0xb7: {  	[spmem:s3] =	stream.indirect.scatter.add.f32 [tilespmem:s29], [sflag:$0x3], $0x80, s2, s26, $0xb8;
	[tilespmem:$0x1F400] =	vst v63  }
0xb8: {  	_ =	swait.ge [sflag:s22], $0x3000  }
0xb9: {  	[sflag:s22] =	ssyncset.done $0x0  }
0xba: {  	[sflag:s22] =	ssyncadd.s32 $0xFFFFD000  }
0xbb: {  	_ =	swait.ge [sflag:s28], $0x3000  }
0xbc: {  	[sflag:s28] =	ssyncset.done $0x0  }
0xbd: {  	[sflag:s28] =	ssyncadd.s32 $0xFFFFD000  }
0xbe: {  	[tilespmem:s29], [sflag:$0x2] =	stream.indirect.gather [hbm4b:s1+s26], $0x80, s31, s26, $0xb8;
	[tilespmem:$0x1F400] =	vst v63  }
0xbf: {  	s0 =	simm.s32 $0x19300  }
0xc0: {  	[spmem:s3] =	stream.indirect.scatter.add.f32 [tilespmem:s23], [sflag:$0x3], $0x80, s0, s26, $0xb8;
	[tilespmem:$0x1F400] =	vst v63  }
0xc1: {  	_ =	swait.ge [sflag:s22], $0x3000  }
0xc2: {  	[sflag:s22] =	ssyncset.done $0x0  }
0xc3: {  	[sflag:s22] =	ssyncadd.s32 $0xFFFFD000  }
0xc4: {  	_ =	swait.ge [sflag:s30], $0x3000  }
0xc5: {  	[sflag:s30] =	ssyncset.done $0x0  }
0xc6: {  	s4 =	simm.s32 $0x19380;
	[sflag:s30] =	ssyncadd.s32 $0xFFFFD000  }
0xc7: {  	[spmem:s3] =	stream.indirect.scatter.add.f32 [tilespmem:s29], [sflag:$0x3], $0x80, s4, s26, $0xb8;
	[tilespmem:$0x1F400] =	vst v63  }
0xc8: {  	_ =	swait.ge [sflag:s22], $0x3000  }
0xc9: {  	[sflag:s22] =	ssyncset.done $0x0  }
0xca: {  	[sflag:s22] =	ssyncadd.s32 $0xFFFFD000  }
0xcb: {  	s0 =	simm.s32 @p0 $0x1FC3;
	[bflag:$0x0] =	sbarrier.arrive $0xFFFF  }
0xcc: {  	[hbm:s10], [sflag:s0] =	dma.local @p0 [spmem:s25], $0x1900  }
0xcd: {  	s0 =	simm.s32 @p0 $0x3  }
0xce: {  	s2 =	stileid.u32;
	_ =	swait.ge @p0 [sflag:s0], $0x1900  }
0xcf: {  	s21 =	sadd.s32 $0x1, s21;
	s2 =	sshll.u32 @!p0 s2, $0x6;
	[sflag:s0] =	ssyncset.done @p0 $0x0  }
0xd0: {  	[sflag:s0] =	ssyncadd.s32 @p0 $0xFFFFE700;
	s0 =	sor.u32 @!p0 $0x1C03, s2;
	s2 =	sshrl.u32 @!p0 s6, $0x3  }
0xd1: {  	[hbm:s9], [sflag:s0] =	dma.local @!p0 [spmem:s2], $0x2800  }
0xd2: {  	p1 =	sne.s32 s21, s11;
	s0 =	simm.s32 @!p0 $0x3  }
.Ltmp3:
0xd3: {  	_ =	swait.ge @!p0 [sflag:s0], $0x2800;
	(pc) =	sbr.rel @p1 .LBB2_1-.Ltmp3, $3  }
0xd4: {  	[sflag:s0] =	ssyncset.done @!p0 $0x0  }
0xd5: {  	[sflag:s0] =	ssyncadd.s32 @!p0 $0xFFFFD800  }
0xd6: {  	[bflag:$0x0] =	sbarrier.arrive $0xFFFF;
	_ =	sdelay $0x1  }
0xd7: {  	_ =	sfence.sel $0x180000  }
0xd8: {  	[bflag:$0x0] =	sbarrier.arrive $0xFFFF  }
0xd9: {  	_ =	strace $0x90000056  }
0xda: {  	s0 =	stileid.u32;
	[bflag:$0x2] =	sbarrier.arrive $0xFFFF  }
0xdb: {  	p0 =	sne.s32 s0, $0x0;
	s0 =	rddreg [dreg:$0x3]  }
0xdc: {  	s0 =	sadd.s32 @!p0 $0x100000, s0  }
0xdd: {  	[sflag:s0] =	ssyncadd.tile.s32 @!p0 $0x1;
	_ =	shalt  }
.Lfunc_end2:
_tile_overlayer_lowered:
.L_overlay_start_2:
0xde: {  	(tag) =	ssettag $0x2  }
0xdf: {  	s0 =	rddreg [dreg:$0x0];
	s2 =	stileid.u32  }
0xe0: {  	s1 =	rddreg [dreg:$0x1];
	p0 =	sne.s32 s2, $0x0  }
0xe1: {  	s3 =	rddreg [dreg:$0x2];
	[bflag:$0x3] =	sbarrier.arrive $0xFFFF;
	s2 =	simm.s32 @!p0 $0x1C03  }
0xe2: {  	[timem:s3], [sflag:s2] =	dma.local @!p0 [hbm:s0], s1  }
0xe3: {  	s0 =	simm.s32 @!p0 $0x3  }
0xe4: {  	_ =	swait.ge @!p0 [sflag:s0], s1  }
0xe5: {  	s1 =	ssub.s32 @!p0 $0x0, s1;
	[sflag:s0] =	ssyncset.done @!p0 $0x0  }
0xe6: {  	[sflag:s0] =	ssyncadd.s32 @!p0 s1  }
0xe7: {  	[bflag:$0x3] =	sbarrier.arrive $0xFFFF  }
0xe8: {  	_ =	shalt  }

// kernel: kernel.39.cloned.1.call-start
scs
__scs_entry_jumppad:
0x0: {  	(pc) =	sbr.rel $0x88, $3  }
0x1: {  	(tag) =	ssettag $0x0;
	lr =	simm.s32 $0x1  }
0x2: {  	[smem:$0x3F99] =	sst lr;
	_ =	strace $0xD0000000  }
0x3: {  	_ = 	snop  }
0x4: {  	_ = 	snop  }
0x5: {  	_ = 	snop  }
0x6: {  	_ = 	snop  }
0x7: {  	_ = 	snop  }
__scs_overlays_trampoline_lowered:
0x8: {  	[smem:$0x3FA8] =	sst s0  }
0x9: {  	[smem:$0x3FA9] =	sst s1  }
0xa: {  	[smem:$0x3FAA] =	sst s2  }
0xb: {  	[smem:$0x3FAB] =	sst s3  }
0xc: {  	[smem:$0x3FAC] =	sst s4  }
0xd: {  	[smem:$0x3FAD] =	sst s5  }
0xe: {  	[smem:$0x3FAE] =	sst s6  }
0xf: {  	[smem:$0x3FAF] =	sst s7  }
0x10: {  	[smem:$0x3FB0] =	sst s8  }
0x11: {  	[smem:$0x3FB1] =	sst s9;
	s0 =	simm.s32 @!p0 $0x0  }
0x12: {  	s1 =	sld [smem:$0x3F97];
	s0 =	simm.s32 @p0 $0x1  }
0x13: {  	[smem:$0x3FB2] =	sst s0;
	s0 =	simm.s32 @!p1 $0x0  }
0x14: {  	s2 =	sld [smem:$0x3F96];
	s0 =	simm.s32 @p1 $0x1  }
0x15: {  	[smem:$0x3FB3] =	sst s0;
	s0 =	simm.s32 @!p2 $0x0  }
0x16: {  	s3 =	sld [smem:$0x3FDB];
	s0 =	simm.s32 @p2 $0x1  }
0x17: {  	s4 =	simm.s32 $0x1BF5;
	[smem:$0x3FB5] =	sst s0  }
0x18: {  	s0 =	sld [smem:$0x3F98];
	_ =	swait.ge [sflag:s4], $0x0  }
0x19: {  	s7 =	sld [smem:$0x3F99]  }
0x1a: {  	s8 =	sadd.s32 $0xFFFFE003, lr  }
0x1b: {  	s9 =	sadd.s32 $0xFFFFFEF7, lr;
	s5 =	simm.s32 $0xFFFFFFFF;
	p2 =	slt.u32 s8, $0xFFFFF086  }
0x1c: {  	p1 =	slt.u32 s9, $0xF7A;
	s5 =	simm.s32 @!p2 $0x0  }
0x1d: {  	s5 =	simm.s32 @p1 $0x1;
	p0 =	seq.s32 s7, s2  }
0x1e: {  	s7 =	smul.u32 @!p0 $0xF7A, s2;
	p2 =	seq.s32 @!p0 s5, $0x0  }
0x1f: {  	s9 =	smul.u32 $0xF7A, s1;
	s8 =	simm.s32 @!p0 $0x1BF5;
	p2 =	por !p2, p0  }
0x20: {  	[sflag:s8] =	ssyncset.s32 @!p0 $0xFFFFF086;
	s6 =	sadd.s32 @!p0 s3, s7;
	s7 =	simm.s32 @!p0 $0x108  }
0x21: {  	s3 =	sadd.s32 s3, s9;
	s6 =	sadd.s32 @!p0 $0x88, s6;
	s7 =	simm.s32 @p2 $0x1082  }
0x22: {  	[simem:s7], [sflag:s8] =	dma.local @!p0 [hbm:s6], $0xF7A  }
0x23: {  	s9 =	sor.u32 $0xD0000000, s2;
	s6 =	simm.s32 $0x108;
	_ =	swait.ge @!p0 [sflag:s8], $0x0  }
0x24: {  	s3 =	sadd.s32 $0x88, s3;
	s6 =	simm.s32 @!p1 $0x1082;
	[sflag:s4] =	ssyncset.s32 $0xFFFFF086  }
0x25: {  	[simem:s6], [sflag:s4] =	dma.local [hbm:s3], $0xF7A  }
0x26: {  	[smem:$0x3F99] =	sst s1;
	(tag) =	ssettag s2;
	_ =	strace s9  }
0x27: {  	s1 =	sld [smem:$0x3FA9]  }
0x28: {  	s2 =	sld [smem:$0x3FAA]  }
0x29: {  	s4 =	sld [smem:$0x3FAC]  }
0x2a: {  	p0 =	seq.s32 s5, $0x0;
	s5 =	sld [smem:$0x3FAD]  }
0x2b: {  	s6 =	sld [smem:$0x3FAE]  }
0x2c: {  	s7 =	sld [smem:$0x3FAF]  }
0x2d: {  	s3 =	simm.s32 $0x108;
	s8 =	sld [smem:$0x3FB0]  }
0x2e: {  	s3 =	simm.s32 @!p0 $0x1082;
	s9 =	sld [smem:$0x3FB1]  }
0x2f: {  	lr =	sadd.s32 s0, s3;
	s0 =	sld [smem:$0x3FA8]  }
0x30: {  	s3 =	sld [smem:$0x3FAB]  }
0x31: {  	[smem:$0x3FB4] =	sst s10  }
0x32: {  	s10 =	sld [smem:$0x3FB2];
	_ =	sdelay $0x3  }
0x33: {  	p0 =	seq.s32 s10, $0x1;
	s10 =	sld [smem:$0x3FB4];
	_ =	sdelay $0x3  }
0x34: {  	[smem:$0x3FB4] =	sst s10  }
0x35: {  	s10 =	sld [smem:$0x3FB3];
	_ =	sdelay $0x3  }
0x36: {  	p1 =	seq.s32 s10, $0x1;
	s10 =	sld [smem:$0x3FB4];
	_ =	sdelay $0x3  }
0x37: {  	[smem:$0x3FB4] =	sst s10  }
0x38: {  	s10 =	sld [smem:$0x3FB5]  }
0x39: {  	_ = 	snop;
	(pc) =	sbr.ind lr, $3  }
0x3a: {  	_ = 	snop  }
0x3b: {  	_ = 	snop  }
0x3c: {  	p2 =	seq.s32 s10, $0x1;
	s10 =	sld [smem:$0x3FB4]  }
0x3d: {  	_ =	shalt  }
0x3e: {  	_ =	shalt  }
0x3f: {  	_ =	shalt  }
0x40: {  	_ =	shalt  }
0x41: {  	_ =	shalt  }
0x42: {  	_ =	shalt  }
0x43: {  	_ =	shalt  }
0x44: {  	_ =	shalt  }
0x45: {  	_ =	shalt  }
0x46: {  	_ =	shalt  }
0x47: {  	_ =	shalt  }
0x48: {  	_ =	shalt  }
0x49: {  	_ =	shalt  }
0x4a: {  	_ =	shalt  }
0x4b: {  	_ =	shalt  }
0x4c: {  	_ =	shalt  }
0x4d: {  	_ =	shalt  }
0x4e: {  	_ =	shalt  }
0x4f: {  	_ =	shalt  }
0x50: {  	_ =	shalt  }
0x51: {  	_ =	shalt  }
0x52: {  	_ =	shalt  }
0x53: {  	_ =	shalt  }
0x54: {  	_ =	shalt  }
0x55: {  	_ =	shalt  }
0x56: {  	_ =	shalt  }
0x57: {  	_ =	shalt  }
0x58: {  	_ =	shalt  }
0x59: {  	_ =	shalt  }
0x5a: {  	_ =	shalt  }
0x5b: {  	_ =	shalt  }
0x5c: {  	_ =	shalt  }
0x5d: {  	_ =	shalt  }
0x5e: {  	_ =	shalt  }
0x5f: {  	_ =	shalt  }
0x60: {  	_ =	shalt  }
0x61: {  	_ =	shalt  }
0x62: {  	_ =	shalt  }
0x63: {  	_ =	shalt  }
0x64: {  	_ =	shalt  }
0x65: {  	_ =	shalt  }
0x66: {  	_ =	shalt  }
0x67: {  	_ =	shalt  }
0x68: {  	_ =	shalt  }
0x69: {  	_ =	shalt  }
0x6a: {  	_ =	shalt  }
0x6b: {  	_ =	shalt  }
0x6c: {  	_ =	shalt  }
0x6d: {  	_ =	shalt  }
0x6e: {  	_ =	shalt  }
0x6f: {  	_ =	shalt  }
0x70: {  	_ =	shalt  }
0x71: {  	_ =	shalt  }
0x72: {  	_ =	shalt  }
0x73: {  	_ =	shalt  }
0x74: {  	_ =	shalt  }
0x75: {  	_ =	shalt  }
0x76: {  	_ =	shalt  }
0x77: {  	_ =	shalt  }
0x78: {  	_ =	shalt  }
0x79: {  	_ =	shalt  }
0x7a: {  	_ =	shalt  }
0x7b: {  	_ =	shalt  }
0x7c: {  	_ =	shalt  }
0x7d: {  	_ =	shalt  }
0x7e: {  	_ =	shalt  }
0x7f: {  	_ =	shalt  }
0x80: {  	_ =	shalt  }
0x81: {  	_ =	shalt  }
0x82: {  	_ =	shalt  }
0x83: {  	_ =	shalt  }
0x84: {  	_ =	shalt  }
0x85: {  	_ =	shalt  }
0x86: {  	_ =	shalt  }
0x87: {  	_ =	shalt  }
.Lfunc_end0:
.L_simem_size_0:
called_computation.6_lowered:
.L_overlay_start_0:
0x88: {  	s2 =	sld [smem:$0x3FD9]  }
0x89: {  	s3 =	sld [smem:$0x3FFE];
	_ =	sdelay $0x1  }
0x8a: {  	s1 =	srdreg.scid  }
0x8b: {  	s0 =	sand.u32 $0x1, s1  }
0x8c: {  	s17 =	sshll.u32 s0, $0xA;
	s2 =	sadd.s32 s3, s2  }
0x8d: {  	s2 =	sadd.s32 s2, s17  }
0x8e: {  	[smem:$0x3FC0] =	sst s2  }
0x8f: {  	_ = 	snop  }
0x90: {  	(tm) =	ssettm $0x1  }
0x91: {  	s18 =	sld [smem:$0x3FFB];
	_ =	sdelay $0x3  }
0x92: {  	_ =	strace s18  }
0x93: {  	s2 =	sld [smem:$0x3FFC];
	_ =	sdelay $0x3  }
0x94: {  	_ =	strace s2  }
0x95: {  	s2 =	sld [smem:$0x3FFD];
	_ =	sdelay $0x3  }
0x96: {  	_ =	strace s2  }
0x97: {  	_ =	strace $0x8FFFFFFF  }
0x98: {  	s19 =	sld [smem:$0x3FDB];
	_ =	sdelay $0x1  }
0x99: {  	s20 =	simm.s32 $_scs_section_size  }
0x9a: {  	s4 =	simm.s32 $_size__tile_overlayer_lowered;
	s5 =	simm.s32 $_tile_overlayer_lowered  }
0x9b: {  	s6 =	simm.s32 $0x1BFF;
	s21 =	sshll.u32 s5, $0x1;
	s3 =	sadd.s32 s20, s19  }
0x9c: {  	s22 =	simm.s32 $0x0;
	s4 =	sshll.u32 s4, $0x1;
	s5 =	sadd.s32 s21, s3  }
0x9d: {  	[timem:s22], [sflag:s6] =	dma.local [hbm:s5], s4  }
0x9e: {  	_ =	swait.ge [sflag:s6], s4  }
0x9f: {  	s4 =	ssub.s32 $0x0, s4;
	[sflag:s6] =	ssyncset.done $0x0  }
0xa0: {  	[sflag:s6] =	ssyncadd.s32 s4;
	_ =	sdelay $0x1  }
0xa1: {  	s23 =	simm.s32 $0x1B8B  }
0xa2: {  	_ =	swait.ge [sflag:s23], $0x1  }
0xa3: {  	[sflag:s23] =	ssyncset.done $0x0  }
0xa4: {  	[sflag:s23] =	ssyncadd.s32 $0xFFFFFFFF  }
0xa5: {  	s4 =	sld [smem:$0x0]  }
0xa6: {  	s5 =	sand.u32 $0xFFFFFFFE, s1  }
0xa7: {  	p0 =	sne.s32 s1, s5  }
0xa8: {  	s5 =	sshll.u32 @p0 s5, $0xE  }
0xa9: {  	s5 =	sadd.s32 @p0 $0x11B8D, s5;
	s6 =	sshll.u32 @p0 s4, $0x11  }
0xaa: {  	s5 =	sor.u32 @p0 s6, s5  }
0xab: {  	[sflag:s5] =	ssyncadd.remote.s32 @p0 $0x1;
	_ =	sdelay $0x1  }
0xac: {  	s5 =	simm.s32 @p0 $0x1B8D  }
0xad: {  	_ =	swait.eq @p0 [sflag:s5], $0x1  }
0xae: {  	[sflag:s5] =	ssyncadd.s32 @p0 $0xFFFFFFFF  }
0xaf: {  	s6 =	sshll.u32 @!p0 s1, $0xE  }
0xb0: {  	s6 =	sor.u32 @!p0 $0x4000, s6;
	s5 =	simm.s32 @!p0 $0x1B8D  }
0xb1: {  	s4 =	sshll.u32 @!p0 s4, $0x11;
	s6 =	sadd.s32 @!p0 $0x11B8D, s6;
	_ =	swait.eq @!p0 [sflag:s5], $0x1  }
0xb2: {  	s4 =	sor.u32 @!p0 s4, s6;
	[sflag:s5] =	ssyncadd.s32 @!p0 $0xFFFFFFFF  }
0xb3: {  	s25 =	simm.s32 $0x1B8E;
	s24 =	sld [smem:$0x3FFE];
	[sflag:s4] =	ssyncadd.remote.s32 @!p0 $0x1  }
0xb4: {  	s26 =	simm.s32 $execute0_lowered;
	[smem:$0x3FD2] =	sst s25  }
0xb5: {  	s5 =	sshll.u32 s26, $0x1;
	_ =	strace $0x80000058;
	[dreg:$0x1] =	wrdreg $0xFFFFFFFF  }
0xb6: {  	s28 =	simm.s32 $_size_execute0_lowered;
	s3 =	sadd.s32 s3, s5;
	[dreg:$0x0] =	wrdreg $0x0  }
0xb7: {  	s5 =	sshll.u32 s28, $0x1;
	[dreg:$0x2] =	wrdreg s3  }
0xb8: {  	[dreg:$0x3] =	wrdreg s5  }
0xb9: {  	[dreg:$0x4] =	wrdreg $0xC0  }
0xba: {  	_ =	task [dreg:s22], $0x5FFFF  }
0xbb: {  	[dreg:$0x1] =	wrdreg $0xFFFFFFFF  }
0xbc: {  	[dreg:$0x0] =	wrdreg $0x60  }
0xbd: {  	[dreg:$0x2] =	wrdreg s24  }
0xbe: {  	[dreg:$0x3] =	wrdreg $0x0  }
0xbf: {  	[dreg:$0x4] =	wrdreg $0xA  }
0xc0: {  	_ =	task.clear_ibuf [dreg:s22], $0x5FFFF;
	_ =	strace $0x90000058  }
0xc1: {  	s29 =	simm.s32 $0xA;
	_ =	strace $0x8000005A  }
0xc2: {  	_ =	swait.ge [sflag:s29], $0x1  }
0xc3: {  	[sflag:s29] =	ssyncadd.s32 $0xFFFFFFFF  }
0xc4: {  	_ =	strace $0x9000005A  }
0xc5: {  	_ =	sfence  }
0xc6: {  	s30 =	sld [smem:$0x0];
	_ =	sdelay $0x2  }
0xc7: {  	s31 =	sshll.u32 s1, $0xD;
	s1 =	sshrl.u32 s1, $0x2  }
0xc8: {  	s4 =	sand.u32 $0x4000, s31;
	s1 =	sadd.s32 s1, s30  }
0xc9: {  	s0 =	sor.u32 s4, s0;
	s1 =	sshll.u32 s1, $0x11  }
0xca: {  	s0 =	sor.u32 s1, s0  }
0xcb: {  	s0 =	sadd.s32 $0x8F2B, s0  }
0xcc: {  	[sflag:s0] =	ssyncadd.remote.s32 $0x1  }
0xcd: {  	_ =	sfence.sel $0xFFFF  }
0xce: {  	[dreg:$0x0] =	wrdreg $0xFFFFFFFF;
	(pc) =	sbr.abs _section_cstart, $3  }
0xcf: {  	[dreg:$0x1] =	wrdreg $0xFFFFFFFF  }
0xd0: {  	_ =	task.clear_ibuf [dreg:s22], $0x2FFFF;
	_ =	strace $0x9FFFFFFF  }
0xd1: {  	(tm) =	ssettm $0x7FFFFFFF  }
tec
execute0_lowered:
.L_overlay_start_1:
0x0: {  	(tag) =	ssettag $0x1  }
0x1: {  	s0 =	srdreg.scid;
	s1 =	rddreg [dreg:$0x0]  }
0x2: {  	s3 =	stileid.u32;
	s2 =	rddreg [dreg:$0x1];
	s6 =	simm.s32 $0x0  }
0x3: {  	s22 =	simm.s32 $0x3;
	s23 =	simm.s32 $0x19400;
	s5 =	smul.u32 $0x3800, s3  }
0x4: {  	s28 =	simm.s32 $0x1;
	s29 =	simm.s32 $0x1C400;
	s24 =	smul.u32 $0x700, s3  }
0x5: {  	s30 =	simm.s32 $0x2;
	s31 =	simm.s32 $0x15B80;
	s25 =	smul.u32 $0x50000, s3  }
0x6: {  	s0 =	sand.u32 $0x1, s0;
	[smem:$0x7FF] =	sst s6;
	s11 =	smul.u32 $0x2800, s3  }
0x7: {  	s21 =	sadd.s32 $0x12C000, s2;
	p0 =	seq.s32 s3, $0xF;
	s4 =	smul.u32 $0x38000, s0  }
0x8: {  	_ =	strace $0x80000059;
	s7 =	ssub.s32 $0x2, s0;
	s9 =	smul.u32 $0x27100, s0  }
0x9: {  	s0 =	smul.u32 $0x138800, s0;
	s6 =	sadd.s32 s24, s1;
	s10 =	sshrl.u32 s7, $0x1  }
0xa: {  	s26 =	sshrl.u32 s25, $0x2;
	s24 =	simm.s32 $0x14000;
	s25 =	sshrl.u32 @p0 s21, $0x3  }
0xb: {  	s21 =	simm.s32 $0x0;
	s4 =	sadd.s32 s5, s4;
	s12 =	ssub.s32 s7, s10  }
0xc: {  	s9 =	sadd.s32 s11, s9;
	s0 =	sshrl.u32 s0, $0x3;
	s5 =	sshrl.u32 s4, $0x3  }
0xd: {  	s4 =	sadd.s32 $0x6E400, s1;
	s11 =	smax.u32 s12, $0x1;
	s8 =	sadd.s32 s5, s1  }
0xe: {  	s1 =	sadd.s32 $0xBC600, s1;
	s5 =	sadd.s32 $0xB200, s6;
	s6 =	sadd.s32 s26, s2  }
0xf: {  	s26 =	simm.s32 $0x60;
	s7 =	sadd.s32 $0x12200, s8;
	s8 =	sadd.s32 $0x12580, s8  }
0x10: {  	s9 =	sadd.s32 s1, s9;
	s0 =	sadd.s32 s1, s0;
	s12 =	sadd.s32 $0x2000, s6  }
0x11: {  	s13 =	sadd.s32 $0x4000, s6;
	s14 =	sadd.s32 $0x6000, s6;
	s15 =	sadd.s32 $0x8000, s6  }
0x12: {  	s16 =	sadd.s32 $0xA000, s6;
	s17 =	sadd.s32 $0xC000, s6;
	s18 =	sadd.s32 $0xE000, s6  }
0x13: {  	v0 =	vimm.f32 $0.0e+00;
	s19 =	sadd.s32 $0x10000, s6;
	s20 =	sadd.s32 $0x12000, s6;
	s10 =	sadd.s32 $0x25800, s0  }
.LBB2_1:
0x14: {  	s0 =	simm.s32 $0x0;
	s1 =	simm.s32 $0x15C00  }
0x15: {  	[tilespmem:s1], [sflag:$0x3] =	stream.linear.gather [hbm4b:s5+s0], $0x3800, $0x38;
	[tilespmem:$0x1F400] =	vst v63  }
0x16: {  	_ =	swait.ge [sflag:s22], $0x3800  }
0x17: {  	[sflag:s22] =	ssyncset.done $0x0  }
0x18: {  	s0 =	simm.s32 $0x0;
	s1 =	simm.s32 $0x200;
	[sflag:s22] =	ssyncadd.s32 $0xFFFFC800  }
.LBB2_2:
0x19: {  	p1 =	sne.s32 s1, $0x7E00;
	[tilespmem:s0+$0x19470] =	vst v0  }
0x1a: {  	[tilespmem:s0+$0x19400] =	vst v0  }
0x1b: {  	[tilespmem:s0+$0x19410] =	vst v0  }
.Ltmp0:
0x1c: {  	[tilespmem:s0+$0x19420] =	vst v0;
	(pc) =	sbr.rel @p1 .LBB2_2-.Ltmp0, $4  }
0x1d: {  	[tilespmem:s0+$0x19430] =	vst v0  }
0x1e: {  	[tilespmem:s0+$0x19440] =	vst v0  }
0x1f: {  	[tilespmem:s0+$0x19450] =	vst v0  }
0x20: {  	[tilespmem:s0+$0x19460] =	vst v0;
	s0 =	sshra.s32 s1, $0x2;
	s1 =	sadd.s32 $0x200, s1  }
0x21: {  	[tilespmem:s0+$0x19470] =	vst v0  }
0x22: {  	[tilespmem:s0+$0x19400] =	vst v0  }
0x23: {  	[tilespmem:s0+$0x19410] =	vst v0  }
0x24: {  	[tilespmem:s0+$0x19420] =	vst v0  }
0x25: {  	[tilespmem:s0+$0x19430] =	vst v0  }
0x26: {  	[tilespmem:s0+$0x19440] =	vst v0  }
0x27: {  	[tilespmem:s0+$0x19450] =	vst v0  }
0x28: {  	[tilespmem:s0+$0x19460] =	vst v0  }
0x29: {  	[spmem:s6] =	stream.linear.scatter [tilespmem:s23], [sflag:$0x3], $0x2000, $0x38;
	[tilespmem:$0x1F400] =	vst v63  }
0x2a: {  	_ =	swait.ge [sflag:s22], $0x2000  }
0x2b: {  	[sflag:s22] =	ssyncset.done $0x0  }
0x2c: {  	[sflag:s22] =	ssyncadd.s32 $0xFFFFE000  }
0x2d: {  	[spmem:s12] =	stream.linear.scatter [tilespmem:s23], [sflag:$0x3], $0x2000, $0x38;
	[tilespmem:$0x1F400] =	vst v63  }
0x2e: {  	_ =	swait.ge [sflag:s22], $0x2000  }
0x2f: {  	[sflag:s22] =	ssyncset.done $0x0  }
0x30: {  	[sflag:s22] =	ssyncadd.s32 $0xFFFFE000  }
0x31: {  	[spmem:s13] =	stream.linear.scatter [tilespmem:s23], [sflag:$0x3], $0x2000, $0x38;
	[tilespmem:$0x1F400] =	vst v63  }
0x32: {  	_ =	swait.ge [sflag:s22], $0x2000  }
0x33: {  	[sflag:s22] =	ssyncset.done $0x0  }
0x34: {  	[sflag:s22] =	ssyncadd.s32 $0xFFFFE000  }
0x35: {  	[spmem:s14] =	stream.linear.scatter [tilespmem:s23], [sflag:$0x3], $0x2000, $0x38;
	[tilespmem:$0x1F400] =	vst v63  }
0x36: {  	_ =	swait.ge [sflag:s22], $0x2000  }
0x37: {  	[sflag:s22] =	ssyncset.done $0x0  }
0x38: {  	[sflag:s22] =	ssyncadd.s32 $0xFFFFE000  }
0x39: {  	[spmem:s15] =	stream.linear.scatter [tilespmem:s23], [sflag:$0x3], $0x2000, $0x38;
	[tilespmem:$0x1F400] =	vst v63  }
0x3a: {  	_ =	swait.ge [sflag:s22], $0x2000  }
0x3b: {  	[sflag:s22] =	ssyncset.done $0x0  }
0x3c: {  	[sflag:s22] =	ssyncadd.s32 $0xFFFFE000  }
0x3d: {  	[spmem:s16] =	stream.linear.scatter [tilespmem:s23], [sflag:$0x3], $0x2000, $0x38;
	[tilespmem:$0x1F400] =	vst v63  }
0x3e: {  	_ =	swait.ge [sflag:s22], $0x2000  }
0x3f: {  	[sflag:s22] =	ssyncset.done $0x0  }
0x40: {  	[sflag:s22] =	ssyncadd.s32 $0xFFFFE000  }
0x41: {  	[spmem:s17] =	stream.linear.scatter [tilespmem:s23], [sflag:$0x3], $0x2000, $0x38;
	[tilespmem:$0x1F400] =	vst v63  }
0x42: {  	_ =	swait.ge [sflag:s22], $0x2000  }
0x43: {  	[sflag:s22] =	ssyncset.done $0x0  }
0x44: {  	[sflag:s22] =	ssyncadd.s32 $0xFFFFE000  }
0x45: {  	[spmem:s18] =	stream.linear.scatter [tilespmem:s23], [sflag:$0x3], $0x2000, $0x38;
	[tilespmem:$0x1F400] =	vst v63  }
0x46: {  	_ =	swait.ge [sflag:s22], $0x2000  }
0x47: {  	[sflag:s22] =	ssyncset.done $0x0  }
0x48: {  	[sflag:s22] =	ssyncadd.s32 $0xFFFFE000  }
0x49: {  	[spmem:s19] =	stream.linear.scatter [tilespmem:s23], [sflag:$0x3], $0x2000, $0x38;
	[tilespmem:$0x1F400] =	vst v63  }
0x4a: {  	_ =	swait.ge [sflag:s22], $0x2000  }
0x4b: {  	[sflag:s22] =	ssyncset.done $0x0  }
0x4c: {  	[sflag:s22] =	ssyncadd.s32 $0xFFFFE000  }
0x4d: {  	[spmem:s20] =	stream.linear.scatter [tilespmem:s23], [sflag:$0x3], $0x2000, $0x38;
	[tilespmem:$0x1F400] =	vst v63  }
0x4e: {  	_ =	swait.ge [sflag:s22], $0x2000  }
0x4f: {  	[sflag:s22] =	ssyncset.done $0x0  }
0x50: {  	[sflag:s22] =	ssyncadd.s32 $0xFFFFE000  }
0x51: {  	s3 =	simm.s32 $0x0;
	[bflag:$0x0] =	sbarrier.arrive $0xFFFF  }
0x52: {  	[tilespmem:s24], [sflag:$0x3] =	stream.linear.gather [hbm4b:s7+s3], $0x1C00, $0x38;
	[tilespmem:$0x1F400] =	vst v63  }
0x53: {  	_ =	swait.ge [sflag:s22], $0x1C00  }
0x54: {  	[sflag:s22] =	ssyncset.done $0x0  }
0x55: {  	[sflag:s22] =	ssyncadd.s32 $0xFFFFE400  }
0x56: {  	[tilespmem:s23], [sflag:$0x1] =	stream.indirect.gather [hbm4b:s4+s26], $0x80, s24, s26, $0xb8;
	[tilespmem:$0x1F400] =	vst v63  }
0x57: {  	_ =	swait.ge [sflag:s28], $0x3000  }
0x58: {  	[sflag:s28] =	ssyncset.done $0x0  }
0x59: {  	s1 =	simm.s32 $0x14080;
	[sflag:s28] =	ssyncadd.s32 $0xFFFFD000  }
0x5a: {  	[tilespmem:s29], [sflag:$0x2] =	stream.indirect.gather [hbm4b:s4+s26], $0x80, s1, s26, $0xb8;
	[tilespmem:$0x1F400] =	vst v63  }
0x5b: {  	s3 =	simm.s32 $0x15C00  }
0x5c: {  	[spmem:s2] =	stream.indirect.scatter.add.f32 [tilespmem:s23], [sflag:$0x3], $0x80, s3, s26, $0xb8;
	[tilespmem:$0x1F400] =	vst v63  }
0x5d: {  	_ =	swait.ge [sflag:s22], $0x3000  }
0x5e: {  	[sflag:s22] =	ssyncset.done $0x0  }
0x5f: {  	[sflag:s22] =	ssyncadd.s32 $0xFFFFD000  }
0x60: {  	_ =	swait.ge [sflag:s30], $0x3000  }
0x61: {  	[sflag:s30] =	ssyncset.done $0x0  }
0x62: {  	s1 =	simm.s32 $0x14100;
	[sflag:s30] =	ssyncadd.s32 $0xFFFFD000  }
0x63: {  	[tilespmem:s23], [sflag:$0x1] =	stream.indirect.gather [hbm4b:s4+s26], $0x80, s1, s26, $0xb8;
	[tilespmem:$0x1F400] =	vst v63  }
0x64: {  	s3 =	simm.s32 $0x15C80  }
0x65: {  	[spmem:s2] =	stream.indirect.scatter.add.f32 [tilespmem:s29], [sflag:$0x3], $0x80, s3, s26, $0xb8;
	[tilespmem:$0x1F400] =	vst v63  }
0x66: {  	_ =	swait.ge [sflag:s22], $0x3000  }
0x67: {  	s0 =	simm.s32 $0x400;
	[sflag:s22] =	ssyncset.done $0x0  }
.LBB2_4:
0x68: {  	p1 =	sne.s32 s0, $0x6800  }
0x69: {  	[sflag:s22] =	ssyncadd.s32 $0xFFFFD000;
	s1 =	smov.u32 s0;
	s0 =	sadd.s32 $0x400, s0  }
0x6a: {  	_ = 	snop  }
0x6b: {  	_ =	swait.ge [sflag:s28], $0x3000  }
0x6c: {  	s1 =	sshra.s32 s1, $0x2;
	[sflag:s28] =	ssyncset.done $0x0  }
0x6d: {  	s3 =	sadd.s32 $0x14080, s1;
	[sflag:s28] =	ssyncadd.s32 $0xFFFFD000  }
0x6e: {  	[tilespmem:s29], [sflag:$0x2] =	stream.indirect.gather [hbm4b:s4+s26], $0x80, s3, s26, $0xb8;
	[tilespmem:$0x1F400] =	vst v63  }
0x6f: {  	s3 =	sadd.s32 $0x15C00, s1  }
0x70: {  	[spmem:s2] =	stream.indirect.scatter.add.f32 [tilespmem:s23], [sflag:$0x3], $0x80, s3, s26, $0xb8;
	[tilespmem:$0x1F400] =	vst v63  }
0x71: {  	_ =	swait.ge [sflag:s22], $0x3000  }
0x72: {  	[sflag:s22] =	ssyncset.done $0x0  }
0x73: {  	[sflag:s22] =	ssyncadd.s32 $0xFFFFD000  }
0x74: {  	_ =	swait.ge [sflag:s30], $0x3000  }
0x75: {  	[sflag:s30] =	ssyncset.done $0x0  }
0x76: {  	s3 =	sadd.s32 $0x14100, s1;
	[sflag:s30] =	ssyncadd.s32 $0xFFFFD000  }
0x77: {  	[tilespmem:s23], [sflag:$0x1] =	stream.indirect.gather [hbm4b:s4+s26], $0x80, s3, s26, $0xb8;
	[tilespmem:$0x1F400] =	vst v63  }
.Ltmp1:
0x78: {  	_ = 	snop;
	(pc) =	sbr.rel @p1 .LBB2_4-.Ltmp1, $4  }
0x79: {  	s1 =	sadd.s32 $0x15C80, s1  }
0x7a: {  	[spmem:s2] =	stream.indirect.scatter.add.f32 [tilespmem:s29], [sflag:$0x3], $0x80, s1, s26, $0xb8;
	[tilespmem:$0x1F400] =	vst v63  }
0x7b: {  	_ =	swait.ge [sflag:s22], $0x3000  }
0x7c: {  	[sflag:s22] =	ssyncset.done $0x0  }
0x7d: {  	[sflag:s22] =	ssyncadd.s32 $0xFFFFD000  }
0x7e: {  	_ =	swait.ge [sflag:s28], $0x3000  }
0x7f: {  	[sflag:s28] =	ssyncset.done $0x0  }
0x80: {  	[sflag:s28] =	ssyncadd.s32 $0xFFFFD000  }
0x81: {  	[tilespmem:s29], [sflag:$0x2] =	stream.indirect.gather [hbm4b:s4+s26], $0x80, s31, s26, $0xb8;
	[tilespmem:$0x1F400] =	vst v63  }
0x82: {  	s0 =	simm.s32 $0x17700  }
0x83: {  	[spmem:s2] =	stream.indirect.scatter.add.f32 [tilespmem:s23], [sflag:$0x3], $0x80, s0, s26, $0xb8;
	[tilespmem:$0x1F400] =	vst v63  }
0x84: {  	_ =	swait.ge [sflag:s22], $0x3000  }
0x85: {  	[sflag:s22] =	ssyncset.done $0x0  }
0x86: {  	[sflag:s22] =	ssyncadd.s32 $0xFFFFD000  }
0x87: {  	_ =	swait.ge [sflag:s30], $0x3000  }
0x88: {  	[sflag:s30] =	ssyncset.done $0x0  }
0x89: {  	s1 =	simm.s32 $0x17780;
	[sflag:s30] =	ssyncadd.s32 $0xFFFFD000  }
0x8a: {  	[spmem:s2] =	stream.indirect.scatter.add.f32 [tilespmem:s29], [sflag:$0x3], $0x80, s1, s26, $0xb8;
	[tilespmem:$0x1F400] =	vst v63  }
0x8b: {  	_ =	swait.ge [sflag:s22], $0x3000  }
0x8c: {  	[sflag:s22] =	ssyncset.done $0x0  }
0x8d: {  	s3 =	simm.s32 $0x0;
	[sflag:s22] =	ssyncadd.s32 $0xFFFFD000  }
0x8e: {  	[tilespmem:s24], [sflag:$0x3] =	stream.linear.gather [hbm4b:s8+s3], $0x1C00, $0x38;
	[tilespmem:$0x1F400] =	vst v63  }
0x8f: {  	_ =	swait.ge [sflag:s22], $0x1C00  }
0x90: {  	[sflag:s22] =	ssyncset.done $0x0  }
0x91: {  	[sflag:s22] =	ssyncadd.s32 $0xFFFFE400  }
0x92: {  	[tilespmem:s23], [sflag:$0x1] =	stream.indirect.gather [hbm4b:s4+s26], $0x80, s24, s26, $0xb8;
	[tilespmem:$0x1F400] =	vst v63  }
0x93: {  	_ =	swait.ge [sflag:s28], $0x3000  }
0x94: {  	[sflag:s28] =	ssyncset.done $0x0  }
0x95: {  	s1 =	simm.s32 $0x14080;
	[sflag:s28] =	ssyncadd.s32 $0xFFFFD000  }
0x96: {  	[tilespmem:s29], [sflag:$0x2] =	stream.indirect.gather [hbm4b:s4+s26], $0x80, s1, s26, $0xb8;
	[tilespmem:$0x1F400] =	vst v63  }
0x97: {  	s3 =	simm.s32 $0x17800  }
0x98: {  	[spmem:s2] =	stream.indirect.scatter.add.f32 [tilespmem:s23], [sflag:$0x3], $0x80, s3, s26, $0xb8;
	[tilespmem:$0x1F400] =	vst v63  }
0x99: {  	_ =	swait.ge [sflag:s22], $0x3000  }
0x9a: {  	[sflag:s22] =	ssyncset.done $0x0  }
0x9b: {  	[sflag:s22] =	ssyncadd.s32 $0xFFFFD000  }
0x9c: {  	_ =	swait.ge [sflag:s30], $0x3000  }
0x9d: {  	[sflag:s30] =	ssyncset.done $0x0  }
0x9e: {  	s1 =	simm.s32 $0x14100;
	[sflag:s30] =	ssyncadd.s32 $0xFFFFD000  }
0x9f: {  	[tilespmem:s23], [sflag:$0x1] =	stream.indirect.gather [hbm4b:s4+s26], $0x80, s1, s26, $0xb8;
	[tilespmem:$0x1F400] =	vst v63  }
0xa0: {  	s3 =	simm.s32 $0x17880  }
0xa1: {  	[spmem:s2] =	stream.indirect.scatter.add.f32 [tilespmem:s29], [sflag:$0x3], $0x80, s3, s26, $0xb8;
	[tilespmem:$0x1F400] =	vst v63  }
0xa2: {  	_ =	swait.ge [sflag:s22], $0x3000  }
0xa3: {  	s0 =	simm.s32 $0xFFFF9800;
	[sflag:s22] =	ssyncset.done $0x0  }
.LBB2_6:
0xa4: {  	p1 =	sne.s32 s0, $0xFFFFFC00  }
0xa5: {  	[sflag:s22] =	ssyncadd.s32 $0xFFFFD000;
	s1 =	smov.u32 s0;
	s0 =	sadd.s32 $0x400, s0  }
0xa6: {  	_ = 	snop  }
0xa7: {  	_ =	swait.ge [sflag:s28], $0x3000  }
0xa8: {  	s1 =	sshra.s32 s1, $0x2;
	[sflag:s28] =	ssyncset.done $0x0  }
0xa9: {  	s3 =	sadd.s32 $0x15B80, s1;
	[sflag:s28] =	ssyncadd.s32 $0xFFFFD000  }
0xaa: {  	[tilespmem:s29], [sflag:$0x2] =	stream.indirect.gather [hbm4b:s4+s26], $0x80, s3, s26, $0xb8;
	[tilespmem:$0x1F400] =	vst v63  }
0xab: {  	s3 =	sadd.s32 $0x19300, s1  }
0xac: {  	[spmem:s2] =	stream.indirect.scatter.add.f32 [tilespmem:s23], [sflag:$0x3], $0x80, s3, s26, $0xb8;
	[tilespmem:$0x1F400] =	vst v63  }
0xad: {  	_ =	swait.ge [sflag:s22], $0x3000  }
0xae: {  	[sflag:s22] =	ssyncset.done $0x0  }
0xaf: {  	[sflag:s22] =	ssyncadd.s32 $0xFFFFD000  }
0xb0: {  	_ =	swait.ge [sflag:s30], $0x3000  }
0xb1: {  	[sflag:s30] =	ssyncset.done $0x0  }
0xb2: {  	s3 =	sadd.s32 $0x15C00, s1;
	[sflag:s30] =	ssyncadd.s32 $0xFFFFD000  }
0xb3: {  	[tilespmem:s23], [sflag:$0x1] =	stream.indirect.gather [hbm4b:s4+s26], $0x80, s3, s26, $0xb8;
	[tilespmem:$0x1F400] =	vst v63  }
.Ltmp2:
0xb4: {  	_ = 	snop;
	(pc) =	sbr.rel @p1 .LBB2_6-.Ltmp2, $4  }
0xb5: {  	s1 =	sadd.s32 $0x19380, s1  }
0xb6: {  	[spmem:s2] =	stream.indirect.scatter.add.f32 [tilespmem:s29], [sflag:$0x3], $0x80, s1, s26, $0xb8;
	[tilespmem:$0x1F400] =	vst v63  }
0xb7: {  	_ =	swait.ge [sflag:s22], $0x3000  }
0xb8: {  	[sflag:s22] =	ssyncset.done $0x0  }
0xb9: {  	[sflag:s22] =	ssyncadd.s32 $0xFFFFD000  }
0xba: {  	_ =	swait.ge [sflag:s28], $0x3000  }
0xbb: {  	[sflag:s28] =	ssyncset.done $0x0  }
0xbc: {  	[sflag:s28] =	ssyncadd.s32 $0xFFFFD000  }
0xbd: {  	[tilespmem:s29], [sflag:$0x2] =	stream.indirect.gather [hbm4b:s4+s26], $0x80, s31, s26, $0xb8;
	[tilespmem:$0x1F400] =	vst v63  }
0xbe: {  	s0 =	simm.s32 $0x19300  }
0xbf: {  	[spmem:s2] =	stream.indirect.scatter.add.f32 [tilespmem:s23], [sflag:$0x3], $0x80, s0, s26, $0xb8;
	[tilespmem:$0x1F400] =	vst v63  }
0xc0: {  	_ =	swait.ge [sflag:s22], $0x3000  }
0xc1: {  	[sflag:s22] =	ssyncset.done $0x0  }
0xc2: {  	[sflag:s22] =	ssyncadd.s32 $0xFFFFD000  }
0xc3: {  	_ =	swait.ge [sflag:s30], $0x3000  }
0xc4: {  	[sflag:s30] =	ssyncset.done $0x0  }
0xc5: {  	s3 =	simm.s32 $0x19380;
	[sflag:s30] =	ssyncadd.s32 $0xFFFFD000  }
0xc6: {  	[spmem:s2] =	stream.indirect.scatter.add.f32 [tilespmem:s29], [sflag:$0x3], $0x80, s3, s26, $0xb8;
	[tilespmem:$0x1F400] =	vst v63  }
0xc7: {  	_ =	swait.ge [sflag:s22], $0x3000  }
0xc8: {  	[sflag:s22] =	ssyncset.done $0x0  }
0xc9: {  	[sflag:s22] =	ssyncadd.s32 $0xFFFFD000  }
0xca: {  	s0 =	simm.s32 @p0 $0x1FC3;
	[bflag:$0x0] =	sbarrier.arrive $0xFFFF  }
0xcb: {  	[hbm:s10], [sflag:s0] =	dma.local @p0 [spmem:s25], $0x1900  }
0xcc: {  	s0 =	simm.s32 @p0 $0x3  }
0xcd: {  	s1 =	stileid.u32;
	_ =	swait.ge @p0 [sflag:s0], $0x1900  }
0xce: {  	s21 =	sadd.s32 $0x1, s21;
	s1 =	sshll.u32 @!p0 s1, $0x6;
	[sflag:s0] =	ssyncset.done @p0 $0x0  }
0xcf: {  	[sflag:s0] =	ssyncadd.s32 @p0 $0xFFFFE700;
	s0 =	sor.u32 @!p0 $0x1C03, s1;
	s1 =	sshrl.u32 @!p0 s6, $0x3  }
0xd0: {  	[hbm:s9], [sflag:s0] =	dma.local @!p0 [spmem:s1], $0x2800  }
0xd1: {  	p1 =	sne.s32 s21, s11;
	s0 =	simm.s32 @!p0 $0x3  }
.Ltmp3:
0xd2: {  	_ =	swait.ge @!p0 [sflag:s0], $0x2800;
	(pc) =	sbr.rel @p1 .LBB2_1-.Ltmp3, $3  }
0xd3: {  	[sflag:s0] =	ssyncset.done @!p0 $0x0  }
0xd4: {  	[sflag:s0] =	ssyncadd.s32 @!p0 $0xFFFFD800  }
0xd5: {  	[bflag:$0x0] =	sbarrier.arrive $0xFFFF;
	_ =	sdelay $0x1  }
0xd6: {  	_ =	sfence.sel $0x180000  }
0xd7: {  	[bflag:$0x0] =	sbarrier.arrive $0xFFFF  }
0xd8: {  	_ =	strace $0x90000059  }
0xd9: {  	s0 =	stileid.u32;
	[bflag:$0x2] =	sbarrier.arrive $0xFFFF  }
0xda: {  	p0 =	sne.s32 s0, $0x0;
	s0 =	rddreg [dreg:$0x2]  }
0xdb: {  	s0 =	sadd.s32 @!p0 $0x100000, s0  }
0xdc: {  	[sflag:s0] =	ssyncadd.tile.s32 @!p0 $0x1;
	_ =	shalt  }
.Lfunc_end2:
_tile_overlayer_lowered:
.L_overlay_start_2:
0xdd: {  	(tag) =	ssettag $0x2  }
0xde: {  	s0 =	rddreg [dreg:$0x0];
	s2 =	stileid.u32  }
0xdf: {  	s1 =	rddreg [dreg:$0x1];
	p0 =	sne.s32 s2, $0x0  }
0xe0: {  	s3 =	rddreg [dreg:$0x2];
	[bflag:$0x3] =	sbarrier.arrive $0xFFFF;
	s2 =	simm.s32 @!p0 $0x1C03  }
0xe1: {  	[timem:s3], [sflag:s2] =	dma.local @!p0 [hbm:s0], s1  }
0xe2: {  	s0 =	simm.s32 @!p0 $0x3  }
0xe3: {  	_ =	swait.ge @!p0 [sflag:s0], s1  }
0xe4: {  	s1 =	ssub.s32 @!p0 $0x0, s1;
	[sflag:s0] =	ssyncset.done @!p0 $0x0  }
0xe5: {  	[sflag:s0] =	ssyncadd.s32 @!p0 s1  }
0xe6: {  	[bflag:$0x3] =	sbarrier.arrive $0xFFFF  }
0xe7: {  	_ =	shalt  }

</sc_bundles>
